<compile_context>
chip_gen: v7x
topology: tpu7x:2x2x1
jax: 0.10.2.dev20260603
libtpu: 0.0.44.dev20260713+nightly
codegen_flags: <defaults>
</compile_context>

<pallas_src>
import jax
import jax.numpy as jnp
from jax import lax
from jax.experimental import pallas as pl
from jax.experimental.pallas import tpu as pltpu

_N = 128
_R = 16
_NB = _N // _R
_NCLUST = 8
_F32 = jnp.float32
_I32 = jnp.int32

_HI = lax.Precision.HIGHEST


def _mm(a, b, precision=None):
    return lax.dot_general(a, b, dimension_numbers=(((1,), (0,)), ((), ())),
                           preferred_element_type=_F32, precision=precision)



def _dense_kernel(emb_ref, px_ref, py_ref, pxb_ref, pyb_ref,
                  W1aT_ref, W1bT_ref, wd_ref, g_ref,
                  W2T_ref, b2_ref, W3T_ref, b3_ref,
                  We1T_ref, be1_ref, We2T_ref, be2_ref,
                  Wp1T_ref, bp1_ref, Wp2T_ref, bp2_ref,
                  pred_ref, eff_ref, pri_ref, A_ref, B_ref):
    b = pl.program_id(0)

    @pl.when(b == 0)
    def _():
        A_ref[...] = _mm(emb_ref[...], W1aT_ref[...]) + g_ref[...]
        B_ref[...] = _mm(emb_ref[...], W1bT_ref[...])
        hp = jnp.maximum(_mm(emb_ref[...], Wp1T_ref[...]) + bp1_ref[...], 0.0)
        pri_ref[...] = jax.nn.sigmoid(_mm(hp, Wp2T_ref[...]) + bp2_ref[...])

    pxi = pxb_ref[...].reshape(_R, 1, 1)
    pyi = pyb_ref[...].reshape(_R, 1, 1)
    pxj = px_ref[...].reshape(1, _N, 1)
    pyj = py_ref[...].reshape(1, _N, 1)
    dx = jnp.broadcast_to(pxi, (_R, _N, 1)) - jnp.broadcast_to(pxj, (_R, _N, 1))
    dy = jnp.broadcast_to(pyi, (_R, _N, 1)) - jnp.broadcast_to(pyj, (_R, _N, 1))
    dist = jnp.sqrt(dx * dx + dy * dy).reshape(_R * _N, 1)

    he = jnp.maximum(_mm(dist * (1.0 / 1000.0), We1T_ref[...]) + be1_ref[...],
                     0.0)
    se = jax.nn.sigmoid(_mm(he, We2T_ref[...]) + be2_ref[...])
    eff_ref[...] = (0.85 + 0.13 * se).reshape(_R, _N, 1)

    a3 = A_ref[pl.ds(b * _R, _R), :].reshape(_R, 1, _N)
    ab = jnp.broadcast_to(a3, (_R, _N, _N)).reshape(_R * _N, _N)
    bb = jnp.broadcast_to(B_ref[...].reshape(1, _N, _N),
                          (_R, _N, _N)).reshape(_R * _N, _N)
    h1 = jnp.maximum(ab + bb + dist * wd_ref[...], 0.0)
    h2 = jnp.maximum(_mm(h1, W2T_ref[...]) + b2_ref[...], 0.0)
    pr = _mm(h2, W3T_ref[...]) + b3_ref[...]
    pred_ref[...] = jax.nn.softplus(pr).reshape(_R, _N, 1)


def _run_dense(emb, px, py, W1aT, W1bT, wd_row, g_row, W2T, b2r,
               W3T, b3r, We1T, be1r, We2T, be2r, Wp1T, bp1r, Wp2T, bp2r):
    full = lambda shp: pl.BlockSpec(shp, lambda b: tuple(0 for _ in shp))
    in_specs = [
        full((_N, _N)),
        full((_N, 1)), full((_N, 1)),
        pl.BlockSpec((_R, 1), lambda b: (b, 0)),
        pl.BlockSpec((_R, 1), lambda b: (b, 0)),
        full(W1aT.shape), full(W1bT.shape), full(wd_row.shape),
        full(g_row.shape), full(W2T.shape), full(b2r.shape),
        full(W3T.shape), full(b3r.shape), full(We1T.shape), full(be1r.shape),
        full(We2T.shape), full(be2r.shape), full(Wp1T.shape), full(bp1r.shape),
        full(Wp2T.shape), full(bp2r.shape),
    ]
    out_specs = [
        pl.BlockSpec((_R, _N, 1), lambda b: (b, 0, 0)),
        pl.BlockSpec((_R, _N, 1), lambda b: (b, 0, 0)),
        full((_N, 1)),
    ]
    out_shape = [
        jax.ShapeDtypeStruct((_N, _N, 1), _F32),
        jax.ShapeDtypeStruct((_N, _N, 1), _F32),
        jax.ShapeDtypeStruct((_N, 1), _F32),
    ]
    pred3, eff3, pri = pl.pallas_call(
        _dense_kernel,
        grid=(_NB,),
        in_specs=in_specs,
        out_specs=out_specs,
        out_shape=out_shape,
        scratch_shapes=[pltpu.VMEM((_N, _N), _F32), pltpu.VMEM((_N, _N), _F32)],
    )(emb, px, py, px, py, W1aT, W1bT, wd_row, g_row, W2T, b2r, W3T,
      b3r, We1T, be1r, We2T, be2r, Wp1T, bp1r, Wp2T, bp2r)
    return pred3.reshape(_N, _N), eff3.reshape(_N, _N), pri



import functools
from jax.experimental.pallas import tpu_sc as plsc


def _granks(pri_row, pri_col, ca_row, ca_col, n0_row, n0_col):
    iota_sub = lax.broadcasted_iota(_I32, (_N, _N), 0).astype(_F32)
    iota_lan = lax.broadcasted_iota(_I32, (_N, _N), 1).astype(_F32)
    one = jnp.float32(1.0)
    zero = jnp.float32(0.0)
    isdef_r = n0_row < 0.0
    isdef_c = n0_col < 0.0
    issur_r = n0_row > 0.0
    issur_c = n0_col > 0.0
    beforeA = (ca_row < ca_col) | ((ca_row == ca_col) & (
        (pri_row > pri_col) | ((pri_row == pri_col) & (iota_lan < iota_sub))))
    beforeB = (ca_col < ca_row) | ((ca_col == ca_row) & (
        (pri_col > pri_row) | ((pri_col == pri_row) & (iota_sub < iota_lan))))
    rd_col = jnp.sum(jnp.where(beforeA & isdef_r, one, zero), axis=1,
                     keepdims=True)
    rs_col = jnp.sum(jnp.where(beforeA & issur_r, one, zero), axis=1,
                     keepdims=True)
    rd_row = jnp.sum(jnp.where(beforeB & isdef_c, one, zero), axis=0,
                     keepdims=True)
    rs_row = jnp.sum(jnp.where(beforeB & issur_c, one, zero), axis=0,
                     keepdims=True)
    D2 = jnp.where(isdef_c & (rd_col == iota_lan), one, zero)
    D2T = jnp.where(isdef_r & (rd_row == iota_sub), one, zero)
    S2 = jnp.where(issur_c & (rs_col == iota_lan), one, zero)
    S2T = jnp.where(issur_r & (rs_row == iota_sub), one, zero)
    return iota_sub, iota_lan, isdef_r, issur_r, D2, D2T, S2, S2T



def _pack_kernel(pred_ref, eff_ref, pri_row_ref, pri_col_ref,
                 ca_row_ref, ca_col_ref, n0_row_ref, n0_col_ref,
                 predp_ref, effp_ref, need0_ref, avail0_ref, segm_ref,
                 meta_ref):
    pred = pred_ref[...]
    eff = eff_ref[...]
    prir, pric = pri_row_ref[...], pri_col_ref[...]
    car, cac = ca_row_ref[...], ca_col_ref[...]
    n0r, n0c = n0_row_ref[...], n0_col_ref[...]
    (iota_sub, iota_lan, isdef_r, issur_r,
     D2, D2T, S2, S2T) = _granks(prir, pric, car, cac, n0r, n0c)
    one = jnp.float32(1.0)
    zero = jnp.float32(0.0)

    predp_ref[...] = _mm(_mm(S2T, pred, _HI), D2, _HI)
    effp_ref[...] = _mm(_mm(S2T, eff, _HI), D2, _HI)
    need0_ref[...] = -_mm(n0r, D2, _HI)
    avail0_ref[...] = _mm(n0r, S2, _HI)

    segr = _mm(car, D2, _HI)
    io8 = lax.broadcasted_iota(_I32, (_NCLUST, _N), 0).astype(_F32)
    segm_ref[...] = jnp.where(segr == io8, one, zero)
    cnt8 = jnp.sum(jnp.where((car == io8) & issur_r, one, zero),
                   axis=1, keepdims=True)
    start8 = jnp.sum(jnp.where((car < io8) & issur_r, one, zero),
                     axis=1, keepdims=True)
    iol8 = lax.broadcasted_iota(_I32, (_NCLUST, _N), 1)
    meta_ref[...] = jnp.where(iol8 == 0, start8, zero) \
        + jnp.where(iol8 == 1, cnt8, zero)


def _run_pack(pred, eff, pri_row, pri_col, ca_row, ca_col, n0_row, n0_col):
    full = lambda shp: pl.BlockSpec(shp, lambda: tuple(0 for _ in shp))
    args = (pred, eff, pri_row, pri_col, ca_row, ca_col, n0_row, n0_col)
    out_shape = [
        jax.ShapeDtypeStruct((_N, _N), _F32),
        jax.ShapeDtypeStruct((_N, _N), _F32),
        jax.ShapeDtypeStruct((1, _N), _F32),
        jax.ShapeDtypeStruct((1, _N), _F32),
        jax.ShapeDtypeStruct((_NCLUST, _N), _F32),
        jax.ShapeDtypeStruct((_NCLUST, _N), _F32),
    ]
    return pl.pallas_call(
        _pack_kernel,
        in_specs=[full(a.shape) for a in args],
        out_specs=[full(s.shape) for s in out_shape],
        out_shape=out_shape,
    )(*args)



def _sc_greedy(predp, effp, need0, avail0, segm, meta8):
    mesh = plsc.VectorSubcoreMesh(core_axis_name="c", subcore_axis_name="s")

    @functools.partial(
        pl.kernel, mesh=mesh,
        out_type=[
            jax.ShapeDtypeStruct((_N, _N), _F32),
            jax.ShapeDtypeStruct((_N, _N), _F32),
            jax.ShapeDtypeStruct((_NCLUST, _N), _F32),
        ],
        scratch_types=[
            pltpu.VMEM((_N, _N), _F32),
            pltpu.VMEM((_N, _N), _F32),
            pltpu.VMEM((_N,), _F32),
            pltpu.VMEM((2 * _N,), _F32),
            pltpu.VMEM((_N,), _F32),
            pltpu.VMEM((_N,), _F32),
            pltpu.VMEM((_N,), _F32),
            pltpu.VMEM((_N,), _F32),
        ],
    )
    def k(predp_hbm, effp_hbm, need0_hbm, avail0_hbm, segm_hbm, meta_hbm,
          shp_hbm, edp_hbm, needp_hbm,
          pred_vm, eff_vm, needed_vm, availp_vm, mask_vm, meta_vm,
          rowbuf, edbuf):
        core = lax.axis_index("c")
        tid = lax.axis_index("s")
        iota16 = lax.iota(_I32, 16)

        def cumsum16(x):
            for kk in (1, 2, 4, 8):
                sh = jnp.take(x, jnp.maximum(iota16 - kk, 0))
                x = x + jnp.where(iota16 >= kk, sh, 0.0)
            return x

        @pl.when((core == 0) & (tid < _NCLUST))
        def _():
            pltpu.sync_copy(predp_hbm, pred_vm)
            pltpu.sync_copy(effp_hbm, eff_vm)
            pltpu.sync_copy(need0_hbm, needed_vm)
            pltpu.sync_copy(avail0_hbm, availp_vm.at[pl.ds(0, _N)])
            pltpu.sync_copy(segm_hbm.at[tid], mask_vm)
            pltpu.sync_copy(meta_hbm.at[tid], meta_vm)
            mv = meta_vm[pl.ds(0, 16)]
            sstart = mv[0].astype(_I32)
            scnt = mv[1].astype(_I32)

            def srow(i, carry):
                r = sstart + i
                avail = availp_vm[pl.ds(r, 16)][0]
                for q in range(8):
                    sl = pl.ds(q * 16, 16)
                    lanes = mask_vm[sl] > 0.5
                    p16 = pred_vm[r, sl]
                    e16 = eff_vm[r, sl]
                    needed16 = needed_vm[sl]
                    gate0 = lanes & (needed16 > 0.0)
                    cap = jnp.where(gate0, jnp.minimum(needed16, p16), 0.0)
                    cinc = cumsum16(cap)
                    cex = cinc - cap
                    upd = gate0 & (avail - cex > 0.0)
                    act = jnp.where(
                        upd,
                        jnp.minimum(avail, cinc) - jnp.minimum(avail, cex),
                        0.0)
                    dlv = act * e16
                    needed_vm[sl] = needed16 - jnp.where(upd, dlv, 0.0)
                    rowbuf[sl] = act
                    edbuf[sl] = jnp.where(upd, e16 - 1.0, 0.0)
                    avail = jnp.maximum(avail - cinc[15], 0.0)
                pltpu.sync_copy(rowbuf, shp_hbm.at[r])
                pltpu.sync_copy(edbuf, edp_hbm.at[r])
                return carry

            lax.fori_loop(0, scnt, srow, 0)

            for q in range(8):
                sl = pl.ds(q * 16, 16)
                rowbuf[sl] = needed_vm[sl] * mask_vm[sl]
            pltpu.sync_copy(rowbuf, needp_hbm.at[tid])

    return k(predp, effp, need0, avail0, segm, meta8)



def _epi_kernel(shp_ref, edp_ref, needp_ref, pri_row_ref, pri_col_ref,
                ca_row_ref, ca_col_ref, n0_row_ref, n0_col_ref,
                sharing_ref, effmat_ref, net_ref, esent_ref, erecv_ref,
                total_ref):
    prir, pric = pri_row_ref[...], pri_col_ref[...]
    car, cac = ca_row_ref[...], ca_col_ref[...]
    n0r, n0c = n0_row_ref[...], n0_col_ref[...]
    (iota_sub, iota_lan, isdef_r, issur_r,
     D2, D2T, S2, S2T) = _granks(prir, pric, car, cac, n0r, n0c)
    one = jnp.float32(1.0)
    zero = jnp.float32(0.0)

    nsur = jnp.sum(jnp.where(issur_r, one, zero), axis=1, keepdims=True)
    valid = iota_sub < nsur
    shp = jnp.where(valid, shp_ref[...], zero)
    edp = jnp.where(valid, edp_ref[...], zero)

    sharing = _mm(_mm(S2, shp, _HI), D2T, _HI)
    effmat = 1.0 + _mm(_mm(S2, edp, _HI), D2T, _HI)
    needslots = jnp.sum(needp_ref[...], axis=0, keepdims=True)
    neededU = _mm(needslots, D2T, _HI)
    net_out = jnp.where(isdef_r, -neededU, n0r)

    sharing_ref[...] = sharing
    effmat_ref[...] = effmat
    net_ref[...] = net_out
    esent_ref[...] = jnp.sum(sharing, axis=1, keepdims=True)
    erecv_ref[...] = jnp.sum(sharing * effmat, axis=0, keepdims=True)
    total_ref[...] = jnp.sum(sharing).reshape(1, 1)


def _run_epi(shp, edp, needp, pri_row, pri_col, ca_row, ca_col,
             n0_row, n0_col):
    full = lambda shp_: pl.BlockSpec(shp_, lambda: tuple(0 for _ in shp_))
    args = (shp, edp, needp, pri_row, pri_col, ca_row, ca_col, n0_row, n0_col)
    out_shape = [
        jax.ShapeDtypeStruct((_N, _N), _F32),
        jax.ShapeDtypeStruct((_N, _N), _F32),
        jax.ShapeDtypeStruct((1, _N), _F32),
        jax.ShapeDtypeStruct((_N, 1), _F32),
        jax.ShapeDtypeStruct((1, _N), _F32),
        jax.ShapeDtypeStruct((1, 1), _F32),
    ]
    return pl.pallas_call(
        _epi_kernel,
        in_specs=[full(a.shape) for a in args],
        out_specs=[full(s.shape) for s in out_shape],
        out_shape=out_shape,
    )(*args)



def kernel(embeddings, cluster_assignments, generation, consumption,
           positions, current_hour, W1, b1, W2, b2, W3, b3,
           We1, be1, We2, be2, Wp1, bp1, Wp2, bp2):
    emb = embeddings[0].astype(_F32)
    pos = positions[0].astype(_F32)
    px = pos[:, 0:1]
    py = pos[:, 1:2]
    ca_row = cluster_assignments[0].astype(_F32).reshape(1, _N)
    ca_col = ca_row.reshape(_N, 1)
    n0_row = (generation - consumption).astype(_F32).reshape(1, _N)
    n0_col = n0_row.reshape(_N, 1)
    hour = jnp.asarray(current_hour / 24.0, _F32).reshape(1, 1)

    W1aT = W1[:, :_N].T
    W1bT = W1[:, _N:2 * _N].T
    wd_row = W1[:, 2 * _N:2 * _N + 1].reshape(1, _N)
    wh_row = W1[:, 2 * _N + 1:2 * _N + 2].reshape(1, _N)
    g_row = hour * wh_row + b1.reshape(1, -1)

    pred, eff, pri_col = _run_dense(
        emb, px, py, W1aT, W1bT, wd_row, g_row,
        W2.T, b2.reshape(1, -1), W3.T, b3.reshape(1, -1),
        We1.T, be1.reshape(1, -1), We2.T, be2.reshape(1, -1),
        Wp1.T, bp1.reshape(1, -1), Wp2.T, bp2.reshape(1, -1))

    pri_row = pri_col.reshape(1, _N)

    predp, effp, need0, avail0, segm, meta8 = _run_pack(
        pred, eff, pri_row, pri_col, ca_row, ca_col, n0_row, n0_col)

    shp, edp, needp = _sc_greedy(predp, effp, need0.reshape(_N),
                                 avail0.reshape(_N), segm, meta8)

    sharing, effmat, net, esent, erecv, total = _run_epi(
        shp, edp, needp, pri_row, pri_col, ca_row, ca_col, n0_row, n0_col)

    return (sharing.reshape(1, _N, _N), effmat.reshape(1, _N, _N),
            total.reshape(()), esent.reshape(1, _N),
            erecv.reshape(1, _N), net.reshape(1, _N))

# --- scband reference (transcript-rebuilt; emitter-appended) ---
"""Pipeline reference for scband-energy-sharing-predictor-77592879169751 (READ-ONLY COPY).

The authoritative reference and input builder live on the scoring server;
editing this copy changes nothing except your own understanding.
"""

import jax, jax.numpy as jnp
import numpy as np

_B, _N, _D = 1, 128, 128
_NCLUST = 8

def _lin(x, W, b):
    return x @ W.T + b

def _priority(e, p):
    h = jax.nn.relu(_lin(e, p['Wp1'], p['bp1']))
    return jax.nn.sigmoid(_lin(h, p['Wp2'], p['bp2']))

def _flow_pred(f, p):
    h = jax.nn.relu(_lin(f, p['W1'], p['b1']))
    h = jax.nn.relu(_lin(h, p['W2'], p['b2']))
    return jax.nn.softplus(_lin(h, p['W3'], p['b3']))

def _eff(d, p):
    h = jax.nn.relu(_lin(d, p['We1'], p['be1']))
    s = jax.nn.sigmoid(_lin(h, p['We2'], p['be2']))
    return 0.85 + 0.13 * s

_PARAM_SHAPES = {'W1': (128, 258), 'b1': (128,), 'W2': (64, 128), 'b2': (64,), 'W3': (1, 64), 'b3': (1,), 'We1': (16, 1), 'be1': (16,), 'We2': (1, 16), 'be2': (1,), 'Wp1': (32, 128), 'bp1': (32,), 'Wp2': (1, 32), 'bp2': (1,)}

def setup_inputs(seed: int = 0):
    key = jax.random.key(seed)
    k = jax.random.split(key, 20)
    inp = {
        'embeddings': jax.random.normal(k[0], (_B, _N, _D), dtype=jnp.float32),
        'cluster_assignments': jax.random.randint(k[1], (_B, _N), 0, _NCLUST),
        'generation': jax.random.uniform(k[2], (_B, _N), dtype=jnp.float32),
        'consumption': jax.random.uniform(k[3], (_B, _N), dtype=jnp.float32),
        'positions': jax.random.normal(k[4], (_B, _N, 2), dtype=jnp.float32),
        'current_hour': 12,
    }
    for i, (name, shp) in enumerate(_PARAM_SHAPES.items()):
        if name[0] == 'b':
            inp[name] = jnp.zeros(shp, dtype=jnp.float32)
        else:
            inp[name] = jax.random.normal(k[5 + i], shp, dtype=jnp.float32) * 0.05
    return inp

def _simulate(embeddings, cluster_assignments, generation, consumption, positions, current_hour, p):
    # Concrete greedy simulation, faithful to the torch forward (eval mode: dropout = identity).
    B, N, D = embeddings.shape
    net0 = (generation - consumption).astype(jnp.float32)
    ca = cluster_assignments[0]
    emb = embeddings[0]
    pos = positions[0]
    n0 = net0[0]

    pri = _priority(emb, p).reshape(-1)
    diff = pos[:, None, :] - pos[None, :, :]
    dist = jnp.linalg.norm(diff, axis=-1)
    eff_all = _eff((dist / 1000.0)[..., None], p)[..., 0]
    hour = jnp.asarray(current_hour / 24.0, jnp.float32)
    feats = jnp.concatenate([
        jnp.broadcast_to(emb[:, None, :], (N, N, D)),
        jnp.broadcast_to(emb[None, :, :], (N, N, D)),
        dist[..., None],
        jnp.broadcast_to(hour.reshape(1, 1, 1), (N, N, 1)),
    ], axis=-1)
    pred_all = _flow_pred(feats, p)[..., 0]

    cids = jnp.arange(_NCLUST, dtype=ca.dtype)
    member = ca[None, :] == cids[:, None]
    smask = member & (n0[None, :] > 0)
    dmask = member & (n0[None, :] < 0)
    skey = jnp.where(smask, -pri[None, :], jnp.inf)
    dkey = jnp.where(dmask, -pri[None, :], jnp.inf)
    s_order = jnp.argsort(skey, axis=1, stable=True)
    d_order = jnp.argsort(dkey, axis=1, stable=True)
    s_valid = jnp.take_along_axis(smask, s_order, axis=1)
    d_valid = jnp.take_along_axis(dmask, d_order, axis=1)

    def body(t, carry):
        sharing, effm, net, avail = carry
        c = t // (N * N)
        r = t % (N * N)
        i = r // N
        j = r % N
        s = s_order[c, i]
        d = d_order[c, j]
        avail = jnp.where(j == 0, net[0, s], avail)
        needed = -net[0, d]
        upd = s_valid[c, i] & d_valid[c, j] & (avail > 0) & (needed > 0)
        actual = jnp.minimum(jnp.minimum(avail, needed), pred_all[s, d])
        eff = eff_all[s, d]
        delivered = actual * eff
        sharing = sharing.at[0, s, d].add(jnp.where(upd, actual, 0.0))
        effm = effm.at[0, s, d].multiply(jnp.where(upd, eff, 1.0))
        net = net.at[0, d].add(jnp.where(upd, delivered, 0.0))
        avail = avail - jnp.where(upd, actual, 0.0)
        return (sharing, effm, net, avail)

    init = (
        jnp.zeros((B, N, N), dtype=jnp.float32),
        jnp.ones((B, N, N), dtype=jnp.float32),
        net0,
        jnp.float32(0.0),
    )
    sharing, effmat, net, _ = jax.lax.fori_loop(0, _NCLUST * N * N, body, init)
    return sharing, effmat, net, None

def reference(embeddings, cluster_assignments, generation, consumption, positions, current_hour, W1, b1, W2, b2, W3, b3, We1, be1, We2, be2, Wp1, bp1, Wp2, bp2):
    p = {'W1': W1, 'b1': b1, 'W2': W2, 'b2': b2, 'W3': W3, 'b3': b3, 'We1': We1, 'be1': be1, 'We2': We2, 'be2': be2, 'Wp1': Wp1, 'bp1': bp1, 'Wp2': Wp2, 'bp2': bp2}
    sharing, effmat, net, _ = _simulate(embeddings, cluster_assignments, generation, consumption, positions, current_hour, p)
    sharing = jnp.asarray(sharing)
    effmat = jnp.asarray(effmat)
    net = jnp.asarray(net)
    energy_sent = sharing.sum(axis=2)
    energy_received = (sharing * effmat).sum(axis=1)
    total_shared = sharing.sum()
    return sharing, effmat, total_shared, energy_sent, energy_received, net

if __name__ == "__main__":
    import jax
    _d = setup_inputs()
    print(jax.jit(kernel)(*tuple(_d.values())))

</pallas_src>

<mosaic_0001>
#map = affine_map<(d0, d1) -> (0, 0)>
#map1 = affine_map<(d0, d1) -> (0)>
module attributes {stable_mosaic.version = 14 : i64} {
  func.func @k(%arg0: i32, %arg1: i32, %arg2: memref<128x128xf32, #tpu.memory_space<hbm>>, %arg3: memref<128x128xf32, #tpu.memory_space<hbm>>, %arg4: memref<128xf32, #tpu.memory_space<hbm>>, %arg5: memref<128xf32, #tpu.memory_space<hbm>>, %arg6: memref<8x128xf32, #tpu.memory_space<hbm>>, %arg7: memref<8x128xf32, #tpu.memory_space<hbm>>, %arg8: memref<128x128xf32, #tpu.memory_space<hbm>>, %arg9: memref<128x128xf32, #tpu.memory_space<hbm>>, %arg10: memref<8x128xf32, #tpu.memory_space<hbm>>, %arg11: memref<128x128xf32, #tpu.memory_space<vmem>>, %arg12: memref<128x128xf32, #tpu.memory_space<vmem>>, %arg13: memref<128xf32, #tpu.memory_space<vmem>>, %arg14: memref<256xf32, #tpu.memory_space<vmem>>, %arg15: memref<128xf32, #tpu.memory_space<vmem>>, %arg16: memref<128xf32, #tpu.memory_space<vmem>>, %arg17: memref<128xf32, #tpu.memory_space<vmem>>, %arg18: memref<128xf32, #tpu.memory_space<vmem>>) attributes {dimension_semantics = [#tpu.dimension_semantics<core_parallel>, #tpu.dimension_semantics<subcore_parallel>], iteration_bounds = array<i64: 2, 16>, scalar_prefetch = 0 : i64, scratch_operands = 8 : i64, tpu.core_type = #tpu.core_type<sc_vector_subcore>, window_params = [{transform_indices = #map}, {transform_indices = #map}, {transform_indices = #map1}, {transform_indices = #map1}, {transform_indices = #map}, {transform_indices = #map}, {transform_indices = #map}, {transform_indices = #map}, {transform_indices = #map}]} {
    %iota3A = tpu.iota {dimensions = array<i32: 0>} : vector<16xi32>
    %eq3A = arith.constant 0 : i32
    %eq3A_0 = arith.cmpi eq, %arg0, %eq3A : i32
    %lt3A = arith.constant 8 : i32
    %lt3A_1 = arith.cmpi slt, %arg1, %lt3A : i32
    %and3A = arith.andi %eq3A_0, %lt3A_1 : i1
    %convert_element_type3A = arith.extui %and3A : i1 to i32
    %cond3A = arith.constant 0 : i32
    %cond3A_2 = arith.cmpi ne, %convert_element_type3A, %cond3A : i32
    scf.if %cond3A_2 {
      "tpu.region"() ({
        %run_scoped3A = tpu.sem_alloc : memref<!tpu.dma_semaphore, #tpu.memory_space<semaphore_mem>>
        tpu.enqueue_dma source(%arg2 : memref<128x128xf32, #tpu.memory_space<hbm>>) target(%arg11 : memref<128x128xf32, #tpu.memory_space<vmem>>) target_semaphore(%run_scoped3A : memref<!tpu.dma_semaphore, #tpu.memory_space<semaphore_mem>>)
        tpu.wait_dma2 semaphore(%run_scoped3A : memref<!tpu.dma_semaphore, #tpu.memory_space<semaphore_mem>>) src(%arg2 : memref<128x128xf32, #tpu.memory_space<hbm>>) dst(%arg11 : memref<128x128xf32, #tpu.memory_space<vmem>>)
        tpu.yield
      }) : () -> ()
      "tpu.region"() ({
        %run_scoped3A = tpu.sem_alloc : memref<!tpu.dma_semaphore, #tpu.memory_space<semaphore_mem>>
        tpu.enqueue_dma source(%arg3 : memref<128x128xf32, #tpu.memory_space<hbm>>) target(%arg12 : memref<128x128xf32, #tpu.memory_space<vmem>>) target_semaphore(%run_scoped3A : memref<!tpu.dma_semaphore, #tpu.memory_space<semaphore_mem>>)
        tpu.wait_dma2 semaphore(%run_scoped3A : memref<!tpu.dma_semaphore, #tpu.memory_space<semaphore_mem>>) src(%arg3 : memref<128x128xf32, #tpu.memory_space<hbm>>) dst(%arg12 : memref<128x128xf32, #tpu.memory_space<vmem>>)
        tpu.yield
      }) : () -> ()
      "tpu.region"() ({
        %run_scoped3A = tpu.sem_alloc : memref<!tpu.dma_semaphore, #tpu.memory_space<semaphore_mem>>
        tpu.enqueue_dma source(%arg4 : memref<128xf32, #tpu.memory_space<hbm>>) target(%arg13 : memref<128xf32, #tpu.memory_space<vmem>>) target_semaphore(%run_scoped3A : memref<!tpu.dma_semaphore, #tpu.memory_space<semaphore_mem>>)
        tpu.wait_dma2 semaphore(%run_scoped3A : memref<!tpu.dma_semaphore, #tpu.memory_space<semaphore_mem>>) src(%arg4 : memref<128xf32, #tpu.memory_space<hbm>>) dst(%arg13 : memref<128xf32, #tpu.memory_space<vmem>>)
        tpu.yield
      }) : () -> ()
      "tpu.region"() ({
        %run_scoped3A = tpu.sem_alloc : memref<!tpu.dma_semaphore, #tpu.memory_space<semaphore_mem>>
        %dma_start3A = arith.constant 0 : i32
        %dma_start3A_104 = tpu.memref_slice %arg14[%dma_start3A] : memref<256xf32, #tpu.memory_space<vmem>> -> memref<128xf32, #tpu.memory_space<vmem>>
        %dma_start3A_105 = arith.constant 0 : i32
        %dma_start3A_106 = tpu.memref_slice %arg14[%dma_start3A_105] : memref<256xf32, #tpu.memory_space<vmem>> -> memref<128xf32, #tpu.memory_space<vmem>>
        tpu.enqueue_dma source(%arg5 : memref<128xf32, #tpu.memory_space<hbm>>) target(%dma_start3A_106 : memref<128xf32, #tpu.memory_space<vmem>>) target_semaphore(%run_scoped3A : memref<!tpu.dma_semaphore, #tpu.memory_space<semaphore_mem>>)
        %dma_wait3A = arith.constant 0 : i32
        %dma_wait3A_107 = tpu.memref_slice %arg14[%dma_wait3A] : memref<256xf32, #tpu.memory_space<vmem>> -> memref<128xf32, #tpu.memory_space<vmem>>
        %dma_wait3A_108 = arith.constant 0 : i32
        %dma_wait3A_109 = tpu.memref_slice %arg14[%dma_wait3A_108] : memref<256xf32, #tpu.memory_space<vmem>> -> memref<128xf32, #tpu.memory_space<vmem>>
        tpu.wait_dma2 semaphore(%run_scoped3A : memref<!tpu.dma_semaphore, #tpu.memory_space<semaphore_mem>>) src(%arg5 : memref<128xf32, #tpu.memory_space<hbm>>) dst(%dma_wait3A_109 : memref<128xf32, #tpu.memory_space<vmem>>)
        tpu.yield
      }) : () -> ()
      "tpu.region"() ({
        %run_scoped3A = tpu.sem_alloc : memref<!tpu.dma_semaphore, #tpu.memory_space<semaphore_mem>>
        %dma_start3A = arith.constant 0 : i32
        %dma_start3A_104 = tpu.memref_slice %arg6[%arg1, %dma_start3A] : memref<8x128xf32, #tpu.memory_space<hbm>> -> memref<1x128xf32, #tpu.memory_space<hbm>>
        %dma_start3A_105 = tpu.memref_squeeze %dma_start3A_104 : memref<1x128xf32, #tpu.memory_space<hbm>> -> memref<128xf32, #tpu.memory_space<hbm>>
        %dma_start3A_106 = arith.constant 0 : i32
        %dma_start3A_107 = tpu.memref_slice %arg6[%arg1, %dma_start3A_106] : memref<8x128xf32, #tpu.memory_space<hbm>> -> memref<1x128xf32, #tpu.memory_space<hbm>>
        %dma_start3A_108 = tpu.memref_squeeze %dma_start3A_107 : memref<1x128xf32, #tpu.memory_space<hbm>> -> memref<128xf32, #tpu.memory_space<hbm>>
        tpu.enqueue_dma source(%dma_start3A_108 : memref<128xf32, #tpu.memory_space<hbm>>) target(%arg15 : memref<128xf32, #tpu.memory_space<vmem>>) target_semaphore(%run_scoped3A : memref<!tpu.dma_semaphore, #tpu.memory_space<semaphore_mem>>)
        %dma_wait3A = arith.constant 0 : i32
        %dma_wait3A_109 = tpu.memref_slice %arg6[%arg1, %dma_wait3A] : memref<8x128xf32, #tpu.memory_space<hbm>> -> memref<1x128xf32, #tpu.memory_space<hbm>>
        %dma_wait3A_110 = tpu.memref_squeeze %dma_wait3A_109 : memref<1x128xf32, #tpu.memory_space<hbm>> -> memref<128xf32, #tpu.memory_space<hbm>>
        %dma_wait3A_111 = arith.constant 0 : i32
        %dma_wait3A_112 = tpu.memref_slice %arg6[%arg1, %dma_wait3A_111] : memref<8x128xf32, #tpu.memory_space<hbm>> -> memref<1x128xf32, #tpu.memory_space<hbm>>
        %dma_wait3A_113 = tpu.memref_squeeze %dma_wait3A_112 : memref<1x128xf32, #tpu.memory_space<hbm>> -> memref<128xf32, #tpu.memory_space<hbm>>
        tpu.wait_dma2 semaphore(%run_scoped3A : memref<!tpu.dma_semaphore, #tpu.memory_space<semaphore_mem>>) src(%dma_wait3A_113 : memref<128xf32, #tpu.memory_space<hbm>>) dst(%arg15 : memref<128xf32, #tpu.memory_space<vmem>>)
        tpu.yield
      }) : () -> ()
      "tpu.region"() ({
        %run_scoped3A = tpu.sem_alloc : memref<!tpu.dma_semaphore, #tpu.memory_space<semaphore_mem>>
        %dma_start3A = arith.constant 0 : i32
        %dma_start3A_104 = tpu.memref_slice %arg7[%arg1, %dma_start3A] : memref<8x128xf32, #tpu.memory_space<hbm>> -> memref<1x128xf32, #tpu.memory_space<hbm>>
        %dma_start3A_105 = tpu.memref_squeeze %dma_start3A_104 : memref<1x128xf32, #tpu.memory_space<hbm>> -> memref<128xf32, #tpu.memory_space<hbm>>
        %dma_start3A_106 = arith.constant 0 : i32
        %dma_start3A_107 = tpu.memref_slice %arg7[%arg1, %dma_start3A_106] : memref<8x128xf32, #tpu.memory_space<hbm>> -> memref<1x128xf32, #tpu.memory_space<hbm>>
        %dma_start3A_108 = tpu.memref_squeeze %dma_start3A_107 : memref<1x128xf32, #tpu.memory_space<hbm>> -> memref<128xf32, #tpu.memory_space<hbm>>
        tpu.enqueue_dma source(%dma_start3A_108 : memref<128xf32, #tpu.memory_space<hbm>>) target(%arg16 : memref<128xf32, #tpu.memory_space<vmem>>) target_semaphore(%run_scoped3A : memref<!tpu.dma_semaphore, #tpu.memory_space<semaphore_mem>>)
        %dma_wait3A = arith.constant 0 : i32
        %dma_wait3A_109 = tpu.memref_slice %arg7[%arg1, %dma_wait3A] : memref<8x128xf32, #tpu.memory_space<hbm>> -> memref<1x128xf32, #tpu.memory_space<hbm>>
        %dma_wait3A_110 = tpu.memref_squeeze %dma_wait3A_109 : memref<1x128xf32, #tpu.memory_space<hbm>> -> memref<128xf32, #tpu.memory_space<hbm>>
        %dma_wait3A_111 = arith.constant 0 : i32
        %dma_wait3A_112 = tpu.memref_slice %arg7[%arg1, %dma_wait3A_111] : memref<8x128xf32, #tpu.memory_space<hbm>> -> memref<1x128xf32, #tpu.memory_space<hbm>>
        %dma_wait3A_113 = tpu.memref_squeeze %dma_wait3A_112 : memref<1x128xf32, #tpu.memory_space<hbm>> -> memref<128xf32, #tpu.memory_space<hbm>>
        tpu.wait_dma2 semaphore(%run_scoped3A : memref<!tpu.dma_semaphore, #tpu.memory_space<semaphore_mem>>) src(%dma_wait3A_113 : memref<128xf32, #tpu.memory_space<hbm>>) dst(%arg16 : memref<128xf32, #tpu.memory_space<vmem>>)
        tpu.yield
      }) : () -> ()
      %get3A = arith.constant 0 : index
      %get3A_3 = tpu.vector_load %arg16[%get3A] {strides = array<i32>} : memref<128xf32, #tpu.memory_space<vmem>>, vector<16xf32>,
      %get3A_4 = vector.shape_cast %get3A_3 : vector<16xf32> to vector<16xf32>
      %slice3A = vector.extract_strided_slice %get3A_4 {offsets = [0], sizes = [1], strides = [1]} : vector<16xf32> to vector<1xf32>
      %squeeze3A = vector.extract %slice3A[0] : f32 from vector<1xf32>
      %convert_element_type3A_5 = arith.fptosi %squeeze3A : f32 to i32
      %slice3A_6 = vector.extract_strided_slice %get3A_4 {offsets = [1], sizes = [1], strides = [1]} : vector<16xf32> to vector<1xf32>
      %squeeze3A_7 = vector.extract %slice3A_6[0] : f32 from vector<1xf32>
      %convert_element_type3A_8 = arith.fptosi %squeeze3A_7 : f32 to i32
      %while3A = arith.constant 0 : i32
      %while3A_9 = arith.constant 0 : i32
      %while3A_10 = arith.subi %convert_element_type3A_8, %while3A_9 : i32
      %while3A_11 = arith.addi %while3A_9, %while3A_10 : i32
      %while3A_12 = arith.constant 1 : i32
      %while3A_13 = arith.divsi %while3A_10, %while3A_12 : i32
      %while3A_14 = arith.muli %while3A_13, %while3A_12 : i32
      %while3A_15 = arith.addi %while3A_9, %while3A_14 : i32
      %while3A_16 = arith.constant 1 : i32
      scf.for %while3A_104 = %while3A_9 to %while3A_15 step %while3A_16  : i32 {
        %add3A = arith.addi %convert_element_type3A_5, %while3A_104 : i32
        %get3A_105 = arith.index_cast %add3A : i32 to index
        %get3A_106 = tpu.vector_load %arg14[%get3A_105] {strides = array<i32>} : memref<256xf32, #tpu.memory_space<vmem>>, vector<16xf32>,
        %get3A_107 = vector.shape_cast %get3A_106 : vector<16xf32> to vector<16xf32>
        %slice3A_108 = vector.extract_strided_slice %get3A_107 {offsets = [0], sizes = [1], strides = [1]} : vector<16xf32> to vector<1xf32>
        %squeeze3A_109 = vector.extract %slice3A_108[0] : f32 from vector<1xf32>
        %get3A_110 = arith.constant 0 : index
        %get3A_111 = tpu.vector_load %arg15[%get3A_110] {strides = array<i32>} : memref<128xf32, #tpu.memory_space<vmem>>, vector<16xf32>,
        %get3A_112 = vector.shape_cast %get3A_111 : vector<16xf32> to vector<16xf32>
        %gt3A = arith.constant 5.000000e-01 : f32
        %gt3A_113 = vector.broadcast %gt3A : f32 to vector<16xf32>
        %gt3A_114 = arith.cmpf ogt, %get3A_112, %gt3A_113 : vector<16xf32>
        %get3A_115 = arith.index_cast %add3A : i32 to index
        %get3A_116 = arith.constant 0 : index
        %get3A_117 = tpu.vector_load %arg11[%get3A_115, %get3A_116] {strides = array<i32>} : memref<128x128xf32, #tpu.memory_space<vmem>>, vector<1x16xf32>,
        %get3A_118 = vector.shape_cast %get3A_117 : vector<1x16xf32> to vector<16xf32>
        %get3A_119 = arith.index_cast %add3A : i32 to index
        %get3A_120 = arith.constant 0 : index
        %get3A_121 = tpu.vector_load %arg12[%get3A_119, %get3A_120] {strides = array<i32>} : memref<128x128xf32, #tpu.memory_space<vmem>>, vector<1x16xf32>,
        %get3A_122 = vector.shape_cast %get3A_121 : vector<1x16xf32> to vector<16xf32>
        %get3A_123 = arith.constant 0 : index
        %get3A_124 = tpu.vector_load %arg13[%get3A_123] {strides = array<i32>} : memref<128xf32, #tpu.memory_space<vmem>>, vector<16xf32>,
        %get3A_125 = vector.shape_cast %get3A_124 : vector<16xf32> to vector<16xf32>
        %gt3A_126 = arith.constant 0.000000e+00 : f32
        %gt3A_127 = vector.broadcast %gt3A_126 : f32 to vector<16xf32>
        %gt3A_128 = arith.cmpf ogt, %get3A_125, %gt3A_127 : vector<16xf32>
        %and3A_129 = arith.andi %gt3A_114, %gt3A_128 : vector<16xi1>
        %min3A = arith.minimumf %get3A_125, %get3A_118 : vector<16xf32>
        %jit3A = arith.constant 0.000000e+00 : f32
        %broadcast_in_dim3A = vector.broadcast %jit3A : f32 to vector<16xf32>
        %select_n3A = arith.select %and3A_129, %min3A, %broadcast_in_dim3A : vector<16xi1>, vector<16xf32>
        %sub3A = arith.constant 1 : i32
        %sub3A_130 = vector.broadcast %sub3A : i32 to vector<16xi32>
        %sub3A_131 = arith.subi %iota3A, %sub3A_130 : vector<16xi32>
        %max3A = arith.constant 0 : i32
        %max3A_132 = vector.broadcast %max3A : i32 to vector<16xi32>
        %max3A_133 = arith.maxsi %sub3A_131, %max3A_132 : vector<16xi32>
        %lt3A_134 = arith.constant 0 : i32
        %lt3A_135 = vector.broadcast %lt3A_134 : i32 to vector<16xi32>
        %lt3A_136 = arith.cmpi slt, %max3A_133, %lt3A_135 : vector<16xi32>
        %add3A_137 = arith.constant 16 : i32
        %add3A_138 = vector.broadcast %add3A_137 : i32 to vector<16xi32>
        %add3A_139 = arith.addi %max3A_133, %add3A_138 : vector<16xi32>
        %select_n3A_140 = arith.select %lt3A_136, %add3A_139, %max3A_133 : vector<16xi1>, vector<16xi32>
        %broadcast_in_dim3A_141 = vector.shape_cast %select_n3A_140 : vector<16xi32> to vector<16x1xi32>
        %gather3A = vector.shape_cast %broadcast_in_dim3A_141 : vector<16x1xi32> to vector<16xi32>
        %gather3A_142 = tpu.dynamic_gather %select_n3A[%gather3A] in [0] : vector<16xf32>, vector<16xi32> -> vector<16xf32>
        %ge3A = arith.constant 1 : i32
        %ge3A_143 = vector.broadcast %ge3A : i32 to vector<16xi32>
        %ge3A_144 = arith.cmpi sge, %iota3A, %ge3A_143 : vector<16xi32>
        %jit3A_145 = arith.constant 0.000000e+00 : f32
        %broadcast_in_dim3A_146 = vector.broadcast %jit3A_145 : f32 to vector<16xf32>
        %select_n3A_147 = arith.select %ge3A_144, %gather3A_142, %broadcast_in_dim3A_146 : vector<16xi1>, vector<16xf32>
        %add3A_148 = arith.addf %select_n3A, %select_n3A_147 : vector<16xf32>
        %sub3A_149 = arith.constant 2 : i32
        %sub3A_150 = vector.broadcast %sub3A_149 : i32 to vector<16xi32>
        %sub3A_151 = arith.subi %iota3A, %sub3A_150 : vector<16xi32>
        %max3A_152 = arith.constant 0 : i32
        %max3A_153 = vector.broadcast %max3A_152 : i32 to vector<16xi32>
        %max3A_154 = arith.maxsi %sub3A_151, %max3A_153 : vector<16xi32>
        %lt3A_155 = arith.constant 0 : i32
        %lt3A_156 = vector.broadcast %lt3A_155 : i32 to vector<16xi32>
        %lt3A_157 = arith.cmpi slt, %max3A_154, %lt3A_156 : vector<16xi32>
        %add3A_158 = arith.constant 16 : i32
        %add3A_159 = vector.broadcast %add3A_158 : i32 to vector<16xi32>
        %add3A_160 = arith.addi %max3A_154, %add3A_159 : vector<16xi32>
        %select_n3A_161 = arith.select %lt3A_157, %add3A_160, %max3A_154 : vector<16xi1>, vector<16xi32>
        %broadcast_in_dim3A_162 = vector.shape_cast %select_n3A_161 : vector<16xi32> to vector<16x1xi32>
        %gather3A_163 = vector.shape_cast %broadcast_in_dim3A_162 : vector<16x1xi32> to vector<16xi32>
        %gather3A_164 = tpu.dynamic_gather %add3A_148[%gather3A_163] in [0] : vector<16xf32>, vector<16xi32> -> vector<16xf32>
        %ge3A_165 = arith.constant 2 : i32
        %ge3A_166 = vector.broadcast %ge3A_165 : i32 to vector<16xi32>
        %ge3A_167 = arith.cmpi sge, %iota3A, %ge3A_166 : vector<16xi32>
        %jit3A_168 = arith.constant 0.000000e+00 : f32
        %broadcast_in_dim3A_169 = vector.broadcast %jit3A_168 : f32 to vector<16xf32>
        %select_n3A_170 = arith.select %ge3A_167, %gather3A_164, %broadcast_in_dim3A_169 : vector<16xi1>, vector<16xf32>
        %add3A_171 = arith.addf %add3A_148, %select_n3A_170 : vector<16xf32>
        %sub3A_172 = arith.constant 4 : i32
        %sub3A_173 = vector.broadcast %sub3A_172 : i32 to vector<16xi32>
        %sub3A_174 = arith.subi %iota3A, %sub3A_173 : vector<16xi32>
        %max3A_175 = arith.constant 0 : i32
        %max3A_176 = vector.broadcast %max3A_175 : i32 to vector<16xi32>
        %max3A_177 = arith.maxsi %sub3A_174, %max3A_176 : vector<16xi32>
        %lt3A_178 = arith.constant 0 : i32
        %lt3A_179 = vector.broadcast %lt3A_178 : i32 to vector<16xi32>
        %lt3A_180 = arith.cmpi slt, %max3A_177, %lt3A_179 : vector<16xi32>
        %add3A_181 = arith.constant 16 : i32
        %add3A_182 = vector.broadcast %add3A_181 : i32 to vector<16xi32>
        %add3A_183 = arith.addi %max3A_177, %add3A_182 : vector<16xi32>
        %select_n3A_184 = arith.select %lt3A_180, %add3A_183, %max3A_177 : vector<16xi1>, vector<16xi32>
        %broadcast_in_dim3A_185 = vector.shape_cast %select_n3A_184 : vector<16xi32> to vector<16x1xi32>
        %gather3A_186 = vector.shape_cast %broadcast_in_dim3A_185 : vector<16x1xi32> to vector<16xi32>
        %gather3A_187 = tpu.dynamic_gather %add3A_171[%gather3A_186] in [0] : vector<16xf32>, vector<16xi32> -> vector<16xf32>
        %ge3A_188 = arith.constant 4 : i32
        %ge3A_189 = vector.broadcast %ge3A_188 : i32 to vector<16xi32>
        %ge3A_190 = arith.cmpi sge, %iota3A, %ge3A_189 : vector<16xi32>
        %jit3A_191 = arith.constant 0.000000e+00 : f32
        %broadcast_in_dim3A_192 = vector.broadcast %jit3A_191 : f32 to vector<16xf32>
        %select_n3A_193 = arith.select %ge3A_190, %gather3A_187, %broadcast_in_dim3A_192 : vector<16xi1>, vector<16xf32>
        %add3A_194 = arith.addf %add3A_171, %select_n3A_193 : vector<16xf32>
        %sub3A_195 = arith.constant 8 : i32
        %sub3A_196 = vector.broadcast %sub3A_195 : i32 to vector<16xi32>
        %sub3A_197 = arith.subi %iota3A, %sub3A_196 : vector<16xi32>
        %max3A_198 = arith.constant 0 : i32
        %max3A_199 = vector.broadcast %max3A_198 : i32 to vector<16xi32>
        %max3A_200 = arith.maxsi %sub3A_197, %max3A_199 : vector<16xi32>
        %lt3A_201 = arith.constant 0 : i32
        %lt3A_202 = vector.broadcast %lt3A_201 : i32 to vector<16xi32>
        %lt3A_203 = arith.cmpi slt, %max3A_200, %lt3A_202 : vector<16xi32>
        %add3A_204 = arith.constant 16 : i32
        %add3A_205 = vector.broadcast %add3A_204 : i32 to vector<16xi32>
        %add3A_206 = arith.addi %max3A_200, %add3A_205 : vector<16xi32>
        %select_n3A_207 = arith.select %lt3A_203, %add3A_206, %max3A_200 : vector<16xi1>, vector<16xi32>
        %broadcast_in_dim3A_208 = vector.shape_cast %select_n3A_207 : vector<16xi32> to vector<16x1xi32>
        %gather3A_209 = vector.shape_cast %broadcast_in_dim3A_208 : vector<16x1xi32> to vector<16xi32>
        %gather3A_210 = tpu.dynamic_gather %add3A_194[%gather3A_209] in [0] : vector<16xf32>, vector<16xi32> -> vector<16xf32>
        %ge3A_211 = arith.constant 8 : i32
        %ge3A_212 = vector.broadcast %ge3A_211 : i32 to vector<16xi32>
        %ge3A_213 = arith.cmpi sge, %iota3A, %ge3A_212 : vector<16xi32>
        %jit3A_214 = arith.constant 0.000000e+00 : f32
        %broadcast_in_dim3A_215 = vector.broadcast %jit3A_214 : f32 to vector<16xf32>
        %select_n3A_216 = arith.select %ge3A_213, %gather3A_210, %broadcast_in_dim3A_215 : vector<16xi1>, vector<16xf32>
        %add3A_217 = arith.addf %add3A_194, %select_n3A_216 : vector<16xf32>
        %sub3A_218 = arith.subf %add3A_217, %select_n3A : vector<16xf32>
        %sub3A_219 = vector.broadcast %squeeze3A_109 : f32 to vector<16xf32>
        %sub3A_220 = arith.subf %sub3A_219, %sub3A_218 : vector<16xf32>
        %gt3A_221 = arith.constant 0.000000e+00 : f32
        %gt3A_222 = vector.broadcast %gt3A_221 : f32 to vector<16xf32>
        %gt3A_223 = arith.cmpf ogt, %sub3A_220, %gt3A_222 : vector<16xf32>
        %and3A_224 = arith.andi %and3A_129, %gt3A_223 : vector<16xi1>
        %min3A_225 = vector.broadcast %squeeze3A_109 : f32 to vector<16xf32>
        %min3A_226 = arith.minimumf %min3A_225, %add3A_217 : vector<16xf32>
        %min3A_227 = vector.broadcast %squeeze3A_109 : f32 to vector<16xf32>
        %min3A_228 = arith.minimumf %min3A_227, %sub3A_218 : vector<16xf32>
        %sub3A_229 = arith.subf %min3A_226, %min3A_228 : vector<16xf32>
        %jit3A_230 = arith.constant 0.000000e+00 : f32
        %broadcast_in_dim3A_231 = vector.broadcast %jit3A_230 : f32 to vector<16xf32>
        %select_n3A_232 = arith.select %and3A_224, %sub3A_229, %broadcast_in_dim3A_231 : vector<16xi1>, vector<16xf32>
        %mul3A_233 = arith.mulf %select_n3A_232, %get3A_122 : vector<16xf32>
        %jit3A_234 = arith.constant 0.000000e+00 : f32
        %broadcast_in_dim3A_235 = vector.broadcast %jit3A_234 : f32 to vector<16xf32>
        %select_n3A_236 = arith.select %and3A_224, %mul3A_233, %broadcast_in_dim3A_235 : vector<16xi1>, vector<16xf32>
        %sub3A_237 = arith.subf %get3A_125, %select_n3A_236 : vector<16xf32>
        %swap3A_238 = arith.constant 0 : index
        %swap3A_239 = tpu.vector_load %arg13[%swap3A_238] {strides = array<i32>} : memref<128xf32, #tpu.memory_space<vmem>>, vector<16xf32>,
        %swap3A_240 = vector.shape_cast %swap3A_239 : vector<16xf32> to vector<16xf32>
        %swap3A_241 = vector.shape_cast %sub3A_237 : vector<16xf32> to vector<16xf32>
        tpu.vector_store %arg13[%swap3A_238], %swap3A_241 {strides = array<i32>} : memref<128xf32, #tpu.memory_space<vmem>>, vector<16xf32>,
        %swap3A_242 = arith.constant 0 : index
        %swap3A_243 = tpu.vector_load %arg17[%swap3A_242] {strides = array<i32>} : memref<128xf32, #tpu.memory_space<vmem>>, vector<16xf32>,
        %swap3A_244 = vector.shape_cast %swap3A_243 : vector<16xf32> to vector<16xf32>
        %swap3A_245 = vector.shape_cast %select_n3A_232 : vector<16xf32> to vector<16xf32>
        tpu.vector_store %arg17[%swap3A_242], %swap3A_245 {strides = array<i32>} : memref<128xf32, #tpu.memory_space<vmem>>, vector<16xf32>,
        %sub3A_246 = arith.constant 1.000000e+00 : f32
        %sub3A_247 = vector.broadcast %sub3A_246 : f32 to vector<16xf32>
        %sub3A_248 = arith.subf %get3A_122, %sub3A_247 : vector<16xf32>
        %jit3A_249 = arith.constant 0.000000e+00 : f32
        %broadcast_in_dim3A_250 = vector.broadcast %jit3A_249 : f32 to vector<16xf32>
        %select_n3A_251 = arith.select %and3A_224, %sub3A_248, %broadcast_in_dim3A_250 : vector<16xi1>, vector<16xf32>
        %swap3A_252 = arith.constant 0 : index
        %swap3A_253 = tpu.vector_load %arg18[%swap3A_252] {strides = array<i32>} : memref<128xf32, #tpu.memory_space<vmem>>, vector<16xf32>,
        %swap3A_254 = vector.shape_cast %swap3A_253 : vector<16xf32> to vector<16xf32>
        %swap3A_255 = vector.shape_cast %select_n3A_251 : vector<16xf32> to vector<16xf32>
        tpu.vector_store %arg18[%swap3A_252], %swap3A_255 {strides = array<i32>} : memref<128xf32, #tpu.memory_space<vmem>>, vector<16xf32>,
        %slice3A_256 = vector.extract_strided_slice %add3A_217 {offsets = [15], sizes = [1], strides = [1]} : vector<16xf32> to vector<1xf32>
        %squeeze3A_257 = vector.extract %slice3A_256[0] : f32 from vector<1xf32>
        %sub3A_258 = arith.subf %squeeze3A_109, %squeeze3A_257 : f32
        %max3A_259 = arith.constant 0.000000e+00 : f32
        %max3A_260 = arith.maximumf %sub3A_258, %max3A_259 : f32
        %get3A_261 = arith.constant 16 : index
        %get3A_262 = tpu.vector_load %arg15[%get3A_261] {strides = array<i32>} : memref<128xf32, #tpu.memory_space<vmem>>, vector<16xf32>,
        %get3A_263 = vector.shape_cast %get3A_262 : vector<16xf32> to vector<16xf32>
        %gt3A_264 = arith.constant 5.000000e-01 : f32
        %gt3A_265 = vector.broadcast %gt3A_264 : f32 to vector<16xf32>
        %gt3A_266 = arith.cmpf ogt, %get3A_263, %gt3A_265 : vector<16xf32>
        %get3A_267 = arith.index_cast %add3A : i32 to index
        %get3A_268 = arith.constant 16 : index
        %get3A_269 = tpu.vector_load %arg11[%get3A_267, %get3A_268] {strides = array<i32>} : memref<128x128xf32, #tpu.memory_space<vmem>>, vector<1x16xf32>,
        %get3A_270 = vector.shape_cast %get3A_269 : vector<1x16xf32> to vector<16xf32>
        %get3A_271 = arith.index_cast %add3A : i32 to index
        %get3A_272 = arith.constant 16 : index
        %get3A_273 = tpu.vector_load %arg12[%get3A_271, %get3A_272] {strides = array<i32>} : memref<128x128xf32, #tpu.memory_space<vmem>>, vector<1x16xf32>,
        %get3A_274 = vector.shape_cast %get3A_273 : vector<1x16xf32> to vector<16xf32>
        %get3A_275 = arith.constant 16 : index
        %get3A_276 = tpu.vector_load %arg13[%get3A_275] {strides = array<i32>} : memref<128xf32, #tpu.memory_space<vmem>>, vector<16xf32>,
        %get3A_277 = vector.shape_cast %get3A_276 : vector<16xf32> to vector<16xf32>
        %gt3A_278 = arith.constant 0.000000e+00 : f32
        %gt3A_279 = vector.broadcast %gt3A_278 : f32 to vector<16xf32>
        %gt3A_280 = arith.cmpf ogt, %get3A_277, %gt3A_279 : vector<16xf32>
        %and3A_281 = arith.andi %gt3A_266, %gt3A_280 : vector<16xi1>
        %min3A_282 = arith.minimumf %get3A_277, %get3A_270 : vector<16xf32>
        %jit3A_283 = arith.constant 0.000000e+00 : f32
        %broadcast_in_dim3A_284 = vector.broadcast %jit3A_283 : f32 to vector<16xf32>
        %select_n3A_285 = arith.select %and3A_281, %min3A_282, %broadcast_in_dim3A_284 : vector<16xi1>, vector<16xf32>
        %sub3A_286 = arith.constant 1 : i32
        %sub3A_287 = vector.broadcast %sub3A_286 : i32 to vector<16xi32>
        %sub3A_288 = arith.subi %iota3A, %sub3A_287 : vector<16xi32>
        %max3A_289 = arith.constant 0 : i32
        %max3A_290 = vector.broadcast %max3A_289 : i32 to vector<16xi32>
        %max3A_291 = arith.maxsi %sub3A_288, %max3A_290 : vector<16xi32>
        %lt3A_292 = arith.constant 0 : i32
        %lt3A_293 = vector.broadcast %lt3A_292 : i32 to vector<16xi32>
        %lt3A_294 = arith.cmpi slt, %max3A_291, %lt3A_293 : vector<16xi32>
        %add3A_295 = arith.constant 16 : i32
        %add3A_296 = vector.broadcast %add3A_295 : i32 to vector<16xi32>
        %add3A_297 = arith.addi %max3A_291, %add3A_296 : vector<16xi32>
        %select_n3A_298 = arith.select %lt3A_294, %add3A_297, %max3A_291 : vector<16xi1>, vector<16xi32>
        %broadcast_in_dim3A_299 = vector.shape_cast %select_n3A_298 : vector<16xi32> to vector<16x1xi32>
        %gather3A_300 = vector.shape_cast %broadcast_in_dim3A_299 : vector<16x1xi32> to vector<16xi32>
        %gather3A_301 = tpu.dynamic_gather %select_n3A_285[%gather3A_300] in [0] : vector<16xf32>, vector<16xi32> -> vector<16xf32>
        %ge3A_302 = arith.constant 1 : i32
        %ge3A_303 = vector.broadcast %ge3A_302 : i32 to vector<16xi32>
        %ge3A_304 = arith.cmpi sge, %iota3A, %ge3A_303 : vector<16xi32>
        %jit3A_305 = arith.constant 0.000000e+00 : f32
        %broadcast_in_dim3A_306 = vector.broadcast %jit3A_305 : f32 to vector<16xf32>
        %select_n3A_307 = arith.select %ge3A_304, %gather3A_301, %broadcast_in_dim3A_306 : vector<16xi1>, vector<16xf32>
        %add3A_308 = arith.addf %select_n3A_285, %select_n3A_307 : vector<16xf32>
        %sub3A_309 = arith.constant 2 : i32
        %sub3A_310 = vector.broadcast %sub3A_309 : i32 to vector<16xi32>
        %sub3A_311 = arith.subi %iota3A, %sub3A_310 : vector<16xi32>
        %max3A_312 = arith.constant 0 : i32
        %max3A_313 = vector.broadcast %max3A_312 : i32 to vector<16xi32>
        %max3A_314 = arith.maxsi %sub3A_311, %max3A_313 : vector<16xi32>
        %lt3A_315 = arith.constant 0 : i32
        %lt3A_316 = vector.broadcast %lt3A_315 : i32 to vector<16xi32>
        %lt3A_317 = arith.cmpi slt, %max3A_314, %lt3A_316 : vector<16xi32>
        %add3A_318 = arith.constant 16 : i32
        %add3A_319 = vector.broadcast %add3A_318 : i32 to vector<16xi32>
        %add3A_320 = arith.addi %max3A_314, %add3A_319 : vector<16xi32>
        %select_n3A_321 = arith.select %lt3A_317, %add3A_320, %max3A_314 : vector<16xi1>, vector<16xi32>
        %broadcast_in_dim3A_322 = vector.shape_cast %select_n3A_321 : vector<16xi32> to vector<16x1xi32>
        %gather3A_323 = vector.shape_cast %broadcast_in_dim3A_322 : vector<16x1xi32> to vector<16xi32>
        %gather3A_324 = tpu.dynamic_gather %add3A_308[%gather3A_323] in [0] : vector<16xf32>, vector<16xi32> -> vector<16xf32>
        %ge3A_325 = arith.constant 2 : i32
        %ge3A_326 = vector.broadcast %ge3A_325 : i32 to vector<16xi32>
        %ge3A_327 = arith.cmpi sge, %iota3A, %ge3A_326 : vector<16xi32>
        %jit3A_328 = arith.constant 0.000000e+00 : f32
        %broadcast_in_dim3A_329 = vector.broadcast %jit3A_328 : f32 to vector<16xf32>
        %select_n3A_330 = arith.select %ge3A_327, %gather3A_324, %broadcast_in_dim3A_329 : vector<16xi1>, vector<16xf32>
        %add3A_331 = arith.addf %add3A_308, %select_n3A_330 : vector<16xf32>
        %sub3A_332 = arith.constant 4 : i32
        %sub3A_333 = vector.broadcast %sub3A_332 : i32 to vector<16xi32>
        %sub3A_334 = arith.subi %iota3A, %sub3A_333 : vector<16xi32>
        %max3A_335 = arith.constant 0 : i32
        %max3A_336 = vector.broadcast %max3A_335 : i32 to vector<16xi32>
        %max3A_337 = arith.maxsi %sub3A_334, %max3A_336 : vector<16xi32>
        %lt3A_338 = arith.constant 0 : i32
        %lt3A_339 = vector.broadcast %lt3A_338 : i32 to vector<16xi32>
        %lt3A_340 = arith.cmpi slt, %max3A_337, %lt3A_339 : vector<16xi32>
        %add3A_341 = arith.constant 16 : i32
        %add3A_342 = vector.broadcast %add3A_341 : i32 to vector<16xi32>
        %add3A_343 = arith.addi %max3A_337, %add3A_342 : vector<16xi32>
        %select_n3A_344 = arith.select %lt3A_340, %add3A_343, %max3A_337 : vector<16xi1>, vector<16xi32>
        %broadcast_in_dim3A_345 = vector.shape_cast %select_n3A_344 : vector<16xi32> to vector<16x1xi32>
        %gather3A_346 = vector.shape_cast %broadcast_in_dim3A_345 : vector<16x1xi32> to vector<16xi32>
        %gather3A_347 = tpu.dynamic_gather %add3A_331[%gather3A_346] in [0] : vector<16xf32>, vector<16xi32> -> vector<16xf32>
        %ge3A_348 = arith.constant 4 : i32
        %ge3A_349 = vector.broadcast %ge3A_348 : i32 to vector<16xi32>
        %ge3A_350 = arith.cmpi sge, %iota3A, %ge3A_349 : vector<16xi32>
        %jit3A_351 = arith.constant 0.000000e+00 : f32
        %broadcast_in_dim3A_352 = vector.broadcast %jit3A_351 : f32 to vector<16xf32>
        %select_n3A_353 = arith.select %ge3A_350, %gather3A_347, %broadcast_in_dim3A_352 : vector<16xi1>, vector<16xf32>
        %add3A_354 = arith.addf %add3A_331, %select_n3A_353 : vector<16xf32>
        %sub3A_355 = arith.constant 8 : i32
        %sub3A_356 = vector.broadcast %sub3A_355 : i32 to vector<16xi32>
        %sub3A_357 = arith.subi %iota3A, %sub3A_356 : vector<16xi32>
        %max3A_358 = arith.constant 0 : i32
        %max3A_359 = vector.broadcast %max3A_358 : i32 to vector<16xi32>
        %max3A_360 = arith.maxsi %sub3A_357, %max3A_359 : vector<16xi32>
        %lt3A_361 = arith.constant 0 : i32
        %lt3A_362 = vector.broadcast %lt3A_361 : i32 to vector<16xi32>
        %lt3A_363 = arith.cmpi slt, %max3A_360, %lt3A_362 : vector<16xi32>
        %add3A_364 = arith.constant 16 : i32
        %add3A_365 = vector.broadcast %add3A_364 : i32 to vector<16xi32>
        %add3A_366 = arith.addi %max3A_360, %add3A_365 : vector<16xi32>
        %select_n3A_367 = arith.select %lt3A_363, %add3A_366, %max3A_360 : vector<16xi1>, vector<16xi32>
        %broadcast_in_dim3A_368 = vector.shape_cast %select_n3A_367 : vector<16xi32> to vector<16x1xi32>
        %gather3A_369 = vector.shape_cast %broadcast_in_dim3A_368 : vector<16x1xi32> to vector<16xi32>
        %gather3A_370 = tpu.dynamic_gather %add3A_354[%gather3A_369] in [0] : vector<16xf32>, vector<16xi32> -> vector<16xf32>
        %ge3A_371 = arith.constant 8 : i32
        %ge3A_372 = vector.broadcast %ge3A_371 : i32 to vector<16xi32>
        %ge3A_373 = arith.cmpi sge, %iota3A, %ge3A_372 : vector<16xi32>
        %jit3A_374 = arith.constant 0.000000e+00 : f32
        %broadcast_in_dim3A_375 = vector.broadcast %jit3A_374 : f32 to vector<16xf32>
        %select_n3A_376 = arith.select %ge3A_373, %gather3A_370, %broadcast_in_dim3A_375 : vector<16xi1>, vector<16xf32>
        %add3A_377 = arith.addf %add3A_354, %select_n3A_376 : vector<16xf32>
        %sub3A_378 = arith.subf %add3A_377, %select_n3A_285 : vector<16xf32>
        %sub3A_379 = vector.broadcast %max3A_260 : f32 to vector<16xf32>
        %sub3A_380 = arith.subf %sub3A_379, %sub3A_378 : vector<16xf32>
        %gt3A_381 = arith.constant 0.000000e+00 : f32
        %gt3A_382 = vector.broadcast %gt3A_381 : f32 to vector<16xf32>
        %gt3A_383 = arith.cmpf ogt, %sub3A_380, %gt3A_382 : vector<16xf32>
        %and3A_384 = arith.andi %and3A_281, %gt3A_383 : vector<16xi1>
        %min3A_385 = vector.broadcast %max3A_260 : f32 to vector<16xf32>
        %min3A_386 = arith.minimumf %min3A_385, %add3A_377 : vector<16xf32>
        %min3A_387 = vector.broadcast %max3A_260 : f32 to vector<16xf32>
        %min3A_388 = arith.minimumf %min3A_387, %sub3A_378 : vector<16xf32>
        %sub3A_389 = arith.subf %min3A_386, %min3A_388 : vector<16xf32>
        %jit3A_390 = arith.constant 0.000000e+00 : f32
        %broadcast_in_dim3A_391 = vector.broadcast %jit3A_390 : f32 to vector<16xf32>
        %select_n3A_392 = arith.select %and3A_384, %sub3A_389, %broadcast_in_dim3A_391 : vector<16xi1>, vector<16xf32>
        %mul3A_393 = arith.mulf %select_n3A_392, %get3A_274 : vector<16xf32>
        %jit3A_394 = arith.constant 0.000000e+00 : f32
        %broadcast_in_dim3A_395 = vector.broadcast %jit3A_394 : f32 to vector<16xf32>
        %select_n3A_396 = arith.select %and3A_384, %mul3A_393, %broadcast_in_dim3A_395 : vector<16xi1>, vector<16xf32>
        %sub3A_397 = arith.subf %get3A_277, %select_n3A_396 : vector<16xf32>
        %swap3A_398 = arith.constant 16 : index
        %swap3A_399 = tpu.vector_load %arg13[%swap3A_398] {strides = array<i32>} : memref<128xf32, #tpu.memory_space<vmem>>, vector<16xf32>,
        %swap3A_400 = vector.shape_cast %swap3A_399 : vector<16xf32> to vector<16xf32>
        %swap3A_401 = vector.shape_cast %sub3A_397 : vector<16xf32> to vector<16xf32>
        tpu.vector_store %arg13[%swap3A_398], %swap3A_401 {strides = array<i32>} : memref<128xf32, #tpu.memory_space<vmem>>, vector<16xf32>,
        %swap3A_402 = arith.constant 16 : index
        %swap3A_403 = tpu.vector_load %arg17[%swap3A_402] {strides = array<i32>} : memref<128xf32, #tpu.memory_space<vmem>>, vector<16xf32>,
        %swap3A_404 = vector.shape_cast %swap3A_403 : vector<16xf32> to vector<16xf32>
        %swap3A_405 = vector.shape_cast %select_n3A_392 : vector<16xf32> to vector<16xf32>
        tpu.vector_store %arg17[%swap3A_402], %swap3A_405 {strides = array<i32>} : memref<128xf32, #tpu.memory_space<vmem>>, vector<16xf32>,
        %sub3A_406 = arith.constant 1.000000e+00 : f32
        %sub3A_407 = vector.broadcast %sub3A_406 : f32 to vector<16xf32>
        %sub3A_408 = arith.subf %get3A_274, %sub3A_407 : vector<16xf32>
        %jit3A_409 = arith.constant 0.000000e+00 : f32
        %broadcast_in_dim3A_410 = vector.broadcast %jit3A_409 : f32 to vector<16xf32>
        %select_n3A_411 = arith.select %and3A_384, %sub3A_408, %broadcast_in_dim3A_410 : vector<16xi1>, vector<16xf32>
        %swap3A_412 = arith.constant 16 : index
        %swap3A_413 = tpu.vector_load %arg18[%swap3A_412] {strides = array<i32>} : memref<128xf32, #tpu.memory_space<vmem>>, vector<16xf32>,
        %swap3A_414 = vector.shape_cast %swap3A_413 : vector<16xf32> to vector<16xf32>
        %swap3A_415 = vector.shape_cast %select_n3A_411 : vector<16xf32> to vector<16xf32>
        tpu.vector_store %arg18[%swap3A_412], %swap3A_415 {strides = array<i32>} : memref<128xf32, #tpu.memory_space<vmem>>, vector<16xf32>,
        %slice3A_416 = vector.extract_strided_slice %add3A_377 {offsets = [15], sizes = [1], strides = [1]} : vector<16xf32> to vector<1xf32>
        %squeeze3A_417 = vector.extract %slice3A_416[0] : f32 from vector<1xf32>
        %sub3A_418 = arith.subf %max3A_260, %squeeze3A_417 : f32
        %max3A_419 = arith.constant 0.000000e+00 : f32
        %max3A_420 = arith.maximumf %sub3A_418, %max3A_419 : f32
        %get3A_421 = arith.constant 32 : index
        %get3A_422 = tpu.vector_load %arg15[%get3A_421] {strides = array<i32>} : memref<128xf32, #tpu.memory_space<vmem>>, vector<16xf32>,
        %get3A_423 = vector.shape_cast %get3A_422 : vector<16xf32> to vector<16xf32>
        %gt3A_424 = arith.constant 5.000000e-01 : f32
        %gt3A_425 = vector.broadcast %gt3A_424 : f32 to vector<16xf32>
        %gt3A_426 = arith.cmpf ogt, %get3A_423, %gt3A_425 : vector<16xf32>
        %get3A_427 = arith.index_cast %add3A : i32 to index
        %get3A_428 = arith.constant 32 : index
        %get3A_429 = tpu.vector_load %arg11[%get3A_427, %get3A_428] {strides = array<i32>} : memref<128x128xf32, #tpu.memory_space<vmem>>, vector<1x16xf32>,
        %get3A_430 = vector.shape_cast %get3A_429 : vector<1x16xf32> to vector<16xf32>
        %get3A_431 = arith.index_cast %add3A : i32 to index
        %get3A_432 = arith.constant 32 : index
        %get3A_433 = tpu.vector_load %arg12[%get3A_431, %get3A_432] {strides = array<i32>} : memref<128x128xf32, #tpu.memory_space<vmem>>, vector<1x16xf32>,
        %get3A_434 = vector.shape_cast %get3A_433 : vector<1x16xf32> to vector<16xf32>
        %get3A_435 = arith.constant 32 : index
        %get3A_436 = tpu.vector_load %arg13[%get3A_435] {strides = array<i32>} : memref<128xf32, #tpu.memory_space<vmem>>, vector<16xf32>,
        %get3A_437 = vector.shape_cast %get3A_436 : vector<16xf32> to vector<16xf32>
        %gt3A_438 = arith.constant 0.000000e+00 : f32
        %gt3A_439 = vector.broadcast %gt3A_438 : f32 to vector<16xf32>
        %gt3A_440 = arith.cmpf ogt, %get3A_437, %gt3A_439 : vector<16xf32>
        %and3A_441 = arith.andi %gt3A_426, %gt3A_440 : vector<16xi1>
        %min3A_442 = arith.minimumf %get3A_437, %get3A_430 : vector<16xf32>
        %jit3A_443 = arith.constant 0.000000e+00 : f32
        %broadcast_in_dim3A_444 = vector.broadcast %jit3A_443 : f32 to vector<16xf32>
        %select_n3A_445 = arith.select %and3A_441, %min3A_442, %broadcast_in_dim3A_444 : vector<16xi1>, vector<16xf32>
        %sub3A_446 = arith.constant 1 : i32
        %sub3A_447 = vector.broadcast %sub3A_446 : i32 to vector<16xi32>
        %sub3A_448 = arith.subi %iota3A, %sub3A_447 : vector<16xi32>
        %max3A_449 = arith.constant 0 : i32
        %max3A_450 = vector.broadcast %max3A_449 : i32 to vector<16xi32>
        %max3A_451 = arith.maxsi %sub3A_448, %max3A_450 : vector<16xi32>
        %lt3A_452 = arith.constant 0 : i32
        %lt3A_453 = vector.broadcast %lt3A_452 : i32 to vector<16xi32>
        %lt3A_454 = arith.cmpi slt, %max3A_451, %lt3A_453 : vector<16xi32>
        %add3A_455 = arith.constant 16 : i32
        %add3A_456 = vector.broadcast %add3A_455 : i32 to vector<16xi32>
        %add3A_457 = arith.addi %max3A_451, %add3A_456 : vector<16xi32>
        %select_n3A_458 = arith.select %lt3A_454, %add3A_457, %max3A_451 : vector<16xi1>, vector<16xi32>
        %broadcast_in_dim3A_459 = vector.shape_cast %select_n3A_458 : vector<16xi32> to vector<16x1xi32>
        %gather3A_460 = vector.shape_cast %broadcast_in_dim3A_459 : vector<16x1xi32> to vector<16xi32>
        %gather3A_461 = tpu.dynamic_gather %select_n3A_445[%gather3A_460] in [0] : vector<16xf32>, vector<16xi32> -> vector<16xf32>
        %ge3A_462 = arith.constant 1 : i32
        %ge3A_463 = vector.broadcast %ge3A_462 : i32 to vector<16xi32>
        %ge3A_464 = arith.cmpi sge, %iota3A, %ge3A_463 : vector<16xi32>
        %jit3A_465 = arith.constant 0.000000e+00 : f32
        %broadcast_in_dim3A_466 = vector.broadcast %jit3A_465 : f32 to vector<16xf32>
        %select_n3A_467 = arith.select %ge3A_464, %gather3A_461, %broadcast_in_dim3A_466 : vector<16xi1>, vector<16xf32>
        %add3A_468 = arith.addf %select_n3A_445, %select_n3A_467 : vector<16xf32>
        %sub3A_469 = arith.constant 2 : i32
        %sub3A_470 = vector.broadcast %sub3A_469 : i32 to vector<16xi32>
        %sub3A_471 = arith.subi %iota3A, %sub3A_470 : vector<16xi32>
        %max3A_472 = arith.constant 0 : i32
        %max3A_473 = vector.broadcast %max3A_472 : i32 to vector<16xi32>
        %max3A_474 = arith.maxsi %sub3A_471, %max3A_473 : vector<16xi32>
        %lt3A_475 = arith.constant 0 : i32
        %lt3A_476 = vector.broadcast %lt3A_475 : i32 to vector<16xi32>
        %lt3A_477 = arith.cmpi slt, %max3A_474, %lt3A_476 : vector<16xi32>
        %add3A_478 = arith.constant 16 : i32
        %add3A_479 = vector.broadcast %add3A_478 : i32 to vector<16xi32>
        %add3A_480 = arith.addi %max3A_474, %add3A_479 : vector<16xi32>
        %select_n3A_481 = arith.select %lt3A_477, %add3A_480, %max3A_474 : vector<16xi1>, vector<16xi32>
        %broadcast_in_dim3A_482 = vector.shape_cast %select_n3A_481 : vector<16xi32> to vector<16x1xi32>
        %gather3A_483 = vector.shape_cast %broadcast_in_dim3A_482 : vector<16x1xi32> to vector<16xi32>
        %gather3A_484 = tpu.dynamic_gather %add3A_468[%gather3A_483] in [0] : vector<16xf32>, vector<16xi32> -> vector<16xf32>
        %ge3A_485 = arith.constant 2 : i32
        %ge3A_486 = vector.broadcast %ge3A_485 : i32 to vector<16xi32>
        %ge3A_487 = arith.cmpi sge, %iota3A, %ge3A_486 : vector<16xi32>
        %jit3A_488 = arith.constant 0.000000e+00 : f32
        %broadcast_in_dim3A_489 = vector.broadcast %jit3A_488 : f32 to vector<16xf32>
        %select_n3A_490 = arith.select %ge3A_487, %gather3A_484, %broadcast_in_dim3A_489 : vector<16xi1>, vector<16xf32>
        %add3A_491 = arith.addf %add3A_468, %select_n3A_490 : vector<16xf32>
        %sub3A_492 = arith.constant 4 : i32
        %sub3A_493 = vector.broadcast %sub3A_492 : i32 to vector<16xi32>
        %sub3A_494 = arith.subi %iota3A, %sub3A_493 : vector<16xi32>
        %max3A_495 = arith.constant 0 : i32
        %max3A_496 = vector.broadcast %max3A_495 : i32 to vector<16xi32>
        %max3A_497 = arith.maxsi %sub3A_494, %max3A_496 : vector<16xi32>
        %lt3A_498 = arith.constant 0 : i32
        %lt3A_499 = vector.broadcast %lt3A_498 : i32 to vector<16xi32>
        %lt3A_500 = arith.cmpi slt, %max3A_497, %lt3A_499 : vector<16xi32>
        %add3A_501 = arith.constant 16 : i32
        %add3A_502 = vector.broadcast %add3A_501 : i32 to vector<16xi32>
        %add3A_503 = arith.addi %max3A_497, %add3A_502 : vector<16xi32>
        %select_n3A_504 = arith.select %lt3A_500, %add3A_503, %max3A_497 : vector<16xi1>, vector<16xi32>
        %broadcast_in_dim3A_505 = vector.shape_cast %select_n3A_504 : vector<16xi32> to vector<16x1xi32>
        %gather3A_506 = vector.shape_cast %broadcast_in_dim3A_505 : vector<16x1xi32> to vector<16xi32>
        %gather3A_507 = tpu.dynamic_gather %add3A_491[%gather3A_506] in [0] : vector<16xf32>, vector<16xi32> -> vector<16xf32>
        %ge3A_508 = arith.constant 4 : i32
        %ge3A_509 = vector.broadcast %ge3A_508 : i32 to vector<16xi32>
        %ge3A_510 = arith.cmpi sge, %iota3A, %ge3A_509 : vector<16xi32>
        %jit3A_511 = arith.constant 0.000000e+00 : f32
        %broadcast_in_dim3A_512 = vector.broadcast %jit3A_511 : f32 to vector<16xf32>
        %select_n3A_513 = arith.select %ge3A_510, %gather3A_507, %broadcast_in_dim3A_512 : vector<16xi1>, vector<16xf32>
        %add3A_514 = arith.addf %add3A_491, %select_n3A_513 : vector<16xf32>
        %sub3A_515 = arith.constant 8 : i32
        %sub3A_516 = vector.broadcast %sub3A_515 : i32 to vector<16xi32>
        %sub3A_517 = arith.subi %iota3A, %sub3A_516 : vector<16xi32>
        %max3A_518 = arith.constant 0 : i32
        %max3A_519 = vector.broadcast %max3A_518 : i32 to vector<16xi32>
        %max3A_520 = arith.maxsi %sub3A_517, %max3A_519 : vector<16xi32>
        %lt3A_521 = arith.constant 0 : i32
        %lt3A_522 = vector.broadcast %lt3A_521 : i32 to vector<16xi32>
        %lt3A_523 = arith.cmpi slt, %max3A_520, %lt3A_522 : vector<16xi32>
        %add3A_524 = arith.constant 16 : i32
        %add3A_525 = vector.broadcast %add3A_524 : i32 to vector<16xi32>
        %add3A_526 = arith.addi %max3A_520, %add3A_525 : vector<16xi32>
        %select_n3A_527 = arith.select %lt3A_523, %add3A_526, %max3A_520 : vector<16xi1>, vector<16xi32>
        %broadcast_in_dim3A_528 = vector.shape_cast %select_n3A_527 : vector<16xi32> to vector<16x1xi32>
        %gather3A_529 = vector.shape_cast %broadcast_in_dim3A_528 : vector<16x1xi32> to vector<16xi32>
        %gather3A_530 = tpu.dynamic_gather %add3A_514[%gather3A_529] in [0] : vector<16xf32>, vector<16xi32> -> vector<16xf32>
        %ge3A_531 = arith.constant 8 : i32
        %ge3A_532 = vector.broadcast %ge3A_531 : i32 to vector<16xi32>
        %ge3A_533 = arith.cmpi sge, %iota3A, %ge3A_532 : vector<16xi32>
        %jit3A_534 = arith.constant 0.000000e+00 : f32
        %broadcast_in_dim3A_535 = vector.broadcast %jit3A_534 : f32 to vector<16xf32>
        %select_n3A_536 = arith.select %ge3A_533, %gather3A_530, %broadcast_in_dim3A_535 : vector<16xi1>, vector<16xf32>
        %add3A_537 = arith.addf %add3A_514, %select_n3A_536 : vector<16xf32>
        %sub3A_538 = arith.subf %add3A_537, %select_n3A_445 : vector<16xf32>
        %sub3A_539 = vector.broadcast %max3A_420 : f32 to vector<16xf32>
        %sub3A_540 = arith.subf %sub3A_539, %sub3A_538 : vector<16xf32>
        %gt3A_541 = arith.constant 0.000000e+00 : f32
        %gt3A_542 = vector.broadcast %gt3A_541 : f32 to vector<16xf32>
        %gt3A_543 = arith.cmpf ogt, %sub3A_540, %gt3A_542 : vector<16xf32>
        %and3A_544 = arith.andi %and3A_441, %gt3A_543 : vector<16xi1>
        %min3A_545 = vector.broadcast %max3A_420 : f32 to vector<16xf32>
        %min3A_546 = arith.minimumf %min3A_545, %add3A_537 : vector<16xf32>
        %min3A_547 = vector.broadcast %max3A_420 : f32 to vector<16xf32>
        %min3A_548 = arith.minimumf %min3A_547, %sub3A_538 : vector<16xf32>
        %sub3A_549 = arith.subf %min3A_546, %min3A_548 : vector<16xf32>
        %jit3A_550 = arith.constant 0.000000e+00 : f32
        %broadcast_in_dim3A_551 = vector.broadcast %jit3A_550 : f32 to vector<16xf32>
        %select_n3A_552 = arith.select %and3A_544, %sub3A_549, %broadcast_in_dim3A_551 : vector<16xi1>, vector<16xf32>
        %mul3A_553 = arith.mulf %select_n3A_552, %get3A_434 : vector<16xf32>
        %jit3A_554 = arith.constant 0.000000e+00 : f32
        %broadcast_in_dim3A_555 = vector.broadcast %jit3A_554 : f32 to vector<16xf32>
        %select_n3A_556 = arith.select %and3A_544, %mul3A_553, %broadcast_in_dim3A_555 : vector<16xi1>, vector<16xf32>
        %sub3A_557 = arith.subf %get3A_437, %select_n3A_556 : vector<16xf32>
        %swap3A_558 = arith.constant 32 : index
        %swap3A_559 = tpu.vector_load %arg13[%swap3A_558] {strides = array<i32>} : memref<128xf32, #tpu.memory_space<vmem>>, vector<16xf32>,
        %swap3A_560 = vector.shape_cast %swap3A_559 : vector<16xf32> to vector<16xf32>
        %swap3A_561 = vector.shape_cast %sub3A_557 : vector<16xf32> to vector<16xf32>
        tpu.vector_store %arg13[%swap3A_558], %swap3A_561 {strides = array<i32>} : memref<128xf32, #tpu.memory_space<vmem>>, vector<16xf32>,
        %swap3A_562 = arith.constant 32 : index
        %swap3A_563 = tpu.vector_load %arg17[%swap3A_562] {strides = array<i32>} : memref<128xf32, #tpu.memory_space<vmem>>, vector<16xf32>,
        %swap3A_564 = vector.shape_cast %swap3A_563 : vector<16xf32> to vector<16xf32>
        %swap3A_565 = vector.shape_cast %select_n3A_552 : vector<16xf32> to vector<16xf32>
        tpu.vector_store %arg17[%swap3A_562], %swap3A_565 {strides = array<i32>} : memref<128xf32, #tpu.memory_space<vmem>>, vector<16xf32>,
        %sub3A_566 = arith.constant 1.000000e+00 : f32
        %sub3A_567 = vector.broadcast %sub3A_566 : f32 to vector<16xf32>
        %sub3A_568 = arith.subf %get3A_434, %sub3A_567 : vector<16xf32>
        %jit3A_569 = arith.constant 0.000000e+00 : f32
        %broadcast_in_dim3A_570 = vector.broadcast %jit3A_569 : f32 to vector<16xf32>
        %select_n3A_571 = arith.select %and3A_544, %sub3A_568, %broadcast_in_dim3A_570 : vector<16xi1>, vector<16xf32>
        %swap3A_572 = arith.constant 32 : index
        %swap3A_573 = tpu.vector_load %arg18[%swap3A_572] {strides = array<i32>} : memref<128xf32, #tpu.memory_space<vmem>>, vector<16xf32>,
        %swap3A_574 = vector.shape_cast %swap3A_573 : vector<16xf32> to vector<16xf32>
        %swap3A_575 = vector.shape_cast %select_n3A_571 : vector<16xf32> to vector<16xf32>
        tpu.vector_store %arg18[%swap3A_572], %swap3A_575 {strides = array<i32>} : memref<128xf32, #tpu.memory_space<vmem>>, vector<16xf32>,
        %slice3A_576 = vector.extract_strided_slice %add3A_537 {offsets = [15], sizes = [1], strides = [1]} : vector<16xf32> to vector<1xf32>
        %squeeze3A_577 = vector.extract %slice3A_576[0] : f32 from vector<1xf32>
        %sub3A_578 = arith.subf %max3A_420, %squeeze3A_577 : f32
        %max3A_579 = arith.constant 0.000000e+00 : f32
        %max3A_580 = arith.maximumf %sub3A_578, %max3A_579 : f32
        %get3A_581 = arith.constant 48 : index
        %get3A_582 = tpu.vector_load %arg15[%get3A_581] {strides = array<i32>} : memref<128xf32, #tpu.memory_space<vmem>>, vector<16xf32>,
        %get3A_583 = vector.shape_cast %get3A_582 : vector<16xf32> to vector<16xf32>
        %gt3A_584 = arith.constant 5.000000e-01 : f32
        %gt3A_585 = vector.broadcast %gt3A_584 : f32 to vector<16xf32>
        %gt3A_586 = arith.cmpf ogt, %get3A_583, %gt3A_585 : vector<16xf32>
        %get3A_587 = arith.index_cast %add3A : i32 to index
        %get3A_588 = arith.constant 48 : index
        %get3A_589 = tpu.vector_load %arg11[%get3A_587, %get3A_588] {strides = array<i32>} : memref<128x128xf32, #tpu.memory_space<vmem>>, vector<1x16xf32>,
        %get3A_590 = vector.shape_cast %get3A_589 : vector<1x16xf32> to vector<16xf32>
        %get3A_591 = arith.index_cast %add3A : i32 to index
        %get3A_592 = arith.constant 48 : index
        %get3A_593 = tpu.vector_load %arg12[%get3A_591, %get3A_592] {strides = array<i32>} : memref<128x128xf32, #tpu.memory_space<vmem>>, vector<1x16xf32>,
        %get3A_594 = vector.shape_cast %get3A_593 : vector<1x16xf32> to vector<16xf32>
        %get3A_595 = arith.constant 48 : index
        %get3A_596 = tpu.vector_load %arg13[%get3A_595] {strides = array<i32>} : memref<128xf32, #tpu.memory_space<vmem>>, vector<16xf32>,
        %get3A_597 = vector.shape_cast %get3A_596 : vector<16xf32> to vector<16xf32>
        %gt3A_598 = arith.constant 0.000000e+00 : f32
        %gt3A_599 = vector.broadcast %gt3A_598 : f32 to vector<16xf32>
        %gt3A_600 = arith.cmpf ogt, %get3A_597, %gt3A_599 : vector<16xf32>
        %and3A_601 = arith.andi %gt3A_586, %gt3A_600 : vector<16xi1>
        %min3A_602 = arith.minimumf %get3A_597, %get3A_590 : vector<16xf32>
        %jit3A_603 = arith.constant 0.000000e+00 : f32
        %broadcast_in_dim3A_604 = vector.broadcast %jit3A_603 : f32 to vector<16xf32>
        %select_n3A_605 = arith.select %and3A_601, %min3A_602, %broadcast_in_dim3A_604 : vector<16xi1>, vector<16xf32>
        %sub3A_606 = arith.constant 1 : i32
        %sub3A_607 = vector.broadcast %sub3A_606 : i32 to vector<16xi32>
        %sub3A_608 = arith.subi %iota3A, %sub3A_607 : vector<16xi32>
        %max3A_609 = arith.constant 0 : i32
        %max3A_610 = vector.broadcast %max3A_609 : i32 to vector<16xi32>
        %max3A_611 = arith.maxsi %sub3A_608, %max3A_610 : vector<16xi32>
        %lt3A_612 = arith.constant 0 : i32
        %lt3A_613 = vector.broadcast %lt3A_612 : i32 to vector<16xi32>
        %lt3A_614 = arith.cmpi slt, %max3A_611, %lt3A_613 : vector<16xi32>
        %add3A_615 = arith.constant 16 : i32
        %add3A_616 = vector.broadcast %add3A_615 : i32 to vector<16xi32>
        %add3A_617 = arith.addi %max3A_611, %add3A_616 : vector<16xi32>
        %select_n3A_618 = arith.select %lt3A_614, %add3A_617, %max3A_611 : vector<16xi1>, vector<16xi32>
        %broadcast_in_dim3A_619 = vector.shape_cast %select_n3A_618 : vector<16xi32> to vector<16x1xi32>
        %gather3A_620 = vector.shape_cast %broadcast_in_dim3A_619 : vector<16x1xi32> to vector<16xi32>
        %gather3A_621 = tpu.dynamic_gather %select_n3A_605[%gather3A_620] in [0] : vector<16xf32>, vector<16xi32> -> vector<16xf32>
        %ge3A_622 = arith.constant 1 : i32
        %ge3A_623 = vector.broadcast %ge3A_622 : i32 to vector<16xi32>
        %ge3A_624 = arith.cmpi sge, %iota3A, %ge3A_623 : vector<16xi32>
        %jit3A_625 = arith.constant 0.000000e+00 : f32
        %broadcast_in_dim3A_626 = vector.broadcast %jit3A_625 : f32 to vector<16xf32>
        %select_n3A_627 = arith.select %ge3A_624, %gather3A_621, %broadcast_in_dim3A_626 : vector<16xi1>, vector<16xf32>
        %add3A_628 = arith.addf %select_n3A_605, %select_n3A_627 : vector<16xf32>
        %sub3A_629 = arith.constant 2 : i32
        %sub3A_630 = vector.broadcast %sub3A_629 : i32 to vector<16xi32>
        %sub3A_631 = arith.subi %iota3A, %sub3A_630 : vector<16xi32>
        %max3A_632 = arith.constant 0 : i32
        %max3A_633 = vector.broadcast %max3A_632 : i32 to vector<16xi32>
        %max3A_634 = arith.maxsi %sub3A_631, %max3A_633 : vector<16xi32>
        %lt3A_635 = arith.constant 0 : i32
        %lt3A_636 = vector.broadcast %lt3A_635 : i32 to vector<16xi32>
        %lt3A_637 = arith.cmpi slt, %max3A_634, %lt3A_636 : vector<16xi32>
        %add3A_638 = arith.constant 16 : i32
        %add3A_639 = vector.broadcast %add3A_638 : i32 to vector<16xi32>
        %add3A_640 = arith.addi %max3A_634, %add3A_639 : vector<16xi32>
        %select_n3A_641 = arith.select %lt3A_637, %add3A_640, %max3A_634 : vector<16xi1>, vector<16xi32>
        %broadcast_in_dim3A_642 = vector.shape_cast %select_n3A_641 : vector<16xi32> to vector<16x1xi32>
        %gather3A_643 = vector.shape_cast %broadcast_in_dim3A_642 : vector<16x1xi32> to vector<16xi32>
        %gather3A_644 = tpu.dynamic_gather %add3A_628[%gather3A_643] in [0] : vector<16xf32>, vector<16xi32> -> vector<16xf32>
        %ge3A_645 = arith.constant 2 : i32
        %ge3A_646 = vector.broadcast %ge3A_645 : i32 to vector<16xi32>
        %ge3A_647 = arith.cmpi sge, %iota3A, %ge3A_646 : vector<16xi32>
        %jit3A_648 = arith.constant 0.000000e+00 : f32
        %broadcast_in_dim3A_649 = vector.broadcast %jit3A_648 : f32 to vector<16xf32>
        %select_n3A_650 = arith.select %ge3A_647, %gather3A_644, %broadcast_in_dim3A_649 : vector<16xi1>, vector<16xf32>
        %add3A_651 = arith.addf %add3A_628, %select_n3A_650 : vector<16xf32>
        %sub3A_652 = arith.constant 4 : i32
        %sub3A_653 = vector.broadcast %sub3A_652 : i32 to vector<16xi32>
        %sub3A_654 = arith.subi %iota3A, %sub3A_653 : vector<16xi32>
        %max3A_655 = arith.constant 0 : i32
        %max3A_656 = vector.broadcast %max3A_655 : i32 to vector<16xi32>
        %max3A_657 = arith.maxsi %sub3A_654, %max3A_656 : vector<16xi32>
        %lt3A_658 = arith.constant 0 : i32
        %lt3A_659 = vector.broadcast %lt3A_658 : i32 to vector<16xi32>
        %lt3A_660 = arith.cmpi slt, %max3A_657, %lt3A_659 : vector<16xi32>
        %add3A_661 = arith.constant 16 : i32
        %add3A_662 = vector.broadcast %add3A_661 : i32 to vector<16xi32>
        %add3A_663 = arith.addi %max3A_657, %add3A_662 : vector<16xi32>
        %select_n3A_664 = arith.select %lt3A_660, %add3A_663, %max3A_657 : vector<16xi1>, vector<16xi32>
        %broadcast_in_dim3A_665 = vector.shape_cast %select_n3A_664 : vector<16xi32> to vector<16x1xi32>
        %gather3A_666 = vector.shape_cast %broadcast_in_dim3A_665 : vector<16x1xi32> to vector<16xi32>
        %gather3A_667 = tpu.dynamic_gather %add3A_651[%gather3A_666] in [0] : vector<16xf32>, vector<16xi32> -> vector<16xf32>
        %ge3A_668 = arith.constant 4 : i32
        %ge3A_669 = vector.broadcast %ge3A_668 : i32 to vector<16xi32>
        %ge3A_670 = arith.cmpi sge, %iota3A, %ge3A_669 : vector<16xi32>
        %jit3A_671 = arith.constant 0.000000e+00 : f32
        %broadcast_in_dim3A_672 = vector.broadcast %jit3A_671 : f32 to vector<16xf32>
        %select_n3A_673 = arith.select %ge3A_670, %gather3A_667, %broadcast_in_dim3A_672 : vector<16xi1>, vector<16xf32>
        %add3A_674 = arith.addf %add3A_651, %select_n3A_673 : vector<16xf32>
        %sub3A_675 = arith.constant 8 : i32
        %sub3A_676 = vector.broadcast %sub3A_675 : i32 to vector<16xi32>
        %sub3A_677 = arith.subi %iota3A, %sub3A_676 : vector<16xi32>
        %max3A_678 = arith.constant 0 : i32
        %max3A_679 = vector.broadcast %max3A_678 : i32 to vector<16xi32>
        %max3A_680 = arith.maxsi %sub3A_677, %max3A_679 : vector<16xi32>
        %lt3A_681 = arith.constant 0 : i32
        %lt3A_682 = vector.broadcast %lt3A_681 : i32 to vector<16xi32>
        %lt3A_683 = arith.cmpi slt, %max3A_680, %lt3A_682 : vector<16xi32>
        %add3A_684 = arith.constant 16 : i32
        %add3A_685 = vector.broadcast %add3A_684 : i32 to vector<16xi32>
        %add3A_686 = arith.addi %max3A_680, %add3A_685 : vector<16xi32>
        %select_n3A_687 = arith.select %lt3A_683, %add3A_686, %max3A_680 : vector<16xi1>, vector<16xi32>
        %broadcast_in_dim3A_688 = vector.shape_cast %select_n3A_687 : vector<16xi32> to vector<16x1xi32>
        %gather3A_689 = vector.shape_cast %broadcast_in_dim3A_688 : vector<16x1xi32> to vector<16xi32>
        %gather3A_690 = tpu.dynamic_gather %add3A_674[%gather3A_689] in [0] : vector<16xf32>, vector<16xi32> -> vector<16xf32>
        %ge3A_691 = arith.constant 8 : i32
        %ge3A_692 = vector.broadcast %ge3A_691 : i32 to vector<16xi32>
        %ge3A_693 = arith.cmpi sge, %iota3A, %ge3A_692 : vector<16xi32>
        %jit3A_694 = arith.constant 0.000000e+00 : f32
        %broadcast_in_dim3A_695 = vector.broadcast %jit3A_694 : f32 to vector<16xf32>
        %select_n3A_696 = arith.select %ge3A_693, %gather3A_690, %broadcast_in_dim3A_695 : vector<16xi1>, vector<16xf32>
        %add3A_697 = arith.addf %add3A_674, %select_n3A_696 : vector<16xf32>
        %sub3A_698 = arith.subf %add3A_697, %select_n3A_605 : vector<16xf32>
        %sub3A_699 = vector.broadcast %max3A_580 : f32 to vector<16xf32>
        %sub3A_700 = arith.subf %sub3A_699, %sub3A_698 : vector<16xf32>
        %gt3A_701 = arith.constant 0.000000e+00 : f32
        %gt3A_702 = vector.broadcast %gt3A_701 : f32 to vector<16xf32>
        %gt3A_703 = arith.cmpf ogt, %sub3A_700, %gt3A_702 : vector<16xf32>
        %and3A_704 = arith.andi %and3A_601, %gt3A_703 : vector<16xi1>
        %min3A_705 = vector.broadcast %max3A_580 : f32 to vector<16xf32>
        %min3A_706 = arith.minimumf %min3A_705, %add3A_697 : vector<16xf32>
        %min3A_707 = vector.broadcast %max3A_580 : f32 to vector<16xf32>
        %min3A_708 = arith.minimumf %min3A_707, %sub3A_698 : vector<16xf32>
        %sub3A_709 = arith.subf %min3A_706, %min3A_708 : vector<16xf32>
        %jit3A_710 = arith.constant 0.000000e+00 : f32
        %broadcast_in_dim3A_711 = vector.broadcast %jit3A_710 : f32 to vector<16xf32>
        %select_n3A_712 = arith.select %and3A_704, %sub3A_709, %broadcast_in_dim3A_711 : vector<16xi1>, vector<16xf32>
        %mul3A_713 = arith.mulf %select_n3A_712, %get3A_594 : vector<16xf32>
        %jit3A_714 = arith.constant 0.000000e+00 : f32
        %broadcast_in_dim3A_715 = vector.broadcast %jit3A_714 : f32 to vector<16xf32>
        %select_n3A_716 = arith.select %and3A_704, %mul3A_713, %broadcast_in_dim3A_715 : vector<16xi1>, vector<16xf32>
        %sub3A_717 = arith.subf %get3A_597, %select_n3A_716 : vector<16xf32>
        %swap3A_718 = arith.constant 48 : index
        %swap3A_719 = tpu.vector_load %arg13[%swap3A_718] {strides = array<i32>} : memref<128xf32, #tpu.memory_space<vmem>>, vector<16xf32>,
        %swap3A_720 = vector.shape_cast %swap3A_719 : vector<16xf32> to vector<16xf32>
        %swap3A_721 = vector.shape_cast %sub3A_717 : vector<16xf32> to vector<16xf32>
        tpu.vector_store %arg13[%swap3A_718], %swap3A_721 {strides = array<i32>} : memref<128xf32, #tpu.memory_space<vmem>>, vector<16xf32>,
        %swap3A_722 = arith.constant 48 : index
        %swap3A_723 = tpu.vector_load %arg17[%swap3A_722] {strides = array<i32>} : memref<128xf32, #tpu.memory_space<vmem>>, vector<16xf32>,
        %swap3A_724 = vector.shape_cast %swap3A_723 : vector<16xf32> to vector<16xf32>
        %swap3A_725 = vector.shape_cast %select_n3A_712 : vector<16xf32> to vector<16xf32>
        tpu.vector_store %arg17[%swap3A_722], %swap3A_725 {strides = array<i32>} : memref<128xf32, #tpu.memory_space<vmem>>, vector<16xf32>,
        %sub3A_726 = arith.constant 1.000000e+00 : f32
        %sub3A_727 = vector.broadcast %sub3A_726 : f32 to vector<16xf32>
        %sub3A_728 = arith.subf %get3A_594, %sub3A_727 : vector<16xf32>
        %jit3A_729 = arith.constant 0.000000e+00 : f32
        %broadcast_in_dim3A_730 = vector.broadcast %jit3A_729 : f32 to vector<16xf32>
        %select_n3A_731 = arith.select %and3A_704, %sub3A_728, %broadcast_in_dim3A_730 : vector<16xi1>, vector<16xf32>
        %swap3A_732 = arith.constant 48 : index
        %swap3A_733 = tpu.vector_load %arg18[%swap3A_732] {strides = array<i32>} : memref<128xf32, #tpu.memory_space<vmem>>, vector<16xf32>,
        %swap3A_734 = vector.shape_cast %swap3A_733 : vector<16xf32> to vector<16xf32>
        %swap3A_735 = vector.shape_cast %select_n3A_731 : vector<16xf32> to vector<16xf32>
        tpu.vector_store %arg18[%swap3A_732], %swap3A_735 {strides = array<i32>} : memref<128xf32, #tpu.memory_space<vmem>>, vector<16xf32>,
        %slice3A_736 = vector.extract_strided_slice %add3A_697 {offsets = [15], sizes = [1], strides = [1]} : vector<16xf32> to vector<1xf32>
        %squeeze3A_737 = vector.extract %slice3A_736[0] : f32 from vector<1xf32>
        %sub3A_738 = arith.subf %max3A_580, %squeeze3A_737 : f32
        %max3A_739 = arith.constant 0.000000e+00 : f32
        %max3A_740 = arith.maximumf %sub3A_738, %max3A_739 : f32
        %get3A_741 = arith.constant 64 : index
        %get3A_742 = tpu.vector_load %arg15[%get3A_741] {strides = array<i32>} : memref<128xf32, #tpu.memory_space<vmem>>, vector<16xf32>,
        %get3A_743 = vector.shape_cast %get3A_742 : vector<16xf32> to vector<16xf32>
        %gt3A_744 = arith.constant 5.000000e-01 : f32
        %gt3A_745 = vector.broadcast %gt3A_744 : f32 to vector<16xf32>
        %gt3A_746 = arith.cmpf ogt, %get3A_743, %gt3A_745 : vector<16xf32>
        %get3A_747 = arith.index_cast %add3A : i32 to index
        %get3A_748 = arith.constant 64 : index
        %get3A_749 = tpu.vector_load %arg11[%get3A_747, %get3A_748] {strides = array<i32>} : memref<128x128xf32, #tpu.memory_space<vmem>>, vector<1x16xf32>,
        %get3A_750 = vector.shape_cast %get3A_749 : vector<1x16xf32> to vector<16xf32>
        %get3A_751 = arith.index_cast %add3A : i32 to index
        %get3A_752 = arith.constant 64 : index
        %get3A_753 = tpu.vector_load %arg12[%get3A_751, %get3A_752] {strides = array<i32>} : memref<128x128xf32, #tpu.memory_space<vmem>>, vector<1x16xf32>,
        %get3A_754 = vector.shape_cast %get3A_753 : vector<1x16xf32> to vector<16xf32>
        %get3A_755 = arith.constant 64 : index
        %get3A_756 = tpu.vector_load %arg13[%get3A_755] {strides = array<i32>} : memref<128xf32, #tpu.memory_space<vmem>>, vector<16xf32>,
        %get3A_757 = vector.shape_cast %get3A_756 : vector<16xf32> to vector<16xf32>
        %gt3A_758 = arith.constant 0.000000e+00 : f32
        %gt3A_759 = vector.broadcast %gt3A_758 : f32 to vector<16xf32>
        %gt3A_760 = arith.cmpf ogt, %get3A_757, %gt3A_759 : vector<16xf32>
        %and3A_761 = arith.andi %gt3A_746, %gt3A_760 : vector<16xi1>
        %min3A_762 = arith.minimumf %get3A_757, %get3A_750 : vector<16xf32>
        %jit3A_763 = arith.constant 0.000000e+00 : f32
        %broadcast_in_dim3A_764 = vector.broadcast %jit3A_763 : f32 to vector<16xf32>
        %select_n3A_765 = arith.select %and3A_761, %min3A_762, %broadcast_in_dim3A_764 : vector<16xi1>, vector<16xf32>
        %sub3A_766 = arith.constant 1 : i32
        %sub3A_767 = vector.broadcast %sub3A_766 : i32 to vector<16xi32>
        %sub3A_768 = arith.subi %iota3A, %sub3A_767 : vector<16xi32>
        %max3A_769 = arith.constant 0 : i32
        %max3A_770 = vector.broadcast %max3A_769 : i32 to vector<16xi32>
        %max3A_771 = arith.maxsi %sub3A_768, %max3A_770 : vector<16xi32>
        %lt3A_772 = arith.constant 0 : i32
        %lt3A_773 = vector.broadcast %lt3A_772 : i32 to vector<16xi32>
        %lt3A_774 = arith.cmpi slt, %max3A_771, %lt3A_773 : vector<16xi32>
        %add3A_775 = arith.constant 16 : i32
        %add3A_776 = vector.broadcast %add3A_775 : i32 to vector<16xi32>
        %add3A_777 = arith.addi %max3A_771, %add3A_776 : vector<16xi32>
        %select_n3A_778 = arith.select %lt3A_774, %add3A_777, %max3A_771 : vector<16xi1>, vector<16xi32>
        %broadcast_in_dim3A_779 = vector.shape_cast %select_n3A_778 : vector<16xi32> to vector<16x1xi32>
        %gather3A_780 = vector.shape_cast %broadcast_in_dim3A_779 : vector<16x1xi32> to vector<16xi32>
        %gather3A_781 = tpu.dynamic_gather %select_n3A_765[%gather3A_780] in [0] : vector<16xf32>, vector<16xi32> -> vector<16xf32>
        %ge3A_782 = arith.constant 1 : i32
        %ge3A_783 = vector.broadcast %ge3A_782 : i32 to vector<16xi32>
        %ge3A_784 = arith.cmpi sge, %iota3A, %ge3A_783 : vector<16xi32>
        %jit3A_785 = arith.constant 0.000000e+00 : f32
        %broadcast_in_dim3A_786 = vector.broadcast %jit3A_785 : f32 to vector<16xf32>
        %select_n3A_787 = arith.select %ge3A_784, %gather3A_781, %broadcast_in_dim3A_786 : vector<16xi1>, vector<16xf32>
        %add3A_788 = arith.addf %select_n3A_765, %select_n3A_787 : vector<16xf32>
        %sub3A_789 = arith.constant 2 : i32
        %sub3A_790 = vector.broadcast %sub3A_789 : i32 to vector<16xi32>
        %sub3A_791 = arith.subi %iota3A, %sub3A_790 : vector<16xi32>
        %max3A_792 = arith.constant 0 : i32
        %max3A_793 = vector.broadcast %max3A_792 : i32 to vector<16xi32>
        %max3A_794 = arith.maxsi %sub3A_791, %max3A_793 : vector<16xi32>
        %lt3A_795 = arith.constant 0 : i32
        %lt3A_796 = vector.broadcast %lt3A_795 : i32 to vector<16xi32>
        %lt3A_797 = arith.cmpi slt, %max3A_794, %lt3A_796 : vector<16xi32>
        %add3A_798 = arith.constant 16 : i32
        %add3A_799 = vector.broadcast %add3A_798 : i32 to vector<16xi32>
        %add3A_800 = arith.addi %max3A_794, %add3A_799 : vector<16xi32>
        %select_n3A_801 = arith.select %lt3A_797, %add3A_800, %max3A_794 : vector<16xi1>, vector<16xi32>
        %broadcast_in_dim3A_802 = vector.shape_cast %select_n3A_801 : vector<16xi32> to vector<16x1xi32>
        %gather3A_803 = vector.shape_cast %broadcast_in_dim3A_802 : vector<16x1xi32> to vector<16xi32>
        %gather3A_804 = tpu.dynamic_gather %add3A_788[%gather3A_803] in [0] : vector<16xf32>, vector<16xi32> -> vector<16xf32>
        %ge3A_805 = arith.constant 2 : i32
        %ge3A_806 = vector.broadcast %ge3A_805 : i32 to vector<16xi32>
        %ge3A_807 = arith.cmpi sge, %iota3A, %ge3A_806 : vector<16xi32>
        %jit3A_808 = arith.constant 0.000000e+00 : f32
        %broadcast_in_dim3A_809 = vector.broadcast %jit3A_808 : f32 to vector<16xf32>
        %select_n3A_810 = arith.select %ge3A_807, %gather3A_804, %broadcast_in_dim3A_809 : vector<16xi1>, vector<16xf32>
        %add3A_811 = arith.addf %add3A_788, %select_n3A_810 : vector<16xf32>
        %sub3A_812 = arith.constant 4 : i32
        %sub3A_813 = vector.broadcast %sub3A_812 : i32 to vector<16xi32>
        %sub3A_814 = arith.subi %iota3A, %sub3A_813 : vector<16xi32>
        %max3A_815 = arith.constant 0 : i32
        %max3A_816 = vector.broadcast %max3A_815 : i32 to vector<16xi32>
        %max3A_817 = arith.maxsi %sub3A_814, %max3A_816 : vector<16xi32>
        %lt3A_818 = arith.constant 0 : i32
        %lt3A_819 = vector.broadcast %lt3A_818 : i32 to vector<16xi32>
        %lt3A_820 = arith.cmpi slt, %max3A_817, %lt3A_819 : vector<16xi32>
        %add3A_821 = arith.constant 16 : i32
        %add3A_822 = vector.broadcast %add3A_821 : i32 to vector<16xi32>
        %add3A_823 = arith.addi %max3A_817, %add3A_822 : vector<16xi32>
        %select_n3A_824 = arith.select %lt3A_820, %add3A_823, %max3A_817 : vector<16xi1>, vector<16xi32>
        %broadcast_in_dim3A_825 = vector.shape_cast %select_n3A_824 : vector<16xi32> to vector<16x1xi32>
        %gather3A_826 = vector.shape_cast %broadcast_in_dim3A_825 : vector<16x1xi32> to vector<16xi32>
        %gather3A_827 = tpu.dynamic_gather %add3A_811[%gather3A_826] in [0] : vector<16xf32>, vector<16xi32> -> vector<16xf32>
        %ge3A_828 = arith.constant 4 : i32
        %ge3A_829 = vector.broadcast %ge3A_828 : i32 to vector<16xi32>
        %ge3A_830 = arith.cmpi sge, %iota3A, %ge3A_829 : vector<16xi32>
        %jit3A_831 = arith.constant 0.000000e+00 : f32
        %broadcast_in_dim3A_832 = vector.broadcast %jit3A_831 : f32 to vector<16xf32>
        %select_n3A_833 = arith.select %ge3A_830, %gather3A_827, %broadcast_in_dim3A_832 : vector<16xi1>, vector<16xf32>
        %add3A_834 = arith.addf %add3A_811, %select_n3A_833 : vector<16xf32>
        %sub3A_835 = arith.constant 8 : i32
        %sub3A_836 = vector.broadcast %sub3A_835 : i32 to vector<16xi32>
        %sub3A_837 = arith.subi %iota3A, %sub3A_836 : vector<16xi32>
        %max3A_838 = arith.constant 0 : i32
        %max3A_839 = vector.broadcast %max3A_838 : i32 to vector<16xi32>
        %max3A_840 = arith.maxsi %sub3A_837, %max3A_839 : vector<16xi32>
        %lt3A_841 = arith.constant 0 : i32
        %lt3A_842 = vector.broadcast %lt3A_841 : i32 to vector<16xi32>
        %lt3A_843 = arith.cmpi slt, %max3A_840, %lt3A_842 : vector<16xi32>
        %add3A_844 = arith.constant 16 : i32
        %add3A_845 = vector.broadcast %add3A_844 : i32 to vector<16xi32>
        %add3A_846 = arith.addi %max3A_840, %add3A_845 : vector<16xi32>
        %select_n3A_847 = arith.select %lt3A_843, %add3A_846, %max3A_840 : vector<16xi1>, vector<16xi32>
        %broadcast_in_dim3A_848 = vector.shape_cast %select_n3A_847 : vector<16xi32> to vector<16x1xi32>
        %gather3A_849 = vector.shape_cast %broadcast_in_dim3A_848 : vector<16x1xi32> to vector<16xi32>
        %gather3A_850 = tpu.dynamic_gather %add3A_834[%gather3A_849] in [0] : vector<16xf32>, vector<16xi32> -> vector<16xf32>
        %ge3A_851 = arith.constant 8 : i32
        %ge3A_852 = vector.broadcast %ge3A_851 : i32 to vector<16xi32>
        %ge3A_853 = arith.cmpi sge, %iota3A, %ge3A_852 : vector<16xi32>
        %jit3A_854 = arith.constant 0.000000e+00 : f32
        %broadcast_in_dim3A_855 = vector.broadcast %jit3A_854 : f32 to vector<16xf32>
        %select_n3A_856 = arith.select %ge3A_853, %gather3A_850, %broadcast_in_dim3A_855 : vector<16xi1>, vector<16xf32>
        %add3A_857 = arith.addf %add3A_834, %select_n3A_856 : vector<16xf32>
        %sub3A_858 = arith.subf %add3A_857, %select_n3A_765 : vector<16xf32>
        %sub3A_859 = vector.broadcast %max3A_740 : f32 to vector<16xf32>
        %sub3A_860 = arith.subf %sub3A_859, %sub3A_858 : vector<16xf32>
        %gt3A_861 = arith.constant 0.000000e+00 : f32
        %gt3A_862 = vector.broadcast %gt3A_861 : f32 to vector<16xf32>
        %gt3A_863 = arith.cmpf ogt, %sub3A_860, %gt3A_862 : vector<16xf32>
        %and3A_864 = arith.andi %and3A_761, %gt3A_863 : vector<16xi1>
        %min3A_865 = vector.broadcast %max3A_740 : f32 to vector<16xf32>
        %min3A_866 = arith.minimumf %min3A_865, %add3A_857 : vector<16xf32>
        %min3A_867 = vector.broadcast %max3A_740 : f32 to vector<16xf32>
        %min3A_868 = arith.minimumf %min3A_867, %sub3A_858 : vector<16xf32>
        %sub3A_869 = arith.subf %min3A_866, %min3A_868 : vector<16xf32>
        %jit3A_870 = arith.constant 0.000000e+00 : f32
        %broadcast_in_dim3A_871 = vector.broadcast %jit3A_870 : f32 to vector<16xf32>
        %select_n3A_872 = arith.select %and3A_864, %sub3A_869, %broadcast_in_dim3A_871 : vector<16xi1>, vector<16xf32>
        %mul3A_873 = arith.mulf %select_n3A_872, %get3A_754 : vector<16xf32>
        %jit3A_874 = arith.constant 0.000000e+00 : f32
        %broadcast_in_dim3A_875 = vector.broadcast %jit3A_874 : f32 to vector<16xf32>
        %select_n3A_876 = arith.select %and3A_864, %mul3A_873, %broadcast_in_dim3A_875 : vector<16xi1>, vector<16xf32>
        %sub3A_877 = arith.subf %get3A_757, %select_n3A_876 : vector<16xf32>
        %swap3A_878 = arith.constant 64 : index
        %swap3A_879 = tpu.vector_load %arg13[%swap3A_878] {strides = array<i32>} : memref<128xf32, #tpu.memory_space<vmem>>, vector<16xf32>,
        %swap3A_880 = vector.shape_cast %swap3A_879 : vector<16xf32> to vector<16xf32>
        %swap3A_881 = vector.shape_cast %sub3A_877 : vector<16xf32> to vector<16xf32>
        tpu.vector_store %arg13[%swap3A_878], %swap3A_881 {strides = array<i32>} : memref<128xf32, #tpu.memory_space<vmem>>, vector<16xf32>,
        %swap3A_882 = arith.constant 64 : index
        %swap3A_883 = tpu.vector_load %arg17[%swap3A_882] {strides = array<i32>} : memref<128xf32, #tpu.memory_space<vmem>>, vector<16xf32>,
        %swap3A_884 = vector.shape_cast %swap3A_883 : vector<16xf32> to vector<16xf32>
        %swap3A_885 = vector.shape_cast %select_n3A_872 : vector<16xf32> to vector<16xf32>
        tpu.vector_store %arg17[%swap3A_882], %swap3A_885 {strides = array<i32>} : memref<128xf32, #tpu.memory_space<vmem>>, vector<16xf32>,
        %sub3A_886 = arith.constant 1.000000e+00 : f32
        %sub3A_887 = vector.broadcast %sub3A_886 : f32 to vector<16xf32>
        %sub3A_888 = arith.subf %get3A_754, %sub3A_887 : vector<16xf32>
        %jit3A_889 = arith.constant 0.000000e+00 : f32
        %broadcast_in_dim3A_890 = vector.broadcast %jit3A_889 : f32 to vector<16xf32>
        %select_n3A_891 = arith.select %and3A_864, %sub3A_888, %broadcast_in_dim3A_890 : vector<16xi1>, vector<16xf32>
        %swap3A_892 = arith.constant 64 : index
        %swap3A_893 = tpu.vector_load %arg18[%swap3A_892] {strides = array<i32>} : memref<128xf32, #tpu.memory_space<vmem>>, vector<16xf32>,
        %swap3A_894 = vector.shape_cast %swap3A_893 : vector<16xf32> to vector<16xf32>
        %swap3A_895 = vector.shape_cast %select_n3A_891 : vector<16xf32> to vector<16xf32>
        tpu.vector_store %arg18[%swap3A_892], %swap3A_895 {strides = array<i32>} : memref<128xf32, #tpu.memory_space<vmem>>, vector<16xf32>,
        %slice3A_896 = vector.extract_strided_slice %add3A_857 {offsets = [15], sizes = [1], strides = [1]} : vector<16xf32> to vector<1xf32>
        %squeeze3A_897 = vector.extract %slice3A_896[0] : f32 from vector<1xf32>
        %sub3A_898 = arith.subf %max3A_740, %squeeze3A_897 : f32
        %max3A_899 = arith.constant 0.000000e+00 : f32
        %max3A_900 = arith.maximumf %sub3A_898, %max3A_899 : f32
        %get3A_901 = arith.constant 80 : index
        %get3A_902 = tpu.vector_load %arg15[%get3A_901] {strides = array<i32>} : memref<128xf32, #tpu.memory_space<vmem>>, vector<16xf32>,
        %get3A_903 = vector.shape_cast %get3A_902 : vector<16xf32> to vector<16xf32>
        %gt3A_904 = arith.constant 5.000000e-01 : f32
        %gt3A_905 = vector.broadcast %gt3A_904 : f32 to vector<16xf32>
        %gt3A_906 = arith.cmpf ogt, %get3A_903, %gt3A_905 : vector<16xf32>
        %get3A_907 = arith.index_cast %add3A : i32 to index
        %get3A_908 = arith.constant 80 : index
        %get3A_909 = tpu.vector_load %arg11[%get3A_907, %get3A_908] {strides = array<i32>} : memref<128x128xf32, #tpu.memory_space<vmem>>, vector<1x16xf32>,
        %get3A_910 = vector.shape_cast %get3A_909 : vector<1x16xf32> to vector<16xf32>
        %get3A_911 = arith.index_cast %add3A : i32 to index
        %get3A_912 = arith.constant 80 : index
        %get3A_913 = tpu.vector_load %arg12[%get3A_911, %get3A_912] {strides = array<i32>} : memref<128x128xf32, #tpu.memory_space<vmem>>, vector<1x16xf32>,
        %get3A_914 = vector.shape_cast %get3A_913 : vector<1x16xf32> to vector<16xf32>
        %get3A_915 = arith.constant 80 : index
        %get3A_916 = tpu.vector_load %arg13[%get3A_915] {strides = array<i32>} : memref<128xf32, #tpu.memory_space<vmem>>, vector<16xf32>,
        %get3A_917 = vector.shape_cast %get3A_916 : vector<16xf32> to vector<16xf32>
        %gt3A_918 = arith.constant 0.000000e+00 : f32
        %gt3A_919 = vector.broadcast %gt3A_918 : f32 to vector<16xf32>
        %gt3A_920 = arith.cmpf ogt, %get3A_917, %gt3A_919 : vector<16xf32>
        %and3A_921 = arith.andi %gt3A_906, %gt3A_920 : vector<16xi1>
        %min3A_922 = arith.minimumf %get3A_917, %get3A_910 : vector<16xf32>
        %jit3A_923 = arith.constant 0.000000e+00 : f32
        %broadcast_in_dim3A_924 = vector.broadcast %jit3A_923 : f32 to vector<16xf32>
        %select_n3A_925 = arith.select %and3A_921, %min3A_922, %broadcast_in_dim3A_924 : vector<16xi1>, vector<16xf32>
        %sub3A_926 = arith.constant 1 : i32
        %sub3A_927 = vector.broadcast %sub3A_926 : i32 to vector<16xi32>
        %sub3A_928 = arith.subi %iota3A, %sub3A_927 : vector<16xi32>
        %max3A_929 = arith.constant 0 : i32
        %max3A_930 = vector.broadcast %max3A_929 : i32 to vector<16xi32>
        %max3A_931 = arith.maxsi %sub3A_928, %max3A_930 : vector<16xi32>
        %lt3A_932 = arith.constant 0 : i32
        %lt3A_933 = vector.broadcast %lt3A_932 : i32 to vector<16xi32>
        %lt3A_934 = arith.cmpi slt, %max3A_931, %lt3A_933 : vector<16xi32>
        %add3A_935 = arith.constant 16 : i32
        %add3A_936 = vector.broadcast %add3A_935 : i32 to vector<16xi32>
        %add3A_937 = arith.addi %max3A_931, %add3A_936 : vector<16xi32>
        %select_n3A_938 = arith.select %lt3A_934, %add3A_937, %max3A_931 : vector<16xi1>, vector<16xi32>
        %broadcast_in_dim3A_939 = vector.shape_cast %select_n3A_938 : vector<16xi32> to vector<16x1xi32>
        %gather3A_940 = vector.shape_cast %broadcast_in_dim3A_939 : vector<16x1xi32> to vector<16xi32>
        %gather3A_941 = tpu.dynamic_gather %select_n3A_925[%gather3A_940] in [0] : vector<16xf32>, vector<16xi32> -> vector<16xf32>
        %ge3A_942 = arith.constant 1 : i32
        %ge3A_943 = vector.broadcast %ge3A_942 : i32 to vector<16xi32>
        %ge3A_944 = arith.cmpi sge, %iota3A, %ge3A_943 : vector<16xi32>
        %jit3A_945 = arith.constant 0.000000e+00 : f32
        %broadcast_in_dim3A_946 = vector.broadcast %jit3A_945 : f32 to vector<16xf32>
        %select_n3A_947 = arith.select %ge3A_944, %gather3A_941, %broadcast_in_dim3A_946 : vector<16xi1>, vector<16xf32>
        %add3A_948 = arith.addf %select_n3A_925, %select_n3A_947 : vector<16xf32>
        %sub3A_949 = arith.constant 2 : i32
        %sub3A_950 = vector.broadcast %sub3A_949 : i32 to vector<16xi32>
        %sub3A_951 = arith.subi %iota3A, %sub3A_950 : vector<16xi32>
        %max3A_952 = arith.constant 0 : i32
        %max3A_953 = vector.broadcast %max3A_952 : i32 to vector<16xi32>
        %max3A_954 = arith.maxsi %sub3A_951, %max3A_953 : vector<16xi32>
        %lt3A_955 = arith.constant 0 : i32
        %lt3A_956 = vector.broadcast %lt3A_955 : i32 to vector<16xi32>
        %lt3A_957 = arith.cmpi slt, %max3A_954, %lt3A_956 : vector<16xi32>
        %add3A_958 = arith.constant 16 : i32
        %add3A_959 = vector.broadcast %add3A_958 : i32 to vector<16xi32>
        %add3A_960 = arith.addi %max3A_954, %add3A_959 : vector<16xi32>
        %select_n3A_961 = arith.select %lt3A_957, %add3A_960, %max3A_954 : vector<16xi1>, vector<16xi32>
        %broadcast_in_dim3A_962 = vector.shape_cast %select_n3A_961 : vector<16xi32> to vector<16x1xi32>
        %gather3A_963 = vector.shape_cast %broadcast_in_dim3A_962 : vector<16x1xi32> to vector<16xi32>
        %gather3A_964 = tpu.dynamic_gather %add3A_948[%gather3A_963] in [0] : vector<16xf32>, vector<16xi32> -> vector<16xf32>
        %ge3A_965 = arith.constant 2 : i32
        %ge3A_966 = vector.broadcast %ge3A_965 : i32 to vector<16xi32>
        %ge3A_967 = arith.cmpi sge, %iota3A, %ge3A_966 : vector<16xi32>
        %jit3A_968 = arith.constant 0.000000e+00 : f32
        %broadcast_in_dim3A_969 = vector.broadcast %jit3A_968 : f32 to vector<16xf32>
        %select_n3A_970 = arith.select %ge3A_967, %gather3A_964, %broadcast_in_dim3A_969 : vector<16xi1>, vector<16xf32>
        %add3A_971 = arith.addf %add3A_948, %select_n3A_970 : vector<16xf32>
        %sub3A_972 = arith.constant 4 : i32
        %sub3A_973 = vector.broadcast %sub3A_972 : i32 to vector<16xi32>
        %sub3A_974 = arith.subi %iota3A, %sub3A_973 : vector<16xi32>
        %max3A_975 = arith.constant 0 : i32
        %max3A_976 = vector.broadcast %max3A_975 : i32 to vector<16xi32>
        %max3A_977 = arith.maxsi %sub3A_974, %max3A_976 : vector<16xi32>
        %lt3A_978 = arith.constant 0 : i32
        %lt3A_979 = vector.broadcast %lt3A_978 : i32 to vector<16xi32>
        %lt3A_980 = arith.cmpi slt, %max3A_977, %lt3A_979 : vector<16xi32>
        %add3A_981 = arith.constant 16 : i32
        %add3A_982 = vector.broadcast %add3A_981 : i32 to vector<16xi32>
        %add3A_983 = arith.addi %max3A_977, %add3A_982 : vector<16xi32>
        %select_n3A_984 = arith.select %lt3A_980, %add3A_983, %max3A_977 : vector<16xi1>, vector<16xi32>
        %broadcast_in_dim3A_985 = vector.shape_cast %select_n3A_984 : vector<16xi32> to vector<16x1xi32>
        %gather3A_986 = vector.shape_cast %broadcast_in_dim3A_985 : vector<16x1xi32> to vector<16xi32>
        %gather3A_987 = tpu.dynamic_gather %add3A_971[%gather3A_986] in [0] : vector<16xf32>, vector<16xi32> -> vector<16xf32>
        %ge3A_988 = arith.constant 4 : i32
        %ge3A_989 = vector.broadcast %ge3A_988 : i32 to vector<16xi32>
        %ge3A_990 = arith.cmpi sge, %iota3A, %ge3A_989 : vector<16xi32>
        %jit3A_991 = arith.constant 0.000000e+00 : f32
        %broadcast_in_dim3A_992 = vector.broadcast %jit3A_991 : f32 to vector<16xf32>
        %select_n3A_993 = arith.select %ge3A_990, %gather3A_987, %broadcast_in_dim3A_992 : vector<16xi1>, vector<16xf32>
        %add3A_994 = arith.addf %add3A_971, %select_n3A_993 : vector<16xf32>
        %sub3A_995 = arith.constant 8 : i32
        %sub3A_996 = vector.broadcast %sub3A_995 : i32 to vector<16xi32>
        %sub3A_997 = arith.subi %iota3A, %sub3A_996 : vector<16xi32>
        %max3A_998 = arith.constant 0 : i32
        %max3A_999 = vector.broadcast %max3A_998 : i32 to vector<16xi32>
        %max3A_1000 = arith.maxsi %sub3A_997, %max3A_999 : vector<16xi32>
        %lt3A_1001 = arith.constant 0 : i32
        %lt3A_1002 = vector.broadcast %lt3A_1001 : i32 to vector<16xi32>
        %lt3A_1003 = arith.cmpi slt, %max3A_1000, %lt3A_1002 : vector<16xi32>
        %add3A_1004 = arith.constant 16 : i32
        %add3A_1005 = vector.broadcast %add3A_1004 : i32 to vector<16xi32>
        %add3A_1006 = arith.addi %max3A_1000, %add3A_1005 : vector<16xi32>
        %select_n3A_1007 = arith.select %lt3A_1003, %add3A_1006, %max3A_1000 : vector<16xi1>, vector<16xi32>
        %broadcast_in_dim3A_1008 = vector.shape_cast %select_n3A_1007 : vector<16xi32> to vector<16x1xi32>
        %gather3A_1009 = vector.shape_cast %broadcast_in_dim3A_1008 : vector<16x1xi32> to vector<16xi32>
        %gather3A_1010 = tpu.dynamic_gather %add3A_994[%gather3A_1009] in [0] : vector<16xf32>, vector<16xi32> -> vector<16xf32>
        %ge3A_1011 = arith.constant 8 : i32
        %ge3A_1012 = vector.broadcast %ge3A_1011 : i32 to vector<16xi32>
        %ge3A_1013 = arith.cmpi sge, %iota3A, %ge3A_1012 : vector<16xi32>
        %jit3A_1014 = arith.constant 0.000000e+00 : f32
        %broadcast_in_dim3A_1015 = vector.broadcast %jit3A_1014 : f32 to vector<16xf32>
        %select_n3A_1016 = arith.select %ge3A_1013, %gather3A_1010, %broadcast_in_dim3A_1015 : vector<16xi1>, vector<16xf32>
        %add3A_1017 = arith.addf %add3A_994, %select_n3A_1016 : vector<16xf32>
        %sub3A_1018 = arith.subf %add3A_1017, %select_n3A_925 : vector<16xf32>
        %sub3A_1019 = vector.broadcast %max3A_900 : f32 to vector<16xf32>
        %sub3A_1020 = arith.subf %sub3A_1019, %sub3A_1018 : vector<16xf32>
        %gt3A_1021 = arith.constant 0.000000e+00 : f32
        %gt3A_1022 = vector.broadcast %gt3A_1021 : f32 to vector<16xf32>
        %gt3A_1023 = arith.cmpf ogt, %sub3A_1020, %gt3A_1022 : vector<16xf32>
        %and3A_1024 = arith.andi %and3A_921, %gt3A_1023 : vector<16xi1>
        %min3A_1025 = vector.broadcast %max3A_900 : f32 to vector<16xf32>
        %min3A_1026 = arith.minimumf %min3A_1025, %add3A_1017 : vector<16xf32>
        %min3A_1027 = vector.broadcast %max3A_900 : f32 to vector<16xf32>
        %min3A_1028 = arith.minimumf %min3A_1027, %sub3A_1018 : vector<16xf32>
        %sub3A_1029 = arith.subf %min3A_1026, %min3A_1028 : vector<16xf32>
        %jit3A_1030 = arith.constant 0.000000e+00 : f32
        %broadcast_in_dim3A_1031 = vector.broadcast %jit3A_1030 : f32 to vector<16xf32>
        %select_n3A_1032 = arith.select %and3A_1024, %sub3A_1029, %broadcast_in_dim3A_1031 : vector<16xi1>, vector<16xf32>
        %mul3A_1033 = arith.mulf %select_n3A_1032, %get3A_914 : vector<16xf32>
        %jit3A_1034 = arith.constant 0.000000e+00 : f32
        %broadcast_in_dim3A_1035 = vector.broadcast %jit3A_1034 : f32 to vector<16xf32>
        %select_n3A_1036 = arith.select %and3A_1024, %mul3A_1033, %broadcast_in_dim3A_1035 : vector<16xi1>, vector<16xf32>
        %sub3A_1037 = arith.subf %get3A_917, %select_n3A_1036 : vector<16xf32>
        %swap3A_1038 = arith.constant 80 : index
        %swap3A_1039 = tpu.vector_load %arg13[%swap3A_1038] {strides = array<i32>} : memref<128xf32, #tpu.memory_space<vmem>>, vector<16xf32>,
        %swap3A_1040 = vector.shape_cast %swap3A_1039 : vector<16xf32> to vector<16xf32>
        %swap3A_1041 = vector.shape_cast %sub3A_1037 : vector<16xf32> to vector<16xf32>
        tpu.vector_store %arg13[%swap3A_1038], %swap3A_1041 {strides = array<i32>} : memref<128xf32, #tpu.memory_space<vmem>>, vector<16xf32>,
        %swap3A_1042 = arith.constant 80 : index
        %swap3A_1043 = tpu.vector_load %arg17[%swap3A_1042] {strides = array<i32>} : memref<128xf32, #tpu.memory_space<vmem>>, vector<16xf32>,
        %swap3A_1044 = vector.shape_cast %swap3A_1043 : vector<16xf32> to vector<16xf32>
        %swap3A_1045 = vector.shape_cast %select_n3A_1032 : vector<16xf32> to vector<16xf32>
        tpu.vector_store %arg17[%swap3A_1042], %swap3A_1045 {strides = array<i32>} : memref<128xf32, #tpu.memory_space<vmem>>, vector<16xf32>,
        %sub3A_1046 = arith.constant 1.000000e+00 : f32
        %sub3A_1047 = vector.broadcast %sub3A_1046 : f32 to vector<16xf32>
        %sub3A_1048 = arith.subf %get3A_914, %sub3A_1047 : vector<16xf32>
        %jit3A_1049 = arith.constant 0.000000e+00 : f32
        %broadcast_in_dim3A_1050 = vector.broadcast %jit3A_1049 : f32 to vector<16xf32>
        %select_n3A_1051 = arith.select %and3A_1024, %sub3A_1048, %broadcast_in_dim3A_1050 : vector<16xi1>, vector<16xf32>
        %swap3A_1052 = arith.constant 80 : index
        %swap3A_1053 = tpu.vector_load %arg18[%swap3A_1052] {strides = array<i32>} : memref<128xf32, #tpu.memory_space<vmem>>, vector<16xf32>,
        %swap3A_1054 = vector.shape_cast %swap3A_1053 : vector<16xf32> to vector<16xf32>
        %swap3A_1055 = vector.shape_cast %select_n3A_1051 : vector<16xf32> to vector<16xf32>
        tpu.vector_store %arg18[%swap3A_1052], %swap3A_1055 {strides = array<i32>} : memref<128xf32, #tpu.memory_space<vmem>>, vector<16xf32>,
        %slice3A_1056 = vector.extract_strided_slice %add3A_1017 {offsets = [15], sizes = [1], strides = [1]} : vector<16xf32> to vector<1xf32>
        %squeeze3A_1057 = vector.extract %slice3A_1056[0] : f32 from vector<1xf32>
        %sub3A_1058 = arith.subf %max3A_900, %squeeze3A_1057 : f32
        %max3A_1059 = arith.constant 0.000000e+00 : f32
        %max3A_1060 = arith.maximumf %sub3A_1058, %max3A_1059 : f32
        %get3A_1061 = arith.constant 96 : index
        %get3A_1062 = tpu.vector_load %arg15[%get3A_1061] {strides = array<i32>} : memref<128xf32, #tpu.memory_space<vmem>>, vector<16xf32>,
        %get3A_1063 = vector.shape_cast %get3A_1062 : vector<16xf32> to vector<16xf32>
        %gt3A_1064 = arith.constant 5.000000e-01 : f32
        %gt3A_1065 = vector.broadcast %gt3A_1064 : f32 to vector<16xf32>
        %gt3A_1066 = arith.cmpf ogt, %get3A_1063, %gt3A_1065 : vector<16xf32>
        %get3A_1067 = arith.index_cast %add3A : i32 to index
        %get3A_1068 = arith.constant 96 : index
        %get3A_1069 = tpu.vector_load %arg11[%get3A_1067, %get3A_1068] {strides = array<i32>} : memref<128x128xf32, #tpu.memory_space<vmem>>, vector<1x16xf32>,
        %get3A_1070 = vector.shape_cast %get3A_1069 : vector<1x16xf32> to vector<16xf32>
        %get3A_1071 = arith.index_cast %add3A : i32 to index
        %get3A_1072 = arith.constant 96 : index
        %get3A_1073 = tpu.vector_load %arg12[%get3A_1071, %get3A_1072] {strides = array<i32>} : memref<128x128xf32, #tpu.memory_space<vmem>>, vector<1x16xf32>,
        %get3A_1074 = vector.shape_cast %get3A_1073 : vector<1x16xf32> to vector<16xf32>
        %get3A_1075 = arith.constant 96 : index
        %get3A_1076 = tpu.vector_load %arg13[%get3A_1075] {strides = array<i32>} : memref<128xf32, #tpu.memory_space<vmem>>, vector<16xf32>,
        %get3A_1077 = vector.shape_cast %get3A_1076 : vector<16xf32> to vector<16xf32>
        %gt3A_1078 = arith.constant 0.000000e+00 : f32
        %gt3A_1079 = vector.broadcast %gt3A_1078 : f32 to vector<16xf32>
        %gt3A_1080 = arith.cmpf ogt, %get3A_1077, %gt3A_1079 : vector<16xf32>
        %and3A_1081 = arith.andi %gt3A_1066, %gt3A_1080 : vector<16xi1>
        %min3A_1082 = arith.minimumf %get3A_1077, %get3A_1070 : vector<16xf32>
        %jit3A_1083 = arith.constant 0.000000e+00 : f32
        %broadcast_in_dim3A_1084 = vector.broadcast %jit3A_1083 : f32 to vector<16xf32>
        %select_n3A_1085 = arith.select %and3A_1081, %min3A_1082, %broadcast_in_dim3A_1084 : vector<16xi1>, vector<16xf32>
        %sub3A_1086 = arith.constant 1 : i32
        %sub3A_1087 = vector.broadcast %sub3A_1086 : i32 to vector<16xi32>
        %sub3A_1088 = arith.subi %iota3A, %sub3A_1087 : vector<16xi32>
        %max3A_1089 = arith.constant 0 : i32
        %max3A_1090 = vector.broadcast %max3A_1089 : i32 to vector<16xi32>
        %max3A_1091 = arith.maxsi %sub3A_1088, %max3A_1090 : vector<16xi32>
        %lt3A_1092 = arith.constant 0 : i32
        %lt3A_1093 = vector.broadcast %lt3A_1092 : i32 to vector<16xi32>
        %lt3A_1094 = arith.cmpi slt, %max3A_1091, %lt3A_1093 : vector<16xi32>
        %add3A_1095 = arith.constant 16 : i32
        %add3A_1096 = vector.broadcast %add3A_1095 : i32 to vector<16xi32>
        %add3A_1097 = arith.addi %max3A_1091, %add3A_1096 : vector<16xi32>
        %select_n3A_1098 = arith.select %lt3A_1094, %add3A_1097, %max3A_1091 : vector<16xi1>, vector<16xi32>
        %broadcast_in_dim3A_1099 = vector.shape_cast %select_n3A_1098 : vector<16xi32> to vector<16x1xi32>
        %gather3A_1100 = vector.shape_cast %broadcast_in_dim3A_1099 : vector<16x1xi32> to vector<16xi32>
        %gather3A_1101 = tpu.dynamic_gather %select_n3A_1085[%gather3A_1100] in [0] : vector<16xf32>, vector<16xi32> -> vector<16xf32>
        %ge3A_1102 = arith.constant 1 : i32
        %ge3A_1103 = vector.broadcast %ge3A_1102 : i32 to vector<16xi32>
        %ge3A_1104 = arith.cmpi sge, %iota3A, %ge3A_1103 : vector<16xi32>
        %jit3A_1105 = arith.constant 0.000000e+00 : f32
        %broadcast_in_dim3A_1106 = vector.broadcast %jit3A_1105 : f32 to vector<16xf32>
        %select_n3A_1107 = arith.select %ge3A_1104, %gather3A_1101, %broadcast_in_dim3A_1106 : vector<16xi1>, vector<16xf32>
        %add3A_1108 = arith.addf %select_n3A_1085, %select_n3A_1107 : vector<16xf32>
        %sub3A_1109 = arith.constant 2 : i32
        %sub3A_1110 = vector.broadcast %sub3A_1109 : i32 to vector<16xi32>
        %sub3A_1111 = arith.subi %iota3A, %sub3A_1110 : vector<16xi32>
        %max3A_1112 = arith.constant 0 : i32
        %max3A_1113 = vector.broadcast %max3A_1112 : i32 to vector<16xi32>
        %max3A_1114 = arith.maxsi %sub3A_1111, %max3A_1113 : vector<16xi32>
        %lt3A_1115 = arith.constant 0 : i32
        %lt3A_1116 = vector.broadcast %lt3A_1115 : i32 to vector<16xi32>
        %lt3A_1117 = arith.cmpi slt, %max3A_1114, %lt3A_1116 : vector<16xi32>
        %add3A_1118 = arith.constant 16 : i32
        %add3A_1119 = vector.broadcast %add3A_1118 : i32 to vector<16xi32>
        %add3A_1120 = arith.addi %max3A_1114, %add3A_1119 : vector<16xi32>
        %select_n3A_1121 = arith.select %lt3A_1117, %add3A_1120, %max3A_1114 : vector<16xi1>, vector<16xi32>
        %broadcast_in_dim3A_1122 = vector.shape_cast %select_n3A_1121 : vector<16xi32> to vector<16x1xi32>
        %gather3A_1123 = vector.shape_cast %broadcast_in_dim3A_1122 : vector<16x1xi32> to vector<16xi32>
        %gather3A_1124 = tpu.dynamic_gather %add3A_1108[%gather3A_1123] in [0] : vector<16xf32>, vector<16xi32> -> vector<16xf32>
        %ge3A_1125 = arith.constant 2 : i32
        %ge3A_1126 = vector.broadcast %ge3A_1125 : i32 to vector<16xi32>
        %ge3A_1127 = arith.cmpi sge, %iota3A, %ge3A_1126 : vector<16xi32>
        %jit3A_1128 = arith.constant 0.000000e+00 : f32
        %broadcast_in_dim3A_1129 = vector.broadcast %jit3A_1128 : f32 to vector<16xf32>
        %select_n3A_1130 = arith.select %ge3A_1127, %gather3A_1124, %broadcast_in_dim3A_1129 : vector<16xi1>, vector<16xf32>
        %add3A_1131 = arith.addf %add3A_1108, %select_n3A_1130 : vector<16xf32>
        %sub3A_1132 = arith.constant 4 : i32
        %sub3A_1133 = vector.broadcast %sub3A_1132 : i32 to vector<16xi32>
        %sub3A_1134 = arith.subi %iota3A, %sub3A_1133 : vector<16xi32>
        %max3A_1135 = arith.constant 0 : i32
        %max3A_1136 = vector.broadcast %max3A_1135 : i32 to vector<16xi32>
        %max3A_1137 = arith.maxsi %sub3A_1134, %max3A_1136 : vector<16xi32>
        %lt3A_1138 = arith.constant 0 : i32
        %lt3A_1139 = vector.broadcast %lt3A_1138 : i32 to vector<16xi32>
        %lt3A_1140 = arith.cmpi slt, %max3A_1137, %lt3A_1139 : vector<16xi32>
        %add3A_1141 = arith.constant 16 : i32
        %add3A_1142 = vector.broadcast %add3A_1141 : i32 to vector<16xi32>
        %add3A_1143 = arith.addi %max3A_1137, %add3A_1142 : vector<16xi32>
        %select_n3A_1144 = arith.select %lt3A_1140, %add3A_1143, %max3A_1137 : vector<16xi1>, vector<16xi32>
        %broadcast_in_dim3A_1145 = vector.shape_cast %select_n3A_1144 : vector<16xi32> to vector<16x1xi32>
        %gather3A_1146 = vector.shape_cast %broadcast_in_dim3A_1145 : vector<16x1xi32> to vector<16xi32>
        %gather3A_1147 = tpu.dynamic_gather %add3A_1131[%gather3A_1146] in [0] : vector<16xf32>, vector<16xi32> -> vector<16xf32>
        %ge3A_1148 = arith.constant 4 : i32
        %ge3A_1149 = vector.broadcast %ge3A_1148 : i32 to vector<16xi32>
        %ge3A_1150 = arith.cmpi sge, %iota3A, %ge3A_1149 : vector<16xi32>
        %jit3A_1151 = arith.constant 0.000000e+00 : f32
        %broadcast_in_dim3A_1152 = vector.broadcast %jit3A_1151 : f32 to vector<16xf32>
        %select_n3A_1153 = arith.select %ge3A_1150, %gather3A_1147, %broadcast_in_dim3A_1152 : vector<16xi1>, vector<16xf32>
        %add3A_1154 = arith.addf %add3A_1131, %select_n3A_1153 : vector<16xf32>
        %sub3A_1155 = arith.constant 8 : i32
        %sub3A_1156 = vector.broadcast %sub3A_1155 : i32 to vector<16xi32>
        %sub3A_1157 = arith.subi %iota3A, %sub3A_1156 : vector<16xi32>
        %max3A_1158 = arith.constant 0 : i32
        %max3A_1159 = vector.broadcast %max3A_1158 : i32 to vector<16xi32>
        %max3A_1160 = arith.maxsi %sub3A_1157, %max3A_1159 : vector<16xi32>
        %lt3A_1161 = arith.constant 0 : i32
        %lt3A_1162 = vector.broadcast %lt3A_1161 : i32 to vector<16xi32>
        %lt3A_1163 = arith.cmpi slt, %max3A_1160, %lt3A_1162 : vector<16xi32>
        %add3A_1164 = arith.constant 16 : i32
        %add3A_1165 = vector.broadcast %add3A_1164 : i32 to vector<16xi32>
        %add3A_1166 = arith.addi %max3A_1160, %add3A_1165 : vector<16xi32>
        %select_n3A_1167 = arith.select %lt3A_1163, %add3A_1166, %max3A_1160 : vector<16xi1>, vector<16xi32>
        %broadcast_in_dim3A_1168 = vector.shape_cast %select_n3A_1167 : vector<16xi32> to vector<16x1xi32>
        %gather3A_1169 = vector.shape_cast %broadcast_in_dim3A_1168 : vector<16x1xi32> to vector<16xi32>
        %gather3A_1170 = tpu.dynamic_gather %add3A_1154[%gather3A_1169] in [0] : vector<16xf32>, vector<16xi32> -> vector<16xf32>
        %ge3A_1171 = arith.constant 8 : i32
        %ge3A_1172 = vector.broadcast %ge3A_1171 : i32 to vector<16xi32>
        %ge3A_1173 = arith.cmpi sge, %iota3A, %ge3A_1172 : vector<16xi32>
        %jit3A_1174 = arith.constant 0.000000e+00 : f32
        %broadcast_in_dim3A_1175 = vector.broadcast %jit3A_1174 : f32 to vector<16xf32>
        %select_n3A_1176 = arith.select %ge3A_1173, %gather3A_1170, %broadcast_in_dim3A_1175 : vector<16xi1>, vector<16xf32>
        %add3A_1177 = arith.addf %add3A_1154, %select_n3A_1176 : vector<16xf32>
        %sub3A_1178 = arith.subf %add3A_1177, %select_n3A_1085 : vector<16xf32>
        %sub3A_1179 = vector.broadcast %max3A_1060 : f32 to vector<16xf32>
        %sub3A_1180 = arith.subf %sub3A_1179, %sub3A_1178 : vector<16xf32>
        %gt3A_1181 = arith.constant 0.000000e+00 : f32
        %gt3A_1182 = vector.broadcast %gt3A_1181 : f32 to vector<16xf32>
        %gt3A_1183 = arith.cmpf ogt, %sub3A_1180, %gt3A_1182 : vector<16xf32>
        %and3A_1184 = arith.andi %and3A_1081, %gt3A_1183 : vector<16xi1>
        %min3A_1185 = vector.broadcast %max3A_1060 : f32 to vector<16xf32>
        %min3A_1186 = arith.minimumf %min3A_1185, %add3A_1177 : vector<16xf32>
        %min3A_1187 = vector.broadcast %max3A_1060 : f32 to vector<16xf32>
        %min3A_1188 = arith.minimumf %min3A_1187, %sub3A_1178 : vector<16xf32>
        %sub3A_1189 = arith.subf %min3A_1186, %min3A_1188 : vector<16xf32>
        %jit3A_1190 = arith.constant 0.000000e+00 : f32
        %broadcast_in_dim3A_1191 = vector.broadcast %jit3A_1190 : f32 to vector<16xf32>
        %select_n3A_1192 = arith.select %and3A_1184, %sub3A_1189, %broadcast_in_dim3A_1191 : vector<16xi1>, vector<16xf32>
        %mul3A_1193 = arith.mulf %select_n3A_1192, %get3A_1074 : vector<16xf32>
        %jit3A_1194 = arith.constant 0.000000e+00 : f32
        %broadcast_in_dim3A_1195 = vector.broadcast %jit3A_1194 : f32 to vector<16xf32>
        %select_n3A_1196 = arith.select %and3A_1184, %mul3A_1193, %broadcast_in_dim3A_1195 : vector<16xi1>, vector<16xf32>
        %sub3A_1197 = arith.subf %get3A_1077, %select_n3A_1196 : vector<16xf32>
        %swap3A_1198 = arith.constant 96 : index
        %swap3A_1199 = tpu.vector_load %arg13[%swap3A_1198] {strides = array<i32>} : memref<128xf32, #tpu.memory_space<vmem>>, vector<16xf32>,
        %swap3A_1200 = vector.shape_cast %swap3A_1199 : vector<16xf32> to vector<16xf32>
        %swap3A_1201 = vector.shape_cast %sub3A_1197 : vector<16xf32> to vector<16xf32>
        tpu.vector_store %arg13[%swap3A_1198], %swap3A_1201 {strides = array<i32>} : memref<128xf32, #tpu.memory_space<vmem>>, vector<16xf32>,
        %swap3A_1202 = arith.constant 96 : index
        %swap3A_1203 = tpu.vector_load %arg17[%swap3A_1202] {strides = array<i32>} : memref<128xf32, #tpu.memory_space<vmem>>, vector<16xf32>,
        %swap3A_1204 = vector.shape_cast %swap3A_1203 : vector<16xf32> to vector<16xf32>
        %swap3A_1205 = vector.shape_cast %select_n3A_1192 : vector<16xf32> to vector<16xf32>
        tpu.vector_store %arg17[%swap3A_1202], %swap3A_1205 {strides = array<i32>} : memref<128xf32, #tpu.memory_space<vmem>>, vector<16xf32>,
        %sub3A_1206 = arith.constant 1.000000e+00 : f32
        %sub3A_1207 = vector.broadcast %sub3A_1206 : f32 to vector<16xf32>
        %sub3A_1208 = arith.subf %get3A_1074, %sub3A_1207 : vector<16xf32>
        %jit3A_1209 = arith.constant 0.000000e+00 : f32
        %broadcast_in_dim3A_1210 = vector.broadcast %jit3A_1209 : f32 to vector<16xf32>
        %select_n3A_1211 = arith.select %and3A_1184, %sub3A_1208, %broadcast_in_dim3A_1210 : vector<16xi1>, vector<16xf32>
        %swap3A_1212 = arith.constant 96 : index
        %swap3A_1213 = tpu.vector_load %arg18[%swap3A_1212] {strides = array<i32>} : memref<128xf32, #tpu.memory_space<vmem>>, vector<16xf32>,
        %swap3A_1214 = vector.shape_cast %swap3A_1213 : vector<16xf32> to vector<16xf32>
        %swap3A_1215 = vector.shape_cast %select_n3A_1211 : vector<16xf32> to vector<16xf32>
        tpu.vector_store %arg18[%swap3A_1212], %swap3A_1215 {strides = array<i32>} : memref<128xf32, #tpu.memory_space<vmem>>, vector<16xf32>,
        %slice3A_1216 = vector.extract_strided_slice %add3A_1177 {offsets = [15], sizes = [1], strides = [1]} : vector<16xf32> to vector<1xf32>
        %squeeze3A_1217 = vector.extract %slice3A_1216[0] : f32 from vector<1xf32>
        %sub3A_1218 = arith.subf %max3A_1060, %squeeze3A_1217 : f32
        %max3A_1219 = arith.constant 0.000000e+00 : f32
        %max3A_1220 = arith.maximumf %sub3A_1218, %max3A_1219 : f32
        %get3A_1221 = arith.constant 112 : index
        %get3A_1222 = tpu.vector_load %arg15[%get3A_1221] {strides = array<i32>} : memref<128xf32, #tpu.memory_space<vmem>>, vector<16xf32>,
        %get3A_1223 = vector.shape_cast %get3A_1222 : vector<16xf32> to vector<16xf32>
        %gt3A_1224 = arith.constant 5.000000e-01 : f32
        %gt3A_1225 = vector.broadcast %gt3A_1224 : f32 to vector<16xf32>
        %gt3A_1226 = arith.cmpf ogt, %get3A_1223, %gt3A_1225 : vector<16xf32>
        %get3A_1227 = arith.index_cast %add3A : i32 to index
        %get3A_1228 = arith.constant 112 : index
        %get3A_1229 = tpu.vector_load %arg11[%get3A_1227, %get3A_1228] {strides = array<i32>} : memref<128x128xf32, #tpu.memory_space<vmem>>, vector<1x16xf32>,
        %get3A_1230 = vector.shape_cast %get3A_1229 : vector<1x16xf32> to vector<16xf32>
        %get3A_1231 = arith.index_cast %add3A : i32 to index
        %get3A_1232 = arith.constant 112 : index
        %get3A_1233 = tpu.vector_load %arg12[%get3A_1231, %get3A_1232] {strides = array<i32>} : memref<128x128xf32, #tpu.memory_space<vmem>>, vector<1x16xf32>,
        %get3A_1234 = vector.shape_cast %get3A_1233 : vector<1x16xf32> to vector<16xf32>
        %get3A_1235 = arith.constant 112 : index
        %get3A_1236 = tpu.vector_load %arg13[%get3A_1235] {strides = array<i32>} : memref<128xf32, #tpu.memory_space<vmem>>, vector<16xf32>,
        %get3A_1237 = vector.shape_cast %get3A_1236 : vector<16xf32> to vector<16xf32>
        %gt3A_1238 = arith.constant 0.000000e+00 : f32
        %gt3A_1239 = vector.broadcast %gt3A_1238 : f32 to vector<16xf32>
        %gt3A_1240 = arith.cmpf ogt, %get3A_1237, %gt3A_1239 : vector<16xf32>
        %and3A_1241 = arith.andi %gt3A_1226, %gt3A_1240 : vector<16xi1>
        %min3A_1242 = arith.minimumf %get3A_1237, %get3A_1230 : vector<16xf32>
        %jit3A_1243 = arith.constant 0.000000e+00 : f32
        %broadcast_in_dim3A_1244 = vector.broadcast %jit3A_1243 : f32 to vector<16xf32>
        %select_n3A_1245 = arith.select %and3A_1241, %min3A_1242, %broadcast_in_dim3A_1244 : vector<16xi1>, vector<16xf32>
        %sub3A_1246 = arith.constant 1 : i32
        %sub3A_1247 = vector.broadcast %sub3A_1246 : i32 to vector<16xi32>
        %sub3A_1248 = arith.subi %iota3A, %sub3A_1247 : vector<16xi32>
        %max3A_1249 = arith.constant 0 : i32
        %max3A_1250 = vector.broadcast %max3A_1249 : i32 to vector<16xi32>
        %max3A_1251 = arith.maxsi %sub3A_1248, %max3A_1250 : vector<16xi32>
        %lt3A_1252 = arith.constant 0 : i32
        %lt3A_1253 = vector.broadcast %lt3A_1252 : i32 to vector<16xi32>
        %lt3A_1254 = arith.cmpi slt, %max3A_1251, %lt3A_1253 : vector<16xi32>
        %add3A_1255 = arith.constant 16 : i32
        %add3A_1256 = vector.broadcast %add3A_1255 : i32 to vector<16xi32>
        %add3A_1257 = arith.addi %max3A_1251, %add3A_1256 : vector<16xi32>
        %select_n3A_1258 = arith.select %lt3A_1254, %add3A_1257, %max3A_1251 : vector<16xi1>, vector<16xi32>
        %broadcast_in_dim3A_1259 = vector.shape_cast %select_n3A_1258 : vector<16xi32> to vector<16x1xi32>
        %gather3A_1260 = vector.shape_cast %broadcast_in_dim3A_1259 : vector<16x1xi32> to vector<16xi32>
        %gather3A_1261 = tpu.dynamic_gather %select_n3A_1245[%gather3A_1260] in [0] : vector<16xf32>, vector<16xi32> -> vector<16xf32>
        %ge3A_1262 = arith.constant 1 : i32
        %ge3A_1263 = vector.broadcast %ge3A_1262 : i32 to vector<16xi32>
        %ge3A_1264 = arith.cmpi sge, %iota3A, %ge3A_1263 : vector<16xi32>
        %jit3A_1265 = arith.constant 0.000000e+00 : f32
        %broadcast_in_dim3A_1266 = vector.broadcast %jit3A_1265 : f32 to vector<16xf32>
        %select_n3A_1267 = arith.select %ge3A_1264, %gather3A_1261, %broadcast_in_dim3A_1266 : vector<16xi1>, vector<16xf32>
        %add3A_1268 = arith.addf %select_n3A_1245, %select_n3A_1267 : vector<16xf32>
        %sub3A_1269 = arith.constant 2 : i32
        %sub3A_1270 = vector.broadcast %sub3A_1269 : i32 to vector<16xi32>
        %sub3A_1271 = arith.subi %iota3A, %sub3A_1270 : vector<16xi32>
        %max3A_1272 = arith.constant 0 : i32
        %max3A_1273 = vector.broadcast %max3A_1272 : i32 to vector<16xi32>
        %max3A_1274 = arith.maxsi %sub3A_1271, %max3A_1273 : vector<16xi32>
        %lt3A_1275 = arith.constant 0 : i32
        %lt3A_1276 = vector.broadcast %lt3A_1275 : i32 to vector<16xi32>
        %lt3A_1277 = arith.cmpi slt, %max3A_1274, %lt3A_1276 : vector<16xi32>
        %add3A_1278 = arith.constant 16 : i32
        %add3A_1279 = vector.broadcast %add3A_1278 : i32 to vector<16xi32>
        %add3A_1280 = arith.addi %max3A_1274, %add3A_1279 : vector<16xi32>
        %select_n3A_1281 = arith.select %lt3A_1277, %add3A_1280, %max3A_1274 : vector<16xi1>, vector<16xi32>
        %broadcast_in_dim3A_1282 = vector.shape_cast %select_n3A_1281 : vector<16xi32> to vector<16x1xi32>
        %gather3A_1283 = vector.shape_cast %broadcast_in_dim3A_1282 : vector<16x1xi32> to vector<16xi32>
        %gather3A_1284 = tpu.dynamic_gather %add3A_1268[%gather3A_1283] in [0] : vector<16xf32>, vector<16xi32> -> vector<16xf32>
        %ge3A_1285 = arith.constant 2 : i32
        %ge3A_1286 = vector.broadcast %ge3A_1285 : i32 to vector<16xi32>
        %ge3A_1287 = arith.cmpi sge, %iota3A, %ge3A_1286 : vector<16xi32>
        %jit3A_1288 = arith.constant 0.000000e+00 : f32
        %broadcast_in_dim3A_1289 = vector.broadcast %jit3A_1288 : f32 to vector<16xf32>
        %select_n3A_1290 = arith.select %ge3A_1287, %gather3A_1284, %broadcast_in_dim3A_1289 : vector<16xi1>, vector<16xf32>
        %add3A_1291 = arith.addf %add3A_1268, %select_n3A_1290 : vector<16xf32>
        %sub3A_1292 = arith.constant 4 : i32
        %sub3A_1293 = vector.broadcast %sub3A_1292 : i32 to vector<16xi32>
        %sub3A_1294 = arith.subi %iota3A, %sub3A_1293 : vector<16xi32>
        %max3A_1295 = arith.constant 0 : i32
        %max3A_1296 = vector.broadcast %max3A_1295 : i32 to vector<16xi32>
        %max3A_1297 = arith.maxsi %sub3A_1294, %max3A_1296 : vector<16xi32>
        %lt3A_1298 = arith.constant 0 : i32
        %lt3A_1299 = vector.broadcast %lt3A_1298 : i32 to vector<16xi32>
        %lt3A_1300 = arith.cmpi slt, %max3A_1297, %lt3A_1299 : vector<16xi32>
        %add3A_1301 = arith.constant 16 : i32
        %add3A_1302 = vector.broadcast %add3A_1301 : i32 to vector<16xi32>
        %add3A_1303 = arith.addi %max3A_1297, %add3A_1302 : vector<16xi32>
        %select_n3A_1304 = arith.select %lt3A_1300, %add3A_1303, %max3A_1297 : vector<16xi1>, vector<16xi32>
        %broadcast_in_dim3A_1305 = vector.shape_cast %select_n3A_1304 : vector<16xi32> to vector<16x1xi32>
        %gather3A_1306 = vector.shape_cast %broadcast_in_dim3A_1305 : vector<16x1xi32> to vector<16xi32>
        %gather3A_1307 = tpu.dynamic_gather %add3A_1291[%gather3A_1306] in [0] : vector<16xf32>, vector<16xi32> -> vector<16xf32>
        %ge3A_1308 = arith.constant 4 : i32
        %ge3A_1309 = vector.broadcast %ge3A_1308 : i32 to vector<16xi32>
        %ge3A_1310 = arith.cmpi sge, %iota3A, %ge3A_1309 : vector<16xi32>
        %jit3A_1311 = arith.constant 0.000000e+00 : f32
        %broadcast_in_dim3A_1312 = vector.broadcast %jit3A_1311 : f32 to vector<16xf32>
        %select_n3A_1313 = arith.select %ge3A_1310, %gather3A_1307, %broadcast_in_dim3A_1312 : vector<16xi1>, vector<16xf32>
        %add3A_1314 = arith.addf %add3A_1291, %select_n3A_1313 : vector<16xf32>
        %sub3A_1315 = arith.constant 8 : i32
        %sub3A_1316 = vector.broadcast %sub3A_1315 : i32 to vector<16xi32>
        %sub3A_1317 = arith.subi %iota3A, %sub3A_1316 : vector<16xi32>
        %max3A_1318 = arith.constant 0 : i32
        %max3A_1319 = vector.broadcast %max3A_1318 : i32 to vector<16xi32>
        %max3A_1320 = arith.maxsi %sub3A_1317, %max3A_1319 : vector<16xi32>
        %lt3A_1321 = arith.constant 0 : i32
        %lt3A_1322 = vector.broadcast %lt3A_1321 : i32 to vector<16xi32>
        %lt3A_1323 = arith.cmpi slt, %max3A_1320, %lt3A_1322 : vector<16xi32>
        %add3A_1324 = arith.constant 16 : i32
        %add3A_1325 = vector.broadcast %add3A_1324 : i32 to vector<16xi32>
        %add3A_1326 = arith.addi %max3A_1320, %add3A_1325 : vector<16xi32>
        %select_n3A_1327 = arith.select %lt3A_1323, %add3A_1326, %max3A_1320 : vector<16xi1>, vector<16xi32>
        %broadcast_in_dim3A_1328 = vector.shape_cast %select_n3A_1327 : vector<16xi32> to vector<16x1xi32>
        %gather3A_1329 = vector.shape_cast %broadcast_in_dim3A_1328 : vector<16x1xi32> to vector<16xi32>
        %gather3A_1330 = tpu.dynamic_gather %add3A_1314[%gather3A_1329] in [0] : vector<16xf32>, vector<16xi32> -> vector<16xf32>
        %ge3A_1331 = arith.constant 8 : i32
        %ge3A_1332 = vector.broadcast %ge3A_1331 : i32 to vector<16xi32>
        %ge3A_1333 = arith.cmpi sge, %iota3A, %ge3A_1332 : vector<16xi32>
        %jit3A_1334 = arith.constant 0.000000e+00 : f32
        %broadcast_in_dim3A_1335 = vector.broadcast %jit3A_1334 : f32 to vector<16xf32>
        %select_n3A_1336 = arith.select %ge3A_1333, %gather3A_1330, %broadcast_in_dim3A_1335 : vector<16xi1>, vector<16xf32>
        %add3A_1337 = arith.addf %add3A_1314, %select_n3A_1336 : vector<16xf32>
        %sub3A_1338 = arith.subf %add3A_1337, %select_n3A_1245 : vector<16xf32>
        %sub3A_1339 = vector.broadcast %max3A_1220 : f32 to vector<16xf32>
        %sub3A_1340 = arith.subf %sub3A_1339, %sub3A_1338 : vector<16xf32>
        %gt3A_1341 = arith.constant 0.000000e+00 : f32
        %gt3A_1342 = vector.broadcast %gt3A_1341 : f32 to vector<16xf32>
        %gt3A_1343 = arith.cmpf ogt, %sub3A_1340, %gt3A_1342 : vector<16xf32>
        %and3A_1344 = arith.andi %and3A_1241, %gt3A_1343 : vector<16xi1>
        %min3A_1345 = vector.broadcast %max3A_1220 : f32 to vector<16xf32>
        %min3A_1346 = arith.minimumf %min3A_1345, %add3A_1337 : vector<16xf32>
        %min3A_1347 = vector.broadcast %max3A_1220 : f32 to vector<16xf32>
        %min3A_1348 = arith.minimumf %min3A_1347, %sub3A_1338 : vector<16xf32>
        %sub3A_1349 = arith.subf %min3A_1346, %min3A_1348 : vector<16xf32>
        %jit3A_1350 = arith.constant 0.000000e+00 : f32
        %broadcast_in_dim3A_1351 = vector.broadcast %jit3A_1350 : f32 to vector<16xf32>
        %select_n3A_1352 = arith.select %and3A_1344, %sub3A_1349, %broadcast_in_dim3A_1351 : vector<16xi1>, vector<16xf32>
        %mul3A_1353 = arith.mulf %select_n3A_1352, %get3A_1234 : vector<16xf32>
        %jit3A_1354 = arith.constant 0.000000e+00 : f32
        %broadcast_in_dim3A_1355 = vector.broadcast %jit3A_1354 : f32 to vector<16xf32>
        %select_n3A_1356 = arith.select %and3A_1344, %mul3A_1353, %broadcast_in_dim3A_1355 : vector<16xi1>, vector<16xf32>
        %sub3A_1357 = arith.subf %get3A_1237, %select_n3A_1356 : vector<16xf32>
        %swap3A_1358 = arith.constant 112 : index
        %swap3A_1359 = tpu.vector_load %arg13[%swap3A_1358] {strides = array<i32>} : memref<128xf32, #tpu.memory_space<vmem>>, vector<16xf32>,
        %swap3A_1360 = vector.shape_cast %swap3A_1359 : vector<16xf32> to vector<16xf32>
        %swap3A_1361 = vector.shape_cast %sub3A_1357 : vector<16xf32> to vector<16xf32>
        tpu.vector_store %arg13[%swap3A_1358], %swap3A_1361 {strides = array<i32>} : memref<128xf32, #tpu.memory_space<vmem>>, vector<16xf32>,
        %swap3A_1362 = arith.constant 112 : index
        %swap3A_1363 = tpu.vector_load %arg17[%swap3A_1362] {strides = array<i32>} : memref<128xf32, #tpu.memory_space<vmem>>, vector<16xf32>,
        %swap3A_1364 = vector.shape_cast %swap3A_1363 : vector<16xf32> to vector<16xf32>
        %swap3A_1365 = vector.shape_cast %select_n3A_1352 : vector<16xf32> to vector<16xf32>
        tpu.vector_store %arg17[%swap3A_1362], %swap3A_1365 {strides = array<i32>} : memref<128xf32, #tpu.memory_space<vmem>>, vector<16xf32>,
        %sub3A_1366 = arith.constant 1.000000e+00 : f32
        %sub3A_1367 = vector.broadcast %sub3A_1366 : f32 to vector<16xf32>
        %sub3A_1368 = arith.subf %get3A_1234, %sub3A_1367 : vector<16xf32>
        %jit3A_1369 = arith.constant 0.000000e+00 : f32
        %broadcast_in_dim3A_1370 = vector.broadcast %jit3A_1369 : f32 to vector<16xf32>
        %select_n3A_1371 = arith.select %and3A_1344, %sub3A_1368, %broadcast_in_dim3A_1370 : vector<16xi1>, vector<16xf32>
        %swap3A_1372 = arith.constant 112 : index
        %swap3A_1373 = tpu.vector_load %arg18[%swap3A_1372] {strides = array<i32>} : memref<128xf32, #tpu.memory_space<vmem>>, vector<16xf32>,
        %swap3A_1374 = vector.shape_cast %swap3A_1373 : vector<16xf32> to vector<16xf32>
        %swap3A_1375 = vector.shape_cast %select_n3A_1371 : vector<16xf32> to vector<16xf32>
        tpu.vector_store %arg18[%swap3A_1372], %swap3A_1375 {strides = array<i32>} : memref<128xf32, #tpu.memory_space<vmem>>, vector<16xf32>,
        %slice3A_1376 = vector.extract_strided_slice %add3A_1337 {offsets = [15], sizes = [1], strides = [1]} : vector<16xf32> to vector<1xf32>
        %squeeze3A_1377 = vector.extract %slice3A_1376[0] : f32 from vector<1xf32>
        %sub3A_1378 = arith.subf %max3A_1220, %squeeze3A_1377 : f32
        %max3A_1379 = arith.constant 0.000000e+00 : f32
        %max3A_1380 = arith.maximumf %sub3A_1378, %max3A_1379 : f32
        "tpu.region"() ({
          %run_scoped3A = tpu.sem_alloc : memref<!tpu.dma_semaphore, #tpu.memory_space<semaphore_mem>>
          %dma_start3A = arith.constant 0 : i32
          %dma_start3A_1381 = tpu.memref_slice %arg8[%add3A, %dma_start3A] : memref<128x128xf32, #tpu.memory_space<hbm>> -> memref<1x128xf32, #tpu.memory_space<hbm>>
          %dma_start3A_1382 = tpu.memref_squeeze %dma_start3A_1381 : memref<1x128xf32, #tpu.memory_space<hbm>> -> memref<128xf32, #tpu.memory_space<hbm>>
          %dma_start3A_1383 = arith.constant 0 : i32
          %dma_start3A_1384 = tpu.memref_slice %arg8[%add3A, %dma_start3A_1383] : memref<128x128xf32, #tpu.memory_space<hbm>> -> memref<1x128xf32, #tpu.memory_space<hbm>>
          %dma_start3A_1385 = tpu.memref_squeeze %dma_start3A_1384 : memref<1x128xf32, #tpu.memory_space<hbm>> -> memref<128xf32, #tpu.memory_space<hbm>>
          tpu.enqueue_dma source(%arg17 : memref<128xf32, #tpu.memory_space<vmem>>) target(%dma_start3A_1385 : memref<128xf32, #tpu.memory_space<hbm>>) target_semaphore(%run_scoped3A : memref<!tpu.dma_semaphore, #tpu.memory_space<semaphore_mem>>)
          %dma_wait3A = arith.constant 0 : i32
          %dma_wait3A_1386 = tpu.memref_slice %arg8[%add3A, %dma_wait3A] : memref<128x128xf32, #tpu.memory_space<hbm>> -> memref<1x128xf32, #tpu.memory_space<hbm>>
          %dma_wait3A_1387 = tpu.memref_squeeze %dma_wait3A_1386 : memref<1x128xf32, #tpu.memory_space<hbm>> -> memref<128xf32, #tpu.memory_space<hbm>>
          %dma_wait3A_1388 = arith.constant 0 : i32
          %dma_wait3A_1389 = tpu.memref_slice %arg8[%add3A, %dma_wait3A_1388] : memref<128x128xf32, #tpu.memory_space<hbm>> -> memref<1x128xf32, #tpu.memory_space<hbm>>
          %dma_wait3A_1390 = tpu.memref_squeeze %dma_wait3A_1389 : memref<1x128xf32, #tpu.memory_space<hbm>> -> memref<128xf32, #tpu.memory_space<hbm>>
          tpu.wait_dma2 semaphore(%run_scoped3A : memref<!tpu.dma_semaphore, #tpu.memory_space<semaphore_mem>>) src(%arg17 : memref<128xf32, #tpu.memory_space<vmem>>) dst(%dma_wait3A_1390 : memref<128xf32, #tpu.memory_space<hbm>>)
          tpu.yield
        }) : () -> ()
        "tpu.region"() ({
          %run_scoped3A = tpu.sem_alloc : memref<!tpu.dma_semaphore, #tpu.memory_space<semaphore_mem>>
          %dma_start3A = arith.constant 0 : i32
          %dma_start3A_1381 = tpu.memref_slice %arg9[%add3A, %dma_start3A] : memref<128x128xf32, #tpu.memory_space<hbm>> -> memref<1x128xf32, #tpu.memory_space<hbm>>
          %dma_start3A_1382 = tpu.memref_squeeze %dma_start3A_1381 : memref<1x128xf32, #tpu.memory_space<hbm>> -> memref<128xf32, #tpu.memory_space<hbm>>
          %dma_start3A_1383 = arith.constant 0 : i32
          %dma_start3A_1384 = tpu.memref_slice %arg9[%add3A, %dma_start3A_1383] : memref<128x128xf32, #tpu.memory_space<hbm>> -> memref<1x128xf32, #tpu.memory_space<hbm>>
          %dma_start3A_1385 = tpu.memref_squeeze %dma_start3A_1384 : memref<1x128xf32, #tpu.memory_space<hbm>> -> memref<128xf32, #tpu.memory_space<hbm>>
          tpu.enqueue_dma source(%arg18 : memref<128xf32, #tpu.memory_space<vmem>>) target(%dma_start3A_1385 : memref<128xf32, #tpu.memory_space<hbm>>) target_semaphore(%run_scoped3A : memref<!tpu.dma_semaphore, #tpu.memory_space<semaphore_mem>>)
          %dma_wait3A = arith.constant 0 : i32
          %dma_wait3A_1386 = tpu.memref_slice %arg9[%add3A, %dma_wait3A] : memref<128x128xf32, #tpu.memory_space<hbm>> -> memref<1x128xf32, #tpu.memory_space<hbm>>
          %dma_wait3A_1387 = tpu.memref_squeeze %dma_wait3A_1386 : memref<1x128xf32, #tpu.memory_space<hbm>> -> memref<128xf32, #tpu.memory_space<hbm>>
          %dma_wait3A_1388 = arith.constant 0 : i32
          %dma_wait3A_1389 = tpu.memref_slice %arg9[%add3A, %dma_wait3A_1388] : memref<128x128xf32, #tpu.memory_space<hbm>> -> memref<1x128xf32, #tpu.memory_space<hbm>>
          %dma_wait3A_1390 = tpu.memref_squeeze %dma_wait3A_1389 : memref<1x128xf32, #tpu.memory_space<hbm>> -> memref<128xf32, #tpu.memory_space<hbm>>
          tpu.wait_dma2 semaphore(%run_scoped3A : memref<!tpu.dma_semaphore, #tpu.memory_space<semaphore_mem>>) src(%arg18 : memref<128xf32, #tpu.memory_space<vmem>>) dst(%dma_wait3A_1390 : memref<128xf32, #tpu.memory_space<hbm>>)
          tpu.yield
        }) : () -> ()
      }
      %while3A_17 = arith.constant 1 : i32
      scf.for %while3A_104 = %while3A_15 to %while3A_11 step %while3A_17  : i32 {
        %add3A = arith.addi %convert_element_type3A_5, %while3A_104 : i32
        %get3A_105 = arith.index_cast %add3A : i32 to index
        %get3A_106 = tpu.vector_load %arg14[%get3A_105] {strides = array<i32>} : memref<256xf32, #tpu.memory_space<vmem>>, vector<16xf32>,
        %get3A_107 = vector.shape_cast %get3A_106 : vector<16xf32> to vector<16xf32>
        %slice3A_108 = vector.extract_strided_slice %get3A_107 {offsets = [0], sizes = [1], strides = [1]} : vector<16xf32> to vector<1xf32>
        %squeeze3A_109 = vector.extract %slice3A_108[0] : f32 from vector<1xf32>
        %get3A_110 = arith.constant 0 : index
        %get3A_111 = tpu.vector_load %arg15[%get3A_110] {strides = array<i32>} : memref<128xf32, #tpu.memory_space<vmem>>, vector<16xf32>,
        %get3A_112 = vector.shape_cast %get3A_111 : vector<16xf32> to vector<16xf32>
        %gt3A = arith.constant 5.000000e-01 : f32
        %gt3A_113 = vector.broadcast %gt3A : f32 to vector<16xf32>
        %gt3A_114 = arith.cmpf ogt, %get3A_112, %gt3A_113 : vector<16xf32>
        %get3A_115 = arith.index_cast %add3A : i32 to index
        %get3A_116 = arith.constant 0 : index
        %get3A_117 = tpu.vector_load %arg11[%get3A_115, %get3A_116] {strides = array<i32>} : memref<128x128xf32, #tpu.memory_space<vmem>>, vector<1x16xf32>,
        %get3A_118 = vector.shape_cast %get3A_117 : vector<1x16xf32> to vector<16xf32>
        %get3A_119 = arith.index_cast %add3A : i32 to index
        %get3A_120 = arith.constant 0 : index
        %get3A_121 = tpu.vector_load %arg12[%get3A_119, %get3A_120] {strides = array<i32>} : memref<128x128xf32, #tpu.memory_space<vmem>>, vector<1x16xf32>,
        %get3A_122 = vector.shape_cast %get3A_121 : vector<1x16xf32> to vector<16xf32>
        %get3A_123 = arith.constant 0 : index
        %get3A_124 = tpu.vector_load %arg13[%get3A_123] {strides = array<i32>} : memref<128xf32, #tpu.memory_space<vmem>>, vector<16xf32>,
        %get3A_125 = vector.shape_cast %get3A_124 : vector<16xf32> to vector<16xf32>
        %gt3A_126 = arith.constant 0.000000e+00 : f32
        %gt3A_127 = vector.broadcast %gt3A_126 : f32 to vector<16xf32>
        %gt3A_128 = arith.cmpf ogt, %get3A_125, %gt3A_127 : vector<16xf32>
        %and3A_129 = arith.andi %gt3A_114, %gt3A_128 : vector<16xi1>
        %min3A = arith.minimumf %get3A_125, %get3A_118 : vector<16xf32>
        %jit3A = arith.constant 0.000000e+00 : f32
        %broadcast_in_dim3A = vector.broadcast %jit3A : f32 to vector<16xf32>
        %select_n3A = arith.select %and3A_129, %min3A, %broadcast_in_dim3A : vector<16xi1>, vector<16xf32>
        %sub3A = arith.constant 1 : i32
        %sub3A_130 = vector.broadcast %sub3A : i32 to vector<16xi32>
        %sub3A_131 = arith.subi %iota3A, %sub3A_130 : vector<16xi32>
        %max3A = arith.constant 0 : i32
        %max3A_132 = vector.broadcast %max3A : i32 to vector<16xi32>
        %max3A_133 = arith.maxsi %sub3A_131, %max3A_132 : vector<16xi32>
        %lt3A_134 = arith.constant 0 : i32
        %lt3A_135 = vector.broadcast %lt3A_134 : i32 to vector<16xi32>
        %lt3A_136 = arith.cmpi slt, %max3A_133, %lt3A_135 : vector<16xi32>
        %add3A_137 = arith.constant 16 : i32
        %add3A_138 = vector.broadcast %add3A_137 : i32 to vector<16xi32>
        %add3A_139 = arith.addi %max3A_133, %add3A_138 : vector<16xi32>
        %select_n3A_140 = arith.select %lt3A_136, %add3A_139, %max3A_133 : vector<16xi1>, vector<16xi32>
        %broadcast_in_dim3A_141 = vector.shape_cast %select_n3A_140 : vector<16xi32> to vector<16x1xi32>
        %gather3A = vector.shape_cast %broadcast_in_dim3A_141 : vector<16x1xi32> to vector<16xi32>
        %gather3A_142 = tpu.dynamic_gather %select_n3A[%gather3A] in [0] : vector<16xf32>, vector<16xi32> -> vector<16xf32>
        %ge3A = arith.constant 1 : i32
        %ge3A_143 = vector.broadcast %ge3A : i32 to vector<16xi32>
        %ge3A_144 = arith.cmpi sge, %iota3A, %ge3A_143 : vector<16xi32>
        %jit3A_145 = arith.constant 0.000000e+00 : f32
        %broadcast_in_dim3A_146 = vector.broadcast %jit3A_145 : f32 to vector<16xf32>
        %select_n3A_147 = arith.select %ge3A_144, %gather3A_142, %broadcast_in_dim3A_146 : vector<16xi1>, vector<16xf32>
        %add3A_148 = arith.addf %select_n3A, %select_n3A_147 : vector<16xf32>
        %sub3A_149 = arith.constant 2 : i32
        %sub3A_150 = vector.broadcast %sub3A_149 : i32 to vector<16xi32>
        %sub3A_151 = arith.subi %iota3A, %sub3A_150 : vector<16xi32>
        %max3A_152 = arith.constant 0 : i32
        %max3A_153 = vector.broadcast %max3A_152 : i32 to vector<16xi32>
        %max3A_154 = arith.maxsi %sub3A_151, %max3A_153 : vector<16xi32>
        %lt3A_155 = arith.constant 0 : i32
        %lt3A_156 = vector.broadcast %lt3A_155 : i32 to vector<16xi32>
        %lt3A_157 = arith.cmpi slt, %max3A_154, %lt3A_156 : vector<16xi32>
        %add3A_158 = arith.constant 16 : i32
        %add3A_159 = vector.broadcast %add3A_158 : i32 to vector<16xi32>
        %add3A_160 = arith.addi %max3A_154, %add3A_159 : vector<16xi32>
        %select_n3A_161 = arith.select %lt3A_157, %add3A_160, %max3A_154 : vector<16xi1>, vector<16xi32>
        %broadcast_in_dim3A_162 = vector.shape_cast %select_n3A_161 : vector<16xi32> to vector<16x1xi32>
        %gather3A_163 = vector.shape_cast %broadcast_in_dim3A_162 : vector<16x1xi32> to vector<16xi32>
        %gather3A_164 = tpu.dynamic_gather %add3A_148[%gather3A_163] in [0] : vector<16xf32>, vector<16xi32> -> vector<16xf32>
        %ge3A_165 = arith.constant 2 : i32
        %ge3A_166 = vector.broadcast %ge3A_165 : i32 to vector<16xi32>
        %ge3A_167 = arith.cmpi sge, %iota3A, %ge3A_166 : vector<16xi32>
        %jit3A_168 = arith.constant 0.000000e+00 : f32
        %broadcast_in_dim3A_169 = vector.broadcast %jit3A_168 : f32 to vector<16xf32>
        %select_n3A_170 = arith.select %ge3A_167, %gather3A_164, %broadcast_in_dim3A_169 : vector<16xi1>, vector<16xf32>
        %add3A_171 = arith.addf %add3A_148, %select_n3A_170 : vector<16xf32>
        %sub3A_172 = arith.constant 4 : i32
        %sub3A_173 = vector.broadcast %sub3A_172 : i32 to vector<16xi32>
        %sub3A_174 = arith.subi %iota3A, %sub3A_173 : vector<16xi32>
        %max3A_175 = arith.constant 0 : i32
        %max3A_176 = vector.broadcast %max3A_175 : i32 to vector<16xi32>
        %max3A_177 = arith.maxsi %sub3A_174, %max3A_176 : vector<16xi32>
        %lt3A_178 = arith.constant 0 : i32
        %lt3A_179 = vector.broadcast %lt3A_178 : i32 to vector<16xi32>
        %lt3A_180 = arith.cmpi slt, %max3A_177, %lt3A_179 : vector<16xi32>
        %add3A_181 = arith.constant 16 : i32
        %add3A_182 = vector.broadcast %add3A_181 : i32 to vector<16xi32>
        %add3A_183 = arith.addi %max3A_177, %add3A_182 : vector<16xi32>
        %select_n3A_184 = arith.select %lt3A_180, %add3A_183, %max3A_177 : vector<16xi1>, vector<16xi32>
        %broadcast_in_dim3A_185 = vector.shape_cast %select_n3A_184 : vector<16xi32> to vector<16x1xi32>
        %gather3A_186 = vector.shape_cast %broadcast_in_dim3A_185 : vector<16x1xi32> to vector<16xi32>
        %gather3A_187 = tpu.dynamic_gather %add3A_171[%gather3A_186] in [0] : vector<16xf32>, vector<16xi32> -> vector<16xf32>
        %ge3A_188 = arith.constant 4 : i32
        %ge3A_189 = vector.broadcast %ge3A_188 : i32 to vector<16xi32>
        %ge3A_190 = arith.cmpi sge, %iota3A, %ge3A_189 : vector<16xi32>
        %jit3A_191 = arith.constant 0.000000e+00 : f32
        %broadcast_in_dim3A_192 = vector.broadcast %jit3A_191 : f32 to vector<16xf32>
        %select_n3A_193 = arith.select %ge3A_190, %gather3A_187, %broadcast_in_dim3A_192 : vector<16xi1>, vector<16xf32>
        %add3A_194 = arith.addf %add3A_171, %select_n3A_193 : vector<16xf32>
        %sub3A_195 = arith.constant 8 : i32
        %sub3A_196 = vector.broadcast %sub3A_195 : i32 to vector<16xi32>
        %sub3A_197 = arith.subi %iota3A, %sub3A_196 : vector<16xi32>
        %max3A_198 = arith.constant 0 : i32
        %max3A_199 = vector.broadcast %max3A_198 : i32 to vector<16xi32>
        %max3A_200 = arith.maxsi %sub3A_197, %max3A_199 : vector<16xi32>
        %lt3A_201 = arith.constant 0 : i32
        %lt3A_202 = vector.broadcast %lt3A_201 : i32 to vector<16xi32>
        %lt3A_203 = arith.cmpi slt, %max3A_200, %lt3A_202 : vector<16xi32>
        %add3A_204 = arith.constant 16 : i32
        %add3A_205 = vector.broadcast %add3A_204 : i32 to vector<16xi32>
        %add3A_206 = arith.addi %max3A_200, %add3A_205 : vector<16xi32>
        %select_n3A_207 = arith.select %lt3A_203, %add3A_206, %max3A_200 : vector<16xi1>, vector<16xi32>
        %broadcast_in_dim3A_208 = vector.shape_cast %select_n3A_207 : vector<16xi32> to vector<16x1xi32>
        %gather3A_209 = vector.shape_cast %broadcast_in_dim3A_208 : vector<16x1xi32> to vector<16xi32>
        %gather3A_210 = tpu.dynamic_gather %add3A_194[%gather3A_209] in [0] : vector<16xf32>, vector<16xi32> -> vector<16xf32>
        %ge3A_211 = arith.constant 8 : i32
        %ge3A_212 = vector.broadcast %ge3A_211 : i32 to vector<16xi32>
        %ge3A_213 = arith.cmpi sge, %iota3A, %ge3A_212 : vector<16xi32>
        %jit3A_214 = arith.constant 0.000000e+00 : f32
        %broadcast_in_dim3A_215 = vector.broadcast %jit3A_214 : f32 to vector<16xf32>
        %select_n3A_216 = arith.select %ge3A_213, %gather3A_210, %broadcast_in_dim3A_215 : vector<16xi1>, vector<16xf32>
        %add3A_217 = arith.addf %add3A_194, %select_n3A_216 : vector<16xf32>
        %sub3A_218 = arith.subf %add3A_217, %select_n3A : vector<16xf32>
        %sub3A_219 = vector.broadcast %squeeze3A_109 : f32 to vector<16xf32>
        %sub3A_220 = arith.subf %sub3A_219, %sub3A_218 : vector<16xf32>
        %gt3A_221 = arith.constant 0.000000e+00 : f32
        %gt3A_222 = vector.broadcast %gt3A_221 : f32 to vector<16xf32>
        %gt3A_223 = arith.cmpf ogt, %sub3A_220, %gt3A_222 : vector<16xf32>
        %and3A_224 = arith.andi %and3A_129, %gt3A_223 : vector<16xi1>
        %min3A_225 = vector.broadcast %squeeze3A_109 : f32 to vector<16xf32>
        %min3A_226 = arith.minimumf %min3A_225, %add3A_217 : vector<16xf32>
        %min3A_227 = vector.broadcast %squeeze3A_109 : f32 to vector<16xf32>
        %min3A_228 = arith.minimumf %min3A_227, %sub3A_218 : vector<16xf32>
        %sub3A_229 = arith.subf %min3A_226, %min3A_228 : vector<16xf32>
        %jit3A_230 = arith.constant 0.000000e+00 : f32
        %broadcast_in_dim3A_231 = vector.broadcast %jit3A_230 : f32 to vector<16xf32>
        %select_n3A_232 = arith.select %and3A_224, %sub3A_229, %broadcast_in_dim3A_231 : vector<16xi1>, vector<16xf32>
        %mul3A_233 = arith.mulf %select_n3A_232, %get3A_122 : vector<16xf32>
        %jit3A_234 = arith.constant 0.000000e+00 : f32
        %broadcast_in_dim3A_235 = vector.broadcast %jit3A_234 : f32 to vector<16xf32>
        %select_n3A_236 = arith.select %and3A_224, %mul3A_233, %broadcast_in_dim3A_235 : vector<16xi1>, vector<16xf32>
        %sub3A_237 = arith.subf %get3A_125, %select_n3A_236 : vector<16xf32>
        %swap3A_238 = arith.constant 0 : index
        %swap3A_239 = tpu.vector_load %arg13[%swap3A_238] {strides = array<i32>} : memref<128xf32, #tpu.memory_space<vmem>>, vector<16xf32>,
        %swap3A_240 = vector.shape_cast %swap3A_239 : vector<16xf32> to vector<16xf32>
        %swap3A_241 = vector.shape_cast %sub3A_237 : vector<16xf32> to vector<16xf32>
        tpu.vector_store %arg13[%swap3A_238], %swap3A_241 {strides = array<i32>} : memref<128xf32, #tpu.memory_space<vmem>>, vector<16xf32>,
        %swap3A_242 = arith.constant 0 : index
        %swap3A_243 = tpu.vector_load %arg17[%swap3A_242] {strides = array<i32>} : memref<128xf32, #tpu.memory_space<vmem>>, vector<16xf32>,
        %swap3A_244 = vector.shape_cast %swap3A_243 : vector<16xf32> to vector<16xf32>
        %swap3A_245 = vector.shape_cast %select_n3A_232 : vector<16xf32> to vector<16xf32>
        tpu.vector_store %arg17[%swap3A_242], %swap3A_245 {strides = array<i32>} : memref<128xf32, #tpu.memory_space<vmem>>, vector<16xf32>,
        %sub3A_246 = arith.constant 1.000000e+00 : f32
        %sub3A_247 = vector.broadcast %sub3A_246 : f32 to vector<16xf32>
        %sub3A_248 = arith.subf %get3A_122, %sub3A_247 : vector<16xf32>
        %jit3A_249 = arith.constant 0.000000e+00 : f32
        %broadcast_in_dim3A_250 = vector.broadcast %jit3A_249 : f32 to vector<16xf32>
        %select_n3A_251 = arith.select %and3A_224, %sub3A_248, %broadcast_in_dim3A_250 : vector<16xi1>, vector<16xf32>
        %swap3A_252 = arith.constant 0 : index
        %swap3A_253 = tpu.vector_load %arg18[%swap3A_252] {strides = array<i32>} : memref<128xf32, #tpu.memory_space<vmem>>, vector<16xf32>,
        %swap3A_254 = vector.shape_cast %swap3A_253 : vector<16xf32> to vector<16xf32>
        %swap3A_255 = vector.shape_cast %select_n3A_251 : vector<16xf32> to vector<16xf32>
        tpu.vector_store %arg18[%swap3A_252], %swap3A_255 {strides = array<i32>} : memref<128xf32, #tpu.memory_space<vmem>>, vector<16xf32>,
        %slice3A_256 = vector.extract_strided_slice %add3A_217 {offsets = [15], sizes = [1], strides = [1]} : vector<16xf32> to vector<1xf32>
        %squeeze3A_257 = vector.extract %slice3A_256[0] : f32 from vector<1xf32>
        %sub3A_258 = arith.subf %squeeze3A_109, %squeeze3A_257 : f32
        %max3A_259 = arith.constant 0.000000e+00 : f32
        %max3A_260 = arith.maximumf %sub3A_258, %max3A_259 : f32
        %get3A_261 = arith.constant 16 : index
        %get3A_262 = tpu.vector_load %arg15[%get3A_261] {strides = array<i32>} : memref<128xf32, #tpu.memory_space<vmem>>, vector<16xf32>,
        %get3A_263 = vector.shape_cast %get3A_262 : vector<16xf32> to vector<16xf32>
        %gt3A_264 = arith.constant 5.000000e-01 : f32
        %gt3A_265 = vector.broadcast %gt3A_264 : f32 to vector<16xf32>
        %gt3A_266 = arith.cmpf ogt, %get3A_263, %gt3A_265 : vector<16xf32>
        %get3A_267 = arith.index_cast %add3A : i32 to index
        %get3A_268 = arith.constant 16 : index
        %get3A_269 = tpu.vector_load %arg11[%get3A_267, %get3A_268] {strides = array<i32>} : memref<128x128xf32, #tpu.memory_space<vmem>>, vector<1x16xf32>,
        %get3A_270 = vector.shape_cast %get3A_269 : vector<1x16xf32> to vector<16xf32>
        %get3A_271 = arith.index_cast %add3A : i32 to index
        %get3A_272 = arith.constant 16 : index
        %get3A_273 = tpu.vector_load %arg12[%get3A_271, %get3A_272] {strides = array<i32>} : memref<128x128xf32, #tpu.memory_space<vmem>>, vector<1x16xf32>,
        %get3A_274 = vector.shape_cast %get3A_273 : vector<1x16xf32> to vector<16xf32>
        %get3A_275 = arith.constant 16 : index
        %get3A_276 = tpu.vector_load %arg13[%get3A_275] {strides = array<i32>} : memref<128xf32, #tpu.memory_space<vmem>>, vector<16xf32>,
        %get3A_277 = vector.shape_cast %get3A_276 : vector<16xf32> to vector<16xf32>
        %gt3A_278 = arith.constant 0.000000e+00 : f32
        %gt3A_279 = vector.broadcast %gt3A_278 : f32 to vector<16xf32>
        %gt3A_280 = arith.cmpf ogt, %get3A_277, %gt3A_279 : vector<16xf32>
        %and3A_281 = arith.andi %gt3A_266, %gt3A_280 : vector<16xi1>
        %min3A_282 = arith.minimumf %get3A_277, %get3A_270 : vector<16xf32>
        %jit3A_283 = arith.constant 0.000000e+00 : f32
        %broadcast_in_dim3A_284 = vector.broadcast %jit3A_283 : f32 to vector<16xf32>
        %select_n3A_285 = arith.select %and3A_281, %min3A_282, %broadcast_in_dim3A_284 : vector<16xi1>, vector<16xf32>
        %sub3A_286 = arith.constant 1 : i32
        %sub3A_287 = vector.broadcast %sub3A_286 : i32 to vector<16xi32>
        %sub3A_288 = arith.subi %iota3A, %sub3A_287 : vector<16xi32>
        %max3A_289 = arith.constant 0 : i32
        %max3A_290 = vector.broadcast %max3A_289 : i32 to vector<16xi32>
        %max3A_291 = arith.maxsi %sub3A_288, %max3A_290 : vector<16xi32>
        %lt3A_292 = arith.constant 0 : i32
        %lt3A_293 = vector.broadcast %lt3A_292 : i32 to vector<16xi32>
        %lt3A_294 = arith.cmpi slt, %max3A_291, %lt3A_293 : vector<16xi32>
        %add3A_295 = arith.constant 16 : i32
        %add3A_296 = vector.broadcast %add3A_295 : i32 to vector<16xi32>
        %add3A_297 = arith.addi %max3A_291, %add3A_296 : vector<16xi32>
        %select_n3A_298 = arith.select %lt3A_294, %add3A_297, %max3A_291 : vector<16xi1>, vector<16xi32>
        %broadcast_in_dim3A_299 = vector.shape_cast %select_n3A_298 : vector<16xi32> to vector<16x1xi32>
        %gather3A_300 = vector.shape_cast %broadcast_in_dim3A_299 : vector<16x1xi32> to vector<16xi32>
        %gather3A_301 = tpu.dynamic_gather %select_n3A_285[%gather3A_300] in [0] : vector<16xf32>, vector<16xi32> -> vector<16xf32>
        %ge3A_302 = arith.constant 1 : i32
        %ge3A_303 = vector.broadcast %ge3A_302 : i32 to vector<16xi32>
        %ge3A_304 = arith.cmpi sge, %iota3A, %ge3A_303 : vector<16xi32>
        %jit3A_305 = arith.constant 0.000000e+00 : f32
        %broadcast_in_dim3A_306 = vector.broadcast %jit3A_305 : f32 to vector<16xf32>
        %select_n3A_307 = arith.select %ge3A_304, %gather3A_301, %broadcast_in_dim3A_306 : vector<16xi1>, vector<16xf32>
        %add3A_308 = arith.addf %select_n3A_285, %select_n3A_307 : vector<16xf32>
        %sub3A_309 = arith.constant 2 : i32
        %sub3A_310 = vector.broadcast %sub3A_309 : i32 to vector<16xi32>
        %sub3A_311 = arith.subi %iota3A, %sub3A_310 : vector<16xi32>
        %max3A_312 = arith.constant 0 : i32
        %max3A_313 = vector.broadcast %max3A_312 : i32 to vector<16xi32>
        %max3A_314 = arith.maxsi %sub3A_311, %max3A_313 : vector<16xi32>
        %lt3A_315 = arith.constant 0 : i32
        %lt3A_316 = vector.broadcast %lt3A_315 : i32 to vector<16xi32>
        %lt3A_317 = arith.cmpi slt, %max3A_314, %lt3A_316 : vector<16xi32>
        %add3A_318 = arith.constant 16 : i32
        %add3A_319 = vector.broadcast %add3A_318 : i32 to vector<16xi32>
        %add3A_320 = arith.addi %max3A_314, %add3A_319 : vector<16xi32>
        %select_n3A_321 = arith.select %lt3A_317, %add3A_320, %max3A_314 : vector<16xi1>, vector<16xi32>
        %broadcast_in_dim3A_322 = vector.shape_cast %select_n3A_321 : vector<16xi32> to vector<16x1xi32>
        %gather3A_323 = vector.shape_cast %broadcast_in_dim3A_322 : vector<16x1xi32> to vector<16xi32>
        %gather3A_324 = tpu.dynamic_gather %add3A_308[%gather3A_323] in [0] : vector<16xf32>, vector<16xi32> -> vector<16xf32>
        %ge3A_325 = arith.constant 2 : i32
        %ge3A_326 = vector.broadcast %ge3A_325 : i32 to vector<16xi32>
        %ge3A_327 = arith.cmpi sge, %iota3A, %ge3A_326 : vector<16xi32>
        %jit3A_328 = arith.constant 0.000000e+00 : f32
        %broadcast_in_dim3A_329 = vector.broadcast %jit3A_328 : f32 to vector<16xf32>
        %select_n3A_330 = arith.select %ge3A_327, %gather3A_324, %broadcast_in_dim3A_329 : vector<16xi1>, vector<16xf32>
        %add3A_331 = arith.addf %add3A_308, %select_n3A_330 : vector<16xf32>
        %sub3A_332 = arith.constant 4 : i32
        %sub3A_333 = vector.broadcast %sub3A_332 : i32 to vector<16xi32>
        %sub3A_334 = arith.subi %iota3A, %sub3A_333 : vector<16xi32>
        %max3A_335 = arith.constant 0 : i32
        %max3A_336 = vector.broadcast %max3A_335 : i32 to vector<16xi32>
        %max3A_337 = arith.maxsi %sub3A_334, %max3A_336 : vector<16xi32>
        %lt3A_338 = arith.constant 0 : i32
        %lt3A_339 = vector.broadcast %lt3A_338 : i32 to vector<16xi32>
        %lt3A_340 = arith.cmpi slt, %max3A_337, %lt3A_339 : vector<16xi32>
        %add3A_341 = arith.constant 16 : i32
        %add3A_342 = vector.broadcast %add3A_341 : i32 to vector<16xi32>
        %add3A_343 = arith.addi %max3A_337, %add3A_342 : vector<16xi32>
        %select_n3A_344 = arith.select %lt3A_340, %add3A_343, %max3A_337 : vector<16xi1>, vector<16xi32>
        %broadcast_in_dim3A_345 = vector.shape_cast %select_n3A_344 : vector<16xi32> to vector<16x1xi32>
        %gather3A_346 = vector.shape_cast %broadcast_in_dim3A_345 : vector<16x1xi32> to vector<16xi32>
        %gather3A_347 = tpu.dynamic_gather %add3A_331[%gather3A_346] in [0] : vector<16xf32>, vector<16xi32> -> vector<16xf32>
        %ge3A_348 = arith.constant 4 : i32
        %ge3A_349 = vector.broadcast %ge3A_348 : i32 to vector<16xi32>
        %ge3A_350 = arith.cmpi sge, %iota3A, %ge3A_349 : vector<16xi32>
        %jit3A_351 = arith.constant 0.000000e+00 : f32
        %broadcast_in_dim3A_352 = vector.broadcast %jit3A_351 : f32 to vector<16xf32>
        %select_n3A_353 = arith.select %ge3A_350, %gather3A_347, %broadcast_in_dim3A_352 : vector<16xi1>, vector<16xf32>
        %add3A_354 = arith.addf %add3A_331, %select_n3A_353 : vector<16xf32>
        %sub3A_355 = arith.constant 8 : i32
        %sub3A_356 = vector.broadcast %sub3A_355 : i32 to vector<16xi32>
        %sub3A_357 = arith.subi %iota3A, %sub3A_356 : vector<16xi32>
        %max3A_358 = arith.constant 0 : i32
        %max3A_359 = vector.broadcast %max3A_358 : i32 to vector<16xi32>
        %max3A_360 = arith.maxsi %sub3A_357, %max3A_359 : vector<16xi32>
        %lt3A_361 = arith.constant 0 : i32
        %lt3A_362 = vector.broadcast %lt3A_361 : i32 to vector<16xi32>
        %lt3A_363 = arith.cmpi slt, %max3A_360, %lt3A_362 : vector<16xi32>
        %add3A_364 = arith.constant 16 : i32
        %add3A_365 = vector.broadcast %add3A_364 : i32 to vector<16xi32>
        %add3A_366 = arith.addi %max3A_360, %add3A_365 : vector<16xi32>
        %select_n3A_367 = arith.select %lt3A_363, %add3A_366, %max3A_360 : vector<16xi1>, vector<16xi32>
        %broadcast_in_dim3A_368 = vector.shape_cast %select_n3A_367 : vector<16xi32> to vector<16x1xi32>
        %gather3A_369 = vector.shape_cast %broadcast_in_dim3A_368 : vector<16x1xi32> to vector<16xi32>
        %gather3A_370 = tpu.dynamic_gather %add3A_354[%gather3A_369] in [0] : vector<16xf32>, vector<16xi32> -> vector<16xf32>
        %ge3A_371 = arith.constant 8 : i32
        %ge3A_372 = vector.broadcast %ge3A_371 : i32 to vector<16xi32>
        %ge3A_373 = arith.cmpi sge, %iota3A, %ge3A_372 : vector<16xi32>
        %jit3A_374 = arith.constant 0.000000e+00 : f32
        %broadcast_in_dim3A_375 = vector.broadcast %jit3A_374 : f32 to vector<16xf32>
        %select_n3A_376 = arith.select %ge3A_373, %gather3A_370, %broadcast_in_dim3A_375 : vector<16xi1>, vector<16xf32>
        %add3A_377 = arith.addf %add3A_354, %select_n3A_376 : vector<16xf32>
        %sub3A_378 = arith.subf %add3A_377, %select_n3A_285 : vector<16xf32>
        %sub3A_379 = vector.broadcast %max3A_260 : f32 to vector<16xf32>
        %sub3A_380 = arith.subf %sub3A_379, %sub3A_378 : vector<16xf32>
        %gt3A_381 = arith.constant 0.000000e+00 : f32
        %gt3A_382 = vector.broadcast %gt3A_381 : f32 to vector<16xf32>
        %gt3A_383 = arith.cmpf ogt, %sub3A_380, %gt3A_382 : vector<16xf32>
        %and3A_384 = arith.andi %and3A_281, %gt3A_383 : vector<16xi1>
        %min3A_385 = vector.broadcast %max3A_260 : f32 to vector<16xf32>
        %min3A_386 = arith.minimumf %min3A_385, %add3A_377 : vector<16xf32>
        %min3A_387 = vector.broadcast %max3A_260 : f32 to vector<16xf32>
        %min3A_388 = arith.minimumf %min3A_387, %sub3A_378 : vector<16xf32>
        %sub3A_389 = arith.subf %min3A_386, %min3A_388 : vector<16xf32>
        %jit3A_390 = arith.constant 0.000000e+00 : f32
        %broadcast_in_dim3A_391 = vector.broadcast %jit3A_390 : f32 to vector<16xf32>
        %select_n3A_392 = arith.select %and3A_384, %sub3A_389, %broadcast_in_dim3A_391 : vector<16xi1>, vector<16xf32>
        %mul3A_393 = arith.mulf %select_n3A_392, %get3A_274 : vector<16xf32>
        %jit3A_394 = arith.constant 0.000000e+00 : f32
        %broadcast_in_dim3A_395 = vector.broadcast %jit3A_394 : f32 to vector<16xf32>
        %select_n3A_396 = arith.select %and3A_384, %mul3A_393, %broadcast_in_dim3A_395 : vector<16xi1>, vector<16xf32>
        %sub3A_397 = arith.subf %get3A_277, %select_n3A_396 : vector<16xf32>
        %swap3A_398 = arith.constant 16 : index
        %swap3A_399 = tpu.vector_load %arg13[%swap3A_398] {strides = array<i32>} : memref<128xf32, #tpu.memory_space<vmem>>, vector<16xf32>,
        %swap3A_400 = vector.shape_cast %swap3A_399 : vector<16xf32> to vector<16xf32>
        %swap3A_401 = vector.shape_cast %sub3A_397 : vector<16xf32> to vector<16xf32>
        tpu.vector_store %arg13[%swap3A_398], %swap3A_401 {strides = array<i32>} : memref<128xf32, #tpu.memory_space<vmem>>, vector<16xf32>,
        %swap3A_402 = arith.constant 16 : index
        %swap3A_403 = tpu.vector_load %arg17[%swap3A_402] {strides = array<i32>} : memref<128xf32, #tpu.memory_space<vmem>>, vector<16xf32>,
        %swap3A_404 = vector.shape_cast %swap3A_403 : vector<16xf32> to vector<16xf32>
        %swap3A_405 = vector.shape_cast %select_n3A_392 : vector<16xf32> to vector<16xf32>
        tpu.vector_store %arg17[%swap3A_402], %swap3A_405 {strides = array<i32>} : memref<128xf32, #tpu.memory_space<vmem>>, vector<16xf32>,
        %sub3A_406 = arith.constant 1.000000e+00 : f32
        %sub3A_407 = vector.broadcast %sub3A_406 : f32 to vector<16xf32>
        %sub3A_408 = arith.subf %get3A_274, %sub3A_407 : vector<16xf32>
        %jit3A_409 = arith.constant 0.000000e+00 : f32
        %broadcast_in_dim3A_410 = vector.broadcast %jit3A_409 : f32 to vector<16xf32>
        %select_n3A_411 = arith.select %and3A_384, %sub3A_408, %broadcast_in_dim3A_410 : vector<16xi1>, vector<16xf32>
        %swap3A_412 = arith.constant 16 : index
        %swap3A_413 = tpu.vector_load %arg18[%swap3A_412] {strides = array<i32>} : memref<128xf32, #tpu.memory_space<vmem>>, vector<16xf32>,
        %swap3A_414 = vector.shape_cast %swap3A_413 : vector<16xf32> to vector<16xf32>
        %swap3A_415 = vector.shape_cast %select_n3A_411 : vector<16xf32> to vector<16xf32>
        tpu.vector_store %arg18[%swap3A_412], %swap3A_415 {strides = array<i32>} : memref<128xf32, #tpu.memory_space<vmem>>, vector<16xf32>,
        %slice3A_416 = vector.extract_strided_slice %add3A_377 {offsets = [15], sizes = [1], strides = [1]} : vector<16xf32> to vector<1xf32>
        %squeeze3A_417 = vector.extract %slice3A_416[0] : f32 from vector<1xf32>
        %sub3A_418 = arith.subf %max3A_260, %squeeze3A_417 : f32
        %max3A_419 = arith.constant 0.000000e+00 : f32
        %max3A_420 = arith.maximumf %sub3A_418, %max3A_419 : f32
        %get3A_421 = arith.constant 32 : index
        %get3A_422 = tpu.vector_load %arg15[%get3A_421] {strides = array<i32>} : memref<128xf32, #tpu.memory_space<vmem>>, vector<16xf32>,
        %get3A_423 = vector.shape_cast %get3A_422 : vector<16xf32> to vector<16xf32>
        %gt3A_424 = arith.constant 5.000000e-01 : f32
        %gt3A_425 = vector.broadcast %gt3A_424 : f32 to vector<16xf32>
        %gt3A_426 = arith.cmpf ogt, %get3A_423, %gt3A_425 : vector<16xf32>
        %get3A_427 = arith.index_cast %add3A : i32 to index
        %get3A_428 = arith.constant 32 : index
        %get3A_429 = tpu.vector_load %arg11[%get3A_427, %get3A_428] {strides = array<i32>} : memref<128x128xf32, #tpu.memory_space<vmem>>, vector<1x16xf32>,
        %get3A_430 = vector.shape_cast %get3A_429 : vector<1x16xf32> to vector<16xf32>
        %get3A_431 = arith.index_cast %add3A : i32 to index
        %get3A_432 = arith.constant 32 : index
        %get3A_433 = tpu.vector_load %arg12[%get3A_431, %get3A_432] {strides = array<i32>} : memref<128x128xf32, #tpu.memory_space<vmem>>, vector<1x16xf32>,
        %get3A_434 = vector.shape_cast %get3A_433 : vector<1x16xf32> to vector<16xf32>
        %get3A_435 = arith.constant 32 : index
        %get3A_436 = tpu.vector_load %arg13[%get3A_435] {strides = array<i32>} : memref<128xf32, #tpu.memory_space<vmem>>, vector<16xf32>,
        %get3A_437 = vector.shape_cast %get3A_436 : vector<16xf32> to vector<16xf32>
        %gt3A_438 = arith.constant 0.000000e+00 : f32
        %gt3A_439 = vector.broadcast %gt3A_438 : f32 to vector<16xf32>
        %gt3A_440 = arith.cmpf ogt, %get3A_437, %gt3A_439 : vector<16xf32>
        %and3A_441 = arith.andi %gt3A_426, %gt3A_440 : vector<16xi1>
        %min3A_442 = arith.minimumf %get3A_437, %get3A_430 : vector<16xf32>
        %jit3A_443 = arith.constant 0.000000e+00 : f32
        %broadcast_in_dim3A_444 = vector.broadcast %jit3A_443 : f32 to vector<16xf32>
        %select_n3A_445 = arith.select %and3A_441, %min3A_442, %broadcast_in_dim3A_444 : vector<16xi1>, vector<16xf32>
        %sub3A_446 = arith.constant 1 : i32
        %sub3A_447 = vector.broadcast %sub3A_446 : i32 to vector<16xi32>
        %sub3A_448 = arith.subi %iota3A, %sub3A_447 : vector<16xi32>
        %max3A_449 = arith.constant 0 : i32
        %max3A_450 = vector.broadcast %max3A_449 : i32 to vector<16xi32>
        %max3A_451 = arith.maxsi %sub3A_448, %max3A_450 : vector<16xi32>
        %lt3A_452 = arith.constant 0 : i32
        %lt3A_453 = vector.broadcast %lt3A_452 : i32 to vector<16xi32>
        %lt3A_454 = arith.cmpi slt, %max3A_451, %lt3A_453 : vector<16xi32>
        %add3A_455 = arith.constant 16 : i32
        %add3A_456 = vector.broadcast %add3A_455 : i32 to vector<16xi32>
        %add3A_457 = arith.addi %max3A_451, %add3A_456 : vector<16xi32>
        %select_n3A_458 = arith.select %lt3A_454, %add3A_457, %max3A_451 : vector<16xi1>, vector<16xi32>
        %broadcast_in_dim3A_459 = vector.shape_cast %select_n3A_458 : vector<16xi32> to vector<16x1xi32>
        %gather3A_460 = vector.shape_cast %broadcast_in_dim3A_459 : vector<16x1xi32> to vector<16xi32>
        %gather3A_461 = tpu.dynamic_gather %select_n3A_445[%gather3A_460] in [0] : vector<16xf32>, vector<16xi32> -> vector<16xf32>
        %ge3A_462 = arith.constant 1 : i32
        %ge3A_463 = vector.broadcast %ge3A_462 : i32 to vector<16xi32>
        %ge3A_464 = arith.cmpi sge, %iota3A, %ge3A_463 : vector<16xi32>
        %jit3A_465 = arith.constant 0.000000e+00 : f32
        %broadcast_in_dim3A_466 = vector.broadcast %jit3A_465 : f32 to vector<16xf32>
        %select_n3A_467 = arith.select %ge3A_464, %gather3A_461, %broadcast_in_dim3A_466 : vector<16xi1>, vector<16xf32>
        %add3A_468 = arith.addf %select_n3A_445, %select_n3A_467 : vector<16xf32>
        %sub3A_469 = arith.constant 2 : i32
        %sub3A_470 = vector.broadcast %sub3A_469 : i32 to vector<16xi32>
        %sub3A_471 = arith.subi %iota3A, %sub3A_470 : vector<16xi32>
        %max3A_472 = arith.constant 0 : i32
        %max3A_473 = vector.broadcast %max3A_472 : i32 to vector<16xi32>
        %max3A_474 = arith.maxsi %sub3A_471, %max3A_473 : vector<16xi32>
        %lt3A_475 = arith.constant 0 : i32
        %lt3A_476 = vector.broadcast %lt3A_475 : i32 to vector<16xi32>
        %lt3A_477 = arith.cmpi slt, %max3A_474, %lt3A_476 : vector<16xi32>
        %add3A_478 = arith.constant 16 : i32
        %add3A_479 = vector.broadcast %add3A_478 : i32 to vector<16xi32>
        %add3A_480 = arith.addi %max3A_474, %add3A_479 : vector<16xi32>
        %select_n3A_481 = arith.select %lt3A_477, %add3A_480, %max3A_474 : vector<16xi1>, vector<16xi32>
        %broadcast_in_dim3A_482 = vector.shape_cast %select_n3A_481 : vector<16xi32> to vector<16x1xi32>
        %gather3A_483 = vector.shape_cast %broadcast_in_dim3A_482 : vector<16x1xi32> to vector<16xi32>
        %gather3A_484 = tpu.dynamic_gather %add3A_468[%gather3A_483] in [0] : vector<16xf32>, vector<16xi32> -> vector<16xf32>
        %ge3A_485 = arith.constant 2 : i32
        %ge3A_486 = vector.broadcast %ge3A_485 : i32 to vector<16xi32>
        %ge3A_487 = arith.cmpi sge, %iota3A, %ge3A_486 : vector<16xi32>
        %jit3A_488 = arith.constant 0.000000e+00 : f32
        %broadcast_in_dim3A_489 = vector.broadcast %jit3A_488 : f32 to vector<16xf32>
        %select_n3A_490 = arith.select %ge3A_487, %gather3A_484, %broadcast_in_dim3A_489 : vector<16xi1>, vector<16xf32>
        %add3A_491 = arith.addf %add3A_468, %select_n3A_490 : vector<16xf32>
        %sub3A_492 = arith.constant 4 : i32
        %sub3A_493 = vector.broadcast %sub3A_492 : i32 to vector<16xi32>
        %sub3A_494 = arith.subi %iota3A, %sub3A_493 : vector<16xi32>
        %max3A_495 = arith.constant 0 : i32
        %max3A_496 = vector.broadcast %max3A_495 : i32 to vector<16xi32>
        %max3A_497 = arith.maxsi %sub3A_494, %max3A_496 : vector<16xi32>
        %lt3A_498 = arith.constant 0 : i32
        %lt3A_499 = vector.broadcast %lt3A_498 : i32 to vector<16xi32>
        %lt3A_500 = arith.cmpi slt, %max3A_497, %lt3A_499 : vector<16xi32>
        %add3A_501 = arith.constant 16 : i32
        %add3A_502 = vector.broadcast %add3A_501 : i32 to vector<16xi32>
        %add3A_503 = arith.addi %max3A_497, %add3A_502 : vector<16xi32>
        %select_n3A_504 = arith.select %lt3A_500, %add3A_503, %max3A_497 : vector<16xi1>, vector<16xi32>
        %broadcast_in_dim3A_505 = vector.shape_cast %select_n3A_504 : vector<16xi32> to vector<16x1xi32>
        %gather3A_506 = vector.shape_cast %broadcast_in_dim3A_505 : vector<16x1xi32> to vector<16xi32>
        %gather3A_507 = tpu.dynamic_gather %add3A_491[%gather3A_506] in [0] : vector<16xf32>, vector<16xi32> -> vector<16xf32>
        %ge3A_508 = arith.constant 4 : i32
        %ge3A_509 = vector.broadcast %ge3A_508 : i32 to vector<16xi32>
        %ge3A_510 = arith.cmpi sge, %iota3A, %ge3A_509 : vector<16xi32>
        %jit3A_511 = arith.constant 0.000000e+00 : f32
        %broadcast_in_dim3A_512 = vector.broadcast %jit3A_511 : f32 to vector<16xf32>
        %select_n3A_513 = arith.select %ge3A_510, %gather3A_507, %broadcast_in_dim3A_512 : vector<16xi1>, vector<16xf32>
        %add3A_514 = arith.addf %add3A_491, %select_n3A_513 : vector<16xf32>
        %sub3A_515 = arith.constant 8 : i32
        %sub3A_516 = vector.broadcast %sub3A_515 : i32 to vector<16xi32>
        %sub3A_517 = arith.subi %iota3A, %sub3A_516 : vector<16xi32>
        %max3A_518 = arith.constant 0 : i32
        %max3A_519 = vector.broadcast %max3A_518 : i32 to vector<16xi32>
        %max3A_520 = arith.maxsi %sub3A_517, %max3A_519 : vector<16xi32>
        %lt3A_521 = arith.constant 0 : i32
        %lt3A_522 = vector.broadcast %lt3A_521 : i32 to vector<16xi32>
        %lt3A_523 = arith.cmpi slt, %max3A_520, %lt3A_522 : vector<16xi32>
        %add3A_524 = arith.constant 16 : i32
        %add3A_525 = vector.broadcast %add3A_524 : i32 to vector<16xi32>
        %add3A_526 = arith.addi %max3A_520, %add3A_525 : vector<16xi32>
        %select_n3A_527 = arith.select %lt3A_523, %add3A_526, %max3A_520 : vector<16xi1>, vector<16xi32>
        %broadcast_in_dim3A_528 = vector.shape_cast %select_n3A_527 : vector<16xi32> to vector<16x1xi32>
        %gather3A_529 = vector.shape_cast %broadcast_in_dim3A_528 : vector<16x1xi32> to vector<16xi32>
        %gather3A_530 = tpu.dynamic_gather %add3A_514[%gather3A_529] in [0] : vector<16xf32>, vector<16xi32> -> vector<16xf32>
        %ge3A_531 = arith.constant 8 : i32
        %ge3A_532 = vector.broadcast %ge3A_531 : i32 to vector<16xi32>
        %ge3A_533 = arith.cmpi sge, %iota3A, %ge3A_532 : vector<16xi32>
        %jit3A_534 = arith.constant 0.000000e+00 : f32
        %broadcast_in_dim3A_535 = vector.broadcast %jit3A_534 : f32 to vector<16xf32>
        %select_n3A_536 = arith.select %ge3A_533, %gather3A_530, %broadcast_in_dim3A_535 : vector<16xi1>, vector<16xf32>
        %add3A_537 = arith.addf %add3A_514, %select_n3A_536 : vector<16xf32>
        %sub3A_538 = arith.subf %add3A_537, %select_n3A_445 : vector<16xf32>
        %sub3A_539 = vector.broadcast %max3A_420 : f32 to vector<16xf32>
        %sub3A_540 = arith.subf %sub3A_539, %sub3A_538 : vector<16xf32>
        %gt3A_541 = arith.constant 0.000000e+00 : f32
        %gt3A_542 = vector.broadcast %gt3A_541 : f32 to vector<16xf32>
        %gt3A_543 = arith.cmpf ogt, %sub3A_540, %gt3A_542 : vector<16xf32>
        %and3A_544 = arith.andi %and3A_441, %gt3A_543 : vector<16xi1>
        %min3A_545 = vector.broadcast %max3A_420 : f32 to vector<16xf32>
        %min3A_546 = arith.minimumf %min3A_545, %add3A_537 : vector<16xf32>
        %min3A_547 = vector.broadcast %max3A_420 : f32 to vector<16xf32>
        %min3A_548 = arith.minimumf %min3A_547, %sub3A_538 : vector<16xf32>
        %sub3A_549 = arith.subf %min3A_546, %min3A_548 : vector<16xf32>
        %jit3A_550 = arith.constant 0.000000e+00 : f32
        %broadcast_in_dim3A_551 = vector.broadcast %jit3A_550 : f32 to vector<16xf32>
        %select_n3A_552 = arith.select %and3A_544, %sub3A_549, %broadcast_in_dim3A_551 : vector<16xi1>, vector<16xf32>
        %mul3A_553 = arith.mulf %select_n3A_552, %get3A_434 : vector<16xf32>
        %jit3A_554 = arith.constant 0.000000e+00 : f32
        %broadcast_in_dim3A_555 = vector.broadcast %jit3A_554 : f32 to vector<16xf32>
        %select_n3A_556 = arith.select %and3A_544, %mul3A_553, %broadcast_in_dim3A_555 : vector<16xi1>, vector<16xf32>
        %sub3A_557 = arith.subf %get3A_437, %select_n3A_556 : vector<16xf32>
        %swap3A_558 = arith.constant 32 : index
        %swap3A_559 = tpu.vector_load %arg13[%swap3A_558] {strides = array<i32>} : memref<128xf32, #tpu.memory_space<vmem>>, vector<16xf32>,
        %swap3A_560 = vector.shape_cast %swap3A_559 : vector<16xf32> to vector<16xf32>
        %swap3A_561 = vector.shape_cast %sub3A_557 : vector<16xf32> to vector<16xf32>
        tpu.vector_store %arg13[%swap3A_558], %swap3A_561 {strides = array<i32>} : memref<128xf32, #tpu.memory_space<vmem>>, vector<16xf32>,
        %swap3A_562 = arith.constant 32 : index
        %swap3A_563 = tpu.vector_load %arg17[%swap3A_562] {strides = array<i32>} : memref<128xf32, #tpu.memory_space<vmem>>, vector<16xf32>,
        %swap3A_564 = vector.shape_cast %swap3A_563 : vector<16xf32> to vector<16xf32>
        %swap3A_565 = vector.shape_cast %select_n3A_552 : vector<16xf32> to vector<16xf32>
        tpu.vector_store %arg17[%swap3A_562], %swap3A_565 {strides = array<i32>} : memref<128xf32, #tpu.memory_space<vmem>>, vector<16xf32>,
        %sub3A_566 = arith.constant 1.000000e+00 : f32
        %sub3A_567 = vector.broadcast %sub3A_566 : f32 to vector<16xf32>
        %sub3A_568 = arith.subf %get3A_434, %sub3A_567 : vector<16xf32>
        %jit3A_569 = arith.constant 0.000000e+00 : f32
        %broadcast_in_dim3A_570 = vector.broadcast %jit3A_569 : f32 to vector<16xf32>
        %select_n3A_571 = arith.select %and3A_544, %sub3A_568, %broadcast_in_dim3A_570 : vector<16xi1>, vector<16xf32>
        %swap3A_572 = arith.constant 32 : index
        %swap3A_573 = tpu.vector_load %arg18[%swap3A_572] {strides = array<i32>} : memref<128xf32, #tpu.memory_space<vmem>>, vector<16xf32>,
        %swap3A_574 = vector.shape_cast %swap3A_573 : vector<16xf32> to vector<16xf32>
        %swap3A_575 = vector.shape_cast %select_n3A_571 : vector<16xf32> to vector<16xf32>
        tpu.vector_store %arg18[%swap3A_572], %swap3A_575 {strides = array<i32>} : memref<128xf32, #tpu.memory_space<vmem>>, vector<16xf32>,
        %slice3A_576 = vector.extract_strided_slice %add3A_537 {offsets = [15], sizes = [1], strides = [1]} : vector<16xf32> to vector<1xf32>
        %squeeze3A_577 = vector.extract %slice3A_576[0] : f32 from vector<1xf32>
        %sub3A_578 = arith.subf %max3A_420, %squeeze3A_577 : f32
        %max3A_579 = arith.constant 0.000000e+00 : f32
        %max3A_580 = arith.maximumf %sub3A_578, %max3A_579 : f32
        %get3A_581 = arith.constant 48 : index
        %get3A_582 = tpu.vector_load %arg15[%get3A_581] {strides = array<i32>} : memref<128xf32, #tpu.memory_space<vmem>>, vector<16xf32>,
        %get3A_583 = vector.shape_cast %get3A_582 : vector<16xf32> to vector<16xf32>
        %gt3A_584 = arith.constant 5.000000e-01 : f32
        %gt3A_585 = vector.broadcast %gt3A_584 : f32 to vector<16xf32>
        %gt3A_586 = arith.cmpf ogt, %get3A_583, %gt3A_585 : vector<16xf32>
        %get3A_587 = arith.index_cast %add3A : i32 to index
        %get3A_588 = arith.constant 48 : index
        %get3A_589 = tpu.vector_load %arg11[%get3A_587, %get3A_588] {strides = array<i32>} : memref<128x128xf32, #tpu.memory_space<vmem>>, vector<1x16xf32>,
        %get3A_590 = vector.shape_cast %get3A_589 : vector<1x16xf32> to vector<16xf32>
        %get3A_591 = arith.index_cast %add3A : i32 to index
        %get3A_592 = arith.constant 48 : index
        %get3A_593 = tpu.vector_load %arg12[%get3A_591, %get3A_592] {strides = array<i32>} : memref<128x128xf32, #tpu.memory_space<vmem>>, vector<1x16xf32>,
        %get3A_594 = vector.shape_cast %get3A_593 : vector<1x16xf32> to vector<16xf32>
        %get3A_595 = arith.constant 48 : index
        %get3A_596 = tpu.vector_load %arg13[%get3A_595] {strides = array<i32>} : memref<128xf32, #tpu.memory_space<vmem>>, vector<16xf32>,
        %get3A_597 = vector.shape_cast %get3A_596 : vector<16xf32> to vector<16xf32>
        %gt3A_598 = arith.constant 0.000000e+00 : f32
        %gt3A_599 = vector.broadcast %gt3A_598 : f32 to vector<16xf32>
        %gt3A_600 = arith.cmpf ogt, %get3A_597, %gt3A_599 : vector<16xf32>
        %and3A_601 = arith.andi %gt3A_586, %gt3A_600 : vector<16xi1>
        %min3A_602 = arith.minimumf %get3A_597, %get3A_590 : vector<16xf32>
        %jit3A_603 = arith.constant 0.000000e+00 : f32
        %broadcast_in_dim3A_604 = vector.broadcast %jit3A_603 : f32 to vector<16xf32>
        %select_n3A_605 = arith.select %and3A_601, %min3A_602, %broadcast_in_dim3A_604 : vector<16xi1>, vector<16xf32>
        %sub3A_606 = arith.constant 1 : i32
        %sub3A_607 = vector.broadcast %sub3A_606 : i32 to vector<16xi32>
        %sub3A_608 = arith.subi %iota3A, %sub3A_607 : vector<16xi32>
        %max3A_609 = arith.constant 0 : i32
        %max3A_610 = vector.broadcast %max3A_609 : i32 to vector<16xi32>
        %max3A_611 = arith.maxsi %sub3A_608, %max3A_610 : vector<16xi32>
        %lt3A_612 = arith.constant 0 : i32
        %lt3A_613 = vector.broadcast %lt3A_612 : i32 to vector<16xi32>
        %lt3A_614 = arith.cmpi slt, %max3A_611, %lt3A_613 : vector<16xi32>
        %add3A_615 = arith.constant 16 : i32
        %add3A_616 = vector.broadcast %add3A_615 : i32 to vector<16xi32>
        %add3A_617 = arith.addi %max3A_611, %add3A_616 : vector<16xi32>
        %select_n3A_618 = arith.select %lt3A_614, %add3A_617, %max3A_611 : vector<16xi1>, vector<16xi32>
        %broadcast_in_dim3A_619 = vector.shape_cast %select_n3A_618 : vector<16xi32> to vector<16x1xi32>
        %gather3A_620 = vector.shape_cast %broadcast_in_dim3A_619 : vector<16x1xi32> to vector<16xi32>
        %gather3A_621 = tpu.dynamic_gather %select_n3A_605[%gather3A_620] in [0] : vector<16xf32>, vector<16xi32> -> vector<16xf32>
        %ge3A_622 = arith.constant 1 : i32
        %ge3A_623 = vector.broadcast %ge3A_622 : i32 to vector<16xi32>
        %ge3A_624 = arith.cmpi sge, %iota3A, %ge3A_623 : vector<16xi32>
        %jit3A_625 = arith.constant 0.000000e+00 : f32
        %broadcast_in_dim3A_626 = vector.broadcast %jit3A_625 : f32 to vector<16xf32>
        %select_n3A_627 = arith.select %ge3A_624, %gather3A_621, %broadcast_in_dim3A_626 : vector<16xi1>, vector<16xf32>
        %add3A_628 = arith.addf %select_n3A_605, %select_n3A_627 : vector<16xf32>
        %sub3A_629 = arith.constant 2 : i32
        %sub3A_630 = vector.broadcast %sub3A_629 : i32 to vector<16xi32>
        %sub3A_631 = arith.subi %iota3A, %sub3A_630 : vector<16xi32>
        %max3A_632 = arith.constant 0 : i32
        %max3A_633 = vector.broadcast %max3A_632 : i32 to vector<16xi32>
        %max3A_634 = arith.maxsi %sub3A_631, %max3A_633 : vector<16xi32>
        %lt3A_635 = arith.constant 0 : i32
        %lt3A_636 = vector.broadcast %lt3A_635 : i32 to vector<16xi32>
        %lt3A_637 = arith.cmpi slt, %max3A_634, %lt3A_636 : vector<16xi32>
        %add3A_638 = arith.constant 16 : i32
        %add3A_639 = vector.broadcast %add3A_638 : i32 to vector<16xi32>
        %add3A_640 = arith.addi %max3A_634, %add3A_639 : vector<16xi32>
        %select_n3A_641 = arith.select %lt3A_637, %add3A_640, %max3A_634 : vector<16xi1>, vector<16xi32>
        %broadcast_in_dim3A_642 = vector.shape_cast %select_n3A_641 : vector<16xi32> to vector<16x1xi32>
        %gather3A_643 = vector.shape_cast %broadcast_in_dim3A_642 : vector<16x1xi32> to vector<16xi32>
        %gather3A_644 = tpu.dynamic_gather %add3A_628[%gather3A_643] in [0] : vector<16xf32>, vector<16xi32> -> vector<16xf32>
        %ge3A_645 = arith.constant 2 : i32
        %ge3A_646 = vector.broadcast %ge3A_645 : i32 to vector<16xi32>
        %ge3A_647 = arith.cmpi sge, %iota3A, %ge3A_646 : vector<16xi32>
        %jit3A_648 = arith.constant 0.000000e+00 : f32
        %broadcast_in_dim3A_649 = vector.broadcast %jit3A_648 : f32 to vector<16xf32>
        %select_n3A_650 = arith.select %ge3A_647, %gather3A_644, %broadcast_in_dim3A_649 : vector<16xi1>, vector<16xf32>
        %add3A_651 = arith.addf %add3A_628, %select_n3A_650 : vector<16xf32>
        %sub3A_652 = arith.constant 4 : i32
        %sub3A_653 = vector.broadcast %sub3A_652 : i32 to vector<16xi32>
        %sub3A_654 = arith.subi %iota3A, %sub3A_653 : vector<16xi32>
        %max3A_655 = arith.constant 0 : i32
        %max3A_656 = vector.broadcast %max3A_655 : i32 to vector<16xi32>
        %max3A_657 = arith.maxsi %sub3A_654, %max3A_656 : vector<16xi32>
        %lt3A_658 = arith.constant 0 : i32
        %lt3A_659 = vector.broadcast %lt3A_658 : i32 to vector<16xi32>
        %lt3A_660 = arith.cmpi slt, %max3A_657, %lt3A_659 : vector<16xi32>
        %add3A_661 = arith.constant 16 : i32
        %add3A_662 = vector.broadcast %add3A_661 : i32 to vector<16xi32>
        %add3A_663 = arith.addi %max3A_657, %add3A_662 : vector<16xi32>
        %select_n3A_664 = arith.select %lt3A_660, %add3A_663, %max3A_657 : vector<16xi1>, vector<16xi32>
        %broadcast_in_dim3A_665 = vector.shape_cast %select_n3A_664 : vector<16xi32> to vector<16x1xi32>
        %gather3A_666 = vector.shape_cast %broadcast_in_dim3A_665 : vector<16x1xi32> to vector<16xi32>
        %gather3A_667 = tpu.dynamic_gather %add3A_651[%gather3A_666] in [0] : vector<16xf32>, vector<16xi32> -> vector<16xf32>
        %ge3A_668 = arith.constant 4 : i32
        %ge3A_669 = vector.broadcast %ge3A_668 : i32 to vector<16xi32>
        %ge3A_670 = arith.cmpi sge, %iota3A, %ge3A_669 : vector<16xi32>
        %jit3A_671 = arith.constant 0.000000e+00 : f32
        %broadcast_in_dim3A_672 = vector.broadcast %jit3A_671 : f32 to vector<16xf32>
        %select_n3A_673 = arith.select %ge3A_670, %gather3A_667, %broadcast_in_dim3A_672 : vector<16xi1>, vector<16xf32>
        %add3A_674 = arith.addf %add3A_651, %select_n3A_673 : vector<16xf32>
        %sub3A_675 = arith.constant 8 : i32
        %sub3A_676 = vector.broadcast %sub3A_675 : i32 to vector<16xi32>
        %sub3A_677 = arith.subi %iota3A, %sub3A_676 : vector<16xi32>
        %max3A_678 = arith.constant 0 : i32
        %max3A_679 = vector.broadcast %max3A_678 : i32 to vector<16xi32>
        %max3A_680 = arith.maxsi %sub3A_677, %max3A_679 : vector<16xi32>
        %lt3A_681 = arith.constant 0 : i32
        %lt3A_682 = vector.broadcast %lt3A_681 : i32 to vector<16xi32>
        %lt3A_683 = arith.cmpi slt, %max3A_680, %lt3A_682 : vector<16xi32>
        %add3A_684 = arith.constant 16 : i32
        %add3A_685 = vector.broadcast %add3A_684 : i32 to vector<16xi32>
        %add3A_686 = arith.addi %max3A_680, %add3A_685 : vector<16xi32>
        %select_n3A_687 = arith.select %lt3A_683, %add3A_686, %max3A_680 : vector<16xi1>, vector<16xi32>
        %broadcast_in_dim3A_688 = vector.shape_cast %select_n3A_687 : vector<16xi32> to vector<16x1xi32>
        %gather3A_689 = vector.shape_cast %broadcast_in_dim3A_688 : vector<16x1xi32> to vector<16xi32>
        %gather3A_690 = tpu.dynamic_gather %add3A_674[%gather3A_689] in [0] : vector<16xf32>, vector<16xi32> -> vector<16xf32>
        %ge3A_691 = arith.constant 8 : i32
        %ge3A_692 = vector.broadcast %ge3A_691 : i32 to vector<16xi32>
        %ge3A_693 = arith.cmpi sge, %iota3A, %ge3A_692 : vector<16xi32>
        %jit3A_694 = arith.constant 0.000000e+00 : f32
        %broadcast_in_dim3A_695 = vector.broadcast %jit3A_694 : f32 to vector<16xf32>
        %select_n3A_696 = arith.select %ge3A_693, %gather3A_690, %broadcast_in_dim3A_695 : vector<16xi1>, vector<16xf32>
        %add3A_697 = arith.addf %add3A_674, %select_n3A_696 : vector<16xf32>
        %sub3A_698 = arith.subf %add3A_697, %select_n3A_605 : vector<16xf32>
        %sub3A_699 = vector.broadcast %max3A_580 : f32 to vector<16xf32>
        %sub3A_700 = arith.subf %sub3A_699, %sub3A_698 : vector<16xf32>
        %gt3A_701 = arith.constant 0.000000e+00 : f32
        %gt3A_702 = vector.broadcast %gt3A_701 : f32 to vector<16xf32>
        %gt3A_703 = arith.cmpf ogt, %sub3A_700, %gt3A_702 : vector<16xf32>
        %and3A_704 = arith.andi %and3A_601, %gt3A_703 : vector<16xi1>
        %min3A_705 = vector.broadcast %max3A_580 : f32 to vector<16xf32>
        %min3A_706 = arith.minimumf %min3A_705, %add3A_697 : vector<16xf32>
        %min3A_707 = vector.broadcast %max3A_580 : f32 to vector<16xf32>
        %min3A_708 = arith.minimumf %min3A_707, %sub3A_698 : vector<16xf32>
        %sub3A_709 = arith.subf %min3A_706, %min3A_708 : vector<16xf32>
        %jit3A_710 = arith.constant 0.000000e+00 : f32
        %broadcast_in_dim3A_711 = vector.broadcast %jit3A_710 : f32 to vector<16xf32>
        %select_n3A_712 = arith.select %and3A_704, %sub3A_709, %broadcast_in_dim3A_711 : vector<16xi1>, vector<16xf32>
        %mul3A_713 = arith.mulf %select_n3A_712, %get3A_594 : vector<16xf32>
        %jit3A_714 = arith.constant 0.000000e+00 : f32
        %broadcast_in_dim3A_715 = vector.broadcast %jit3A_714 : f32 to vector<16xf32>
        %select_n3A_716 = arith.select %and3A_704, %mul3A_713, %broadcast_in_dim3A_715 : vector<16xi1>, vector<16xf32>
        %sub3A_717 = arith.subf %get3A_597, %select_n3A_716 : vector<16xf32>
        %swap3A_718 = arith.constant 48 : index
        %swap3A_719 = tpu.vector_load %arg13[%swap3A_718] {strides = array<i32>} : memref<128xf32, #tpu.memory_space<vmem>>, vector<16xf32>,
        %swap3A_720 = vector.shape_cast %swap3A_719 : vector<16xf32> to vector<16xf32>
        %swap3A_721 = vector.shape_cast %sub3A_717 : vector<16xf32> to vector<16xf32>
        tpu.vector_store %arg13[%swap3A_718], %swap3A_721 {strides = array<i32>} : memref<128xf32, #tpu.memory_space<vmem>>, vector<16xf32>,
        %swap3A_722 = arith.constant 48 : index
        %swap3A_723 = tpu.vector_load %arg17[%swap3A_722] {strides = array<i32>} : memref<128xf32, #tpu.memory_space<vmem>>, vector<16xf32>,
        %swap3A_724 = vector.shape_cast %swap3A_723 : vector<16xf32> to vector<16xf32>
        %swap3A_725 = vector.shape_cast %select_n3A_712 : vector<16xf32> to vector<16xf32>
        tpu.vector_store %arg17[%swap3A_722], %swap3A_725 {strides = array<i32>} : memref<128xf32, #tpu.memory_space<vmem>>, vector<16xf32>,
        %sub3A_726 = arith.constant 1.000000e+00 : f32
        %sub3A_727 = vector.broadcast %sub3A_726 : f32 to vector<16xf32>
        %sub3A_728 = arith.subf %get3A_594, %sub3A_727 : vector<16xf32>
        %jit3A_729 = arith.constant 0.000000e+00 : f32
        %broadcast_in_dim3A_730 = vector.broadcast %jit3A_729 : f32 to vector<16xf32>
        %select_n3A_731 = arith.select %and3A_704, %sub3A_728, %broadcast_in_dim3A_730 : vector<16xi1>, vector<16xf32>
        %swap3A_732 = arith.constant 48 : index
        %swap3A_733 = tpu.vector_load %arg18[%swap3A_732] {strides = array<i32>} : memref<128xf32, #tpu.memory_space<vmem>>, vector<16xf32>,
        %swap3A_734 = vector.shape_cast %swap3A_733 : vector<16xf32> to vector<16xf32>
        %swap3A_735 = vector.shape_cast %select_n3A_731 : vector<16xf32> to vector<16xf32>
        tpu.vector_store %arg18[%swap3A_732], %swap3A_735 {strides = array<i32>} : memref<128xf32, #tpu.memory_space<vmem>>, vector<16xf32>,
        %slice3A_736 = vector.extract_strided_slice %add3A_697 {offsets = [15], sizes = [1], strides = [1]} : vector<16xf32> to vector<1xf32>
        %squeeze3A_737 = vector.extract %slice3A_736[0] : f32 from vector<1xf32>
        %sub3A_738 = arith.subf %max3A_580, %squeeze3A_737 : f32
        %max3A_739 = arith.constant 0.000000e+00 : f32
        %max3A_740 = arith.maximumf %sub3A_738, %max3A_739 : f32
        %get3A_741 = arith.constant 64 : index
        %get3A_742 = tpu.vector_load %arg15[%get3A_741] {strides = array<i32>} : memref<128xf32, #tpu.memory_space<vmem>>, vector<16xf32>,
        %get3A_743 = vector.shape_cast %get3A_742 : vector<16xf32> to vector<16xf32>
        %gt3A_744 = arith.constant 5.000000e-01 : f32
        %gt3A_745 = vector.broadcast %gt3A_744 : f32 to vector<16xf32>
        %gt3A_746 = arith.cmpf ogt, %get3A_743, %gt3A_745 : vector<16xf32>
        %get3A_747 = arith.index_cast %add3A : i32 to index
        %get3A_748 = arith.constant 64 : index
        %get3A_749 = tpu.vector_load %arg11[%get3A_747, %get3A_748] {strides = array<i32>} : memref<128x128xf32, #tpu.memory_space<vmem>>, vector<1x16xf32>,
        %get3A_750 = vector.shape_cast %get3A_749 : vector<1x16xf32> to vector<16xf32>
        %get3A_751 = arith.index_cast %add3A : i32 to index
        %get3A_752 = arith.constant 64 : index
        %get3A_753 = tpu.vector_load %arg12[%get3A_751, %get3A_752] {strides = array<i32>} : memref<128x128xf32, #tpu.memory_space<vmem>>, vector<1x16xf32>,
        %get3A_754 = vector.shape_cast %get3A_753 : vector<1x16xf32> to vector<16xf32>
        %get3A_755 = arith.constant 64 : index
        %get3A_756 = tpu.vector_load %arg13[%get3A_755] {strides = array<i32>} : memref<128xf32, #tpu.memory_space<vmem>>, vector<16xf32>,
        %get3A_757 = vector.shape_cast %get3A_756 : vector<16xf32> to vector<16xf32>
        %gt3A_758 = arith.constant 0.000000e+00 : f32
        %gt3A_759 = vector.broadcast %gt3A_758 : f32 to vector<16xf32>
        %gt3A_760 = arith.cmpf ogt, %get3A_757, %gt3A_759 : vector<16xf32>
        %and3A_761 = arith.andi %gt3A_746, %gt3A_760 : vector<16xi1>
        %min3A_762 = arith.minimumf %get3A_757, %get3A_750 : vector<16xf32>
        %jit3A_763 = arith.constant 0.000000e+00 : f32
        %broadcast_in_dim3A_764 = vector.broadcast %jit3A_763 : f32 to vector<16xf32>
        %select_n3A_765 = arith.select %and3A_761, %min3A_762, %broadcast_in_dim3A_764 : vector<16xi1>, vector<16xf32>
        %sub3A_766 = arith.constant 1 : i32
        %sub3A_767 = vector.broadcast %sub3A_766 : i32 to vector<16xi32>
        %sub3A_768 = arith.subi %iota3A, %sub3A_767 : vector<16xi32>
        %max3A_769 = arith.constant 0 : i32
        %max3A_770 = vector.broadcast %max3A_769 : i32 to vector<16xi32>
        %max3A_771 = arith.maxsi %sub3A_768, %max3A_770 : vector<16xi32>
        %lt3A_772 = arith.constant 0 : i32
        %lt3A_773 = vector.broadcast %lt3A_772 : i32 to vector<16xi32>
        %lt3A_774 = arith.cmpi slt, %max3A_771, %lt3A_773 : vector<16xi32>
        %add3A_775 = arith.constant 16 : i32
        %add3A_776 = vector.broadcast %add3A_775 : i32 to vector<16xi32>
        %add3A_777 = arith.addi %max3A_771, %add3A_776 : vector<16xi32>
        %select_n3A_778 = arith.select %lt3A_774, %add3A_777, %max3A_771 : vector<16xi1>, vector<16xi32>
        %broadcast_in_dim3A_779 = vector.shape_cast %select_n3A_778 : vector<16xi32> to vector<16x1xi32>
        %gather3A_780 = vector.shape_cast %broadcast_in_dim3A_779 : vector<16x1xi32> to vector<16xi32>
        %gather3A_781 = tpu.dynamic_gather %select_n3A_765[%gather3A_780] in [0] : vector<16xf32>, vector<16xi32> -> vector<16xf32>
        %ge3A_782 = arith.constant 1 : i32
        %ge3A_783 = vector.broadcast %ge3A_782 : i32 to vector<16xi32>
        %ge3A_784 = arith.cmpi sge, %iota3A, %ge3A_783 : vector<16xi32>
        %jit3A_785 = arith.constant 0.000000e+00 : f32
        %broadcast_in_dim3A_786 = vector.broadcast %jit3A_785 : f32 to vector<16xf32>
        %select_n3A_787 = arith.select %ge3A_784, %gather3A_781, %broadcast_in_dim3A_786 : vector<16xi1>, vector<16xf32>
        %add3A_788 = arith.addf %select_n3A_765, %select_n3A_787 : vector<16xf32>
        %sub3A_789 = arith.constant 2 : i32
        %sub3A_790 = vector.broadcast %sub3A_789 : i32 to vector<16xi32>
        %sub3A_791 = arith.subi %iota3A, %sub3A_790 : vector<16xi32>
        %max3A_792 = arith.constant 0 : i32
        %max3A_793 = vector.broadcast %max3A_792 : i32 to vector<16xi32>
        %max3A_794 = arith.maxsi %sub3A_791, %max3A_793 : vector<16xi32>
        %lt3A_795 = arith.constant 0 : i32
        %lt3A_796 = vector.broadcast %lt3A_795 : i32 to vector<16xi32>
        %lt3A_797 = arith.cmpi slt, %max3A_794, %lt3A_796 : vector<16xi32>
        %add3A_798 = arith.constant 16 : i32
        %add3A_799 = vector.broadcast %add3A_798 : i32 to vector<16xi32>
        %add3A_800 = arith.addi %max3A_794, %add3A_799 : vector<16xi32>
        %select_n3A_801 = arith.select %lt3A_797, %add3A_800, %max3A_794 : vector<16xi1>, vector<16xi32>
        %broadcast_in_dim3A_802 = vector.shape_cast %select_n3A_801 : vector<16xi32> to vector<16x1xi32>
        %gather3A_803 = vector.shape_cast %broadcast_in_dim3A_802 : vector<16x1xi32> to vector<16xi32>
        %gather3A_804 = tpu.dynamic_gather %add3A_788[%gather3A_803] in [0] : vector<16xf32>, vector<16xi32> -> vector<16xf32>
        %ge3A_805 = arith.constant 2 : i32
        %ge3A_806 = vector.broadcast %ge3A_805 : i32 to vector<16xi32>
        %ge3A_807 = arith.cmpi sge, %iota3A, %ge3A_806 : vector<16xi32>
        %jit3A_808 = arith.constant 0.000000e+00 : f32
        %broadcast_in_dim3A_809 = vector.broadcast %jit3A_808 : f32 to vector<16xf32>
        %select_n3A_810 = arith.select %ge3A_807, %gather3A_804, %broadcast_in_dim3A_809 : vector<16xi1>, vector<16xf32>
        %add3A_811 = arith.addf %add3A_788, %select_n3A_810 : vector<16xf32>
        %sub3A_812 = arith.constant 4 : i32
        %sub3A_813 = vector.broadcast %sub3A_812 : i32 to vector<16xi32>
        %sub3A_814 = arith.subi %iota3A, %sub3A_813 : vector<16xi32>
        %max3A_815 = arith.constant 0 : i32
        %max3A_816 = vector.broadcast %max3A_815 : i32 to vector<16xi32>
        %max3A_817 = arith.maxsi %sub3A_814, %max3A_816 : vector<16xi32>
        %lt3A_818 = arith.constant 0 : i32
        %lt3A_819 = vector.broadcast %lt3A_818 : i32 to vector<16xi32>
        %lt3A_820 = arith.cmpi slt, %max3A_817, %lt3A_819 : vector<16xi32>
        %add3A_821 = arith.constant 16 : i32
        %add3A_822 = vector.broadcast %add3A_821 : i32 to vector<16xi32>
        %add3A_823 = arith.addi %max3A_817, %add3A_822 : vector<16xi32>
        %select_n3A_824 = arith.select %lt3A_820, %add3A_823, %max3A_817 : vector<16xi1>, vector<16xi32>
        %broadcast_in_dim3A_825 = vector.shape_cast %select_n3A_824 : vector<16xi32> to vector<16x1xi32>
        %gather3A_826 = vector.shape_cast %broadcast_in_dim3A_825 : vector<16x1xi32> to vector<16xi32>
        %gather3A_827 = tpu.dynamic_gather %add3A_811[%gather3A_826] in [0] : vector<16xf32>, vector<16xi32> -> vector<16xf32>
        %ge3A_828 = arith.constant 4 : i32
        %ge3A_829 = vector.broadcast %ge3A_828 : i32 to vector<16xi32>
        %ge3A_830 = arith.cmpi sge, %iota3A, %ge3A_829 : vector<16xi32>
        %jit3A_831 = arith.constant 0.000000e+00 : f32
        %broadcast_in_dim3A_832 = vector.broadcast %jit3A_831 : f32 to vector<16xf32>
        %select_n3A_833 = arith.select %ge3A_830, %gather3A_827, %broadcast_in_dim3A_832 : vector<16xi1>, vector<16xf32>
        %add3A_834 = arith.addf %add3A_811, %select_n3A_833 : vector<16xf32>
        %sub3A_835 = arith.constant 8 : i32
        %sub3A_836 = vector.broadcast %sub3A_835 : i32 to vector<16xi32>
        %sub3A_837 = arith.subi %iota3A, %sub3A_836 : vector<16xi32>
        %max3A_838 = arith.constant 0 : i32
        %max3A_839 = vector.broadcast %max3A_838 : i32 to vector<16xi32>
        %max3A_840 = arith.maxsi %sub3A_837, %max3A_839 : vector<16xi32>
        %lt3A_841 = arith.constant 0 : i32
        %lt3A_842 = vector.broadcast %lt3A_841 : i32 to vector<16xi32>
        %lt3A_843 = arith.cmpi slt, %max3A_840, %lt3A_842 : vector<16xi32>
        %add3A_844 = arith.constant 16 : i32
        %add3A_845 = vector.broadcast %add3A_844 : i32 to vector<16xi32>
        %add3A_846 = arith.addi %max3A_840, %add3A_845 : vector<16xi32>
        %select_n3A_847 = arith.select %lt3A_843, %add3A_846, %max3A_840 : vector<16xi1>, vector<16xi32>
        %broadcast_in_dim3A_848 = vector.shape_cast %select_n3A_847 : vector<16xi32> to vector<16x1xi32>
        %gather3A_849 = vector.shape_cast %broadcast_in_dim3A_848 : vector<16x1xi32> to vector<16xi32>
        %gather3A_850 = tpu.dynamic_gather %add3A_834[%gather3A_849] in [0] : vector<16xf32>, vector<16xi32> -> vector<16xf32>
        %ge3A_851 = arith.constant 8 : i32
        %ge3A_852 = vector.broadcast %ge3A_851 : i32 to vector<16xi32>
        %ge3A_853 = arith.cmpi sge, %iota3A, %ge3A_852 : vector<16xi32>
        %jit3A_854 = arith.constant 0.000000e+00 : f32
        %broadcast_in_dim3A_855 = vector.broadcast %jit3A_854 : f32 to vector<16xf32>
        %select_n3A_856 = arith.select %ge3A_853, %gather3A_850, %broadcast_in_dim3A_855 : vector<16xi1>, vector<16xf32>
        %add3A_857 = arith.addf %add3A_834, %select_n3A_856 : vector<16xf32>
        %sub3A_858 = arith.subf %add3A_857, %select_n3A_765 : vector<16xf32>
        %sub3A_859 = vector.broadcast %max3A_740 : f32 to vector<16xf32>
        %sub3A_860 = arith.subf %sub3A_859, %sub3A_858 : vector<16xf32>
        %gt3A_861 = arith.constant 0.000000e+00 : f32
        %gt3A_862 = vector.broadcast %gt3A_861 : f32 to vector<16xf32>
        %gt3A_863 = arith.cmpf ogt, %sub3A_860, %gt3A_862 : vector<16xf32>
        %and3A_864 = arith.andi %and3A_761, %gt3A_863 : vector<16xi1>
        %min3A_865 = vector.broadcast %max3A_740 : f32 to vector<16xf32>
        %min3A_866 = arith.minimumf %min3A_865, %add3A_857 : vector<16xf32>
        %min3A_867 = vector.broadcast %max3A_740 : f32 to vector<16xf32>
        %min3A_868 = arith.minimumf %min3A_867, %sub3A_858 : vector<16xf32>
        %sub3A_869 = arith.subf %min3A_866, %min3A_868 : vector<16xf32>
        %jit3A_870 = arith.constant 0.000000e+00 : f32
        %broadcast_in_dim3A_871 = vector.broadcast %jit3A_870 : f32 to vector<16xf32>
        %select_n3A_872 = arith.select %and3A_864, %sub3A_869, %broadcast_in_dim3A_871 : vector<16xi1>, vector<16xf32>
        %mul3A_873 = arith.mulf %select_n3A_872, %get3A_754 : vector<16xf32>
        %jit3A_874 = arith.constant 0.000000e+00 : f32
        %broadcast_in_dim3A_875 = vector.broadcast %jit3A_874 : f32 to vector<16xf32>
        %select_n3A_876 = arith.select %and3A_864, %mul3A_873, %broadcast_in_dim3A_875 : vector<16xi1>, vector<16xf32>
        %sub3A_877 = arith.subf %get3A_757, %select_n3A_876 : vector<16xf32>
        %swap3A_878 = arith.constant 64 : index
        %swap3A_879 = tpu.vector_load %arg13[%swap3A_878] {strides = array<i32>} : memref<128xf32, #tpu.memory_space<vmem>>, vector<16xf32>,
        %swap3A_880 = vector.shape_cast %swap3A_879 : vector<16xf32> to vector<16xf32>
        %swap3A_881 = vector.shape_cast %sub3A_877 : vector<16xf32> to vector<16xf32>
        tpu.vector_store %arg13[%swap3A_878], %swap3A_881 {strides = array<i32>} : memref<128xf32, #tpu.memory_space<vmem>>, vector<16xf32>,
        %swap3A_882 = arith.constant 64 : index
        %swap3A_883 = tpu.vector_load %arg17[%swap3A_882] {strides = array<i32>} : memref<128xf32, #tpu.memory_space<vmem>>, vector<16xf32>,
        %swap3A_884 = vector.shape_cast %swap3A_883 : vector<16xf32> to vector<16xf32>
        %swap3A_885 = vector.shape_cast %select_n3A_872 : vector<16xf32> to vector<16xf32>
        tpu.vector_store %arg17[%swap3A_882], %swap3A_885 {strides = array<i32>} : memref<128xf32, #tpu.memory_space<vmem>>, vector<16xf32>,
        %sub3A_886 = arith.constant 1.000000e+00 : f32
        %sub3A_887 = vector.broadcast %sub3A_886 : f32 to vector<16xf32>
        %sub3A_888 = arith.subf %get3A_754, %sub3A_887 : vector<16xf32>
        %jit3A_889 = arith.constant 0.000000e+00 : f32
        %broadcast_in_dim3A_890 = vector.broadcast %jit3A_889 : f32 to vector<16xf32>
        %select_n3A_891 = arith.select %and3A_864, %sub3A_888, %broadcast_in_dim3A_890 : vector<16xi1>, vector<16xf32>
        %swap3A_892 = arith.constant 64 : index
        %swap3A_893 = tpu.vector_load %arg18[%swap3A_892] {strides = array<i32>} : memref<128xf32, #tpu.memory_space<vmem>>, vector<16xf32>,
        %swap3A_894 = vector.shape_cast %swap3A_893 : vector<16xf32> to vector<16xf32>
        %swap3A_895 = vector.shape_cast %select_n3A_891 : vector<16xf32> to vector<16xf32>
        tpu.vector_store %arg18[%swap3A_892], %swap3A_895 {strides = array<i32>} : memref<128xf32, #tpu.memory_space<vmem>>, vector<16xf32>,
        %slice3A_896 = vector.extract_strided_slice %add3A_857 {offsets = [15], sizes = [1], strides = [1]} : vector<16xf32> to vector<1xf32>
        %squeeze3A_897 = vector.extract %slice3A_896[0] : f32 from vector<1xf32>
        %sub3A_898 = arith.subf %max3A_740, %squeeze3A_897 : f32
        %max3A_899 = arith.constant 0.000000e+00 : f32
        %max3A_900 = arith.maximumf %sub3A_898, %max3A_899 : f32
        %get3A_901 = arith.constant 80 : index
        %get3A_902 = tpu.vector_load %arg15[%get3A_901] {strides = array<i32>} : memref<128xf32, #tpu.memory_space<vmem>>, vector<16xf32>,
        %get3A_903 = vector.shape_cast %get3A_902 : vector<16xf32> to vector<16xf32>
        %gt3A_904 = arith.constant 5.000000e-01 : f32
        %gt3A_905 = vector.broadcast %gt3A_904 : f32 to vector<16xf32>
        %gt3A_906 = arith.cmpf ogt, %get3A_903, %gt3A_905 : vector<16xf32>
        %get3A_907 = arith.index_cast %add3A : i32 to index
        %get3A_908 = arith.constant 80 : index
        %get3A_909 = tpu.vector_load %arg11[%get3A_907, %get3A_908] {strides = array<i32>} : memref<128x128xf32, #tpu.memory_space<vmem>>, vector<1x16xf32>,
        %get3A_910 = vector.shape_cast %get3A_909 : vector<1x16xf32> to vector<16xf32>
        %get3A_911 = arith.index_cast %add3A : i32 to index
        %get3A_912 = arith.constant 80 : index
        %get3A_913 = tpu.vector_load %arg12[%get3A_911, %get3A_912] {strides = array<i32>} : memref<128x128xf32, #tpu.memory_space<vmem>>, vector<1x16xf32>,
        %get3A_914 = vector.shape_cast %get3A_913 : vector<1x16xf32> to vector<16xf32>
        %get3A_915 = arith.constant 80 : index
        %get3A_916 = tpu.vector_load %arg13[%get3A_915] {strides = array<i32>} : memref<128xf32, #tpu.memory_space<vmem>>, vector<16xf32>,
        %get3A_917 = vector.shape_cast %get3A_916 : vector<16xf32> to vector<16xf32>
        %gt3A_918 = arith.constant 0.000000e+00 : f32
        %gt3A_919 = vector.broadcast %gt3A_918 : f32 to vector<16xf32>
        %gt3A_920 = arith.cmpf ogt, %get3A_917, %gt3A_919 : vector<16xf32>
        %and3A_921 = arith.andi %gt3A_906, %gt3A_920 : vector<16xi1>
        %min3A_922 = arith.minimumf %get3A_917, %get3A_910 : vector<16xf32>
        %jit3A_923 = arith.constant 0.000000e+00 : f32
        %broadcast_in_dim3A_924 = vector.broadcast %jit3A_923 : f32 to vector<16xf32>
        %select_n3A_925 = arith.select %and3A_921, %min3A_922, %broadcast_in_dim3A_924 : vector<16xi1>, vector<16xf32>
        %sub3A_926 = arith.constant 1 : i32
        %sub3A_927 = vector.broadcast %sub3A_926 : i32 to vector<16xi32>
        %sub3A_928 = arith.subi %iota3A, %sub3A_927 : vector<16xi32>
        %max3A_929 = arith.constant 0 : i32
        %max3A_930 = vector.broadcast %max3A_929 : i32 to vector<16xi32>
        %max3A_931 = arith.maxsi %sub3A_928, %max3A_930 : vector<16xi32>
        %lt3A_932 = arith.constant 0 : i32
        %lt3A_933 = vector.broadcast %lt3A_932 : i32 to vector<16xi32>
        %lt3A_934 = arith.cmpi slt, %max3A_931, %lt3A_933 : vector<16xi32>
        %add3A_935 = arith.constant 16 : i32
        %add3A_936 = vector.broadcast %add3A_935 : i32 to vector<16xi32>
        %add3A_937 = arith.addi %max3A_931, %add3A_936 : vector<16xi32>
        %select_n3A_938 = arith.select %lt3A_934, %add3A_937, %max3A_931 : vector<16xi1>, vector<16xi32>
        %broadcast_in_dim3A_939 = vector.shape_cast %select_n3A_938 : vector<16xi32> to vector<16x1xi32>
        %gather3A_940 = vector.shape_cast %broadcast_in_dim3A_939 : vector<16x1xi32> to vector<16xi32>
        %gather3A_941 = tpu.dynamic_gather %select_n3A_925[%gather3A_940] in [0] : vector<16xf32>, vector<16xi32> -> vector<16xf32>
        %ge3A_942 = arith.constant 1 : i32
        %ge3A_943 = vector.broadcast %ge3A_942 : i32 to vector<16xi32>
        %ge3A_944 = arith.cmpi sge, %iota3A, %ge3A_943 : vector<16xi32>
        %jit3A_945 = arith.constant 0.000000e+00 : f32
        %broadcast_in_dim3A_946 = vector.broadcast %jit3A_945 : f32 to vector<16xf32>
        %select_n3A_947 = arith.select %ge3A_944, %gather3A_941, %broadcast_in_dim3A_946 : vector<16xi1>, vector<16xf32>
        %add3A_948 = arith.addf %select_n3A_925, %select_n3A_947 : vector<16xf32>
        %sub3A_949 = arith.constant 2 : i32
        %sub3A_950 = vector.broadcast %sub3A_949 : i32 to vector<16xi32>
        %sub3A_951 = arith.subi %iota3A, %sub3A_950 : vector<16xi32>
        %max3A_952 = arith.constant 0 : i32
        %max3A_953 = vector.broadcast %max3A_952 : i32 to vector<16xi32>
        %max3A_954 = arith.maxsi %sub3A_951, %max3A_953 : vector<16xi32>
        %lt3A_955 = arith.constant 0 : i32
        %lt3A_956 = vector.broadcast %lt3A_955 : i32 to vector<16xi32>
        %lt3A_957 = arith.cmpi slt, %max3A_954, %lt3A_956 : vector<16xi32>
        %add3A_958 = arith.constant 16 : i32
        %add3A_959 = vector.broadcast %add3A_958 : i32 to vector<16xi32>
        %add3A_960 = arith.addi %max3A_954, %add3A_959 : vector<16xi32>
        %select_n3A_961 = arith.select %lt3A_957, %add3A_960, %max3A_954 : vector<16xi1>, vector<16xi32>
        %broadcast_in_dim3A_962 = vector.shape_cast %select_n3A_961 : vector<16xi32> to vector<16x1xi32>
        %gather3A_963 = vector.shape_cast %broadcast_in_dim3A_962 : vector<16x1xi32> to vector<16xi32>
        %gather3A_964 = tpu.dynamic_gather %add3A_948[%gather3A_963] in [0] : vector<16xf32>, vector<16xi32> -> vector<16xf32>
        %ge3A_965 = arith.constant 2 : i32
        %ge3A_966 = vector.broadcast %ge3A_965 : i32 to vector<16xi32>
        %ge3A_967 = arith.cmpi sge, %iota3A, %ge3A_966 : vector<16xi32>
        %jit3A_968 = arith.constant 0.000000e+00 : f32
        %broadcast_in_dim3A_969 = vector.broadcast %jit3A_968 : f32 to vector<16xf32>
        %select_n3A_970 = arith.select %ge3A_967, %gather3A_964, %broadcast_in_dim3A_969 : vector<16xi1>, vector<16xf32>
        %add3A_971 = arith.addf %add3A_948, %select_n3A_970 : vector<16xf32>
        %sub3A_972 = arith.constant 4 : i32
        %sub3A_973 = vector.broadcast %sub3A_972 : i32 to vector<16xi32>
        %sub3A_974 = arith.subi %iota3A, %sub3A_973 : vector<16xi32>
        %max3A_975 = arith.constant 0 : i32
        %max3A_976 = vector.broadcast %max3A_975 : i32 to vector<16xi32>
        %max3A_977 = arith.maxsi %sub3A_974, %max3A_976 : vector<16xi32>
        %lt3A_978 = arith.constant 0 : i32
        %lt3A_979 = vector.broadcast %lt3A_978 : i32 to vector<16xi32>
        %lt3A_980 = arith.cmpi slt, %max3A_977, %lt3A_979 : vector<16xi32>
        %add3A_981 = arith.constant 16 : i32
        %add3A_982 = vector.broadcast %add3A_981 : i32 to vector<16xi32>
        %add3A_983 = arith.addi %max3A_977, %add3A_982 : vector<16xi32>
        %select_n3A_984 = arith.select %lt3A_980, %add3A_983, %max3A_977 : vector<16xi1>, vector<16xi32>
        %broadcast_in_dim3A_985 = vector.shape_cast %select_n3A_984 : vector<16xi32> to vector<16x1xi32>
        %gather3A_986 = vector.shape_cast %broadcast_in_dim3A_985 : vector<16x1xi32> to vector<16xi32>
        %gather3A_987 = tpu.dynamic_gather %add3A_971[%gather3A_986] in [0] : vector<16xf32>, vector<16xi32> -> vector<16xf32>
        %ge3A_988 = arith.constant 4 : i32
        %ge3A_989 = vector.broadcast %ge3A_988 : i32 to vector<16xi32>
        %ge3A_990 = arith.cmpi sge, %iota3A, %ge3A_989 : vector<16xi32>
        %jit3A_991 = arith.constant 0.000000e+00 : f32
        %broadcast_in_dim3A_992 = vector.broadcast %jit3A_991 : f32 to vector<16xf32>
        %select_n3A_993 = arith.select %ge3A_990, %gather3A_987, %broadcast_in_dim3A_992 : vector<16xi1>, vector<16xf32>
        %add3A_994 = arith.addf %add3A_971, %select_n3A_993 : vector<16xf32>
        %sub3A_995 = arith.constant 8 : i32
        %sub3A_996 = vector.broadcast %sub3A_995 : i32 to vector<16xi32>
        %sub3A_997 = arith.subi %iota3A, %sub3A_996 : vector<16xi32>
        %max3A_998 = arith.constant 0 : i32
        %max3A_999 = vector.broadcast %max3A_998 : i32 to vector<16xi32>
        %max3A_1000 = arith.maxsi %sub3A_997, %max3A_999 : vector<16xi32>
        %lt3A_1001 = arith.constant 0 : i32
        %lt3A_1002 = vector.broadcast %lt3A_1001 : i32 to vector<16xi32>
        %lt3A_1003 = arith.cmpi slt, %max3A_1000, %lt3A_1002 : vector<16xi32>
        %add3A_1004 = arith.constant 16 : i32
        %add3A_1005 = vector.broadcast %add3A_1004 : i32 to vector<16xi32>
        %add3A_1006 = arith.addi %max3A_1000, %add3A_1005 : vector<16xi32>
        %select_n3A_1007 = arith.select %lt3A_1003, %add3A_1006, %max3A_1000 : vector<16xi1>, vector<16xi32>
        %broadcast_in_dim3A_1008 = vector.shape_cast %select_n3A_1007 : vector<16xi32> to vector<16x1xi32>
        %gather3A_1009 = vector.shape_cast %broadcast_in_dim3A_1008 : vector<16x1xi32> to vector<16xi32>
        %gather3A_1010 = tpu.dynamic_gather %add3A_994[%gather3A_1009] in [0] : vector<16xf32>, vector<16xi32> -> vector<16xf32>
        %ge3A_1011 = arith.constant 8 : i32
        %ge3A_1012 = vector.broadcast %ge3A_1011 : i32 to vector<16xi32>
        %ge3A_1013 = arith.cmpi sge, %iota3A, %ge3A_1012 : vector<16xi32>
        %jit3A_1014 = arith.constant 0.000000e+00 : f32
        %broadcast_in_dim3A_1015 = vector.broadcast %jit3A_1014 : f32 to vector<16xf32>
        %select_n3A_1016 = arith.select %ge3A_1013, %gather3A_1010, %broadcast_in_dim3A_1015 : vector<16xi1>, vector<16xf32>
        %add3A_1017 = arith.addf %add3A_994, %select_n3A_1016 : vector<16xf32>
        %sub3A_1018 = arith.subf %add3A_1017, %select_n3A_925 : vector<16xf32>
        %sub3A_1019 = vector.broadcast %max3A_900 : f32 to vector<16xf32>
        %sub3A_1020 = arith.subf %sub3A_1019, %sub3A_1018 : vector<16xf32>
        %gt3A_1021 = arith.constant 0.000000e+00 : f32
        %gt3A_1022 = vector.broadcast %gt3A_1021 : f32 to vector<16xf32>
        %gt3A_1023 = arith.cmpf ogt, %sub3A_1020, %gt3A_1022 : vector<16xf32>
        %and3A_1024 = arith.andi %and3A_921, %gt3A_1023 : vector<16xi1>
        %min3A_1025 = vector.broadcast %max3A_900 : f32 to vector<16xf32>
        %min3A_1026 = arith.minimumf %min3A_1025, %add3A_1017 : vector<16xf32>
        %min3A_1027 = vector.broadcast %max3A_900 : f32 to vector<16xf32>
        %min3A_1028 = arith.minimumf %min3A_1027, %sub3A_1018 : vector<16xf32>
        %sub3A_1029 = arith.subf %min3A_1026, %min3A_1028 : vector<16xf32>
        %jit3A_1030 = arith.constant 0.000000e+00 : f32
        %broadcast_in_dim3A_1031 = vector.broadcast %jit3A_1030 : f32 to vector<16xf32>
        %select_n3A_1032 = arith.select %and3A_1024, %sub3A_1029, %broadcast_in_dim3A_1031 : vector<16xi1>, vector<16xf32>
        %mul3A_1033 = arith.mulf %select_n3A_1032, %get3A_914 : vector<16xf32>
        %jit3A_1034 = arith.constant 0.000000e+00 : f32
        %broadcast_in_dim3A_1035 = vector.broadcast %jit3A_1034 : f32 to vector<16xf32>
        %select_n3A_1036 = arith.select %and3A_1024, %mul3A_1033, %broadcast_in_dim3A_1035 : vector<16xi1>, vector<16xf32>
        %sub3A_1037 = arith.subf %get3A_917, %select_n3A_1036 : vector<16xf32>
        %swap3A_1038 = arith.constant 80 : index
        %swap3A_1039 = tpu.vector_load %arg13[%swap3A_1038] {strides = array<i32>} : memref<128xf32, #tpu.memory_space<vmem>>, vector<16xf32>,
        %swap3A_1040 = vector.shape_cast %swap3A_1039 : vector<16xf32> to vector<16xf32>
        %swap3A_1041 = vector.shape_cast %sub3A_1037 : vector<16xf32> to vector<16xf32>
        tpu.vector_store %arg13[%swap3A_1038], %swap3A_1041 {strides = array<i32>} : memref<128xf32, #tpu.memory_space<vmem>>, vector<16xf32>,
        %swap3A_1042 = arith.constant 80 : index
        %swap3A_1043 = tpu.vector_load %arg17[%swap3A_1042] {strides = array<i32>} : memref<128xf32, #tpu.memory_space<vmem>>, vector<16xf32>,
        %swap3A_1044 = vector.shape_cast %swap3A_1043 : vector<16xf32> to vector<16xf32>
        %swap3A_1045 = vector.shape_cast %select_n3A_1032 : vector<16xf32> to vector<16xf32>
        tpu.vector_store %arg17[%swap3A_1042], %swap3A_1045 {strides = array<i32>} : memref<128xf32, #tpu.memory_space<vmem>>, vector<16xf32>,
        %sub3A_1046 = arith.constant 1.000000e+00 : f32
        %sub3A_1047 = vector.broadcast %sub3A_1046 : f32 to vector<16xf32>
        %sub3A_1048 = arith.subf %get3A_914, %sub3A_1047 : vector<16xf32>
        %jit3A_1049 = arith.constant 0.000000e+00 : f32
        %broadcast_in_dim3A_1050 = vector.broadcast %jit3A_1049 : f32 to vector<16xf32>
        %select_n3A_1051 = arith.select %and3A_1024, %sub3A_1048, %broadcast_in_dim3A_1050 : vector<16xi1>, vector<16xf32>
        %swap3A_1052 = arith.constant 80 : index
        %swap3A_1053 = tpu.vector_load %arg18[%swap3A_1052] {strides = array<i32>} : memref<128xf32, #tpu.memory_space<vmem>>, vector<16xf32>,
        %swap3A_1054 = vector.shape_cast %swap3A_1053 : vector<16xf32> to vector<16xf32>
        %swap3A_1055 = vector.shape_cast %select_n3A_1051 : vector<16xf32> to vector<16xf32>
        tpu.vector_store %arg18[%swap3A_1052], %swap3A_1055 {strides = array<i32>} : memref<128xf32, #tpu.memory_space<vmem>>, vector<16xf32>,
        %slice3A_1056 = vector.extract_strided_slice %add3A_1017 {offsets = [15], sizes = [1], strides = [1]} : vector<16xf32> to vector<1xf32>
        %squeeze3A_1057 = vector.extract %slice3A_1056[0] : f32 from vector<1xf32>
        %sub3A_1058 = arith.subf %max3A_900, %squeeze3A_1057 : f32
        %max3A_1059 = arith.constant 0.000000e+00 : f32
        %max3A_1060 = arith.maximumf %sub3A_1058, %max3A_1059 : f32
        %get3A_1061 = arith.constant 96 : index
        %get3A_1062 = tpu.vector_load %arg15[%get3A_1061] {strides = array<i32>} : memref<128xf32, #tpu.memory_space<vmem>>, vector<16xf32>,
        %get3A_1063 = vector.shape_cast %get3A_1062 : vector<16xf32> to vector<16xf32>
        %gt3A_1064 = arith.constant 5.000000e-01 : f32
        %gt3A_1065 = vector.broadcast %gt3A_1064 : f32 to vector<16xf32>
        %gt3A_1066 = arith.cmpf ogt, %get3A_1063, %gt3A_1065 : vector<16xf32>
        %get3A_1067 = arith.index_cast %add3A : i32 to index
        %get3A_1068 = arith.constant 96 : index
        %get3A_1069 = tpu.vector_load %arg11[%get3A_1067, %get3A_1068] {strides = array<i32>} : memref<128x128xf32, #tpu.memory_space<vmem>>, vector<1x16xf32>,
        %get3A_1070 = vector.shape_cast %get3A_1069 : vector<1x16xf32> to vector<16xf32>
        %get3A_1071 = arith.index_cast %add3A : i32 to index
        %get3A_1072 = arith.constant 96 : index
        %get3A_1073 = tpu.vector_load %arg12[%get3A_1071, %get3A_1072] {strides = array<i32>} : memref<128x128xf32, #tpu.memory_space<vmem>>, vector<1x16xf32>,
        %get3A_1074 = vector.shape_cast %get3A_1073 : vector<1x16xf32> to vector<16xf32>
        %get3A_1075 = arith.constant 96 : index
        %get3A_1076 = tpu.vector_load %arg13[%get3A_1075] {strides = array<i32>} : memref<128xf32, #tpu.memory_space<vmem>>, vector<16xf32>,
        %get3A_1077 = vector.shape_cast %get3A_1076 : vector<16xf32> to vector<16xf32>
        %gt3A_1078 = arith.constant 0.000000e+00 : f32
        %gt3A_1079 = vector.broadcast %gt3A_1078 : f32 to vector<16xf32>
        %gt3A_1080 = arith.cmpf ogt, %get3A_1077, %gt3A_1079 : vector<16xf32>
        %and3A_1081 = arith.andi %gt3A_1066, %gt3A_1080 : vector<16xi1>
        %min3A_1082 = arith.minimumf %get3A_1077, %get3A_1070 : vector<16xf32>
        %jit3A_1083 = arith.constant 0.000000e+00 : f32
        %broadcast_in_dim3A_1084 = vector.broadcast %jit3A_1083 : f32 to vector<16xf32>
        %select_n3A_1085 = arith.select %and3A_1081, %min3A_1082, %broadcast_in_dim3A_1084 : vector<16xi1>, vector<16xf32>
        %sub3A_1086 = arith.constant 1 : i32
        %sub3A_1087 = vector.broadcast %sub3A_1086 : i32 to vector<16xi32>
        %sub3A_1088 = arith.subi %iota3A, %sub3A_1087 : vector<16xi32>
        %max3A_1089 = arith.constant 0 : i32
        %max3A_1090 = vector.broadcast %max3A_1089 : i32 to vector<16xi32>
        %max3A_1091 = arith.maxsi %sub3A_1088, %max3A_1090 : vector<16xi32>
        %lt3A_1092 = arith.constant 0 : i32
        %lt3A_1093 = vector.broadcast %lt3A_1092 : i32 to vector<16xi32>
        %lt3A_1094 = arith.cmpi slt, %max3A_1091, %lt3A_1093 : vector<16xi32>
        %add3A_1095 = arith.constant 16 : i32
        %add3A_1096 = vector.broadcast %add3A_1095 : i32 to vector<16xi32>
        %add3A_1097 = arith.addi %max3A_1091, %add3A_1096 : vector<16xi32>
        %select_n3A_1098 = arith.select %lt3A_1094, %add3A_1097, %max3A_1091 : vector<16xi1>, vector<16xi32>
        %broadcast_in_dim3A_1099 = vector.shape_cast %select_n3A_1098 : vector<16xi32> to vector<16x1xi32>
        %gather3A_1100 = vector.shape_cast %broadcast_in_dim3A_1099 : vector<16x1xi32> to vector<16xi32>
        %gather3A_1101 = tpu.dynamic_gather %select_n3A_1085[%gather3A_1100] in [0] : vector<16xf32>, vector<16xi32> -> vector<16xf32>
        %ge3A_1102 = arith.constant 1 : i32
        %ge3A_1103 = vector.broadcast %ge3A_1102 : i32 to vector<16xi32>
        %ge3A_1104 = arith.cmpi sge, %iota3A, %ge3A_1103 : vector<16xi32>
        %jit3A_1105 = arith.constant 0.000000e+00 : f32
        %broadcast_in_dim3A_1106 = vector.broadcast %jit3A_1105 : f32 to vector<16xf32>
        %select_n3A_1107 = arith.select %ge3A_1104, %gather3A_1101, %broadcast_in_dim3A_1106 : vector<16xi1>, vector<16xf32>
        %add3A_1108 = arith.addf %select_n3A_1085, %select_n3A_1107 : vector<16xf32>
        %sub3A_1109 = arith.constant 2 : i32
        %sub3A_1110 = vector.broadcast %sub3A_1109 : i32 to vector<16xi32>
        %sub3A_1111 = arith.subi %iota3A, %sub3A_1110 : vector<16xi32>
        %max3A_1112 = arith.constant 0 : i32
        %max3A_1113 = vector.broadcast %max3A_1112 : i32 to vector<16xi32>
        %max3A_1114 = arith.maxsi %sub3A_1111, %max3A_1113 : vector<16xi32>
        %lt3A_1115 = arith.constant 0 : i32
        %lt3A_1116 = vector.broadcast %lt3A_1115 : i32 to vector<16xi32>
        %lt3A_1117 = arith.cmpi slt, %max3A_1114, %lt3A_1116 : vector<16xi32>
        %add3A_1118 = arith.constant 16 : i32
        %add3A_1119 = vector.broadcast %add3A_1118 : i32 to vector<16xi32>
        %add3A_1120 = arith.addi %max3A_1114, %add3A_1119 : vector<16xi32>
        %select_n3A_1121 = arith.select %lt3A_1117, %add3A_1120, %max3A_1114 : vector<16xi1>, vector<16xi32>
        %broadcast_in_dim3A_1122 = vector.shape_cast %select_n3A_1121 : vector<16xi32> to vector<16x1xi32>
        %gather3A_1123 = vector.shape_cast %broadcast_in_dim3A_1122 : vector<16x1xi32> to vector<16xi32>
        %gather3A_1124 = tpu.dynamic_gather %add3A_1108[%gather3A_1123] in [0] : vector<16xf32>, vector<16xi32> -> vector<16xf32>
        %ge3A_1125 = arith.constant 2 : i32
        %ge3A_1126 = vector.broadcast %ge3A_1125 : i32 to vector<16xi32>
        %ge3A_1127 = arith.cmpi sge, %iota3A, %ge3A_1126 : vector<16xi32>
        %jit3A_1128 = arith.constant 0.000000e+00 : f32
        %broadcast_in_dim3A_1129 = vector.broadcast %jit3A_1128 : f32 to vector<16xf32>
        %select_n3A_1130 = arith.select %ge3A_1127, %gather3A_1124, %broadcast_in_dim3A_1129 : vector<16xi1>, vector<16xf32>
        %add3A_1131 = arith.addf %add3A_1108, %select_n3A_1130 : vector<16xf32>
        %sub3A_1132 = arith.constant 4 : i32
        %sub3A_1133 = vector.broadcast %sub3A_1132 : i32 to vector<16xi32>
        %sub3A_1134 = arith.subi %iota3A, %sub3A_1133 : vector<16xi32>
        %max3A_1135 = arith.constant 0 : i32
        %max3A_1136 = vector.broadcast %max3A_1135 : i32 to vector<16xi32>
        %max3A_1137 = arith.maxsi %sub3A_1134, %max3A_1136 : vector<16xi32>
        %lt3A_1138 = arith.constant 0 : i32
        %lt3A_1139 = vector.broadcast %lt3A_1138 : i32 to vector<16xi32>
        %lt3A_1140 = arith.cmpi slt, %max3A_1137, %lt3A_1139 : vector<16xi32>
        %add3A_1141 = arith.constant 16 : i32
        %add3A_1142 = vector.broadcast %add3A_1141 : i32 to vector<16xi32>
        %add3A_1143 = arith.addi %max3A_1137, %add3A_1142 : vector<16xi32>
        %select_n3A_1144 = arith.select %lt3A_1140, %add3A_1143, %max3A_1137 : vector<16xi1>, vector<16xi32>
        %broadcast_in_dim3A_1145 = vector.shape_cast %select_n3A_1144 : vector<16xi32> to vector<16x1xi32>
        %gather3A_1146 = vector.shape_cast %broadcast_in_dim3A_1145 : vector<16x1xi32> to vector<16xi32>
        %gather3A_1147 = tpu.dynamic_gather %add3A_1131[%gather3A_1146] in [0] : vector<16xf32>, vector<16xi32> -> vector<16xf32>
        %ge3A_1148 = arith.constant 4 : i32
        %ge3A_1149 = vector.broadcast %ge3A_1148 : i32 to vector<16xi32>
        %ge3A_1150 = arith.cmpi sge, %iota3A, %ge3A_1149 : vector<16xi32>
        %jit3A_1151 = arith.constant 0.000000e+00 : f32
        %broadcast_in_dim3A_1152 = vector.broadcast %jit3A_1151 : f32 to vector<16xf32>
        %select_n3A_1153 = arith.select %ge3A_1150, %gather3A_1147, %broadcast_in_dim3A_1152 : vector<16xi1>, vector<16xf32>
        %add3A_1154 = arith.addf %add3A_1131, %select_n3A_1153 : vector<16xf32>
        %sub3A_1155 = arith.constant 8 : i32
        %sub3A_1156 = vector.broadcast %sub3A_1155 : i32 to vector<16xi32>
        %sub3A_1157 = arith.subi %iota3A, %sub3A_1156 : vector<16xi32>
        %max3A_1158 = arith.constant 0 : i32
        %max3A_1159 = vector.broadcast %max3A_1158 : i32 to vector<16xi32>
        %max3A_1160 = arith.maxsi %sub3A_1157, %max3A_1159 : vector<16xi32>
        %lt3A_1161 = arith.constant 0 : i32
        %lt3A_1162 = vector.broadcast %lt3A_1161 : i32 to vector<16xi32>
        %lt3A_1163 = arith.cmpi slt, %max3A_1160, %lt3A_1162 : vector<16xi32>
        %add3A_1164 = arith.constant 16 : i32
        %add3A_1165 = vector.broadcast %add3A_1164 : i32 to vector<16xi32>
        %add3A_1166 = arith.addi %max3A_1160, %add3A_1165 : vector<16xi32>
        %select_n3A_1167 = arith.select %lt3A_1163, %add3A_1166, %max3A_1160 : vector<16xi1>, vector<16xi32>
        %broadcast_in_dim3A_1168 = vector.shape_cast %select_n3A_1167 : vector<16xi32> to vector<16x1xi32>
        %gather3A_1169 = vector.shape_cast %broadcast_in_dim3A_1168 : vector<16x1xi32> to vector<16xi32>
        %gather3A_1170 = tpu.dynamic_gather %add3A_1154[%gather3A_1169] in [0] : vector<16xf32>, vector<16xi32> -> vector<16xf32>
        %ge3A_1171 = arith.constant 8 : i32
        %ge3A_1172 = vector.broadcast %ge3A_1171 : i32 to vector<16xi32>
        %ge3A_1173 = arith.cmpi sge, %iota3A, %ge3A_1172 : vector<16xi32>
        %jit3A_1174 = arith.constant 0.000000e+00 : f32
        %broadcast_in_dim3A_1175 = vector.broadcast %jit3A_1174 : f32 to vector<16xf32>
        %select_n3A_1176 = arith.select %ge3A_1173, %gather3A_1170, %broadcast_in_dim3A_1175 : vector<16xi1>, vector<16xf32>
        %add3A_1177 = arith.addf %add3A_1154, %select_n3A_1176 : vector<16xf32>
        %sub3A_1178 = arith.subf %add3A_1177, %select_n3A_1085 : vector<16xf32>
        %sub3A_1179 = vector.broadcast %max3A_1060 : f32 to vector<16xf32>
        %sub3A_1180 = arith.subf %sub3A_1179, %sub3A_1178 : vector<16xf32>
        %gt3A_1181 = arith.constant 0.000000e+00 : f32
        %gt3A_1182 = vector.broadcast %gt3A_1181 : f32 to vector<16xf32>
        %gt3A_1183 = arith.cmpf ogt, %sub3A_1180, %gt3A_1182 : vector<16xf32>
        %and3A_1184 = arith.andi %and3A_1081, %gt3A_1183 : vector<16xi1>
        %min3A_1185 = vector.broadcast %max3A_1060 : f32 to vector<16xf32>
        %min3A_1186 = arith.minimumf %min3A_1185, %add3A_1177 : vector<16xf32>
        %min3A_1187 = vector.broadcast %max3A_1060 : f32 to vector<16xf32>
        %min3A_1188 = arith.minimumf %min3A_1187, %sub3A_1178 : vector<16xf32>
        %sub3A_1189 = arith.subf %min3A_1186, %min3A_1188 : vector<16xf32>
        %jit3A_1190 = arith.constant 0.000000e+00 : f32
        %broadcast_in_dim3A_1191 = vector.broadcast %jit3A_1190 : f32 to vector<16xf32>
        %select_n3A_1192 = arith.select %and3A_1184, %sub3A_1189, %broadcast_in_dim3A_1191 : vector<16xi1>, vector<16xf32>
        %mul3A_1193 = arith.mulf %select_n3A_1192, %get3A_1074 : vector<16xf32>
        %jit3A_1194 = arith.constant 0.000000e+00 : f32
        %broadcast_in_dim3A_1195 = vector.broadcast %jit3A_1194 : f32 to vector<16xf32>
        %select_n3A_1196 = arith.select %and3A_1184, %mul3A_1193, %broadcast_in_dim3A_1195 : vector<16xi1>, vector<16xf32>
        %sub3A_1197 = arith.subf %get3A_1077, %select_n3A_1196 : vector<16xf32>
        %swap3A_1198 = arith.constant 96 : index
        %swap3A_1199 = tpu.vector_load %arg13[%swap3A_1198] {strides = array<i32>} : memref<128xf32, #tpu.memory_space<vmem>>, vector<16xf32>,
        %swap3A_1200 = vector.shape_cast %swap3A_1199 : vector<16xf32> to vector<16xf32>
        %swap3A_1201 = vector.shape_cast %sub3A_1197 : vector<16xf32> to vector<16xf32>
        tpu.vector_store %arg13[%swap3A_1198], %swap3A_1201 {strides = array<i32>} : memref<128xf32, #tpu.memory_space<vmem>>, vector<16xf32>,
        %swap3A_1202 = arith.constant 96 : index
        %swap3A_1203 = tpu.vector_load %arg17[%swap3A_1202] {strides = array<i32>} : memref<128xf32, #tpu.memory_space<vmem>>, vector<16xf32>,
        %swap3A_1204 = vector.shape_cast %swap3A_1203 : vector<16xf32> to vector<16xf32>
        %swap3A_1205 = vector.shape_cast %select_n3A_1192 : vector<16xf32> to vector<16xf32>
        tpu.vector_store %arg17[%swap3A_1202], %swap3A_1205 {strides = array<i32>} : memref<128xf32, #tpu.memory_space<vmem>>, vector<16xf32>,
        %sub3A_1206 = arith.constant 1.000000e+00 : f32
        %sub3A_1207 = vector.broadcast %sub3A_1206 : f32 to vector<16xf32>
        %sub3A_1208 = arith.subf %get3A_1074, %sub3A_1207 : vector<16xf32>
        %jit3A_1209 = arith.constant 0.000000e+00 : f32
        %broadcast_in_dim3A_1210 = vector.broadcast %jit3A_1209 : f32 to vector<16xf32>
        %select_n3A_1211 = arith.select %and3A_1184, %sub3A_1208, %broadcast_in_dim3A_1210 : vector<16xi1>, vector<16xf32>
        %swap3A_1212 = arith.constant 96 : index
        %swap3A_1213 = tpu.vector_load %arg18[%swap3A_1212] {strides = array<i32>} : memref<128xf32, #tpu.memory_space<vmem>>, vector<16xf32>,
        %swap3A_1214 = vector.shape_cast %swap3A_1213 : vector<16xf32> to vector<16xf32>
        %swap3A_1215 = vector.shape_cast %select_n3A_1211 : vector<16xf32> to vector<16xf32>
        tpu.vector_store %arg18[%swap3A_1212], %swap3A_1215 {strides = array<i32>} : memref<128xf32, #tpu.memory_space<vmem>>, vector<16xf32>,
        %slice3A_1216 = vector.extract_strided_slice %add3A_1177 {offsets = [15], sizes = [1], strides = [1]} : vector<16xf32> to vector<1xf32>
        %squeeze3A_1217 = vector.extract %slice3A_1216[0] : f32 from vector<1xf32>
        %sub3A_1218 = arith.subf %max3A_1060, %squeeze3A_1217 : f32
        %max3A_1219 = arith.constant 0.000000e+00 : f32
        %max3A_1220 = arith.maximumf %sub3A_1218, %max3A_1219 : f32
        %get3A_1221 = arith.constant 112 : index
        %get3A_1222 = tpu.vector_load %arg15[%get3A_1221] {strides = array<i32>} : memref<128xf32, #tpu.memory_space<vmem>>, vector<16xf32>,
        %get3A_1223 = vector.shape_cast %get3A_1222 : vector<16xf32> to vector<16xf32>
        %gt3A_1224 = arith.constant 5.000000e-01 : f32
        %gt3A_1225 = vector.broadcast %gt3A_1224 : f32 to vector<16xf32>
        %gt3A_1226 = arith.cmpf ogt, %get3A_1223, %gt3A_1225 : vector<16xf32>
        %get3A_1227 = arith.index_cast %add3A : i32 to index
        %get3A_1228 = arith.constant 112 : index
        %get3A_1229 = tpu.vector_load %arg11[%get3A_1227, %get3A_1228] {strides = array<i32>} : memref<128x128xf32, #tpu.memory_space<vmem>>, vector<1x16xf32>,
        %get3A_1230 = vector.shape_cast %get3A_1229 : vector<1x16xf32> to vector<16xf32>
        %get3A_1231 = arith.index_cast %add3A : i32 to index
        %get3A_1232 = arith.constant 112 : index
        %get3A_1233 = tpu.vector_load %arg12[%get3A_1231, %get3A_1232] {strides = array<i32>} : memref<128x128xf32, #tpu.memory_space<vmem>>, vector<1x16xf32>,
        %get3A_1234 = vector.shape_cast %get3A_1233 : vector<1x16xf32> to vector<16xf32>
        %get3A_1235 = arith.constant 112 : index
        %get3A_1236 = tpu.vector_load %arg13[%get3A_1235] {strides = array<i32>} : memref<128xf32, #tpu.memory_space<vmem>>, vector<16xf32>,
        %get3A_1237 = vector.shape_cast %get3A_1236 : vector<16xf32> to vector<16xf32>
        %gt3A_1238 = arith.constant 0.000000e+00 : f32
        %gt3A_1239 = vector.broadcast %gt3A_1238 : f32 to vector<16xf32>
        %gt3A_1240 = arith.cmpf ogt, %get3A_1237, %gt3A_1239 : vector<16xf32>
        %and3A_1241 = arith.andi %gt3A_1226, %gt3A_1240 : vector<16xi1>
        %min3A_1242 = arith.minimumf %get3A_1237, %get3A_1230 : vector<16xf32>
        %jit3A_1243 = arith.constant 0.000000e+00 : f32
        %broadcast_in_dim3A_1244 = vector.broadcast %jit3A_1243 : f32 to vector<16xf32>
        %select_n3A_1245 = arith.select %and3A_1241, %min3A_1242, %broadcast_in_dim3A_1244 : vector<16xi1>, vector<16xf32>
        %sub3A_1246 = arith.constant 1 : i32
        %sub3A_1247 = vector.broadcast %sub3A_1246 : i32 to vector<16xi32>
        %sub3A_1248 = arith.subi %iota3A, %sub3A_1247 : vector<16xi32>
        %max3A_1249 = arith.constant 0 : i32
        %max3A_1250 = vector.broadcast %max3A_1249 : i32 to vector<16xi32>
        %max3A_1251 = arith.maxsi %sub3A_1248, %max3A_1250 : vector<16xi32>
        %lt3A_1252 = arith.constant 0 : i32
        %lt3A_1253 = vector.broadcast %lt3A_1252 : i32 to vector<16xi32>
        %lt3A_1254 = arith.cmpi slt, %max3A_1251, %lt3A_1253 : vector<16xi32>
        %add3A_1255 = arith.constant 16 : i32
        %add3A_1256 = vector.broadcast %add3A_1255 : i32 to vector<16xi32>
        %add3A_1257 = arith.addi %max3A_1251, %add3A_1256 : vector<16xi32>
        %select_n3A_1258 = arith.select %lt3A_1254, %add3A_1257, %max3A_1251 : vector<16xi1>, vector<16xi32>
        %broadcast_in_dim3A_1259 = vector.shape_cast %select_n3A_1258 : vector<16xi32> to vector<16x1xi32>
        %gather3A_1260 = vector.shape_cast %broadcast_in_dim3A_1259 : vector<16x1xi32> to vector<16xi32>
        %gather3A_1261 = tpu.dynamic_gather %select_n3A_1245[%gather3A_1260] in [0] : vector<16xf32>, vector<16xi32> -> vector<16xf32>
        %ge3A_1262 = arith.constant 1 : i32
        %ge3A_1263 = vector.broadcast %ge3A_1262 : i32 to vector<16xi32>
        %ge3A_1264 = arith.cmpi sge, %iota3A, %ge3A_1263 : vector<16xi32>
        %jit3A_1265 = arith.constant 0.000000e+00 : f32
        %broadcast_in_dim3A_1266 = vector.broadcast %jit3A_1265 : f32 to vector<16xf32>
        %select_n3A_1267 = arith.select %ge3A_1264, %gather3A_1261, %broadcast_in_dim3A_1266 : vector<16xi1>, vector<16xf32>
        %add3A_1268 = arith.addf %select_n3A_1245, %select_n3A_1267 : vector<16xf32>
        %sub3A_1269 = arith.constant 2 : i32
        %sub3A_1270 = vector.broadcast %sub3A_1269 : i32 to vector<16xi32>
        %sub3A_1271 = arith.subi %iota3A, %sub3A_1270 : vector<16xi32>
        %max3A_1272 = arith.constant 0 : i32
        %max3A_1273 = vector.broadcast %max3A_1272 : i32 to vector<16xi32>
        %max3A_1274 = arith.maxsi %sub3A_1271, %max3A_1273 : vector<16xi32>
        %lt3A_1275 = arith.constant 0 : i32
        %lt3A_1276 = vector.broadcast %lt3A_1275 : i32 to vector<16xi32>
        %lt3A_1277 = arith.cmpi slt, %max3A_1274, %lt3A_1276 : vector<16xi32>
        %add3A_1278 = arith.constant 16 : i32
        %add3A_1279 = vector.broadcast %add3A_1278 : i32 to vector<16xi32>
        %add3A_1280 = arith.addi %max3A_1274, %add3A_1279 : vector<16xi32>
        %select_n3A_1281 = arith.select %lt3A_1277, %add3A_1280, %max3A_1274 : vector<16xi1>, vector<16xi32>
        %broadcast_in_dim3A_1282 = vector.shape_cast %select_n3A_1281 : vector<16xi32> to vector<16x1xi32>
        %gather3A_1283 = vector.shape_cast %broadcast_in_dim3A_1282 : vector<16x1xi32> to vector<16xi32>
        %gather3A_1284 = tpu.dynamic_gather %add3A_1268[%gather3A_1283] in [0] : vector<16xf32>, vector<16xi32> -> vector<16xf32>
        %ge3A_1285 = arith.constant 2 : i32
        %ge3A_1286 = vector.broadcast %ge3A_1285 : i32 to vector<16xi32>
        %ge3A_1287 = arith.cmpi sge, %iota3A, %ge3A_1286 : vector<16xi32>
        %jit3A_1288 = arith.constant 0.000000e+00 : f32
        %broadcast_in_dim3A_1289 = vector.broadcast %jit3A_1288 : f32 to vector<16xf32>
        %select_n3A_1290 = arith.select %ge3A_1287, %gather3A_1284, %broadcast_in_dim3A_1289 : vector<16xi1>, vector<16xf32>
        %add3A_1291 = arith.addf %add3A_1268, %select_n3A_1290 : vector<16xf32>
        %sub3A_1292 = arith.constant 4 : i32
        %sub3A_1293 = vector.broadcast %sub3A_1292 : i32 to vector<16xi32>
        %sub3A_1294 = arith.subi %iota3A, %sub3A_1293 : vector<16xi32>
        %max3A_1295 = arith.constant 0 : i32
        %max3A_1296 = vector.broadcast %max3A_1295 : i32 to vector<16xi32>
        %max3A_1297 = arith.maxsi %sub3A_1294, %max3A_1296 : vector<16xi32>
        %lt3A_1298 = arith.constant 0 : i32
        %lt3A_1299 = vector.broadcast %lt3A_1298 : i32 to vector<16xi32>
        %lt3A_1300 = arith.cmpi slt, %max3A_1297, %lt3A_1299 : vector<16xi32>
        %add3A_1301 = arith.constant 16 : i32
        %add3A_1302 = vector.broadcast %add3A_1301 : i32 to vector<16xi32>
        %add3A_1303 = arith.addi %max3A_1297, %add3A_1302 : vector<16xi32>
        %select_n3A_1304 = arith.select %lt3A_1300, %add3A_1303, %max3A_1297 : vector<16xi1>, vector<16xi32>
        %broadcast_in_dim3A_1305 = vector.shape_cast %select_n3A_1304 : vector<16xi32> to vector<16x1xi32>
        %gather3A_1306 = vector.shape_cast %broadcast_in_dim3A_1305 : vector<16x1xi32> to vector<16xi32>
        %gather3A_1307 = tpu.dynamic_gather %add3A_1291[%gather3A_1306] in [0] : vector<16xf32>, vector<16xi32> -> vector<16xf32>
        %ge3A_1308 = arith.constant 4 : i32
        %ge3A_1309 = vector.broadcast %ge3A_1308 : i32 to vector<16xi32>
        %ge3A_1310 = arith.cmpi sge, %iota3A, %ge3A_1309 : vector<16xi32>
        %jit3A_1311 = arith.constant 0.000000e+00 : f32
        %broadcast_in_dim3A_1312 = vector.broadcast %jit3A_1311 : f32 to vector<16xf32>
        %select_n3A_1313 = arith.select %ge3A_1310, %gather3A_1307, %broadcast_in_dim3A_1312 : vector<16xi1>, vector<16xf32>
        %add3A_1314 = arith.addf %add3A_1291, %select_n3A_1313 : vector<16xf32>
        %sub3A_1315 = arith.constant 8 : i32
        %sub3A_1316 = vector.broadcast %sub3A_1315 : i32 to vector<16xi32>
        %sub3A_1317 = arith.subi %iota3A, %sub3A_1316 : vector<16xi32>
        %max3A_1318 = arith.constant 0 : i32
        %max3A_1319 = vector.broadcast %max3A_1318 : i32 to vector<16xi32>
        %max3A_1320 = arith.maxsi %sub3A_1317, %max3A_1319 : vector<16xi32>
        %lt3A_1321 = arith.constant 0 : i32
        %lt3A_1322 = vector.broadcast %lt3A_1321 : i32 to vector<16xi32>
        %lt3A_1323 = arith.cmpi slt, %max3A_1320, %lt3A_1322 : vector<16xi32>
        %add3A_1324 = arith.constant 16 : i32
        %add3A_1325 = vector.broadcast %add3A_1324 : i32 to vector<16xi32>
        %add3A_1326 = arith.addi %max3A_1320, %add3A_1325 : vector<16xi32>
        %select_n3A_1327 = arith.select %lt3A_1323, %add3A_1326, %max3A_1320 : vector<16xi1>, vector<16xi32>
        %broadcast_in_dim3A_1328 = vector.shape_cast %select_n3A_1327 : vector<16xi32> to vector<16x1xi32>
        %gather3A_1329 = vector.shape_cast %broadcast_in_dim3A_1328 : vector<16x1xi32> to vector<16xi32>
        %gather3A_1330 = tpu.dynamic_gather %add3A_1314[%gather3A_1329] in [0] : vector<16xf32>, vector<16xi32> -> vector<16xf32>
        %ge3A_1331 = arith.constant 8 : i32
        %ge3A_1332 = vector.broadcast %ge3A_1331 : i32 to vector<16xi32>
        %ge3A_1333 = arith.cmpi sge, %iota3A, %ge3A_1332 : vector<16xi32>
        %jit3A_1334 = arith.constant 0.000000e+00 : f32
        %broadcast_in_dim3A_1335 = vector.broadcast %jit3A_1334 : f32 to vector<16xf32>
        %select_n3A_1336 = arith.select %ge3A_1333, %gather3A_1330, %broadcast_in_dim3A_1335 : vector<16xi1>, vector<16xf32>
        %add3A_1337 = arith.addf %add3A_1314, %select_n3A_1336 : vector<16xf32>
        %sub3A_1338 = arith.subf %add3A_1337, %select_n3A_1245 : vector<16xf32>
        %sub3A_1339 = vector.broadcast %max3A_1220 : f32 to vector<16xf32>
        %sub3A_1340 = arith.subf %sub3A_1339, %sub3A_1338 : vector<16xf32>
        %gt3A_1341 = arith.constant 0.000000e+00 : f32
        %gt3A_1342 = vector.broadcast %gt3A_1341 : f32 to vector<16xf32>
        %gt3A_1343 = arith.cmpf ogt, %sub3A_1340, %gt3A_1342 : vector<16xf32>
        %and3A_1344 = arith.andi %and3A_1241, %gt3A_1343 : vector<16xi1>
        %min3A_1345 = vector.broadcast %max3A_1220 : f32 to vector<16xf32>
        %min3A_1346 = arith.minimumf %min3A_1345, %add3A_1337 : vector<16xf32>
        %min3A_1347 = vector.broadcast %max3A_1220 : f32 to vector<16xf32>
        %min3A_1348 = arith.minimumf %min3A_1347, %sub3A_1338 : vector<16xf32>
        %sub3A_1349 = arith.subf %min3A_1346, %min3A_1348 : vector<16xf32>
        %jit3A_1350 = arith.constant 0.000000e+00 : f32
        %broadcast_in_dim3A_1351 = vector.broadcast %jit3A_1350 : f32 to vector<16xf32>
        %select_n3A_1352 = arith.select %and3A_1344, %sub3A_1349, %broadcast_in_dim3A_1351 : vector<16xi1>, vector<16xf32>
        %mul3A_1353 = arith.mulf %select_n3A_1352, %get3A_1234 : vector<16xf32>
        %jit3A_1354 = arith.constant 0.000000e+00 : f32
        %broadcast_in_dim3A_1355 = vector.broadcast %jit3A_1354 : f32 to vector<16xf32>
        %select_n3A_1356 = arith.select %and3A_1344, %mul3A_1353, %broadcast_in_dim3A_1355 : vector<16xi1>, vector<16xf32>
        %sub3A_1357 = arith.subf %get3A_1237, %select_n3A_1356 : vector<16xf32>
        %swap3A_1358 = arith.constant 112 : index
        %swap3A_1359 = tpu.vector_load %arg13[%swap3A_1358] {strides = array<i32>} : memref<128xf32, #tpu.memory_space<vmem>>, vector<16xf32>,
        %swap3A_1360 = vector.shape_cast %swap3A_1359 : vector<16xf32> to vector<16xf32>
        %swap3A_1361 = vector.shape_cast %sub3A_1357 : vector<16xf32> to vector<16xf32>
        tpu.vector_store %arg13[%swap3A_1358], %swap3A_1361 {strides = array<i32>} : memref<128xf32, #tpu.memory_space<vmem>>, vector<16xf32>,
        %swap3A_1362 = arith.constant 112 : index
        %swap3A_1363 = tpu.vector_load %arg17[%swap3A_1362] {strides = array<i32>} : memref<128xf32, #tpu.memory_space<vmem>>, vector<16xf32>,
        %swap3A_1364 = vector.shape_cast %swap3A_1363 : vector<16xf32> to vector<16xf32>
        %swap3A_1365 = vector.shape_cast %select_n3A_1352 : vector<16xf32> to vector<16xf32>
        tpu.vector_store %arg17[%swap3A_1362], %swap3A_1365 {strides = array<i32>} : memref<128xf32, #tpu.memory_space<vmem>>, vector<16xf32>,
        %sub3A_1366 = arith.constant 1.000000e+00 : f32
        %sub3A_1367 = vector.broadcast %sub3A_1366 : f32 to vector<16xf32>
        %sub3A_1368 = arith.subf %get3A_1234, %sub3A_1367 : vector<16xf32>
        %jit3A_1369 = arith.constant 0.000000e+00 : f32
        %broadcast_in_dim3A_1370 = vector.broadcast %jit3A_1369 : f32 to vector<16xf32>
        %select_n3A_1371 = arith.select %and3A_1344, %sub3A_1368, %broadcast_in_dim3A_1370 : vector<16xi1>, vector<16xf32>
        %swap3A_1372 = arith.constant 112 : index
        %swap3A_1373 = tpu.vector_load %arg18[%swap3A_1372] {strides = array<i32>} : memref<128xf32, #tpu.memory_space<vmem>>, vector<16xf32>,
        %swap3A_1374 = vector.shape_cast %swap3A_1373 : vector<16xf32> to vector<16xf32>
        %swap3A_1375 = vector.shape_cast %select_n3A_1371 : vector<16xf32> to vector<16xf32>
        tpu.vector_store %arg18[%swap3A_1372], %swap3A_1375 {strides = array<i32>} : memref<128xf32, #tpu.memory_space<vmem>>, vector<16xf32>,
        %slice3A_1376 = vector.extract_strided_slice %add3A_1337 {offsets = [15], sizes = [1], strides = [1]} : vector<16xf32> to vector<1xf32>
        %squeeze3A_1377 = vector.extract %slice3A_1376[0] : f32 from vector<1xf32>
        %sub3A_1378 = arith.subf %max3A_1220, %squeeze3A_1377 : f32
        %max3A_1379 = arith.constant 0.000000e+00 : f32
        %max3A_1380 = arith.maximumf %sub3A_1378, %max3A_1379 : f32
        "tpu.region"() ({
          %run_scoped3A = tpu.sem_alloc : memref<!tpu.dma_semaphore, #tpu.memory_space<semaphore_mem>>
          %dma_start3A = arith.constant 0 : i32
          %dma_start3A_1381 = tpu.memref_slice %arg8[%add3A, %dma_start3A] : memref<128x128xf32, #tpu.memory_space<hbm>> -> memref<1x128xf32, #tpu.memory_space<hbm>>
          %dma_start3A_1382 = tpu.memref_squeeze %dma_start3A_1381 : memref<1x128xf32, #tpu.memory_space<hbm>> -> memref<128xf32, #tpu.memory_space<hbm>>
          %dma_start3A_1383 = arith.constant 0 : i32
          %dma_start3A_1384 = tpu.memref_slice %arg8[%add3A, %dma_start3A_1383] : memref<128x128xf32, #tpu.memory_space<hbm>> -> memref<1x128xf32, #tpu.memory_space<hbm>>
          %dma_start3A_1385 = tpu.memref_squeeze %dma_start3A_1384 : memref<1x128xf32, #tpu.memory_space<hbm>> -> memref<128xf32, #tpu.memory_space<hbm>>
          tpu.enqueue_dma source(%arg17 : memref<128xf32, #tpu.memory_space<vmem>>) target(%dma_start3A_1385 : memref<128xf32, #tpu.memory_space<hbm>>) target_semaphore(%run_scoped3A : memref<!tpu.dma_semaphore, #tpu.memory_space<semaphore_mem>>)
          %dma_wait3A = arith.constant 0 : i32
          %dma_wait3A_1386 = tpu.memref_slice %arg8[%add3A, %dma_wait3A] : memref<128x128xf32, #tpu.memory_space<hbm>> -> memref<1x128xf32, #tpu.memory_space<hbm>>
          %dma_wait3A_1387 = tpu.memref_squeeze %dma_wait3A_1386 : memref<1x128xf32, #tpu.memory_space<hbm>> -> memref<128xf32, #tpu.memory_space<hbm>>
          %dma_wait3A_1388 = arith.constant 0 : i32
          %dma_wait3A_1389 = tpu.memref_slice %arg8[%add3A, %dma_wait3A_1388] : memref<128x128xf32, #tpu.memory_space<hbm>> -> memref<1x128xf32, #tpu.memory_space<hbm>>
          %dma_wait3A_1390 = tpu.memref_squeeze %dma_wait3A_1389 : memref<1x128xf32, #tpu.memory_space<hbm>> -> memref<128xf32, #tpu.memory_space<hbm>>
          tpu.wait_dma2 semaphore(%run_scoped3A : memref<!tpu.dma_semaphore, #tpu.memory_space<semaphore_mem>>) src(%arg17 : memref<128xf32, #tpu.memory_space<vmem>>) dst(%dma_wait3A_1390 : memref<128xf32, #tpu.memory_space<hbm>>)
          tpu.yield
        }) : () -> ()
        "tpu.region"() ({
          %run_scoped3A = tpu.sem_alloc : memref<!tpu.dma_semaphore, #tpu.memory_space<semaphore_mem>>
          %dma_start3A = arith.constant 0 : i32
          %dma_start3A_1381 = tpu.memref_slice %arg9[%add3A, %dma_start3A] : memref<128x128xf32, #tpu.memory_space<hbm>> -> memref<1x128xf32, #tpu.memory_space<hbm>>
          %dma_start3A_1382 = tpu.memref_squeeze %dma_start3A_1381 : memref<1x128xf32, #tpu.memory_space<hbm>> -> memref<128xf32, #tpu.memory_space<hbm>>
          %dma_start3A_1383 = arith.constant 0 : i32
          %dma_start3A_1384 = tpu.memref_slice %arg9[%add3A, %dma_start3A_1383] : memref<128x128xf32, #tpu.memory_space<hbm>> -> memref<1x128xf32, #tpu.memory_space<hbm>>
          %dma_start3A_1385 = tpu.memref_squeeze %dma_start3A_1384 : memref<1x128xf32, #tpu.memory_space<hbm>> -> memref<128xf32, #tpu.memory_space<hbm>>
          tpu.enqueue_dma source(%arg18 : memref<128xf32, #tpu.memory_space<vmem>>) target(%dma_start3A_1385 : memref<128xf32, #tpu.memory_space<hbm>>) target_semaphore(%run_scoped3A : memref<!tpu.dma_semaphore, #tpu.memory_space<semaphore_mem>>)
          %dma_wait3A = arith.constant 0 : i32
          %dma_wait3A_1386 = tpu.memref_slice %arg9[%add3A, %dma_wait3A] : memref<128x128xf32, #tpu.memory_space<hbm>> -> memref<1x128xf32, #tpu.memory_space<hbm>>
          %dma_wait3A_1387 = tpu.memref_squeeze %dma_wait3A_1386 : memref<1x128xf32, #tpu.memory_space<hbm>> -> memref<128xf32, #tpu.memory_space<hbm>>
          %dma_wait3A_1388 = arith.constant 0 : i32
          %dma_wait3A_1389 = tpu.memref_slice %arg9[%add3A, %dma_wait3A_1388] : memref<128x128xf32, #tpu.memory_space<hbm>> -> memref<1x128xf32, #tpu.memory_space<hbm>>
          %dma_wait3A_1390 = tpu.memref_squeeze %dma_wait3A_1389 : memref<1x128xf32, #tpu.memory_space<hbm>> -> memref<128xf32, #tpu.memory_space<hbm>>
          tpu.wait_dma2 semaphore(%run_scoped3A : memref<!tpu.dma_semaphore, #tpu.memory_space<semaphore_mem>>) src(%arg18 : memref<128xf32, #tpu.memory_space<vmem>>) dst(%dma_wait3A_1390 : memref<128xf32, #tpu.memory_space<hbm>>)
          tpu.yield
        }) : () -> ()
      }
      %get3A_18 = arith.constant 0 : index
      %get3A_19 = tpu.vector_load %arg13[%get3A_18] {strides = array<i32>} : memref<128xf32, #tpu.memory_space<vmem>>, vector<16xf32>,
      %get3A_20 = vector.shape_cast %get3A_19 : vector<16xf32> to vector<16xf32>
      %get3A_21 = arith.constant 0 : index
      %get3A_22 = tpu.vector_load %arg15[%get3A_21] {strides = array<i32>} : memref<128xf32, #tpu.memory_space<vmem>>, vector<16xf32>,
      %get3A_23 = vector.shape_cast %get3A_22 : vector<16xf32> to vector<16xf32>
      %mul3A = arith.mulf %get3A_20, %get3A_23 : vector<16xf32>
      %swap3A = arith.constant 0 : index
      %swap3A_24 = tpu.vector_load %arg17[%swap3A] {strides = array<i32>} : memref<128xf32, #tpu.memory_space<vmem>>, vector<16xf32>,
      %swap3A_25 = vector.shape_cast %swap3A_24 : vector<16xf32> to vector<16xf32>
      %swap3A_26 = vector.shape_cast %mul3A : vector<16xf32> to vector<16xf32>
      tpu.vector_store %arg17[%swap3A], %swap3A_26 {strides = array<i32>} : memref<128xf32, #tpu.memory_space<vmem>>, vector<16xf32>,
      %get3A_27 = arith.constant 16 : index
      %get3A_28 = tpu.vector_load %arg13[%get3A_27] {strides = array<i32>} : memref<128xf32, #tpu.memory_space<vmem>>, vector<16xf32>,
      %get3A_29 = vector.shape_cast %get3A_28 : vector<16xf32> to vector<16xf32>
      %get3A_30 = arith.constant 16 : index
      %get3A_31 = tpu.vector_load %arg15[%get3A_30] {strides = array<i32>} : memref<128xf32, #tpu.memory_space<vmem>>, vector<16xf32>,
      %get3A_32 = vector.shape_cast %get3A_31 : vector<16xf32> to vector<16xf32>
      %mul3A_33 = arith.mulf %get3A_29, %get3A_32 : vector<16xf32>
      %swap3A_34 = arith.constant 16 : index
      %swap3A_35 = tpu.vector_load %arg17[%swap3A_34] {strides = array<i32>} : memref<128xf32, #tpu.memory_space<vmem>>, vector<16xf32>,
      %swap3A_36 = vector.shape_cast %swap3A_35 : vector<16xf32> to vector<16xf32>
      %swap3A_37 = vector.shape_cast %mul3A_33 : vector<16xf32> to vector<16xf32>
      tpu.vector_store %arg17[%swap3A_34], %swap3A_37 {strides = array<i32>} : memref<128xf32, #tpu.memory_space<vmem>>, vector<16xf32>,
      %get3A_38 = arith.constant 32 : index
      %get3A_39 = tpu.vector_load %arg13[%get3A_38] {strides = array<i32>} : memref<128xf32, #tpu.memory_space<vmem>>, vector<16xf32>,
      %get3A_40 = vector.shape_cast %get3A_39 : vector<16xf32> to vector<16xf32>
      %get3A_41 = arith.constant 32 : index
      %get3A_42 = tpu.vector_load %arg15[%get3A_41] {strides = array<i32>} : memref<128xf32, #tpu.memory_space<vmem>>, vector<16xf32>,
      %get3A_43 = vector.shape_cast %get3A_42 : vector<16xf32> to vector<16xf32>
      %mul3A_44 = arith.mulf %get3A_40, %get3A_43 : vector<16xf32>
      %swap3A_45 = arith.constant 32 : index
      %swap3A_46 = tpu.vector_load %arg17[%swap3A_45] {strides = array<i32>} : memref<128xf32, #tpu.memory_space<vmem>>, vector<16xf32>,
      %swap3A_47 = vector.shape_cast %swap3A_46 : vector<16xf32> to vector<16xf32>
      %swap3A_48 = vector.shape_cast %mul3A_44 : vector<16xf32> to vector<16xf32>
      tpu.vector_store %arg17[%swap3A_45], %swap3A_48 {strides = array<i32>} : memref<128xf32, #tpu.memory_space<vmem>>, vector<16xf32>,
      %get3A_49 = arith.constant 48 : index
      %get3A_50 = tpu.vector_load %arg13[%get3A_49] {strides = array<i32>} : memref<128xf32, #tpu.memory_space<vmem>>, vector<16xf32>,
      %get3A_51 = vector.shape_cast %get3A_50 : vector<16xf32> to vector<16xf32>
      %get3A_52 = arith.constant 48 : index
      %get3A_53 = tpu.vector_load %arg15[%get3A_52] {strides = array<i32>} : memref<128xf32, #tpu.memory_space<vmem>>, vector<16xf32>,
      %get3A_54 = vector.shape_cast %get3A_53 : vector<16xf32> to vector<16xf32>
      %mul3A_55 = arith.mulf %get3A_51, %get3A_54 : vector<16xf32>
      %swap3A_56 = arith.constant 48 : index
      %swap3A_57 = tpu.vector_load %arg17[%swap3A_56] {strides = array<i32>} : memref<128xf32, #tpu.memory_space<vmem>>, vector<16xf32>,
      %swap3A_58 = vector.shape_cast %swap3A_57 : vector<16xf32> to vector<16xf32>
      %swap3A_59 = vector.shape_cast %mul3A_55 : vector<16xf32> to vector<16xf32>
      tpu.vector_store %arg17[%swap3A_56], %swap3A_59 {strides = array<i32>} : memref<128xf32, #tpu.memory_space<vmem>>, vector<16xf32>,
      %get3A_60 = arith.constant 64 : index
      %get3A_61 = tpu.vector_load %arg13[%get3A_60] {strides = array<i32>} : memref<128xf32, #tpu.memory_space<vmem>>, vector<16xf32>,
      %get3A_62 = vector.shape_cast %get3A_61 : vector<16xf32> to vector<16xf32>
      %get3A_63 = arith.constant 64 : index
      %get3A_64 = tpu.vector_load %arg15[%get3A_63] {strides = array<i32>} : memref<128xf32, #tpu.memory_space<vmem>>, vector<16xf32>,
      %get3A_65 = vector.shape_cast %get3A_64 : vector<16xf32> to vector<16xf32>
      %mul3A_66 = arith.mulf %get3A_62, %get3A_65 : vector<16xf32>
      %swap3A_67 = arith.constant 64 : index
      %swap3A_68 = tpu.vector_load %arg17[%swap3A_67] {strides = array<i32>} : memref<128xf32, #tpu.memory_space<vmem>>, vector<16xf32>,
      %swap3A_69 = vector.shape_cast %swap3A_68 : vector<16xf32> to vector<16xf32>
      %swap3A_70 = vector.shape_cast %mul3A_66 : vector<16xf32> to vector<16xf32>
      tpu.vector_store %arg17[%swap3A_67], %swap3A_70 {strides = array<i32>} : memref<128xf32, #tpu.memory_space<vmem>>, vector<16xf32>,
      %get3A_71 = arith.constant 80 : index
      %get3A_72 = tpu.vector_load %arg13[%get3A_71] {strides = array<i32>} : memref<128xf32, #tpu.memory_space<vmem>>, vector<16xf32>,
      %get3A_73 = vector.shape_cast %get3A_72 : vector<16xf32> to vector<16xf32>
      %get3A_74 = arith.constant 80 : index
      %get3A_75 = tpu.vector_load %arg15[%get3A_74] {strides = array<i32>} : memref<128xf32, #tpu.memory_space<vmem>>, vector<16xf32>,
      %get3A_76 = vector.shape_cast %get3A_75 : vector<16xf32> to vector<16xf32>
      %mul3A_77 = arith.mulf %get3A_73, %get3A_76 : vector<16xf32>
      %swap3A_78 = arith.constant 80 : index
      %swap3A_79 = tpu.vector_load %arg17[%swap3A_78] {strides = array<i32>} : memref<128xf32, #tpu.memory_space<vmem>>, vector<16xf32>,
      %swap3A_80 = vector.shape_cast %swap3A_79 : vector<16xf32> to vector<16xf32>
      %swap3A_81 = vector.shape_cast %mul3A_77 : vector<16xf32> to vector<16xf32>
      tpu.vector_store %arg17[%swap3A_78], %swap3A_81 {strides = array<i32>} : memref<128xf32, #tpu.memory_space<vmem>>, vector<16xf32>,
      %get3A_82 = arith.constant 96 : index
      %get3A_83 = tpu.vector_load %arg13[%get3A_82] {strides = array<i32>} : memref<128xf32, #tpu.memory_space<vmem>>, vector<16xf32>,
      %get3A_84 = vector.shape_cast %get3A_83 : vector<16xf32> to vector<16xf32>
      %get3A_85 = arith.constant 96 : index
      %get3A_86 = tpu.vector_load %arg15[%get3A_85] {strides = array<i32>} : memref<128xf32, #tpu.memory_space<vmem>>, vector<16xf32>,
      %get3A_87 = vector.shape_cast %get3A_86 : vector<16xf32> to vector<16xf32>
      %mul3A_88 = arith.mulf %get3A_84, %get3A_87 : vector<16xf32>
      %swap3A_89 = arith.constant 96 : index
      %swap3A_90 = tpu.vector_load %arg17[%swap3A_89] {strides = array<i32>} : memref<128xf32, #tpu.memory_space<vmem>>, vector<16xf32>,
      %swap3A_91 = vector.shape_cast %swap3A_90 : vector<16xf32> to vector<16xf32>
      %swap3A_92 = vector.shape_cast %mul3A_88 : vector<16xf32> to vector<16xf32>
      tpu.vector_store %arg17[%swap3A_89], %swap3A_92 {strides = array<i32>} : memref<128xf32, #tpu.memory_space<vmem>>, vector<16xf32>,
      %get3A_93 = arith.constant 112 : index
      %get3A_94 = tpu.vector_load %arg13[%get3A_93] {strides = array<i32>} : memref<128xf32, #tpu.memory_space<vmem>>, vector<16xf32>,
      %get3A_95 = vector.shape_cast %get3A_94 : vector<16xf32> to vector<16xf32>
      %get3A_96 = arith.constant 112 : index
      %get3A_97 = tpu.vector_load %arg15[%get3A_96] {strides = array<i32>} : memref<128xf32, #tpu.memory_space<vmem>>, vector<16xf32>,
      %get3A_98 = vector.shape_cast %get3A_97 : vector<16xf32> to vector<16xf32>
      %mul3A_99 = arith.mulf %get3A_95, %get3A_98 : vector<16xf32>
      %swap3A_100 = arith.constant 112 : index
      %swap3A_101 = tpu.vector_load %arg17[%swap3A_100] {strides = array<i32>} : memref<128xf32, #tpu.memory_space<vmem>>, vector<16xf32>,
      %swap3A_102 = vector.shape_cast %swap3A_101 : vector<16xf32> to vector<16xf32>
      %swap3A_103 = vector.shape_cast %mul3A_99 : vector<16xf32> to vector<16xf32>
      tpu.vector_store %arg17[%swap3A_100], %swap3A_103 {strides = array<i32>} : memref<128xf32, #tpu.memory_space<vmem>>, vector<16xf32>,
      "tpu.region"() ({
        %run_scoped3A = tpu.sem_alloc : memref<!tpu.dma_semaphore, #tpu.memory_space<semaphore_mem>>
        %dma_start3A = arith.constant 0 : i32
        %dma_start3A_104 = tpu.memref_slice %arg10[%arg1, %dma_start3A] : memref<8x128xf32, #tpu.memory_space<hbm>> -> memref<1x128xf32, #tpu.memory_space<hbm>>
        %dma_start3A_105 = tpu.memref_squeeze %dma_start3A_104 : memref<1x128xf32, #tpu.memory_space<hbm>> -> memref<128xf32, #tpu.memory_space<hbm>>
        %dma_start3A_106 = arith.constant 0 : i32
        %dma_start3A_107 = tpu.memref_slice %arg10[%arg1, %dma_start3A_106] : memref<8x128xf32, #tpu.memory_space<hbm>> -> memref<1x128xf32, #tpu.memory_space<hbm>>
        %dma_start3A_108 = tpu.memref_squeeze %dma_start3A_107 : memref<1x128xf32, #tpu.memory_space<hbm>> -> memref<128xf32, #tpu.memory_space<hbm>>
        tpu.enqueue_dma source(%arg17 : memref<128xf32, #tpu.memory_space<vmem>>) target(%dma_start3A_108 : memref<128xf32, #tpu.memory_space<hbm>>) target_semaphore(%run_scoped3A : memref<!tpu.dma_semaphore, #tpu.memory_space<semaphore_mem>>)
        %dma_wait3A = arith.constant 0 : i32
        %dma_wait3A_109 = tpu.memref_slice %arg10[%arg1, %dma_wait3A] : memref<8x128xf32, #tpu.memory_space<hbm>> -> memref<1x128xf32, #tpu.memory_space<hbm>>
        %dma_wait3A_110 = tpu.memref_squeeze %dma_wait3A_109 : memref<1x128xf32, #tpu.memory_space<hbm>> -> memref<128xf32, #tpu.memory_space<hbm>>
        %dma_wait3A_111 = arith.constant 0 : i32
        %dma_wait3A_112 = tpu.memref_slice %arg10[%arg1, %dma_wait3A_111] : memref<8x128xf32, #tpu.memory_space<hbm>> -> memref<1x128xf32, #tpu.memory_space<hbm>>
        %dma_wait3A_113 = tpu.memref_squeeze %dma_wait3A_112 : memref<1x128xf32, #tpu.memory_space<hbm>> -> memref<128xf32, #tpu.memory_space<hbm>>
        tpu.wait_dma2 semaphore(%run_scoped3A : memref<!tpu.dma_semaphore, #tpu.memory_space<semaphore_mem>>) src(%arg17 : memref<128xf32, #tpu.memory_space<vmem>>) dst(%dma_wait3A_113 : memref<128xf32, #tpu.memory_space<hbm>>)
        tpu.yield
      }) : () -> ()
    } else {
    }
    return
  }
}

module attributes {stable_mosaic.version = 14 : i64} {
  func.func @_dense_kernel(%arg0: i32, %arg1: memref<128x128xf32, #tpu.memory_space<vmem>>, %arg2: memref<128x1xf32, #tpu.memory_space<vmem>>, %arg3: memref<128x1xf32, #tpu.memory_space<vmem>>, %arg4: memref<16x1xf32, #tpu.memory_space<vmem>>, %arg5: memref<16x1xf32, #tpu.memory_space<vmem>>, %arg6: memref<128x128xf32, #tpu.memory_space<vmem>>, %arg7: memref<128x128xf32, #tpu.memory_space<vmem>>, %arg8: memref<1x128xf32, #tpu.memory_space<vmem>>, %arg9: memref<1x128xf32, #tpu.memory_space<vmem>>, %arg10: memref<128x64xf32, #tpu.memory_space<vmem>>, %arg11: memref<1x64xf32, #tpu.memory_space<vmem>>, %arg12: memref<64x1xf32, #tpu.memory_space<vmem>>, %arg13: memref<1x1xf32, #tpu.memory_space<vmem>>, %arg14: memref<1x16xf32, #tpu.memory_space<vmem>>, %arg15: memref<1x16xf32, #tpu.memory_space<vmem>>, %arg16: memref<16x1xf32, #tpu.memory_space<vmem>>, %arg17: memref<1x1xf32, #tpu.memory_space<vmem>>, %arg18: memref<128x32xf32, #tpu.memory_space<vmem>>, %arg19: memref<1x32xf32, #tpu.memory_space<vmem>>, %arg20: memref<32x1xf32, #tpu.memory_space<vmem>>, %arg21: memref<1x1xf32, #tpu.memory_space<vmem>>, %arg22: memref<16x128x1xf32, #tpu.memory_space<vmem>>, %arg23: memref<16x128x1xf32, #tpu.memory_space<vmem>>, %arg24: memref<128x1xf32, #tpu.memory_space<vmem>>, %arg25: memref<128x128xf32, #tpu.memory_space<vmem>>, %arg26: memref<128x128xf32, #tpu.memory_space<vmem>>) attributes {dimension_semantics = [#tpu.dimension_semantics<arbitrary>], iteration_bounds = array<i64: 8>, scalar_prefetch = 0 : i64, scratch_operands = 2 : i64, tpu.core_type = #tpu.core_type<tc>, window_params = [{pipeline_mode = #tpu.pipeline_mode<synchronous>, transform_indices = @transform_0, window_bounds = array<i64: 128, 128>}, {pipeline_mode = #tpu.pipeline_mode<synchronous>, transform_indices = @transform_1, window_bounds = array<i64: 128, 1>}, {pipeline_mode = #tpu.pipeline_mode<synchronous>, transform_indices = @transform_2, window_bounds = array<i64: 128, 1>}, {transform_indices = @transform_3, window_bounds = array<i64: 16, 1>}, {transform_indices = @transform_4, window_bounds = array<i64: 16, 1>}, {pipeline_mode = #tpu.pipeline_mode<synchronous>, transform_indices = @transform_5, window_bounds = array<i64: 128, 128>}, {pipeline_mode = #tpu.pipeline_mode<synchronous>, transform_indices = @transform_6, window_bounds = array<i64: 128, 128>}, {pipeline_mode = #tpu.pipeline_mode<synchronous>, transform_indices = @transform_7, window_bounds = array<i64: 1, 128>}, {pipeline_mode = #tpu.pipeline_mode<synchronous>, transform_indices = @transform_8, window_bounds = array<i64: 1, 128>}, {pipeline_mode = #tpu.pipeline_mode<synchronous>, transform_indices = @transform_9, window_bounds = array<i64: 128, 64>}, {pipeline_mode = #tpu.pipeline_mode<synchronous>, transform_indices = @transform_10, window_bounds = array<i64: 1, 64>}, {pipeline_mode = #tpu.pipeline_mode<synchronous>, transform_indices = @transform_11, window_bounds = array<i64: 64, 1>}, {pipeline_mode = #tpu.pipeline_mode<synchronous>, transform_indices = @transform_12, window_bounds = array<i64: 1, 1>}, {pipeline_mode = #tpu.pipeline_mode<synchronous>, transform_indices = @transform_13, window_bounds = array<i64: 1, 16>}, {pipeline_mode = #tpu.pipeline_mode<synchronous>, transform_indices = @transform_14, window_bounds = array<i64: 1, 16>}, {pipeline_mode = #tpu.pipeline_mode<synchronous>, transform_indices = @transform_15, window_bounds = array<i64: 16, 1>}, {pipeline_mode = #tpu.pipeline_mode<synchronous>, transform_indices = @transform_16, window_bounds = array<i64: 1, 1>}, {pipeline_mode = #tpu.pipeline_mode<synchronous>, transform_indices = @transform_17, window_bounds = array<i64: 128, 32>}, {pipeline_mode = #tpu.pipeline_mode<synchronous>, transform_indices = @transform_18, window_bounds = array<i64: 1, 32>}, {pipeline_mode = #tpu.pipeline_mode<synchronous>, transform_indices = @transform_19, window_bounds = array<i64: 32, 1>}, {pipeline_mode = #tpu.pipeline_mode<synchronous>, transform_indices = @transform_20, window_bounds = array<i64: 1, 1>}, {transform_indices = @transform_21, window_bounds = array<i64: 16, 128, 1>}, {transform_indices = @transform_22, window_bounds = array<i64: 16, 128, 1>}, {pipeline_mode = #tpu.pipeline_mode<synchronous>, transform_indices = @transform_23, window_bounds = array<i64: 128, 1>}]} {
    %eq3A = arith.constant 0 : i32
    %eq3A_0 = arith.cmpi eq, %arg0, %eq3A : i32
    %convert_element_type3A = arith.extui %eq3A_0 : i1 to i32
    %cond3A = arith.constant 0 : i32
    %cond3A_1 = arith.cmpi ne, %convert_element_type3A, %cond3A : i32
    scf.if %cond3A_1 {
      %get3A_129 = arith.constant 0 : index
      %get3A_130 = arith.constant 0 : index
      %get3A_131 = vector.load %arg1[%get3A_129, %get3A_130] : memref<128x128xf32, #tpu.memory_space<vmem>>, vector<128x128xf32>
      %get3A_132 = arith.constant 0 : index
      %get3A_133 = arith.constant 0 : index
      %get3A_134 = vector.load %arg6[%get3A_132, %get3A_133] : memref<128x128xf32, #tpu.memory_space<vmem>>, vector<128x128xf32>
      %dot_general3A_135 = arith.constant dense<0.000000e+00> : vector<128x128xf32>
      %dot_general3A_136 = tpu.matmul %get3A_131, %get3A_134, %dot_general3A_135 {dimension_numbers = #tpu.dot_dimension_numbers<[1], [0], [0], [1], [0, 0, 1, 1], [], []>, transpose_lhs_hint = false} : vector<128x128xf32>, vector<128x128xf32>, vector<128x128xf32> -> vector<128x128xf32>
      %get3A_137 = arith.constant 0 : index
      %get3A_138 = arith.constant 0 : index
      %get3A_139 = vector.load %arg9[%get3A_137, %get3A_138] : memref<1x128xf32, #tpu.memory_space<vmem>>, vector<1x128xf32>
      %add3A_140 = vector.broadcast %get3A_139 : vector<1x128xf32> to vector<128x128xf32>
      %add3A_141 = arith.addf %dot_general3A_136, %add3A_140 : vector<128x128xf32>
      %swap3A_142 = arith.constant 0 : index
      %swap3A_143 = arith.constant 0 : index
      %swap3A_144 = vector.load %arg25[%swap3A_142, %swap3A_143] : memref<128x128xf32, #tpu.memory_space<vmem>>, vector<128x128xf32>
      tpu.vector_store %arg25[%swap3A_142, %swap3A_143], %add3A_141 {strides = array<i32>} : memref<128x128xf32, #tpu.memory_space<vmem>>, vector<128x128xf32>,
      %get3A_145 = arith.constant 0 : index
      %get3A_146 = arith.constant 0 : index
      %get3A_147 = vector.load %arg1[%get3A_145, %get3A_146] : memref<128x128xf32, #tpu.memory_space<vmem>>, vector<128x128xf32>
      %get3A_148 = arith.constant 0 : index
      %get3A_149 = arith.constant 0 : index
      %get3A_150 = vector.load %arg7[%get3A_148, %get3A_149] : memref<128x128xf32, #tpu.memory_space<vmem>>, vector<128x128xf32>
      %dot_general3A_151 = arith.constant dense<0.000000e+00> : vector<128x128xf32>
      %dot_general3A_152 = tpu.matmul %get3A_147, %get3A_150, %dot_general3A_151 {dimension_numbers = #tpu.dot_dimension_numbers<[1], [0], [0], [1], [0, 0, 1, 1], [], []>, transpose_lhs_hint = false} : vector<128x128xf32>, vector<128x128xf32>, vector<128x128xf32> -> vector<128x128xf32>
      %swap3A_153 = arith.constant 0 : index
      %swap3A_154 = arith.constant 0 : index
      %swap3A_155 = vector.load %arg26[%swap3A_153, %swap3A_154] : memref<128x128xf32, #tpu.memory_space<vmem>>, vector<128x128xf32>
      tpu.vector_store %arg26[%swap3A_153, %swap3A_154], %dot_general3A_152 {strides = array<i32>} : memref<128x128xf32, #tpu.memory_space<vmem>>, vector<128x128xf32>,
      %get3A_156 = arith.constant 0 : index
      %get3A_157 = arith.constant 0 : index
      %get3A_158 = vector.load %arg1[%get3A_156, %get3A_157] : memref<128x128xf32, #tpu.memory_space<vmem>>, vector<128x128xf32>
      %get3A_159 = arith.constant 0 : index
      %get3A_160 = arith.constant 0 : index
      %get3A_161 = vector.load %arg18[%get3A_159, %get3A_160] : memref<128x32xf32, #tpu.memory_space<vmem>>, vector<128x32xf32>
      %dot_general3A_162 = arith.constant dense<0.000000e+00> : vector<128x32xf32>
      %dot_general3A_163 = tpu.matmul %get3A_158, %get3A_161, %dot_general3A_162 {dimension_numbers = #tpu.dot_dimension_numbers<[1], [0], [0], [1], [0, 0, 1, 1], [], []>, transpose_lhs_hint = false} : vector<128x128xf32>, vector<128x32xf32>, vector<128x32xf32> -> vector<128x32xf32>
      %get3A_164 = arith.constant 0 : index
      %get3A_165 = arith.constant 0 : index
      %get3A_166 = vector.load %arg19[%get3A_164, %get3A_165] : memref<1x32xf32, #tpu.memory_space<vmem>>, vector<1x32xf32>
      %add3A_167 = vector.broadcast %get3A_166 : vector<1x32xf32> to vector<128x32xf32>
      %add3A_168 = arith.addf %dot_general3A_163, %add3A_167 : vector<128x32xf32>
      %max3A_169 = arith.constant 0.000000e+00 : f32
      %max3A_170 = vector.broadcast %max3A_169 : f32 to vector<128x32xf32>
      %max3A_171 = arith.maximumf %add3A_168, %max3A_170 : vector<128x32xf32>
      %get3A_172 = arith.constant 0 : index
      %get3A_173 = arith.constant 0 : index
      %get3A_174 = vector.load %arg20[%get3A_172, %get3A_173] : memref<32x1xf32, #tpu.memory_space<vmem>>, vector<32x1xf32>
      %dot_general3A_175 = arith.constant dense<0.000000e+00> : vector<128x1xf32>
      %dot_general3A_176 = tpu.matmul %max3A_171, %get3A_174, %dot_general3A_175 {dimension_numbers = #tpu.dot_dimension_numbers<[1], [0], [0], [1], [0, 0, 1, 1], [], []>, transpose_lhs_hint = false} : vector<128x32xf32>, vector<32x1xf32>, vector<128x1xf32> -> vector<128x1xf32>
      %get3A_177 = arith.constant 0 : index
      %get3A_178 = arith.constant 0 : index
      %get3A_179 = vector.load %arg21[%get3A_177, %get3A_178] : memref<1x1xf32, #tpu.memory_space<vmem>>, vector<1x1xf32>
      %add3A_180 = vector.broadcast %get3A_179 : vector<1x1xf32> to vector<128x1xf32>
      %add3A_181 = arith.addf %dot_general3A_176, %add3A_180 : vector<128x1xf32>
      %logistic3A_182 = arith.negf %add3A_181 : vector<128x1xf32>
      %logistic3A_183 = math.exp %logistic3A_182 : vector<128x1xf32>
      %logistic3A_184 = arith.constant 1.000000e+00 : f32
      %logistic3A_185 = vector.broadcast %logistic3A_184 : f32 to vector<128x1xf32>
      %logistic3A_186 = arith.addf %logistic3A_185, %logistic3A_183 : vector<128x1xf32>
      %logistic3A_187 = arith.divf %logistic3A_185, %logistic3A_186 : vector<128x1xf32>
      %swap3A_188 = arith.constant 0 : index
      %swap3A_189 = arith.constant 0 : index
      %swap3A_190 = vector.load %arg24[%swap3A_188, %swap3A_189] : memref<128x1xf32, #tpu.memory_space<vmem>>, vector<128x1xf32>
      tpu.vector_store %arg24[%swap3A_188, %swap3A_189], %logistic3A_187 {strides = array<i32>} : memref<128x1xf32, #tpu.memory_space<vmem>>, vector<128x1xf32>,
    } else {
    }
    %get3A = arith.constant 0 : index
    %get3A_2 = arith.constant 0 : index
    %get3A_3 = vector.load %arg4[%get3A, %get3A_2] : memref<16x1xf32, #tpu.memory_space<vmem>>, vector<16x1xf32>
    %reshape3A = vector.shape_cast %get3A_3 : vector<16x1xf32> to vector<16x1x1xf32>
    %get3A_4 = arith.constant 0 : index
    %get3A_5 = arith.constant 0 : index
    %get3A_6 = vector.load %arg5[%get3A_4, %get3A_5] : memref<16x1xf32, #tpu.memory_space<vmem>>, vector<16x1xf32>
    %reshape3A_7 = vector.shape_cast %get3A_6 : vector<16x1xf32> to vector<16x1x1xf32>
    %get3A_8 = arith.constant 0 : index
    %get3A_9 = arith.constant 0 : index
    %get3A_10 = vector.load %arg2[%get3A_8, %get3A_9] : memref<128x1xf32, #tpu.memory_space<vmem>>, vector<128x1xf32>
    %reshape3A_11 = vector.shape_cast %get3A_10 : vector<128x1xf32> to vector<1x128x1xf32>
    %get3A_12 = arith.constant 0 : index
    %get3A_13 = arith.constant 0 : index
    %get3A_14 = vector.load %arg3[%get3A_12, %get3A_13] : memref<128x1xf32, #tpu.memory_space<vmem>>, vector<128x1xf32>
    %reshape3A_15 = vector.shape_cast %get3A_14 : vector<128x1xf32> to vector<1x128x1xf32>
    %broadcast_in_dim3A = vector.shape_cast %reshape3A : vector<16x1x1xf32> to vector<16x1x1xf32>
    %broadcast_in_dim3A_16 = vector.broadcast %broadcast_in_dim3A : vector<16x1x1xf32> to vector<16x128x1xf32>
    %broadcast_in_dim3A_17 = vector.shape_cast %reshape3A_11 : vector<1x128x1xf32> to vector<1x128x1xf32>
    %broadcast_in_dim3A_18 = vector.broadcast %broadcast_in_dim3A_17 : vector<1x128x1xf32> to vector<16x128x1xf32>
    %sub3A = arith.subf %broadcast_in_dim3A_16, %broadcast_in_dim3A_18 : vector<16x128x1xf32>
    %broadcast_in_dim3A_19 = vector.shape_cast %reshape3A_7 : vector<16x1x1xf32> to vector<16x1x1xf32>
    %broadcast_in_dim3A_20 = vector.broadcast %broadcast_in_dim3A_19 : vector<16x1x1xf32> to vector<16x128x1xf32>
    %broadcast_in_dim3A_21 = vector.shape_cast %reshape3A_15 : vector<1x128x1xf32> to vector<1x128x1xf32>
    %broadcast_in_dim3A_22 = vector.broadcast %broadcast_in_dim3A_21 : vector<1x128x1xf32> to vector<16x128x1xf32>
    %sub3A_23 = arith.subf %broadcast_in_dim3A_20, %broadcast_in_dim3A_22 : vector<16x128x1xf32>
    %mul3A = arith.mulf %sub3A, %sub3A : vector<16x128x1xf32>
    %mul3A_24 = arith.mulf %sub3A_23, %sub3A_23 : vector<16x128x1xf32>
    %add3A = arith.addf %mul3A, %mul3A_24 : vector<16x128x1xf32>
    %sqrt3A = math.sqrt %add3A : vector<16x128x1xf32>
    %reshape3A_25 = vector.shape_cast %sqrt3A : vector<16x128x1xf32> to vector<2048x1xf32>
    %mul3A_26 = arith.constant 1.000000e-03 : f32
    %mul3A_27 = vector.broadcast %mul3A_26 : f32 to vector<2048x1xf32>
    %mul3A_28 = arith.mulf %reshape3A_25, %mul3A_27 : vector<2048x1xf32>
    %get3A_29 = arith.constant 0 : index
    %get3A_30 = arith.constant 0 : index
    %get3A_31 = vector.load %arg14[%get3A_29, %get3A_30] : memref<1x16xf32, #tpu.memory_space<vmem>>, vector<1x16xf32>
    %dot_general3A = arith.constant dense<0.000000e+00> : vector<2048x16xf32>
    %dot_general3A_32 = tpu.matmul %mul3A_28, %get3A_31, %dot_general3A {dimension_numbers = #tpu.dot_dimension_numbers<[1], [0], [0], [1], [0, 0, 1, 1], [], []>, transpose_lhs_hint = false} : vector<2048x1xf32>, vector<1x16xf32>, vector<2048x16xf32> -> vector<2048x16xf32>
    %get3A_33 = arith.constant 0 : index
    %get3A_34 = arith.constant 0 : index
    %get3A_35 = vector.load %arg15[%get3A_33, %get3A_34] : memref<1x16xf32, #tpu.memory_space<vmem>>, vector<1x16xf32>
    %add3A_36 = vector.broadcast %get3A_35 : vector<1x16xf32> to vector<2048x16xf32>
    %add3A_37 = arith.addf %dot_general3A_32, %add3A_36 : vector<2048x16xf32>
    %max3A = arith.constant 0.000000e+00 : f32
    %max3A_38 = vector.broadcast %max3A : f32 to vector<2048x16xf32>
    %max3A_39 = arith.maximumf %add3A_37, %max3A_38 : vector<2048x16xf32>
    %get3A_40 = arith.constant 0 : index
    %get3A_41 = arith.constant 0 : index
    %get3A_42 = vector.load %arg16[%get3A_40, %get3A_41] : memref<16x1xf32, #tpu.memory_space<vmem>>, vector<16x1xf32>
    %dot_general3A_43 = arith.constant dense<0.000000e+00> : vector<2048x1xf32>
    %dot_general3A_44 = tpu.matmul %max3A_39, %get3A_42, %dot_general3A_43 {dimension_numbers = #tpu.dot_dimension_numbers<[1], [0], [0], [1], [0, 0, 1, 1], [], []>, transpose_lhs_hint = false} : vector<2048x16xf32>, vector<16x1xf32>, vector<2048x1xf32> -> vector<2048x1xf32>
    %get3A_45 = arith.constant 0 : index
    %get3A_46 = arith.constant 0 : index
    %get3A_47 = vector.load %arg17[%get3A_45, %get3A_46] : memref<1x1xf32, #tpu.memory_space<vmem>>, vector<1x1xf32>
    %add3A_48 = vector.broadcast %get3A_47 : vector<1x1xf32> to vector<2048x1xf32>
    %add3A_49 = arith.addf %dot_general3A_44, %add3A_48 : vector<2048x1xf32>
    %logistic3A = arith.negf %add3A_49 : vector<2048x1xf32>
    %logistic3A_50 = math.exp %logistic3A : vector<2048x1xf32>
    %logistic3A_51 = arith.constant 1.000000e+00 : f32
    %logistic3A_52 = vector.broadcast %logistic3A_51 : f32 to vector<2048x1xf32>
    %logistic3A_53 = arith.addf %logistic3A_52, %logistic3A_50 : vector<2048x1xf32>
    %logistic3A_54 = arith.divf %logistic3A_52, %logistic3A_53 : vector<2048x1xf32>
    %mul3A_55 = arith.constant 1.300000e-01 : f32
    %mul3A_56 = vector.broadcast %mul3A_55 : f32 to vector<2048x1xf32>
    %mul3A_57 = arith.mulf %mul3A_56, %logistic3A_54 : vector<2048x1xf32>
    %add3A_58 = arith.constant 8.500000e-01 : f32
    %add3A_59 = vector.broadcast %add3A_58 : f32 to vector<2048x1xf32>
    %add3A_60 = arith.addf %add3A_59, %mul3A_57 : vector<2048x1xf32>
    %reshape3A_61 = vector.shape_cast %add3A_60 : vector<2048x1xf32> to vector<16x128x1xf32>
    %swap3A = arith.constant 0 : index
    %swap3A_62 = arith.constant 0 : index
    %swap3A_63 = arith.constant 0 : index
    %swap3A_64 = vector.load %arg23[%swap3A, %swap3A_62, %swap3A_63] : memref<16x128x1xf32, #tpu.memory_space<vmem>>, vector<16x128x1xf32>
    tpu.vector_store %arg23[%swap3A, %swap3A_62, %swap3A_63], %reshape3A_61 {strides = array<i32>} : memref<16x128x1xf32, #tpu.memory_space<vmem>>, vector<16x128x1xf32>,
    %mul3A_65 = arith.constant 16 : i32
    %mul3A_66 = arith.muli %arg0, %mul3A_65 : i32
    %get3A_67 = arith.index_cast %mul3A_66 : i32 to index
    %get3A_68 = arith.constant 0 : index
    %get3A_69 = vector.load %arg25[%get3A_67, %get3A_68] : memref<128x128xf32, #tpu.memory_space<vmem>>, vector<16x128xf32>
    %reshape3A_70 = vector.shape_cast %get3A_69 : vector<16x128xf32> to vector<16x1x128xf32>
    %broadcast_in_dim3A_71 = vector.shape_cast %reshape3A_70 : vector<16x1x128xf32> to vector<16x1x128xf32>
    %broadcast_in_dim3A_72 = vector.broadcast %broadcast_in_dim3A_71 : vector<16x1x128xf32> to vector<16x128x128xf32>
    %reshape3A_73 = vector.shape_cast %broadcast_in_dim3A_72 : vector<16x128x128xf32> to vector<2048x128xf32>
    %get3A_74 = arith.constant 0 : index
    %get3A_75 = arith.constant 0 : index
    %get3A_76 = vector.load %arg26[%get3A_74, %get3A_75] : memref<128x128xf32, #tpu.memory_space<vmem>>, vector<128x128xf32>
    %reshape3A_77 = vector.shape_cast %get3A_76 : vector<128x128xf32> to vector<1x128x128xf32>
    %broadcast_in_dim3A_78 = vector.shape_cast %reshape3A_77 : vector<1x128x128xf32> to vector<1x128x128xf32>
    %broadcast_in_dim3A_79 = vector.broadcast %broadcast_in_dim3A_78 : vector<1x128x128xf32> to vector<16x128x128xf32>
    %reshape3A_80 = vector.shape_cast %broadcast_in_dim3A_79 : vector<16x128x128xf32> to vector<2048x128xf32>
    %add3A_81 = arith.addf %reshape3A_73, %reshape3A_80 : vector<2048x128xf32>
    %get3A_82 = arith.constant 0 : index
    %get3A_83 = arith.constant 0 : index
    %get3A_84 = vector.load %arg8[%get3A_82, %get3A_83] : memref<1x128xf32, #tpu.memory_space<vmem>>, vector<1x128xf32>
    %mul3A_85 = vector.broadcast %reshape3A_25 : vector<2048x1xf32> to vector<2048x128xf32>
    %mul3A_86 = vector.broadcast %get3A_84 : vector<1x128xf32> to vector<2048x128xf32>
    %mul3A_87 = arith.mulf %mul3A_85, %mul3A_86 : vector<2048x128xf32>
    %add3A_88 = arith.addf %add3A_81, %mul3A_87 : vector<2048x128xf32>
    %max3A_89 = arith.constant 0.000000e+00 : f32
    %max3A_90 = vector.broadcast %max3A_89 : f32 to vector<2048x128xf32>
    %max3A_91 = arith.maximumf %add3A_88, %max3A_90 : vector<2048x128xf32>
    %get3A_92 = arith.constant 0 : index
    %get3A_93 = arith.constant 0 : index
    %get3A_94 = vector.load %arg10[%get3A_92, %get3A_93] : memref<128x64xf32, #tpu.memory_space<vmem>>, vector<128x64xf32>
    %dot_general3A_95 = arith.constant dense<0.000000e+00> : vector<2048x64xf32>
    %dot_general3A_96 = tpu.matmul %max3A_91, %get3A_94, %dot_general3A_95 {dimension_numbers = #tpu.dot_dimension_numbers<[1], [0], [0], [1], [0, 0, 1, 1], [], []>, transpose_lhs_hint = false} : vector<2048x128xf32>, vector<128x64xf32>, vector<2048x64xf32> -> vector<2048x64xf32>
    %get3A_97 = arith.constant 0 : index
    %get3A_98 = arith.constant 0 : index
    %get3A_99 = vector.load %arg11[%get3A_97, %get3A_98] : memref<1x64xf32, #tpu.memory_space<vmem>>, vector<1x64xf32>
    %add3A_100 = vector.broadcast %get3A_99 : vector<1x64xf32> to vector<2048x64xf32>
    %add3A_101 = arith.addf %dot_general3A_96, %add3A_100 : vector<2048x64xf32>
    %max3A_102 = arith.constant 0.000000e+00 : f32
    %max3A_103 = vector.broadcast %max3A_102 : f32 to vector<2048x64xf32>
    %max3A_104 = arith.maximumf %add3A_101, %max3A_103 : vector<2048x64xf32>
    %get3A_105 = arith.constant 0 : index
    %get3A_106 = arith.constant 0 : index
    %get3A_107 = vector.load %arg12[%get3A_105, %get3A_106] : memref<64x1xf32, #tpu.memory_space<vmem>>, vector<64x1xf32>
    %dot_general3A_108 = arith.constant dense<0.000000e+00> : vector<2048x1xf32>
    %dot_general3A_109 = tpu.matmul %max3A_104, %get3A_107, %dot_general3A_108 {dimension_numbers = #tpu.dot_dimension_numbers<[1], [0], [0], [1], [0, 0, 1, 1], [], []>, transpose_lhs_hint = false} : vector<2048x64xf32>, vector<64x1xf32>, vector<2048x1xf32> -> vector<2048x1xf32>
    %get3A_110 = arith.constant 0 : index
    %get3A_111 = arith.constant 0 : index
    %get3A_112 = vector.load %arg13[%get3A_110, %get3A_111] : memref<1x1xf32, #tpu.memory_space<vmem>>, vector<1x1xf32>
    %add3A_113 = vector.broadcast %get3A_112 : vector<1x1xf32> to vector<2048x1xf32>
    %add3A_114 = arith.addf %dot_general3A_109, %add3A_113 : vector<2048x1xf32>
    %custom_jvp_call3A = arith.constant 0.000000e+00 : f32
    %max3A_115 = vector.broadcast %custom_jvp_call3A : f32 to vector<2048x1xf32>
    %max3A_116 = arith.maximumf %add3A_114, %max3A_115 : vector<2048x1xf32>
    %sub3A_117 = vector.broadcast %custom_jvp_call3A : f32 to vector<2048x1xf32>
    %sub3A_118 = arith.subf %add3A_114, %sub3A_117 : vector<2048x1xf32>
    %ne3A = arith.cmpf one, %sub3A_118, %sub3A_118 : vector<2048x1xf32>
    %add3A_119 = vector.broadcast %custom_jvp_call3A : f32 to vector<2048x1xf32>
    %add3A_120 = arith.addf %add3A_114, %add3A_119 : vector<2048x1xf32>
    %abs3A = math.absf %sub3A_118 : vector<2048x1xf32>
    %neg3A = arith.constant 0.000000e+00 : f32
    %neg3A_121 = vector.broadcast %neg3A : f32 to vector<2048x1xf32>
    %neg3A_122 = arith.subf %neg3A_121, %abs3A : vector<2048x1xf32>
    %exp3A = math.exp %neg3A_122 : vector<2048x1xf32>
    %log1p3A = math.log1p %exp3A : vector<2048x1xf32>
    %add3A_123 = arith.addf %max3A_116, %log1p3A : vector<2048x1xf32>
    %select_n3A = arith.select %ne3A, %add3A_120, %add3A_123 : vector<2048x1xi1>, vector<2048x1xf32>
    %reshape3A_124 = vector.shape_cast %select_n3A : vector<2048x1xf32> to vector<16x128x1xf32>
    %swap3A_125 = arith.constant 0 : index
    %swap3A_126 = arith.constant 0 : index
    %swap3A_127 = arith.constant 0 : index
    %swap3A_128 = vector.load %arg22[%swap3A_125, %swap3A_126, %swap3A_127] : memref<16x128x1xf32, #tpu.memory_space<vmem>>, vector<16x128x1xf32>
    tpu.vector_store %arg22[%swap3A_125, %swap3A_126, %swap3A_127], %reshape3A_124 {strides = array<i32>} : memref<16x128x1xf32, #tpu.memory_space<vmem>>, vector<16x128x1xf32>,
    return
  }
  func.func @transform_0(%arg0: i32) -> (i32, i32) {
    %c0_i32 = arith.constant 0 : i32
    %c0_i32_0 = arith.constant 0 : i32
    %c0_i32_1 = arith.constant 0 : i32
    return %c0_i32, %c0_i32_0 : i32, i32
  }
  func.func @transform_1(%arg0: i32) -> (i32, i32) {
    %c0_i32 = arith.constant 0 : i32
    %c0_i32_0 = arith.constant 0 : i32
    %c0_i32_1 = arith.constant 0 : i32
    return %c0_i32, %c0_i32_0 : i32, i32
  }
  func.func @transform_2(%arg0: i32) -> (i32, i32) {
    %c0_i32 = arith.constant 0 : i32
    %c0_i32_0 = arith.constant 0 : i32
    %c0_i32_1 = arith.constant 0 : i32
    return %c0_i32, %c0_i32_0 : i32, i32
  }
  func.func @transform_3(%arg0: i32) -> (i32, i32) {
    %c0_i32 = arith.constant 0 : i32
    %c0_i32_0 = arith.constant 0 : i32
    return %arg0, %c0_i32 : i32, i32
  }
  func.func @transform_4(%arg0: i32) -> (i32, i32) {
    %c0_i32 = arith.constant 0 : i32
    %c0_i32_0 = arith.constant 0 : i32
    return %arg0, %c0_i32 : i32, i32
  }
  func.func @transform_5(%arg0: i32) -> (i32, i32) {
    %c0_i32 = arith.constant 0 : i32
    %c0_i32_0 = arith.constant 0 : i32
    %c0_i32_1 = arith.constant 0 : i32
    return %c0_i32, %c0_i32_0 : i32, i32
  }
  func.func @transform_6(%arg0: i32) -> (i32, i32) {
    %c0_i32 = arith.constant 0 : i32
    %c0_i32_0 = arith.constant 0 : i32
    %c0_i32_1 = arith.constant 0 : i32
    return %c0_i32, %c0_i32_0 : i32, i32
  }
  func.func @transform_7(%arg0: i32) -> (i32, i32) {
    %c0_i32 = arith.constant 0 : i32
    %c0_i32_0 = arith.constant 0 : i32
    %c0_i32_1 = arith.constant 0 : i32
    return %c0_i32, %c0_i32_0 : i32, i32
  }
  func.func @transform_8(%arg0: i32) -> (i32, i32) {
    %c0_i32 = arith.constant 0 : i32
    %c0_i32_0 = arith.constant 0 : i32
    %c0_i32_1 = arith.constant 0 : i32
    return %c0_i32, %c0_i32_0 : i32, i32
  }
  func.func @transform_9(%arg0: i32) -> (i32, i32) {
    %c0_i32 = arith.constant 0 : i32
    %c0_i32_0 = arith.constant 0 : i32
    %c0_i32_1 = arith.constant 0 : i32
    return %c0_i32, %c0_i32_0 : i32, i32
  }
  func.func @transform_10(%arg0: i32) -> (i32, i32) {
    %c0_i32 = arith.constant 0 : i32
    %c0_i32_0 = arith.constant 0 : i32
    %c0_i32_1 = arith.constant 0 : i32
    return %c0_i32, %c0_i32_0 : i32, i32
  }
  func.func @transform_11(%arg0: i32) -> (i32, i32) {
    %c0_i32 = arith.constant 0 : i32
    %c0_i32_0 = arith.constant 0 : i32
    %c0_i32_1 = arith.constant 0 : i32
    return %c0_i32, %c0_i32_0 : i32, i32
  }
  func.func @transform_12(%arg0: i32) -> (i32, i32) {
    %c0_i32 = arith.constant 0 : i32
    %c0_i32_0 = arith.constant 0 : i32
    %c0_i32_1 = arith.constant 0 : i32
    return %c0_i32, %c0_i32_0 : i32, i32
  }
  func.func @transform_13(%arg0: i32) -> (i32, i32) {
    %c0_i32 = arith.constant 0 : i32
    %c0_i32_0 = arith.constant 0 : i32
    %c0_i32_1 = arith.constant 0 : i32
    return %c0_i32, %c0_i32_0 : i32, i32
  }
  func.func @transform_14(%arg0: i32) -> (i32, i32) {
    %c0_i32 = arith.constant 0 : i32
    %c0_i32_0 = arith.constant 0 : i32
    %c0_i32_1 = arith.constant 0 : i32
    return %c0_i32, %c0_i32_0 : i32, i32
  }
  func.func @transform_15(%arg0: i32) -> (i32, i32) {
    %c0_i32 = arith.constant 0 : i32
    %c0_i32_0 = arith.constant 0 : i32
    %c0_i32_1 = arith.constant 0 : i32
    return %c0_i32, %c0_i32_0 : i32, i32
  }
  func.func @transform_16(%arg0: i32) -> (i32, i32) {
    %c0_i32 = arith.constant 0 : i32
    %c0_i32_0 = arith.constant 0 : i32
    %c0_i32_1 = arith.constant 0 : i32
    return %c0_i32, %c0_i32_0 : i32, i32
  }
  func.func @transform_17(%arg0: i32) -> (i32, i32) {
    %c0_i32 = arith.constant 0 : i32
    %c0_i32_0 = arith.constant 0 : i32
    %c0_i32_1 = arith.constant 0 : i32
    return %c0_i32, %c0_i32_0 : i32, i32
  }
  func.func @transform_18(%arg0: i32) -> (i32, i32) {
    %c0_i32 = arith.constant 0 : i32
    %c0_i32_0 = arith.constant 0 : i32
    %c0_i32_1 = arith.constant 0 : i32
    return %c0_i32, %c0_i32_0 : i32, i32
  }
  func.func @transform_19(%arg0: i32) -> (i32, i32) {
    %c0_i32 = arith.constant 0 : i32
    %c0_i32_0 = arith.constant 0 : i32
    %c0_i32_1 = arith.constant 0 : i32
    return %c0_i32, %c0_i32_0 : i32, i32
  }
  func.func @transform_20(%arg0: i32) -> (i32, i32) {
    %c0_i32 = arith.constant 0 : i32
    %c0_i32_0 = arith.constant 0 : i32
    %c0_i32_1 = arith.constant 0 : i32
    return %c0_i32, %c0_i32_0 : i32, i32
  }
  func.func @transform_21(%arg0: i32) -> (i32, i32, i32) {
    %c0_i32 = arith.constant 0 : i32
    %c0_i32_0 = arith.constant 0 : i32
    %c0_i32_1 = arith.constant 0 : i32
    return %arg0, %c0_i32, %c0_i32_0 : i32, i32, i32
  }
  func.func @transform_22(%arg0: i32) -> (i32, i32, i32) {
    %c0_i32 = arith.constant 0 : i32
    %c0_i32_0 = arith.constant 0 : i32
    %c0_i32_1 = arith.constant 0 : i32
    return %arg0, %c0_i32, %c0_i32_0 : i32, i32, i32
  }
  func.func @transform_23(%arg0: i32) -> (i32, i32) {
    %c0_i32 = arith.constant 0 : i32
    %c0_i32_0 = arith.constant 0 : i32
    %c0_i32_1 = arith.constant 0 : i32
    return %c0_i32, %c0_i32_0 : i32, i32
  }
}

module attributes {stable_mosaic.version = 14 : i64} {
  func.func @_epi_kernel(%arg0: memref<128x128xf32, #tpu.memory_space<vmem>>, %arg1: memref<128x128xf32, #tpu.memory_space<vmem>>, %arg2: memref<8x128xf32, #tpu.memory_space<vmem>>, %arg3: memref<1x128xf32, #tpu.memory_space<vmem>>, %arg4: memref<128x1xf32, #tpu.memory_space<vmem>>, %arg5: memref<1x128xf32, #tpu.memory_space<vmem>>, %arg6: memref<128x1xf32, #tpu.memory_space<vmem>>, %arg7: memref<1x128xf32, #tpu.memory_space<vmem>>, %arg8: memref<128x1xf32, #tpu.memory_space<vmem>>, %arg9: memref<128x128xf32, #tpu.memory_space<vmem>>, %arg10: memref<128x128xf32, #tpu.memory_space<vmem>>, %arg11: memref<1x128xf32, #tpu.memory_space<vmem>>, %arg12: memref<128x1xf32, #tpu.memory_space<vmem>>, %arg13: memref<1x128xf32, #tpu.memory_space<vmem>>, %arg14: memref<1x1xf32, #tpu.memory_space<vmem>>) attributes {dimension_semantics = [], scalar_prefetch = 0 : i64, scratch_operands = 0 : i64, tpu.core_type = #tpu.core_type<tc>} {
    %get3A = arith.constant 0 : index
    %get3A_0 = arith.constant 0 : index
    %get3A_1 = vector.load %arg3[%get3A, %get3A_0] : memref<1x128xf32, #tpu.memory_space<vmem>>, vector<1x128xf32>
    %get3A_2 = arith.constant 0 : index
    %get3A_3 = arith.constant 0 : index
    %get3A_4 = vector.load %arg4[%get3A_2, %get3A_3] : memref<128x1xf32, #tpu.memory_space<vmem>>, vector<128x1xf32>
    %get3A_5 = arith.constant 0 : index
    %get3A_6 = arith.constant 0 : index
    %get3A_7 = vector.load %arg5[%get3A_5, %get3A_6] : memref<1x128xf32, #tpu.memory_space<vmem>>, vector<1x128xf32>
    %get3A_8 = arith.constant 0 : index
    %get3A_9 = arith.constant 0 : index
    %get3A_10 = vector.load %arg6[%get3A_8, %get3A_9] : memref<128x1xf32, #tpu.memory_space<vmem>>, vector<128x1xf32>
    %get3A_11 = arith.constant 0 : index
    %get3A_12 = arith.constant 0 : index
    %get3A_13 = vector.load %arg7[%get3A_11, %get3A_12] : memref<1x128xf32, #tpu.memory_space<vmem>>, vector<1x128xf32>
    %get3A_14 = arith.constant 0 : index
    %get3A_15 = arith.constant 0 : index
    %get3A_16 = vector.load %arg8[%get3A_14, %get3A_15] : memref<128x1xf32, #tpu.memory_space<vmem>>, vector<128x1xf32>
    %iota3A = tpu.iota {dimensions = array<i32: 0>} : vector<128x128xi32>
    %convert_element_type3A = arith.sitofp %iota3A : vector<128x128xi32> to vector<128x128xf32>
    %iota3A_17 = tpu.iota {dimensions = array<i32: 1>} : vector<128x128xi32>
    %convert_element_type3A_18 = arith.sitofp %iota3A_17 : vector<128x128xi32> to vector<128x128xf32>
    %lt3A = arith.constant 0.000000e+00 : f32
    %lt3A_19 = vector.broadcast %lt3A : f32 to vector<1x128xf32>
    %lt3A_20 = arith.cmpf olt, %get3A_13, %lt3A_19 : vector<1x128xf32>
    %lt3A_21 = arith.constant 0.000000e+00 : f32
    %lt3A_22 = vector.broadcast %lt3A_21 : f32 to vector<128x1xf32>
    %lt3A_23 = arith.cmpf olt, %get3A_16, %lt3A_22 : vector<128x1xf32>
    %gt3A = arith.constant 0.000000e+00 : f32
    %gt3A_24 = vector.broadcast %gt3A : f32 to vector<1x128xf32>
    %gt3A_25 = arith.cmpf ogt, %get3A_13, %gt3A_24 : vector<1x128xf32>
    %gt3A_26 = arith.constant 0.000000e+00 : f32
    %gt3A_27 = vector.broadcast %gt3A_26 : f32 to vector<128x1xf32>
    %gt3A_28 = arith.cmpf ogt, %get3A_16, %gt3A_27 : vector<128x1xf32>
    %lt3A_29 = vector.broadcast %get3A_7 : vector<1x128xf32> to vector<128x128xf32>
    %lt3A_30 = vector.broadcast %get3A_10 : vector<128x1xf32> to vector<128x128xf32>
    %lt3A_31 = arith.cmpf olt, %lt3A_29, %lt3A_30 : vector<128x128xf32>
    %eq3A = vector.broadcast %get3A_7 : vector<1x128xf32> to vector<128x128xf32>
    %eq3A_32 = vector.broadcast %get3A_10 : vector<128x1xf32> to vector<128x128xf32>
    %eq3A_33 = arith.cmpf oeq, %eq3A, %eq3A_32 : vector<128x128xf32>
    %gt3A_34 = vector.broadcast %get3A_1 : vector<1x128xf32> to vector<128x128xf32>
    %gt3A_35 = vector.broadcast %get3A_4 : vector<128x1xf32> to vector<128x128xf32>
    %gt3A_36 = arith.cmpf ogt, %gt3A_34, %gt3A_35 : vector<128x128xf32>
    %eq3A_37 = vector.broadcast %get3A_1 : vector<1x128xf32> to vector<128x128xf32>
    %eq3A_38 = vector.broadcast %get3A_4 : vector<128x1xf32> to vector<128x128xf32>
    %eq3A_39 = arith.cmpf oeq, %eq3A_37, %eq3A_38 : vector<128x128xf32>
    %lt3A_40 = arith.cmpf olt, %convert_element_type3A_18, %convert_element_type3A : vector<128x128xf32>
    %and3A = arith.andi %eq3A_39, %lt3A_40 : vector<128x128xi1>
    %or3A = arith.ori %gt3A_36, %and3A : vector<128x128xi1>
    %and3A_41 = arith.andi %eq3A_33, %or3A : vector<128x128xi1>
    %or3A_42 = arith.ori %lt3A_31, %and3A_41 : vector<128x128xi1>
    %lt3A_43 = vector.broadcast %get3A_10 : vector<128x1xf32> to vector<128x128xf32>
    %lt3A_44 = vector.broadcast %get3A_7 : vector<1x128xf32> to vector<128x128xf32>
    %lt3A_45 = arith.cmpf olt, %lt3A_43, %lt3A_44 : vector<128x128xf32>
    %eq3A_46 = vector.broadcast %get3A_10 : vector<128x1xf32> to vector<128x128xf32>
    %eq3A_47 = vector.broadcast %get3A_7 : vector<1x128xf32> to vector<128x128xf32>
    %eq3A_48 = arith.cmpf oeq, %eq3A_46, %eq3A_47 : vector<128x128xf32>
    %gt3A_49 = vector.broadcast %get3A_4 : vector<128x1xf32> to vector<128x128xf32>
    %gt3A_50 = vector.broadcast %get3A_1 : vector<1x128xf32> to vector<128x128xf32>
    %gt3A_51 = arith.cmpf ogt, %gt3A_49, %gt3A_50 : vector<128x128xf32>
    %eq3A_52 = vector.broadcast %get3A_4 : vector<128x1xf32> to vector<128x128xf32>
    %eq3A_53 = vector.broadcast %get3A_1 : vector<1x128xf32> to vector<128x128xf32>
    %eq3A_54 = arith.cmpf oeq, %eq3A_52, %eq3A_53 : vector<128x128xf32>
    %lt3A_55 = arith.cmpf olt, %convert_element_type3A, %convert_element_type3A_18 : vector<128x128xf32>
    %and3A_56 = arith.andi %eq3A_54, %lt3A_55 : vector<128x128xi1>
    %or3A_57 = arith.ori %gt3A_51, %and3A_56 : vector<128x128xi1>
    %and3A_58 = arith.andi %eq3A_48, %or3A_57 : vector<128x128xi1>
    %or3A_59 = arith.ori %lt3A_45, %and3A_58 : vector<128x128xi1>
    %and3A_60 = vector.broadcast %gt3A_25 : vector<1x128xi1> to vector<128x128xi1>
    %and3A_61 = arith.andi %or3A_42, %and3A_60 : vector<128x128xi1>
    %jit3A = arith.constant 1.000000e+00 : f32
    %jit3A_62 = arith.constant 0.000000e+00 : f32
    %broadcast_in_dim3A = vector.broadcast %jit3A : f32 to vector<128x128xf32>
    %broadcast_in_dim3A_63 = vector.broadcast %jit3A_62 : f32 to vector<128x128xf32>
    %select_n3A = arith.select %and3A_61, %broadcast_in_dim3A, %broadcast_in_dim3A_63 : vector<128x128xi1>, vector<128x128xf32>
    %reduce_sum3A = arith.constant dense<0.000000e+00> : vector<128xf32>
    %reduce_sum3A_64 = vector.multi_reduction <add>, %select_n3A, %reduce_sum3A [1] : vector<128x128xf32> to vector<128xf32>
    %broadcast_in_dim3A_65 = vector.shape_cast %reduce_sum3A_64 : vector<128xf32> to vector<128x1xf32>
    %and3A_66 = vector.broadcast %lt3A_23 : vector<128x1xi1> to vector<128x128xi1>
    %and3A_67 = arith.andi %or3A_59, %and3A_66 : vector<128x128xi1>
    %jit3A_68 = arith.constant 1.000000e+00 : f32
    %jit3A_69 = arith.constant 0.000000e+00 : f32
    %broadcast_in_dim3A_70 = vector.broadcast %jit3A_68 : f32 to vector<128x128xf32>
    %broadcast_in_dim3A_71 = vector.broadcast %jit3A_69 : f32 to vector<128x128xf32>
    %select_n3A_72 = arith.select %and3A_67, %broadcast_in_dim3A_70, %broadcast_in_dim3A_71 : vector<128x128xi1>, vector<128x128xf32>
    %reduce_sum3A_73 = arith.constant dense<0.000000e+00> : vector<128xf32>
    %reduce_sum3A_74 = vector.multi_reduction <add>, %select_n3A_72, %reduce_sum3A_73 [0] : vector<128x128xf32> to vector<128xf32>
    %broadcast_in_dim3A_75 = vector.shape_cast %reduce_sum3A_74 : vector<128xf32> to vector<1x128xf32>
    %eq3A_76 = vector.broadcast %broadcast_in_dim3A_75 : vector<1x128xf32> to vector<128x128xf32>
    %eq3A_77 = arith.cmpf oeq, %eq3A_76, %convert_element_type3A : vector<128x128xf32>
    %and3A_78 = vector.broadcast %lt3A_20 : vector<1x128xi1> to vector<128x128xi1>
    %and3A_79 = arith.andi %and3A_78, %eq3A_77 : vector<128x128xi1>
    %jit3A_80 = arith.constant 1.000000e+00 : f32
    %jit3A_81 = arith.constant 0.000000e+00 : f32
    %broadcast_in_dim3A_82 = vector.broadcast %jit3A_80 : f32 to vector<128x128xf32>
    %broadcast_in_dim3A_83 = vector.broadcast %jit3A_81 : f32 to vector<128x128xf32>
    %select_n3A_84 = arith.select %and3A_79, %broadcast_in_dim3A_82, %broadcast_in_dim3A_83 : vector<128x128xi1>, vector<128x128xf32>
    %eq3A_85 = vector.broadcast %broadcast_in_dim3A_65 : vector<128x1xf32> to vector<128x128xf32>
    %eq3A_86 = arith.cmpf oeq, %eq3A_85, %convert_element_type3A_18 : vector<128x128xf32>
    %and3A_87 = vector.broadcast %gt3A_28 : vector<128x1xi1> to vector<128x128xi1>
    %and3A_88 = arith.andi %and3A_87, %eq3A_86 : vector<128x128xi1>
    %jit3A_89 = arith.constant 1.000000e+00 : f32
    %jit3A_90 = arith.constant 0.000000e+00 : f32
    %broadcast_in_dim3A_91 = vector.broadcast %jit3A_89 : f32 to vector<128x128xf32>
    %broadcast_in_dim3A_92 = vector.broadcast %jit3A_90 : f32 to vector<128x128xf32>
    %select_n3A_93 = arith.select %and3A_88, %broadcast_in_dim3A_91, %broadcast_in_dim3A_92 : vector<128x128xi1>, vector<128x128xf32>
    %jit3A_94 = arith.constant 1.000000e+00 : f32
    %jit3A_95 = arith.constant 0.000000e+00 : f32
    %broadcast_in_dim3A_96 = vector.broadcast %jit3A_94 : f32 to vector<1x128xf32>
    %broadcast_in_dim3A_97 = vector.broadcast %jit3A_95 : f32 to vector<1x128xf32>
    %select_n3A_98 = arith.select %gt3A_25, %broadcast_in_dim3A_96, %broadcast_in_dim3A_97 : vector<1x128xi1>, vector<1x128xf32>
    %reduce_sum3A_99 = arith.constant dense<0.000000e+00> : vector<1xf32>
    %reduce_sum3A_100 = vector.multi_reduction <add>, %select_n3A_98, %reduce_sum3A_99 [1] : vector<1x128xf32> to vector<1xf32>
    %broadcast_in_dim3A_101 = vector.shape_cast %reduce_sum3A_100 : vector<1xf32> to vector<1x1xf32>
    %lt3A_102 = vector.broadcast %broadcast_in_dim3A_101 : vector<1x1xf32> to vector<128x128xf32>
    %lt3A_103 = arith.cmpf olt, %convert_element_type3A, %lt3A_102 : vector<128x128xf32>
    %get3A_104 = arith.constant 0 : index
    %get3A_105 = arith.constant 0 : index
    %get3A_106 = vector.load %arg0[%get3A_104, %get3A_105] : memref<128x128xf32, #tpu.memory_space<vmem>>, vector<128x128xf32>
    %jit3A_107 = arith.constant 0.000000e+00 : f32
    %broadcast_in_dim3A_108 = vector.broadcast %jit3A_107 : f32 to vector<128x128xf32>
    %select_n3A_109 = arith.select %lt3A_103, %get3A_106, %broadcast_in_dim3A_108 : vector<128x128xi1>, vector<128x128xf32>
    %get3A_110 = arith.constant 0 : index
    %get3A_111 = arith.constant 0 : index
    %get3A_112 = vector.load %arg1[%get3A_110, %get3A_111] : memref<128x128xf32, #tpu.memory_space<vmem>>, vector<128x128xf32>
    %jit3A_113 = arith.constant 0.000000e+00 : f32
    %broadcast_in_dim3A_114 = vector.broadcast %jit3A_113 : f32 to vector<128x128xf32>
    %select_n3A_115 = arith.select %lt3A_103, %get3A_112, %broadcast_in_dim3A_114 : vector<128x128xi1>, vector<128x128xf32>
    %dot_general3A = arith.constant dense<0.000000e+00> : vector<128x128xf32>
    %dot_general3A_116 = tpu.matmul %select_n3A_93, %select_n3A_109, %dot_general3A {dimension_numbers = #tpu.dot_dimension_numbers<[1], [0], [0], [1], [0, 0, 1, 1], [], []>, precision = #tpu.contract_precision<fp32>, transpose_lhs_hint = false} : vector<128x128xf32>, vector<128x128xf32>, vector<128x128xf32> -> vector<128x128xf32>
    %dot_general3A_117 = arith.constant dense<0.000000e+00> : vector<128x128xf32>
    %dot_general3A_118 = tpu.matmul %dot_general3A_116, %select_n3A_84, %dot_general3A_117 {dimension_numbers = #tpu.dot_dimension_numbers<[1], [0], [0], [1], [0, 0, 1, 1], [], []>, precision = #tpu.contract_precision<fp32>, transpose_lhs_hint = false} : vector<128x128xf32>, vector<128x128xf32>, vector<128x128xf32> -> vector<128x128xf32>
    %dot_general3A_119 = arith.constant dense<0.000000e+00> : vector<128x128xf32>
    %dot_general3A_120 = tpu.matmul %select_n3A_93, %select_n3A_115, %dot_general3A_119 {dimension_numbers = #tpu.dot_dimension_numbers<[1], [0], [0], [1], [0, 0, 1, 1], [], []>, precision = #tpu.contract_precision<fp32>, transpose_lhs_hint = false} : vector<128x128xf32>, vector<128x128xf32>, vector<128x128xf32> -> vector<128x128xf32>
    %dot_general3A_121 = arith.constant dense<0.000000e+00> : vector<128x128xf32>
    %dot_general3A_122 = tpu.matmul %dot_general3A_120, %select_n3A_84, %dot_general3A_121 {dimension_numbers = #tpu.dot_dimension_numbers<[1], [0], [0], [1], [0, 0, 1, 1], [], []>, precision = #tpu.contract_precision<fp32>, transpose_lhs_hint = false} : vector<128x128xf32>, vector<128x128xf32>, vector<128x128xf32> -> vector<128x128xf32>
    %add3A = arith.constant 1.000000e+00 : f32
    %add3A_123 = vector.broadcast %add3A : f32 to vector<128x128xf32>
    %add3A_124 = arith.addf %add3A_123, %dot_general3A_122 : vector<128x128xf32>
    %get3A_125 = arith.constant 0 : index
    %get3A_126 = arith.constant 0 : index
    %get3A_127 = vector.load %arg2[%get3A_125, %get3A_126] : memref<8x128xf32, #tpu.memory_space<vmem>>, vector<8x128xf32>
    %reduce_sum3A_128 = arith.constant dense<0.000000e+00> : vector<128xf32>
    %reduce_sum3A_129 = vector.multi_reduction <add>, %get3A_127, %reduce_sum3A_128 [0] : vector<8x128xf32> to vector<128xf32>
    %broadcast_in_dim3A_130 = vector.shape_cast %reduce_sum3A_129 : vector<128xf32> to vector<1x128xf32>
    %dot_general3A_131 = arith.constant dense<0.000000e+00> : vector<1x128xf32>
    %dot_general3A_132 = tpu.matmul %broadcast_in_dim3A_130, %select_n3A_84, %dot_general3A_131 {dimension_numbers = #tpu.dot_dimension_numbers<[1], [0], [0], [1], [0, 0, 1, 1], [], []>, precision = #tpu.contract_precision<fp32>, transpose_lhs_hint = false} : vector<1x128xf32>, vector<128x128xf32>, vector<1x128xf32> -> vector<1x128xf32>
    %neg3A = arith.constant 0.000000e+00 : f32
    %neg3A_133 = vector.broadcast %neg3A : f32 to vector<1x128xf32>
    %neg3A_134 = arith.subf %neg3A_133, %dot_general3A_132 : vector<1x128xf32>
    %select_n3A_135 = arith.select %lt3A_20, %neg3A_134, %get3A_13 : vector<1x128xi1>, vector<1x128xf32>
    %swap3A = arith.constant 0 : index
    %swap3A_136 = arith.constant 0 : index
    %swap3A_137 = vector.load %arg9[%swap3A, %swap3A_136] : memref<128x128xf32, #tpu.memory_space<vmem>>, vector<128x128xf32>
    tpu.vector_store %arg9[%swap3A, %swap3A_136], %dot_general3A_118 {strides = array<i32>} : memref<128x128xf32, #tpu.memory_space<vmem>>, vector<128x128xf32>,
    %swap3A_138 = arith.constant 0 : index
    %swap3A_139 = arith.constant 0 : index
    %swap3A_140 = vector.load %arg10[%swap3A_138, %swap3A_139] : memref<128x128xf32, #tpu.memory_space<vmem>>, vector<128x128xf32>
    tpu.vector_store %arg10[%swap3A_138, %swap3A_139], %add3A_124 {strides = array<i32>} : memref<128x128xf32, #tpu.memory_space<vmem>>, vector<128x128xf32>,
    %swap3A_141 = arith.constant 0 : index
    %swap3A_142 = arith.constant 0 : index
    %swap3A_143 = vector.load %arg11[%swap3A_141, %swap3A_142] : memref<1x128xf32, #tpu.memory_space<vmem>>, vector<1x128xf32>
    tpu.vector_store %arg11[%swap3A_141, %swap3A_142], %select_n3A_135 {strides = array<i32>} : memref<1x128xf32, #tpu.memory_space<vmem>>, vector<1x128xf32>,
    %reduce_sum3A_144 = arith.constant dense<0.000000e+00> : vector<128xf32>
    %reduce_sum3A_145 = vector.multi_reduction <add>, %dot_general3A_118, %reduce_sum3A_144 [1] : vector<128x128xf32> to vector<128xf32>
    %broadcast_in_dim3A_146 = vector.shape_cast %reduce_sum3A_145 : vector<128xf32> to vector<128x1xf32>
    %swap3A_147 = arith.constant 0 : index
    %swap3A_148 = arith.constant 0 : index
    %swap3A_149 = vector.load %arg12[%swap3A_147, %swap3A_148] : memref<128x1xf32, #tpu.memory_space<vmem>>, vector<128x1xf32>
    tpu.vector_store %arg12[%swap3A_147, %swap3A_148], %broadcast_in_dim3A_146 {strides = array<i32>} : memref<128x1xf32, #tpu.memory_space<vmem>>, vector<128x1xf32>,
    %mul3A = arith.mulf %dot_general3A_118, %add3A_124 : vector<128x128xf32>
    %reduce_sum3A_150 = arith.constant dense<0.000000e+00> : vector<128xf32>
    %reduce_sum3A_151 = vector.multi_reduction <add>, %mul3A, %reduce_sum3A_150 [0] : vector<128x128xf32> to vector<128xf32>
    %broadcast_in_dim3A_152 = vector.shape_cast %reduce_sum3A_151 : vector<128xf32> to vector<1x128xf32>
    %swap3A_153 = arith.constant 0 : index
    %swap3A_154 = arith.constant 0 : index
    %swap3A_155 = vector.load %arg13[%swap3A_153, %swap3A_154] : memref<1x128xf32, #tpu.memory_space<vmem>>, vector<1x128xf32>
    tpu.vector_store %arg13[%swap3A_153, %swap3A_154], %broadcast_in_dim3A_152 {strides = array<i32>} : memref<1x128xf32, #tpu.memory_space<vmem>>, vector<1x128xf32>,
    %reduce_sum3A_156 = vector.shape_cast %dot_general3A_118 : vector<128x128xf32> to vector<1x128x128xf32>
    %reduce_sum3A_157 = arith.constant dense<0.000000e+00> : vector<1xf32>
    %reduce_sum3A_158 = vector.multi_reduction <add>, %reduce_sum3A_156, %reduce_sum3A_157 [1, 2] : vector<1x128x128xf32> to vector<1xf32>
    %reduce_sum3A_159 = vector.shape_cast %reduce_sum3A_158 : vector<1xf32> to vector<1x1x1xf32>
    %reduce_sum3A_160 = vector.extract %reduce_sum3A_159[0, 0, 0] : f32 from vector<1x1x1xf32>
    %reshape3A = vector.broadcast %reduce_sum3A_160 : f32 to vector<1x1xf32>
    %swap3A_161 = arith.constant 0 : index
    %swap3A_162 = arith.constant 0 : index
    %swap3A_163 = vector.load %arg14[%swap3A_161, %swap3A_162] : memref<1x1xf32, #tpu.memory_space<vmem>>, vector<1x1xf32>
    tpu.vector_store %arg14[%swap3A_161, %swap3A_162], %reshape3A {strides = array<i32>} : memref<1x1xf32, #tpu.memory_space<vmem>>, vector<1x1xf32>,
    return
  }
}

module attributes {stable_mosaic.version = 14 : i64} {
  func.func @_pack_kernel(%arg0: memref<128x128xf32, #tpu.memory_space<vmem>>, %arg1: memref<128x128xf32, #tpu.memory_space<vmem>>, %arg2: memref<1x128xf32, #tpu.memory_space<vmem>>, %arg3: memref<128x1xf32, #tpu.memory_space<vmem>>, %arg4: memref<1x128xf32, #tpu.memory_space<vmem>>, %arg5: memref<128x1xf32, #tpu.memory_space<vmem>>, %arg6: memref<1x128xf32, #tpu.memory_space<vmem>>, %arg7: memref<128x1xf32, #tpu.memory_space<vmem>>, %arg8: memref<128x128xf32, #tpu.memory_space<vmem>>, %arg9: memref<128x128xf32, #tpu.memory_space<vmem>>, %arg10: memref<1x128xf32, #tpu.memory_space<vmem>>, %arg11: memref<1x128xf32, #tpu.memory_space<vmem>>, %arg12: memref<8x128xf32, #tpu.memory_space<vmem>>, %arg13: memref<8x128xf32, #tpu.memory_space<vmem>>) attributes {dimension_semantics = [], scalar_prefetch = 0 : i64, scratch_operands = 0 : i64, tpu.core_type = #tpu.core_type<tc>} {
    %get3A = arith.constant 0 : index
    %get3A_0 = arith.constant 0 : index
    %get3A_1 = vector.load %arg0[%get3A, %get3A_0] : memref<128x128xf32, #tpu.memory_space<vmem>>, vector<128x128xf32>
    %get3A_2 = arith.constant 0 : index
    %get3A_3 = arith.constant 0 : index
    %get3A_4 = vector.load %arg1[%get3A_2, %get3A_3] : memref<128x128xf32, #tpu.memory_space<vmem>>, vector<128x128xf32>
    %get3A_5 = arith.constant 0 : index
    %get3A_6 = arith.constant 0 : index
    %get3A_7 = vector.load %arg2[%get3A_5, %get3A_6] : memref<1x128xf32, #tpu.memory_space<vmem>>, vector<1x128xf32>
    %get3A_8 = arith.constant 0 : index
    %get3A_9 = arith.constant 0 : index
    %get3A_10 = vector.load %arg3[%get3A_8, %get3A_9] : memref<128x1xf32, #tpu.memory_space<vmem>>, vector<128x1xf32>
    %get3A_11 = arith.constant 0 : index
    %get3A_12 = arith.constant 0 : index
    %get3A_13 = vector.load %arg4[%get3A_11, %get3A_12] : memref<1x128xf32, #tpu.memory_space<vmem>>, vector<1x128xf32>
    %get3A_14 = arith.constant 0 : index
    %get3A_15 = arith.constant 0 : index
    %get3A_16 = vector.load %arg5[%get3A_14, %get3A_15] : memref<128x1xf32, #tpu.memory_space<vmem>>, vector<128x1xf32>
    %get3A_17 = arith.constant 0 : index
    %get3A_18 = arith.constant 0 : index
    %get3A_19 = vector.load %arg6[%get3A_17, %get3A_18] : memref<1x128xf32, #tpu.memory_space<vmem>>, vector<1x128xf32>
    %get3A_20 = arith.constant 0 : index
    %get3A_21 = arith.constant 0 : index
    %get3A_22 = vector.load %arg7[%get3A_20, %get3A_21] : memref<128x1xf32, #tpu.memory_space<vmem>>, vector<128x1xf32>
    %iota3A = tpu.iota {dimensions = array<i32: 0>} : vector<128x128xi32>
    %convert_element_type3A = arith.sitofp %iota3A : vector<128x128xi32> to vector<128x128xf32>
    %iota3A_23 = tpu.iota {dimensions = array<i32: 1>} : vector<128x128xi32>
    %convert_element_type3A_24 = arith.sitofp %iota3A_23 : vector<128x128xi32> to vector<128x128xf32>
    %lt3A = arith.constant 0.000000e+00 : f32
    %lt3A_25 = vector.broadcast %lt3A : f32 to vector<1x128xf32>
    %lt3A_26 = arith.cmpf olt, %get3A_19, %lt3A_25 : vector<1x128xf32>
    %lt3A_27 = arith.constant 0.000000e+00 : f32
    %lt3A_28 = vector.broadcast %lt3A_27 : f32 to vector<128x1xf32>
    %lt3A_29 = arith.cmpf olt, %get3A_22, %lt3A_28 : vector<128x1xf32>
    %gt3A = arith.constant 0.000000e+00 : f32
    %gt3A_30 = vector.broadcast %gt3A : f32 to vector<1x128xf32>
    %gt3A_31 = arith.cmpf ogt, %get3A_19, %gt3A_30 : vector<1x128xf32>
    %gt3A_32 = arith.constant 0.000000e+00 : f32
    %gt3A_33 = vector.broadcast %gt3A_32 : f32 to vector<128x1xf32>
    %gt3A_34 = arith.cmpf ogt, %get3A_22, %gt3A_33 : vector<128x1xf32>
    %lt3A_35 = vector.broadcast %get3A_13 : vector<1x128xf32> to vector<128x128xf32>
    %lt3A_36 = vector.broadcast %get3A_16 : vector<128x1xf32> to vector<128x128xf32>
    %lt3A_37 = arith.cmpf olt, %lt3A_35, %lt3A_36 : vector<128x128xf32>
    %eq3A = vector.broadcast %get3A_13 : vector<1x128xf32> to vector<128x128xf32>
    %eq3A_38 = vector.broadcast %get3A_16 : vector<128x1xf32> to vector<128x128xf32>
    %eq3A_39 = arith.cmpf oeq, %eq3A, %eq3A_38 : vector<128x128xf32>
    %gt3A_40 = vector.broadcast %get3A_7 : vector<1x128xf32> to vector<128x128xf32>
    %gt3A_41 = vector.broadcast %get3A_10 : vector<128x1xf32> to vector<128x128xf32>
    %gt3A_42 = arith.cmpf ogt, %gt3A_40, %gt3A_41 : vector<128x128xf32>
    %eq3A_43 = vector.broadcast %get3A_7 : vector<1x128xf32> to vector<128x128xf32>
    %eq3A_44 = vector.broadcast %get3A_10 : vector<128x1xf32> to vector<128x128xf32>
    %eq3A_45 = arith.cmpf oeq, %eq3A_43, %eq3A_44 : vector<128x128xf32>
    %lt3A_46 = arith.cmpf olt, %convert_element_type3A_24, %convert_element_type3A : vector<128x128xf32>
    %and3A = arith.andi %eq3A_45, %lt3A_46 : vector<128x128xi1>
    %or3A = arith.ori %gt3A_42, %and3A : vector<128x128xi1>
    %and3A_47 = arith.andi %eq3A_39, %or3A : vector<128x128xi1>
    %or3A_48 = arith.ori %lt3A_37, %and3A_47 : vector<128x128xi1>
    %lt3A_49 = vector.broadcast %get3A_16 : vector<128x1xf32> to vector<128x128xf32>
    %lt3A_50 = vector.broadcast %get3A_13 : vector<1x128xf32> to vector<128x128xf32>
    %lt3A_51 = arith.cmpf olt, %lt3A_49, %lt3A_50 : vector<128x128xf32>
    %eq3A_52 = vector.broadcast %get3A_16 : vector<128x1xf32> to vector<128x128xf32>
    %eq3A_53 = vector.broadcast %get3A_13 : vector<1x128xf32> to vector<128x128xf32>
    %eq3A_54 = arith.cmpf oeq, %eq3A_52, %eq3A_53 : vector<128x128xf32>
    %gt3A_55 = vector.broadcast %get3A_10 : vector<128x1xf32> to vector<128x128xf32>
    %gt3A_56 = vector.broadcast %get3A_7 : vector<1x128xf32> to vector<128x128xf32>
    %gt3A_57 = arith.cmpf ogt, %gt3A_55, %gt3A_56 : vector<128x128xf32>
    %eq3A_58 = vector.broadcast %get3A_10 : vector<128x1xf32> to vector<128x128xf32>
    %eq3A_59 = vector.broadcast %get3A_7 : vector<1x128xf32> to vector<128x128xf32>
    %eq3A_60 = arith.cmpf oeq, %eq3A_58, %eq3A_59 : vector<128x128xf32>
    %lt3A_61 = arith.cmpf olt, %convert_element_type3A, %convert_element_type3A_24 : vector<128x128xf32>
    %and3A_62 = arith.andi %eq3A_60, %lt3A_61 : vector<128x128xi1>
    %or3A_63 = arith.ori %gt3A_57, %and3A_62 : vector<128x128xi1>
    %and3A_64 = arith.andi %eq3A_54, %or3A_63 : vector<128x128xi1>
    %or3A_65 = arith.ori %lt3A_51, %and3A_64 : vector<128x128xi1>
    %and3A_66 = vector.broadcast %lt3A_26 : vector<1x128xi1> to vector<128x128xi1>
    %and3A_67 = arith.andi %or3A_48, %and3A_66 : vector<128x128xi1>
    %jit3A = arith.constant 1.000000e+00 : f32
    %jit3A_68 = arith.constant 0.000000e+00 : f32
    %broadcast_in_dim3A = vector.broadcast %jit3A : f32 to vector<128x128xf32>
    %broadcast_in_dim3A_69 = vector.broadcast %jit3A_68 : f32 to vector<128x128xf32>
    %select_n3A = arith.select %and3A_67, %broadcast_in_dim3A, %broadcast_in_dim3A_69 : vector<128x128xi1>, vector<128x128xf32>
    %reduce_sum3A = arith.constant dense<0.000000e+00> : vector<128xf32>
    %reduce_sum3A_70 = vector.multi_reduction <add>, %select_n3A, %reduce_sum3A [1] : vector<128x128xf32> to vector<128xf32>
    %broadcast_in_dim3A_71 = vector.shape_cast %reduce_sum3A_70 : vector<128xf32> to vector<128x1xf32>
    %and3A_72 = vector.broadcast %gt3A_31 : vector<1x128xi1> to vector<128x128xi1>
    %and3A_73 = arith.andi %or3A_48, %and3A_72 : vector<128x128xi1>
    %jit3A_74 = arith.constant 1.000000e+00 : f32
    %jit3A_75 = arith.constant 0.000000e+00 : f32
    %broadcast_in_dim3A_76 = vector.broadcast %jit3A_74 : f32 to vector<128x128xf32>
    %broadcast_in_dim3A_77 = vector.broadcast %jit3A_75 : f32 to vector<128x128xf32>
    %select_n3A_78 = arith.select %and3A_73, %broadcast_in_dim3A_76, %broadcast_in_dim3A_77 : vector<128x128xi1>, vector<128x128xf32>
    %reduce_sum3A_79 = arith.constant dense<0.000000e+00> : vector<128xf32>
    %reduce_sum3A_80 = vector.multi_reduction <add>, %select_n3A_78, %reduce_sum3A_79 [1] : vector<128x128xf32> to vector<128xf32>
    %broadcast_in_dim3A_81 = vector.shape_cast %reduce_sum3A_80 : vector<128xf32> to vector<128x1xf32>
    %and3A_82 = vector.broadcast %gt3A_34 : vector<128x1xi1> to vector<128x128xi1>
    %and3A_83 = arith.andi %or3A_65, %and3A_82 : vector<128x128xi1>
    %jit3A_84 = arith.constant 1.000000e+00 : f32
    %jit3A_85 = arith.constant 0.000000e+00 : f32
    %broadcast_in_dim3A_86 = vector.broadcast %jit3A_84 : f32 to vector<128x128xf32>
    %broadcast_in_dim3A_87 = vector.broadcast %jit3A_85 : f32 to vector<128x128xf32>
    %select_n3A_88 = arith.select %and3A_83, %broadcast_in_dim3A_86, %broadcast_in_dim3A_87 : vector<128x128xi1>, vector<128x128xf32>
    %reduce_sum3A_89 = arith.constant dense<0.000000e+00> : vector<128xf32>
    %reduce_sum3A_90 = vector.multi_reduction <add>, %select_n3A_88, %reduce_sum3A_89 [0] : vector<128x128xf32> to vector<128xf32>
    %broadcast_in_dim3A_91 = vector.shape_cast %reduce_sum3A_90 : vector<128xf32> to vector<1x128xf32>
    %eq3A_92 = vector.broadcast %broadcast_in_dim3A_71 : vector<128x1xf32> to vector<128x128xf32>
    %eq3A_93 = arith.cmpf oeq, %eq3A_92, %convert_element_type3A_24 : vector<128x128xf32>
    %and3A_94 = vector.broadcast %lt3A_29 : vector<128x1xi1> to vector<128x128xi1>
    %and3A_95 = arith.andi %and3A_94, %eq3A_93 : vector<128x128xi1>
    %jit3A_96 = arith.constant 1.000000e+00 : f32
    %jit3A_97 = arith.constant 0.000000e+00 : f32
    %broadcast_in_dim3A_98 = vector.broadcast %jit3A_96 : f32 to vector<128x128xf32>
    %broadcast_in_dim3A_99 = vector.broadcast %jit3A_97 : f32 to vector<128x128xf32>
    %select_n3A_100 = arith.select %and3A_95, %broadcast_in_dim3A_98, %broadcast_in_dim3A_99 : vector<128x128xi1>, vector<128x128xf32>
    %eq3A_101 = vector.broadcast %broadcast_in_dim3A_81 : vector<128x1xf32> to vector<128x128xf32>
    %eq3A_102 = arith.cmpf oeq, %eq3A_101, %convert_element_type3A_24 : vector<128x128xf32>
    %and3A_103 = vector.broadcast %gt3A_34 : vector<128x1xi1> to vector<128x128xi1>
    %and3A_104 = arith.andi %and3A_103, %eq3A_102 : vector<128x128xi1>
    %jit3A_105 = arith.constant 1.000000e+00 : f32
    %jit3A_106 = arith.constant 0.000000e+00 : f32
    %broadcast_in_dim3A_107 = vector.broadcast %jit3A_105 : f32 to vector<128x128xf32>
    %broadcast_in_dim3A_108 = vector.broadcast %jit3A_106 : f32 to vector<128x128xf32>
    %select_n3A_109 = arith.select %and3A_104, %broadcast_in_dim3A_107, %broadcast_in_dim3A_108 : vector<128x128xi1>, vector<128x128xf32>
    %eq3A_110 = vector.broadcast %broadcast_in_dim3A_91 : vector<1x128xf32> to vector<128x128xf32>
    %eq3A_111 = arith.cmpf oeq, %eq3A_110, %convert_element_type3A : vector<128x128xf32>
    %and3A_112 = vector.broadcast %gt3A_31 : vector<1x128xi1> to vector<128x128xi1>
    %and3A_113 = arith.andi %and3A_112, %eq3A_111 : vector<128x128xi1>
    %jit3A_114 = arith.constant 1.000000e+00 : f32
    %jit3A_115 = arith.constant 0.000000e+00 : f32
    %broadcast_in_dim3A_116 = vector.broadcast %jit3A_114 : f32 to vector<128x128xf32>
    %broadcast_in_dim3A_117 = vector.broadcast %jit3A_115 : f32 to vector<128x128xf32>
    %select_n3A_118 = arith.select %and3A_113, %broadcast_in_dim3A_116, %broadcast_in_dim3A_117 : vector<128x128xi1>, vector<128x128xf32>
    %dot_general3A = arith.constant dense<0.000000e+00> : vector<128x128xf32>
    %dot_general3A_119 = tpu.matmul %select_n3A_118, %get3A_1, %dot_general3A {dimension_numbers = #tpu.dot_dimension_numbers<[1], [0], [0], [1], [0, 0, 1, 1], [], []>, precision = #tpu.contract_precision<fp32>, transpose_lhs_hint = false} : vector<128x128xf32>, vector<128x128xf32>, vector<128x128xf32> -> vector<128x128xf32>
    %dot_general3A_120 = arith.constant dense<0.000000e+00> : vector<128x128xf32>
    %dot_general3A_121 = tpu.matmul %dot_general3A_119, %select_n3A_100, %dot_general3A_120 {dimension_numbers = #tpu.dot_dimension_numbers<[1], [0], [0], [1], [0, 0, 1, 1], [], []>, precision = #tpu.contract_precision<fp32>, transpose_lhs_hint = false} : vector<128x128xf32>, vector<128x128xf32>, vector<128x128xf32> -> vector<128x128xf32>
    %swap3A = arith.constant 0 : index
    %swap3A_122 = arith.constant 0 : index
    %swap3A_123 = vector.load %arg8[%swap3A, %swap3A_122] : memref<128x128xf32, #tpu.memory_space<vmem>>, vector<128x128xf32>
    tpu.vector_store %arg8[%swap3A, %swap3A_122], %dot_general3A_121 {strides = array<i32>} : memref<128x128xf32, #tpu.memory_space<vmem>>, vector<128x128xf32>,
    %dot_general3A_124 = arith.constant dense<0.000000e+00> : vector<128x128xf32>
    %dot_general3A_125 = tpu.matmul %select_n3A_118, %get3A_4, %dot_general3A_124 {dimension_numbers = #tpu.dot_dimension_numbers<[1], [0], [0], [1], [0, 0, 1, 1], [], []>, precision = #tpu.contract_precision<fp32>, transpose_lhs_hint = false} : vector<128x128xf32>, vector<128x128xf32>, vector<128x128xf32> -> vector<128x128xf32>
    %dot_general3A_126 = arith.constant dense<0.000000e+00> : vector<128x128xf32>
    %dot_general3A_127 = tpu.matmul %dot_general3A_125, %select_n3A_100, %dot_general3A_126 {dimension_numbers = #tpu.dot_dimension_numbers<[1], [0], [0], [1], [0, 0, 1, 1], [], []>, precision = #tpu.contract_precision<fp32>, transpose_lhs_hint = false} : vector<128x128xf32>, vector<128x128xf32>, vector<128x128xf32> -> vector<128x128xf32>
    %swap3A_128 = arith.constant 0 : index
    %swap3A_129 = arith.constant 0 : index
    %swap3A_130 = vector.load %arg9[%swap3A_128, %swap3A_129] : memref<128x128xf32, #tpu.memory_space<vmem>>, vector<128x128xf32>
    tpu.vector_store %arg9[%swap3A_128, %swap3A_129], %dot_general3A_127 {strides = array<i32>} : memref<128x128xf32, #tpu.memory_space<vmem>>, vector<128x128xf32>,
    %dot_general3A_131 = arith.constant dense<0.000000e+00> : vector<1x128xf32>
    %dot_general3A_132 = tpu.matmul %get3A_19, %select_n3A_100, %dot_general3A_131 {dimension_numbers = #tpu.dot_dimension_numbers<[1], [0], [0], [1], [0, 0, 1, 1], [], []>, precision = #tpu.contract_precision<fp32>, transpose_lhs_hint = false} : vector<1x128xf32>, vector<128x128xf32>, vector<1x128xf32> -> vector<1x128xf32>
    %neg3A = arith.constant 0.000000e+00 : f32
    %neg3A_133 = vector.broadcast %neg3A : f32 to vector<1x128xf32>
    %neg3A_134 = arith.subf %neg3A_133, %dot_general3A_132 : vector<1x128xf32>
    %swap3A_135 = arith.constant 0 : index
    %swap3A_136 = arith.constant 0 : index
    %swap3A_137 = vector.load %arg10[%swap3A_135, %swap3A_136] : memref<1x128xf32, #tpu.memory_space<vmem>>, vector<1x128xf32>
    tpu.vector_store %arg10[%swap3A_135, %swap3A_136], %neg3A_134 {strides = array<i32>} : memref<1x128xf32, #tpu.memory_space<vmem>>, vector<1x128xf32>,
    %dot_general3A_138 = arith.constant dense<0.000000e+00> : vector<1x128xf32>
    %dot_general3A_139 = tpu.matmul %get3A_19, %select_n3A_109, %dot_general3A_138 {dimension_numbers = #tpu.dot_dimension_numbers<[1], [0], [0], [1], [0, 0, 1, 1], [], []>, precision = #tpu.contract_precision<fp32>, transpose_lhs_hint = false} : vector<1x128xf32>, vector<128x128xf32>, vector<1x128xf32> -> vector<1x128xf32>
    %swap3A_140 = arith.constant 0 : index
    %swap3A_141 = arith.constant 0 : index
    %swap3A_142 = vector.load %arg11[%swap3A_140, %swap3A_141] : memref<1x128xf32, #tpu.memory_space<vmem>>, vector<1x128xf32>
    tpu.vector_store %arg11[%swap3A_140, %swap3A_141], %dot_general3A_139 {strides = array<i32>} : memref<1x128xf32, #tpu.memory_space<vmem>>, vector<1x128xf32>,
    %dot_general3A_143 = arith.constant dense<0.000000e+00> : vector<1x128xf32>
    %dot_general3A_144 = tpu.matmul %get3A_13, %select_n3A_100, %dot_general3A_143 {dimension_numbers = #tpu.dot_dimension_numbers<[1], [0], [0], [1], [0, 0, 1, 1], [], []>, precision = #tpu.contract_precision<fp32>, transpose_lhs_hint = false} : vector<1x128xf32>, vector<128x128xf32>, vector<1x128xf32> -> vector<1x128xf32>
    %iota3A_145 = tpu.iota {dimensions = array<i32: 0>} : vector<8x128xi32>
    %convert_element_type3A_146 = arith.sitofp %iota3A_145 : vector<8x128xi32> to vector<8x128xf32>
    %eq3A_147 = vector.broadcast %dot_general3A_144 : vector<1x128xf32> to vector<8x128xf32>
    %eq3A_148 = arith.cmpf oeq, %eq3A_147, %convert_element_type3A_146 : vector<8x128xf32>
    %jit3A_149 = arith.constant 1.000000e+00 : f32
    %jit3A_150 = arith.constant 0.000000e+00 : f32
    %broadcast_in_dim3A_151 = vector.broadcast %jit3A_149 : f32 to vector<8x128xf32>
    %broadcast_in_dim3A_152 = vector.broadcast %jit3A_150 : f32 to vector<8x128xf32>
    %select_n3A_153 = arith.select %eq3A_148, %broadcast_in_dim3A_151, %broadcast_in_dim3A_152 : vector<8x128xi1>, vector<8x128xf32>
    %swap3A_154 = arith.constant 0 : index
    %swap3A_155 = arith.constant 0 : index
    %swap3A_156 = vector.load %arg12[%swap3A_154, %swap3A_155] : memref<8x128xf32, #tpu.memory_space<vmem>>, vector<8x128xf32>
    tpu.vector_store %arg12[%swap3A_154, %swap3A_155], %select_n3A_153 {strides = array<i32>} : memref<8x128xf32, #tpu.memory_space<vmem>>, vector<8x128xf32>,
    %eq3A_157 = vector.broadcast %get3A_13 : vector<1x128xf32> to vector<8x128xf32>
    %eq3A_158 = arith.cmpf oeq, %eq3A_157, %convert_element_type3A_146 : vector<8x128xf32>
    %and3A_159 = vector.broadcast %gt3A_31 : vector<1x128xi1> to vector<8x128xi1>
    %and3A_160 = arith.andi %eq3A_158, %and3A_159 : vector<8x128xi1>
    %jit3A_161 = arith.constant 1.000000e+00 : f32
    %jit3A_162 = arith.constant 0.000000e+00 : f32
    %broadcast_in_dim3A_163 = vector.broadcast %jit3A_161 : f32 to vector<8x128xf32>
    %broadcast_in_dim3A_164 = vector.broadcast %jit3A_162 : f32 to vector<8x128xf32>
    %select_n3A_165 = arith.select %and3A_160, %broadcast_in_dim3A_163, %broadcast_in_dim3A_164 : vector<8x128xi1>, vector<8x128xf32>
    %reduce_sum3A_166 = arith.constant dense<0.000000e+00> : vector<8xf32>
    %reduce_sum3A_167 = vector.multi_reduction <add>, %select_n3A_165, %reduce_sum3A_166 [1] : vector<8x128xf32> to vector<8xf32>
    %broadcast_in_dim3A_168 = vector.shape_cast %reduce_sum3A_167 : vector<8xf32> to vector<8x1xf32>
    %lt3A_169 = vector.broadcast %get3A_13 : vector<1x128xf32> to vector<8x128xf32>
    %lt3A_170 = arith.cmpf olt, %lt3A_169, %convert_element_type3A_146 : vector<8x128xf32>
    %and3A_171 = vector.broadcast %gt3A_31 : vector<1x128xi1> to vector<8x128xi1>
    %and3A_172 = arith.andi %lt3A_170, %and3A_171 : vector<8x128xi1>
    %jit3A_173 = arith.constant 1.000000e+00 : f32
    %jit3A_174 = arith.constant 0.000000e+00 : f32
    %broadcast_in_dim3A_175 = vector.broadcast %jit3A_173 : f32 to vector<8x128xf32>
    %broadcast_in_dim3A_176 = vector.broadcast %jit3A_174 : f32 to vector<8x128xf32>
    %select_n3A_177 = arith.select %and3A_172, %broadcast_in_dim3A_175, %broadcast_in_dim3A_176 : vector<8x128xi1>, vector<8x128xf32>
    %reduce_sum3A_178 = arith.constant dense<0.000000e+00> : vector<8xf32>
    %reduce_sum3A_179 = vector.multi_reduction <add>, %select_n3A_177, %reduce_sum3A_178 [1] : vector<8x128xf32> to vector<8xf32>
    %broadcast_in_dim3A_180 = vector.shape_cast %reduce_sum3A_179 : vector<8xf32> to vector<8x1xf32>
    %iota3A_181 = tpu.iota {dimensions = array<i32: 1>} : vector<8x128xi32>
    %eq3A_182 = arith.constant 0 : i32
    %eq3A_183 = vector.broadcast %eq3A_182 : i32 to vector<8x128xi32>
    %eq3A_184 = arith.cmpi eq, %iota3A_181, %eq3A_183 : vector<8x128xi32>
    %jit3A_185 = arith.constant 0.000000e+00 : f32
    %broadcast_in_dim3A_186 = vector.shape_cast %broadcast_in_dim3A_180 : vector<8x1xf32> to vector<8x1xf32>
    %broadcast_in_dim3A_187 = vector.broadcast %broadcast_in_dim3A_186 : vector<8x1xf32> to vector<8x128xf32>
    %broadcast_in_dim3A_188 = vector.broadcast %jit3A_185 : f32 to vector<8x128xf32>
    %select_n3A_189 = arith.select %eq3A_184, %broadcast_in_dim3A_187, %broadcast_in_dim3A_188 : vector<8x128xi1>, vector<8x128xf32>
    %eq3A_190 = arith.constant 1 : i32
    %eq3A_191 = vector.broadcast %eq3A_190 : i32 to vector<8x128xi32>
    %eq3A_192 = arith.cmpi eq, %iota3A_181, %eq3A_191 : vector<8x128xi32>
    %jit3A_193 = arith.constant 0.000000e+00 : f32
    %broadcast_in_dim3A_194 = vector.shape_cast %broadcast_in_dim3A_168 : vector<8x1xf32> to vector<8x1xf32>
    %broadcast_in_dim3A_195 = vector.broadcast %broadcast_in_dim3A_194 : vector<8x1xf32> to vector<8x128xf32>
    %broadcast_in_dim3A_196 = vector.broadcast %jit3A_193 : f32 to vector<8x128xf32>
    %select_n3A_197 = arith.select %eq3A_192, %broadcast_in_dim3A_195, %broadcast_in_dim3A_196 : vector<8x128xi1>, vector<8x128xf32>
    %add3A = arith.addf %select_n3A_189, %select_n3A_197 : vector<8x128xf32>
    %swap3A_198 = arith.constant 0 : index
    %swap3A_199 = arith.constant 0 : index
    %swap3A_200 = vector.load %arg13[%swap3A_198, %swap3A_199] : memref<8x128xf32, #tpu.memory_space<vmem>>, vector<8x128xf32>
    tpu.vector_store %arg13[%swap3A_198, %swap3A_199], %add3A {strides = array<i32>} : memref<8x128xf32, #tpu.memory_space<vmem>>, vector<8x128xf32>,
    return
  }
}

</mosaic_0001>

<sc_bundles>
// kernel: kernel.6.cloned.1.call-start
scs
__scs_entry_jumppad:
0x0: {  	(pc) =	sbr.rel $0x88, $3  }
0x1: {  	(tag) =	ssettag $0x0;
	lr =	simm.s32 $0x1  }
0x2: {  	[smem:$0x3F8D] =	sst lr;
	_ =	strace $0xD0000000  }
0x3: {  	_ = 	snop  }
0x4: {  	_ = 	snop  }
0x5: {  	_ = 	snop  }
0x6: {  	_ = 	snop  }
0x7: {  	_ = 	snop  }
__scs_overlays_trampoline_lowered:
0x8: {  	[smem:$0x3F9C] =	sst s0  }
0x9: {  	[smem:$0x3F9D] =	sst s1  }
0xa: {  	[smem:$0x3F9E] =	sst s2  }
0xb: {  	[smem:$0x3F9F] =	sst s3  }
0xc: {  	[smem:$0x3FA0] =	sst s4  }
0xd: {  	[smem:$0x3FA1] =	sst s5  }
0xe: {  	[smem:$0x3FA2] =	sst s6  }
0xf: {  	[smem:$0x3FA3] =	sst s7  }
0x10: {  	[smem:$0x3FA4] =	sst s8  }
0x11: {  	[smem:$0x3FA5] =	sst s9;
	s0 =	simm.s32 @!p0 $0x0  }
0x12: {  	s1 =	sld [smem:$0x3F8B];
	s0 =	simm.s32 @p0 $0x1  }
0x13: {  	[smem:$0x3FA6] =	sst s0;
	s0 =	simm.s32 @!p1 $0x0  }
0x14: {  	s2 =	sld [smem:$0x3F8A];
	s0 =	simm.s32 @p1 $0x1  }
0x15: {  	[smem:$0x3FA7] =	sst s0;
	s0 =	simm.s32 @!p2 $0x0  }
0x16: {  	s3 =	sld [smem:$0x3FDB];
	s0 =	simm.s32 @p2 $0x1  }
0x17: {  	s4 =	simm.s32 $0x1BF5;
	[smem:$0x3FA9] =	sst s0  }
0x18: {  	s0 =	sld [smem:$0x3F8C];
	_ =	swait.ge [sflag:s4], $0x0  }
0x19: {  	s7 =	sld [smem:$0x3F8D]  }
0x1a: {  	s8 =	sadd.s32 $0xFFFFE003, lr  }
0x1b: {  	s9 =	sadd.s32 $0xFFFFFEF7, lr;
	s5 =	simm.s32 $0xFFFFFFFF;
	p2 =	slt.u32 s8, $0xFFFFF086  }
0x1c: {  	p1 =	slt.u32 s9, $0xF7A;
	s5 =	simm.s32 @!p2 $0x0  }
0x1d: {  	s5 =	simm.s32 @p1 $0x1;
	p0 =	seq.s32 s7, s2  }
0x1e: {  	s7 =	smul.u32 @!p0 $0xF7A, s2;
	p2 =	seq.s32 @!p0 s5, $0x0  }
0x1f: {  	s9 =	smul.u32 $0xF7A, s1;
	s8 =	simm.s32 @!p0 $0x1BF5;
	p2 =	por !p2, p0  }
0x20: {  	[sflag:s8] =	ssyncset.s32 @!p0 $0xFFFFF086;
	s6 =	sadd.s32 @!p0 s3, s7;
	s7 =	simm.s32 @!p0 $0x108  }
0x21: {  	s3 =	sadd.s32 s3, s9;
	s6 =	sadd.s32 @!p0 $0x88, s6;
	s7 =	simm.s32 @p2 $0x1082  }
0x22: {  	[simem:s7], [sflag:s8] =	dma.local @!p0 [hbm:s6], $0xF7A  }
0x23: {  	s9 =	sor.u32 $0xD0000000, s2;
	s6 =	simm.s32 $0x108;
	_ =	swait.ge @!p0 [sflag:s8], $0x0  }
0x24: {  	s3 =	sadd.s32 $0x88, s3;
	s6 =	simm.s32 @!p1 $0x1082;
	[sflag:s4] =	ssyncset.s32 $0xFFFFF086  }
0x25: {  	[simem:s6], [sflag:s4] =	dma.local [hbm:s3], $0xF7A  }
0x26: {  	[smem:$0x3F8D] =	sst s1;
	(tag) =	ssettag s2;
	_ =	strace s9  }
0x27: {  	s1 =	sld [smem:$0x3F9D]  }
0x28: {  	s2 =	sld [smem:$0x3F9E]  }
0x29: {  	s4 =	sld [smem:$0x3FA0]  }
0x2a: {  	p0 =	seq.s32 s5, $0x0;
	s5 =	sld [smem:$0x3FA1]  }
0x2b: {  	s6 =	sld [smem:$0x3FA2]  }
0x2c: {  	s7 =	sld [smem:$0x3FA3]  }
0x2d: {  	s3 =	simm.s32 $0x108;
	s8 =	sld [smem:$0x3FA4]  }
0x2e: {  	s3 =	simm.s32 @!p0 $0x1082;
	s9 =	sld [smem:$0x3FA5]  }
0x2f: {  	lr =	sadd.s32 s0, s3;
	s0 =	sld [smem:$0x3F9C]  }
0x30: {  	s3 =	sld [smem:$0x3F9F]  }
0x31: {  	[smem:$0x3FA8] =	sst s10  }
0x32: {  	s10 =	sld [smem:$0x3FA6];
	_ =	sdelay $0x3  }
0x33: {  	p0 =	seq.s32 s10, $0x1;
	s10 =	sld [smem:$0x3FA8];
	_ =	sdelay $0x3  }
0x34: {  	[smem:$0x3FA8] =	sst s10  }
0x35: {  	s10 =	sld [smem:$0x3FA7];
	_ =	sdelay $0x3  }
0x36: {  	p1 =	seq.s32 s10, $0x1;
	s10 =	sld [smem:$0x3FA8];
	_ =	sdelay $0x3  }
0x37: {  	[smem:$0x3FA8] =	sst s10  }
0x38: {  	s10 =	sld [smem:$0x3FA9]  }
0x39: {  	_ = 	snop;
	(pc) =	sbr.ind lr, $3  }
0x3a: {  	_ = 	snop  }
0x3b: {  	_ = 	snop  }
0x3c: {  	p2 =	seq.s32 s10, $0x1;
	s10 =	sld [smem:$0x3FA8]  }
0x3d: {  	_ =	shalt  }
0x3e: {  	_ =	shalt  }
0x3f: {  	_ =	shalt  }
0x40: {  	_ =	shalt  }
0x41: {  	_ =	shalt  }
0x42: {  	_ =	shalt  }
0x43: {  	_ =	shalt  }
0x44: {  	_ =	shalt  }
0x45: {  	_ =	shalt  }
0x46: {  	_ =	shalt  }
0x47: {  	_ =	shalt  }
0x48: {  	_ =	shalt  }
0x49: {  	_ =	shalt  }
0x4a: {  	_ =	shalt  }
0x4b: {  	_ =	shalt  }
0x4c: {  	_ =	shalt  }
0x4d: {  	_ =	shalt  }
0x4e: {  	_ =	shalt  }
0x4f: {  	_ =	shalt  }
0x50: {  	_ =	shalt  }
0x51: {  	_ =	shalt  }
0x52: {  	_ =	shalt  }
0x53: {  	_ =	shalt  }
0x54: {  	_ =	shalt  }
0x55: {  	_ =	shalt  }
0x56: {  	_ =	shalt  }
0x57: {  	_ =	shalt  }
0x58: {  	_ =	shalt  }
0x59: {  	_ =	shalt  }
0x5a: {  	_ =	shalt  }
0x5b: {  	_ =	shalt  }
0x5c: {  	_ =	shalt  }
0x5d: {  	_ =	shalt  }
0x5e: {  	_ =	shalt  }
0x5f: {  	_ =	shalt  }
0x60: {  	_ =	shalt  }
0x61: {  	_ =	shalt  }
0x62: {  	_ =	shalt  }
0x63: {  	_ =	shalt  }
0x64: {  	_ =	shalt  }
0x65: {  	_ =	shalt  }
0x66: {  	_ =	shalt  }
0x67: {  	_ =	shalt  }
0x68: {  	_ =	shalt  }
0x69: {  	_ =	shalt  }
0x6a: {  	_ =	shalt  }
0x6b: {  	_ =	shalt  }
0x6c: {  	_ =	shalt  }
0x6d: {  	_ =	shalt  }
0x6e: {  	_ =	shalt  }
0x6f: {  	_ =	shalt  }
0x70: {  	_ =	shalt  }
0x71: {  	_ =	shalt  }
0x72: {  	_ =	shalt  }
0x73: {  	_ =	shalt  }
0x74: {  	_ =	shalt  }
0x75: {  	_ =	shalt  }
0x76: {  	_ =	shalt  }
0x77: {  	_ =	shalt  }
0x78: {  	_ =	shalt  }
0x79: {  	_ =	shalt  }
0x7a: {  	_ =	shalt  }
0x7b: {  	_ =	shalt  }
0x7c: {  	_ =	shalt  }
0x7d: {  	_ =	shalt  }
0x7e: {  	_ =	shalt  }
0x7f: {  	_ =	shalt  }
0x80: {  	_ =	shalt  }
0x81: {  	_ =	shalt  }
0x82: {  	_ =	shalt  }
0x83: {  	_ =	shalt  }
0x84: {  	_ =	shalt  }
0x85: {  	_ =	shalt  }
0x86: {  	_ =	shalt  }
0x87: {  	_ =	shalt  }
.Lfunc_end0:
.L_simem_size_0:
called_computation_lowered:
.L_overlay_start_0:
0x88: {  	s2 =	sld [smem:$0x3FD9]  }
0x89: {  	s3 =	sld [smem:$0x3FFE];
	_ =	sdelay $0x1  }
0x8a: {  	s1 =	srdreg.scid  }
0x8b: {  	s0 =	sand.u32 $0x1, s1  }
0x8c: {  	s14 =	sshll.u32 s0, $0xA;
	s2 =	sadd.s32 s3, s2  }
0x8d: {  	s2 =	sadd.s32 s2, s14  }
0x8e: {  	[smem:$0x3FB4] =	sst s2  }
0x8f: {  	_ = 	snop  }
0x90: {  	s2 =	sld [smem:$0x3FD0];
	_ =	sdelay $0x2  }
0x91: {  	s15 =	simm.s32 $0xA;
	s4 =	simm.s32 $0x10  }
0x92: {  	[smem:s4], [sflag:s15] =	dma.local [hbm:s2], $0x1  }
0x93: {  	_ =	swait.eq [sflag:s15], $0x1  }
0x94: {  	s16 =	sld [smem:$0x10]  }
0x95: {  	s17 =	sld [smem:$0x11];
	[sflag:s15] =	ssyncset.done $0x0  }
0x96: {  	s5 =	sld [smem:$0x12];
	[sflag:s15] =	ssyncadd.s32 $0xFFFFFFFF  }
0x97: {  	s18 =	sld [smem:$0x13];
	(tm) =	ssettm $0x1  }
0x98: {  	s6 =	sld [smem:$0x3FFB];
	_ =	sdelay $0x3  }
0x99: {  	_ =	strace s6  }
0x9a: {  	s6 =	sld [smem:$0x3FFC];
	_ =	sdelay $0x3  }
0x9b: {  	_ =	strace s6  }
0x9c: {  	s6 =	sld [smem:$0x3FFD];
	_ =	sdelay $0x3  }
0x9d: {  	_ =	strace s6  }
0x9e: {  	_ =	strace $0x8FFFFFFF  }
0x9f: {  	s19 =	sld [smem:$0x3FDB];
	_ =	sdelay $0x1  }
0xa0: {  	s7 =	simm.s32 $_scs_section_size  }
0xa1: {  	s8 =	simm.s32 $_size__tile_overlayer_lowered;
	s9 =	simm.s32 $_tile_overlayer_lowered  }
0xa2: {  	s22 =	simm.s32 $0x1BFF;
	s21 =	sshll.u32 s9, $0x1;
	s6 =	sadd.s32 s7, s19  }
0xa3: {  	s10 =	simm.s32 $0x0;
	s20 =	sshll.u32 s8, $0x1;
	s8 =	sadd.s32 s21, s6  }
0xa4: {  	[timem:s10], [sflag:s22] =	dma.local [hbm:s8], s20  }
0xa5: {  	_ =	swait.ge [sflag:s22], s20  }
0xa6: {  	s7 =	ssub.s32 $0x0, s20;
	[sflag:s22] =	ssyncset.done $0x0  }
0xa7: {  	[sflag:s22] =	ssyncadd.s32 s7;
	_ =	sdelay $0x1  }
0xa8: {  	s23 =	simm.s32 $0x1B8B  }
0xa9: {  	_ =	swait.ge [sflag:s23], $0x1  }
0xaa: {  	[sflag:s23] =	ssyncset.done $0x0  }
0xab: {  	s25 =	simm.s32 $0x1B8E;
	s24 =	sld [smem:$0x3FFE];
	[sflag:s23] =	ssyncadd.s32 $0xFFFFFFFF  }
0xac: {  	s26 =	simm.s32 $execute0_lowered;
	[smem:$0x3FD2] =	sst s25  }
0xad: {  	s8 =	sshll.u32 s26, $0x1;
	_ =	strace $0x80000046;
	[dreg:$0x1] =	wrdreg $0xFFFFFFFF  }
0xae: {  	s28 =	simm.s32 $_size_execute0_lowered;
	s6 =	sadd.s32 s6, s8;
	[dreg:$0x0] =	wrdreg $0x0  }
0xaf: {  	s8 =	sshll.u32 s28, $0x1;
	[dreg:$0x2] =	wrdreg s6  }
0xb0: {  	[dreg:$0x3] =	wrdreg s8  }
0xb1: {  	[dreg:$0x4] =	wrdreg $0xC0  }
0xb2: {  	_ =	task [dreg:s10], $0x5FFFF  }
0xb3: {  	[dreg:$0x1] =	wrdreg $0xFFFFFFFF  }
0xb4: {  	[dreg:$0x0] =	wrdreg $0x60  }
0xb5: {  	[dreg:$0x2] =	wrdreg s17  }
0xb6: {  	[dreg:$0x3] =	wrdreg s16  }
0xb7: {  	[dreg:$0x4] =	wrdreg s18  }
0xb8: {  	[dreg:$0x5] =	wrdreg s5  }
0xb9: {  	[dreg:$0x6] =	wrdreg s24  }
0xba: {  	[dreg:$0x7] =	wrdreg $0x9  }
0xbb: {  	_ =	task.clear_ibuf [dreg:s10], $0x8FFFF;
	_ =	strace $0x90000046  }
0xbc: {  	s29 =	simm.s32 $0x9;
	_ =	strace $0x80000048  }
0xbd: {  	_ =	swait.ge [sflag:s29], $0x1  }
0xbe: {  	[sflag:s29] =	ssyncadd.s32 $0xFFFFFFFF  }
0xbf: {  	_ =	strace $0x90000048  }
0xc0: {  	_ =	sfence  }
0xc1: {  	s30 =	sld [smem:$0x0];
	_ =	sdelay $0x2  }
0xc2: {  	s31 =	sshll.u32 s1, $0xD;
	s1 =	sshrl.u32 s1, $0x2  }
0xc3: {  	s3 =	sand.u32 $0x4000, s31;
	s1 =	sadd.s32 s1, s30  }
0xc4: {  	s0 =	sor.u32 s3, s0;
	s1 =	sshll.u32 s1, $0x11  }
0xc5: {  	s0 =	sor.u32 s1, s0  }
0xc6: {  	s0 =	sadd.s32 $0x8F2B, s0  }
0xc7: {  	[sflag:s0] =	ssyncadd.remote.s32 $0x1  }
0xc8: {  	_ =	sfence.sel $0xFFFF  }
0xc9: {  	[dreg:$0x0] =	wrdreg $0xFFFFFFFF;
	(pc) =	sbr.abs _section_cstart, $3  }
0xca: {  	[dreg:$0x1] =	wrdreg $0xFFFFFFFF  }
0xcb: {  	_ =	task.clear_ibuf [dreg:s10], $0x2FFFF;
	_ =	strace $0x9FFFFFFF  }
0xcc: {  	(tm) =	ssettm $0x7FFFFFFF  }
0xcd: {  	_ =	shalt  }
tec
execute0_lowered:
.L_overlay_start_1:
0x0: {  	(tag) =	ssettag $0x1  }
0x1: {  	s0 =	srdreg.scid  }
0x2: {  	s0 =	sand.u32 $0x1, s0  }
0x3: {  	s1 =	stileid.u32;
	p0 =	seq.s32 s0, $0x1  }
0x4: {  	s2 =	rddreg [dreg:$0x0];
	p1 =	sgt.u32 @!p0 s1, $0x7  }
0x5: {  	s7 =	rddreg [dreg:$0x1];
	p0 =	por p0, p1  }
.Ltmp0:
0x6: {  	s6 =	rddreg [dreg:$0x2];
	(pc) =	sbr.rel @p0 .LBB2_6-.Ltmp0, $4  }
0x7: {  	s4 =	rddreg [dreg:$0x3]  }
0x8: {  	s5 =	rddreg [dreg:$0x4];
	s3 =	simm.s32 $0x0  }
0x9: {  	[smem:$0x7FF] =	sst s3  }
0xa: {  	s0 =	rddreg [dreg:$0x5];
	_ =	strace $0x80000047  }
0xb: {  	[tilespmem:s3], [sflag:$0x1] =	stream.linear.gather [hbm4b:s2+s3], $0x4000, $0x38;
	[tilespmem:$0x8380] =	vst v63  }
0xc: {  	s2 =	simm.s32 $0x1  }
0xd: {  	_ =	swait.ge [sflag:s2], $0x4000  }
0xe: {  	[sflag:s2] =	ssyncset.done $0x0  }
0xf: {  	s8 =	simm.s32 $0x4000;
	[sflag:s2] =	ssyncadd.s32 $0xFFFFC000  }
0x10: {  	[tilespmem:s8], [sflag:$0x1] =	stream.linear.gather [hbm4b:s7+s3], $0x4000, $0x38;
	[tilespmem:$0x8380] =	vst v63  }
0x11: {  	_ =	swait.ge [sflag:s2], $0x4000  }
0x12: {  	[sflag:s2] =	ssyncset.done $0x0  }
0x13: {  	s22 =	simm.s32 $0x8000;
	[sflag:s2] =	ssyncadd.s32 $0xFFFFC000  }
0x14: {  	[tilespmem:s22], [sflag:$0x1] =	stream.linear.gather [hbm4b:s6+s3], $0x80, $0x38;
	[tilespmem:$0x8380] =	vst v63  }
0x15: {  	_ =	swait.ge [sflag:s2], $0x80  }
0x16: {  	[sflag:s2] =	ssyncset.done $0x0  }
0x17: {  	s23 =	simm.s32 $0x8080;
	[sflag:s2] =	ssyncadd.s32 $0xFFFFFF80  }
0x18: {  	[tilespmem:s23], [sflag:$0x1] =	stream.linear.gather [hbm4b:s4+s3], $0x80, $0x38;
	[tilespmem:$0x8380] =	vst v63  }
0x19: {  	_ =	swait.ge [sflag:s2], $0x80  }
0x1a: {  	s24 =	sadd.s32 $0x2000, s5;
	s25 =	sshll.u32 s1, $0x4;
	[sflag:s2] =	ssyncset.done $0x0  }
0x1b: {  	s26 =	simm.s32 $0x8180;
	s4 =	sadd.s32 s24, s25;
	[sflag:s2] =	ssyncadd.s32 $0xFFFFFF80  }
0x1c: {  	[tilespmem:s26], [sflag:$0x1] =	stream.linear.gather [hbm4b:s4+s3], $0x80, $0x38;
	[tilespmem:$0x8380] =	vst v63  }
0x1d: {  	_ =	swait.ge [sflag:s2], $0x80  }
0x1e: {  	s28 =	sadd.s32 $0x2200, s5;
	[sflag:s2] =	ssyncset.done $0x0  }
0x1f: {  	s29 =	simm.s32 $0x8200;
	s4 =	sadd.s32 s28, s25;
	[sflag:s2] =	ssyncadd.s32 $0xFFFFFF80  }
0x20: {  	[tilespmem:s29], [sflag:$0x1] =	stream.linear.gather [hbm4b:s4+s3], $0x80, $0x38;
	[tilespmem:$0x8380] =	vst v63  }
0x21: {  	_ =	swait.ge [sflag:s2], $0x80  }
0x22: {  	[sflag:s2] =	ssyncset.done $0x0  }
0x23: {  	[sflag:s2] =	ssyncadd.s32 $0xFFFFFF80  }
0x24: {  	v0 =	vld [tilespmem:$0x8200];
	_ =	sdelay $0x4  }
0x25: {  	(v2sf) =	vpush v0, $0x0  }
0x26: {  	(v2sf) =	vpush v0, $0x1;
	_ =	sdelay $0xd  }
0x27: {  	s4 =	spop (v2sf)  }
0x28: {  	s30 =	spop (v2sf)  }
0x29: {  	s7 =	scvt.f32.s32 s30;
	_ =	sdelay $0x1  }
0x2a: {  	p0 =	slt.s32 s7, $0x1  }
.Ltmp1:
0x2b: {  	_ = 	snop;
	(pc) =	sbr.rel @p0 .LBB2_5-.Ltmp1, $3  }
0x2c: {  	_ =	sdelay $0x1  }
0x2d: {  	s31 =	sadd.s32 s25, s5  }
0x2e: {  	s3 =	sadd.s32 $0x3400, s31  }
0x2f: {  	s6 =	scvt.f32.s32 s4;
	_ =	sdelay $0x1  }
0x30: {  	s4 =	sshll.u32 s6, $0x9  }
0x31: {  	v0 =	vimm.s32 $0xEDCBA987;
	v4 =	vld [tilespmem:$0x8000];
	s8 =	sshra.s32 s4, $0x2  }
0x32: {  	v1 =	vimm.s32 $0x65432100;
	v2 =	vld [tilespmem:$0x8180];
	v0 =	vunpack.c.l.s4.s8 v0;
	s9 =	sor.u32 $0x40, s8  }
0x33: {  	v1 =	vunpack.c.l.s4.s8 v1;
	v3 =	vld [tilespmem:s9+$0xFFFFFFC0]  }
0x34: {  	v0 =	vunpack.c.0.s8.s32 v0  }
0x35: {  	v5 =	vimm.s32 $0xDCBA9876;
	v1 =	vunpack.c.0.s8.s32 v1  }
0x36: {  	v5 =	vunpack.c.l.s4.s8 v5;
	v0 =	vand.u32 $0xF, v0;
	vm0 =	vgt.f32 v4, $0.0e+00  }
0x37: {  	vm1 =	vgt.f32 v2, $5.000000000e-01;
	v0 =	vcombine.low v1, v0;
	v1 =	vimm.s32 $0x54321000  }
0x38: {  	vm4 =	vmand vm1, vm0;
	v1 =	vunpack.c.l.s4.s8 v1;
	v2 =	vmin.f32 v4, v3  }
0x39: {  	v3 =	vunpack.c.0.s8.s32 v5;
	v5 =	vnsel vm4, $0x0, v2  }
0x3a: {  	v1 =	vunpack.c.0.s8.s32 v1;
	v2 =	vlaneseq.u32;
	v6 =	vperm.xlane v5, v0  }
0x3b: {  	v3 =	vand.u32 $0xF, v3;
	vm0 =	veq.s32 v2, $0x0  }
0x3c: {  	v2 =	vimm.s32 $0xBA987654;
	v1 =	vcombine.low v1, v3;
	v3 =	vsel vm0, $0x0, v6  }
0x3d: {  	v15 =	vimm.s32 $0x32100000;
	v2 =	vunpack.c.l.s4.s8 v2;
	v3 =	vadd.f32 v5, v3  }
0x3e: {  	v6 =	vunpack.c.l.s4.s8 v15  }
0x3f: {  	v2 =	vunpack.c.0.s8.s32 v2;
	v7 =	vperm.xlane v3, v1  }
0x40: {  	v8 =	vimm.s32 $0xE40000;
	vm1 =	vmmov $0x3;
	v6 =	vunpack.c.0.s8.s32 v6  }
0x41: {  	v8 =	vunpack.c.l.s2.s4 v8;
	v2 =	vand.u32 $0xF, v2;
	v7 =	vsel vm1, $0x0, v7  }
0x42: {  	v2 =	vcombine.low v6, v2;
	v3 =	vadd.f32 v3, v7  }
0x43: {  	v16 =	vunpack.c.l.s4.s8 v8  }
0x44: {  	v7 =	vperm.xlane v3, v2  }
0x45: {  	vm2 =	vmmov $0xf;
	v17 =	vimm.s32 $0x7060504;
	v6 =	vunpack.c.0.s8.s32 v16  }
0x46: {  	s16 =	sshll.u32 s6, $0x2;
	v8 =	vunpack.c.0.s8.s32 v17;
	v7 =	vsel vm2, $0x0, v7  }
0x47: {  	vm3 =	vcmask $0x3F30;
	s4 =	sshra.s32 s16, $0x2;
	v6 =	vand.u32 $0x3, v6;
	v7 =	vadd.f32 v3, v7  }
0x48: {  	s4 =	sadd.s32 $0x8080, s4;
	v3 =	vsel vm3, v8, v6  }
0x49: {  	v18 =	vld [tilespmem:s4+$0x0];
	v8 =	vperm.xlane v7, v3  }
0x4a: {  	vm3 =	vmmov $0xff  }
0x4b: {  	v8 =	vsel vm3, $0x0, v8  }
0x4c: {  	v7 =	vadd.f32 v7, v8  }
0x4d: {  	s8 =	sadd.s32 $0x4040, s8  }
0x4e: {  	v19 =	vld [tilespmem:s8+$0xFFFFFFC0];
	v9 =	vbroadcast v18, $0x0;
	v5 =	vsub.f32 v7, v5;
	_ =	sdelay $0x1  }
0x4f: {  	v10 =	vmin.f32 v9, v7;
	v11 =	vmin.f32 v9, v5  }
0x50: {  	v10 =	vsub.f32 v10, v11;
	_ =	sdelay $0x1  }
0x51: {  	vm5 =	vgt.f32 v9, v5;
	v5 =	vadd.f32 $-1.000000000e+00, v19;
	v8 =	vmul.f32 v10, v19  }
0x52: {  	vm4 =	vmand vm4, vm5  }
0x53: {  	v5 =	vnsel vm4, $0x0, v5;
	v8 =	vnsel vm4, $0x0, v8  }
0x54: {  	v20 =	vnsel vm4, $0x0, v10;
	[tilespmem:$0x8300] =	vst v5;
	v4 =	vsub.f32 v4, v8  }
0x55: {  	v5 =	vld [tilespmem:$0x8010];
	[tilespmem:$0x8280] =	vst v20  }
0x56: {  	[tilespmem:$0x8000] =	vst v4;
	v4 =	vld [tilespmem:$0x8190]  }
0x57: {  	v21 =	vld [tilespmem:s9+$0xFFFFFFD0];
	_ =	sdelay $0x3  }
0x58: {  	vm5 =	vgt.f32 v5, $0.0e+00;
	vm4 =	vgt.f32 v4, $5.000000000e-01  }
0x59: {  	vm4 =	vmand vm4, vm5;
	v4 =	vmin.f32 v5, v21  }
0x5a: {  	v4 =	vnsel vm4, $0x0, v4  }
0x5b: {  	v22 =	vperm.xlane v4, v0;
	_ =	sdelay $0x1  }
0x5c: {  	(v2sf) =	vpush v7, $0xF;
	v23 =	vsel vm0, $0x0, v22  }
0x5d: {  	(v2sf) =	vpush v18, $0x0;
	v24 =	vadd.f32 v4, v23;
	_ =	sdelay $0x1  }
0x5e: {  	v7 =	vperm.xlane v24, v1;
	_ =	sdelay $0x1  }
0x5f: {  	v7 =	vsel vm1, $0x0, v7  }
0x60: {  	v6 =	vadd.f32 v24, v7;
	_ =	sdelay $0x1  }
0x61: {  	v7 =	vperm.xlane v6, v2;
	_ =	sdelay $0x1  }
0x62: {  	v7 =	vsel vm2, $0x0, v7  }
0x63: {  	v6 =	vadd.f32 v6, v7;
	_ =	sdelay $0x1  }
0x64: {  	v7 =	vperm.xlane v6, v3;
	_ =	sdelay $0x1  }
0x65: {  	s10 =	spop (v2sf);
	v7 =	vsel vm3, $0x0, v7  }
0x66: {  	s11 =	spop (v2sf);
	v6 =	vadd.f32 v6, v7  }
0x67: {  	s10 =	ssub.f32 s11, s10  }
0x68: {  	v25 =	vld [tilespmem:s8+$0xFFFFFFD0];
	v4 =	vsub.f32 v6, v4  }
0x69: {  	s10 =	smax.f32 s10, $0.0e+00  }
0x6a: {  	v26 =	vmin.f32 v6, s10;
	v27 =	vmin.f32 v4, s10  }
0x6b: {  	v8 =	vsub.f32 v26, v27  }
0x6c: {  	v28 =	vmov s10  }
0x6d: {  	v7 =	vadd.f32 $-1.000000000e+00, v25;
	vm5 =	vgt.f32 v28, v4;
	v4 =	vmul.f32 v8, v25  }
0x6e: {  	vm4 =	vmand vm4, vm5  }
0x6f: {  	v7 =	vnsel vm4, $0x0, v7;
	v4 =	vnsel vm4, $0x0, v4  }
0x70: {  	v8 =	vnsel vm4, $0x0, v8;
	[tilespmem:$0x8310] =	vst v7;
	v4 =	vsub.f32 v5, v4  }
0x71: {  	[tilespmem:$0x8290] =	vst v8;
	v5 =	vld [tilespmem:$0x8020]  }
0x72: {  	[tilespmem:$0x8010] =	vst v4;
	v4 =	vld [tilespmem:$0x81A0]  }
0x73: {  	v7 =	vld [tilespmem:s9+$0xFFFFFFE0];
	_ =	sdelay $0x3  }
0x74: {  	vm5 =	vgt.f32 v5, $0.0e+00;
	vm4 =	vgt.f32 v4, $5.000000000e-01  }
0x75: {  	vm4 =	vmand vm4, vm5;
	v4 =	vmin.f32 v5, v7  }
0x76: {  	v4 =	vnsel vm4, $0x0, v4  }
0x77: {  	v29 =	vperm.xlane v4, v0;
	_ =	sdelay $0x1  }
0x78: {  	v7 =	vsel vm0, $0x0, v29  }
0x79: {  	(v2sf) =	vpush v6, $0xF;
	v30 =	vadd.f32 v4, v7;
	_ =	sdelay $0x1  }
0x7a: {  	v7 =	vperm.xlane v30, v1;
	_ =	sdelay $0x1  }
0x7b: {  	v7 =	vsel vm1, $0x0, v7  }
0x7c: {  	v6 =	vadd.f32 v30, v7;
	_ =	sdelay $0x1  }
0x7d: {  	v7 =	vperm.xlane v6, v2;
	_ =	sdelay $0x1  }
0x7e: {  	v7 =	vsel vm2, $0x0, v7  }
0x7f: {  	v6 =	vadd.f32 v6, v7;
	_ =	sdelay $0x1  }
0x80: {  	v7 =	vperm.xlane v6, v3;
	_ =	sdelay $0x1  }
0x81: {  	v7 =	vsel vm3, $0x0, v7  }
0x82: {  	s17 =	spop (v2sf);
	v6 =	vadd.f32 v6, v7  }
0x83: {  	s10 =	ssub.f32 s10, s17  }
0x84: {  	v31 =	vld [tilespmem:s8+$0xFFFFFFE0];
	v4 =	vsub.f32 v6, v4  }
0x85: {  	s10 =	smax.f32 s10, $0.0e+00  }
0x86: {  	v32 =	vmin.f32 v6, s10;
	v33 =	vmin.f32 v4, s10  }
0x87: {  	v8 =	vsub.f32 v32, v33  }
0x88: {  	v34 =	vmov s10  }
0x89: {  	v7 =	vadd.f32 $-1.000000000e+00, v31;
	vm5 =	vgt.f32 v34, v4;
	v4 =	vmul.f32 v8, v31  }
0x8a: {  	vm4 =	vmand vm4, vm5  }
0x8b: {  	v7 =	vnsel vm4, $0x0, v7;
	v4 =	vnsel vm4, $0x0, v4  }
0x8c: {  	v8 =	vnsel vm4, $0x0, v8;
	[tilespmem:$0x8320] =	vst v7;
	v4 =	vsub.f32 v5, v4  }
0x8d: {  	[tilespmem:$0x82A0] =	vst v8;
	v5 =	vld [tilespmem:$0x8030]  }
0x8e: {  	[tilespmem:$0x8020] =	vst v4;
	v4 =	vld [tilespmem:$0x81B0]  }
0x8f: {  	v7 =	vld [tilespmem:s9+$0xFFFFFFF0];
	_ =	sdelay $0x3  }
0x90: {  	vm5 =	vgt.f32 v5, $0.0e+00;
	vm4 =	vgt.f32 v4, $5.000000000e-01  }
0x91: {  	vm4 =	vmand vm4, vm5;
	v4 =	vmin.f32 v5, v7  }
0x92: {  	v4 =	vnsel vm4, $0x0, v4  }
0x93: {  	v35 =	vperm.xlane v4, v0;
	_ =	sdelay $0x1  }
0x94: {  	v7 =	vsel vm0, $0x0, v35  }
0x95: {  	(v2sf) =	vpush v6, $0xF;
	v36 =	vadd.f32 v4, v7;
	_ =	sdelay $0x1  }
0x96: {  	v7 =	vperm.xlane v36, v1;
	_ =	sdelay $0x1  }
0x97: {  	v7 =	vsel vm1, $0x0, v7  }
0x98: {  	v6 =	vadd.f32 v36, v7;
	_ =	sdelay $0x1  }
0x99: {  	v7 =	vperm.xlane v6, v2;
	_ =	sdelay $0x1  }
0x9a: {  	v7 =	vsel vm2, $0x0, v7  }
0x9b: {  	v6 =	vadd.f32 v6, v7;
	_ =	sdelay $0x1  }
0x9c: {  	v7 =	vperm.xlane v6, v3;
	_ =	sdelay $0x1  }
0x9d: {  	v7 =	vsel vm3, $0x0, v7  }
0x9e: {  	s18 =	spop (v2sf);
	v6 =	vadd.f32 v6, v7  }
0x9f: {  	s10 =	ssub.f32 s10, s18  }
0xa0: {  	v37 =	vld [tilespmem:s8+$0xFFFFFFF0];
	v4 =	vsub.f32 v6, v4  }
0xa1: {  	s10 =	smax.f32 s10, $0.0e+00  }
0xa2: {  	v38 =	vmin.f32 v6, s10;
	v39 =	vmin.f32 v4, s10  }
0xa3: {  	v8 =	vsub.f32 v38, v39  }
0xa4: {  	v40 =	vmov s10  }
0xa5: {  	v7 =	vadd.f32 $-1.000000000e+00, v37;
	vm5 =	vgt.f32 v40, v4;
	v4 =	vmul.f32 v8, v37  }
0xa6: {  	vm4 =	vmand vm4, vm5  }
0xa7: {  	v7 =	vnsel vm4, $0x0, v7;
	v4 =	vnsel vm4, $0x0, v4  }
0xa8: {  	v8 =	vnsel vm4, $0x0, v8;
	[tilespmem:$0x8330] =	vst v7;
	v4 =	vsub.f32 v5, v4  }
0xa9: {  	[tilespmem:$0x82B0] =	vst v8;
	v5 =	vld [tilespmem:$0x8040]  }
0xaa: {  	[tilespmem:$0x8030] =	vst v4;
	v4 =	vld [tilespmem:$0x81C0]  }
0xab: {  	v7 =	vld [tilespmem:s9+$0x0];
	_ =	sdelay $0x3  }
0xac: {  	vm5 =	vgt.f32 v5, $0.0e+00;
	vm4 =	vgt.f32 v4, $5.000000000e-01  }
0xad: {  	vm4 =	vmand vm4, vm5;
	v4 =	vmin.f32 v5, v7  }
0xae: {  	v4 =	vnsel vm4, $0x0, v4  }
0xaf: {  	v41 =	vperm.xlane v4, v0;
	_ =	sdelay $0x1  }
0xb0: {  	v7 =	vsel vm0, $0x0, v41  }
0xb1: {  	(v2sf) =	vpush v6, $0xF;
	v42 =	vadd.f32 v4, v7;
	_ =	sdelay $0x1  }
0xb2: {  	v7 =	vperm.xlane v42, v1;
	_ =	sdelay $0x1  }
0xb3: {  	v7 =	vsel vm1, $0x0, v7  }
0xb4: {  	v6 =	vadd.f32 v42, v7;
	_ =	sdelay $0x1  }
0xb5: {  	v7 =	vperm.xlane v6, v2;
	_ =	sdelay $0x1  }
0xb6: {  	v7 =	vsel vm2, $0x0, v7  }
0xb7: {  	v6 =	vadd.f32 v6, v7;
	_ =	sdelay $0x1  }
0xb8: {  	v7 =	vperm.xlane v6, v3;
	_ =	sdelay $0x1  }
0xb9: {  	v7 =	vsel vm3, $0x0, v7  }
0xba: {  	s19 =	spop (v2sf);
	v6 =	vadd.f32 v6, v7  }
0xbb: {  	s10 =	ssub.f32 s10, s19  }
0xbc: {  	v43 =	vld [tilespmem:s8+$0x0];
	v4 =	vsub.f32 v6, v4  }
0xbd: {  	s10 =	smax.f32 s10, $0.0e+00  }
0xbe: {  	v44 =	vmin.f32 v6, s10;
	v45 =	vmin.f32 v4, s10  }
0xbf: {  	v8 =	vsub.f32 v44, v45  }
0xc0: {  	v46 =	vmov s10  }
0xc1: {  	v7 =	vadd.f32 $-1.000000000e+00, v43;
	vm5 =	vgt.f32 v46, v4;
	v4 =	vmul.f32 v8, v43  }
0xc2: {  	vm4 =	vmand vm4, vm5  }
0xc3: {  	v7 =	vnsel vm4, $0x0, v7;
	v4 =	vnsel vm4, $0x0, v4  }
0xc4: {  	v8 =	vnsel vm4, $0x0, v8;
	[tilespmem:$0x8340] =	vst v7;
	v4 =	vsub.f32 v5, v4  }
0xc5: {  	[tilespmem:$0x82C0] =	vst v8;
	v5 =	vld [tilespmem:$0x8050]  }
0xc6: {  	[tilespmem:$0x8040] =	vst v4;
	v4 =	vld [tilespmem:$0x81D0]  }
0xc7: {  	v7 =	vld [tilespmem:s9+$0x10];
	_ =	sdelay $0x3  }
0xc8: {  	vm5 =	vgt.f32 v5, $0.0e+00;
	vm4 =	vgt.f32 v4, $5.000000000e-01  }
0xc9: {  	vm4 =	vmand vm4, vm5;
	v4 =	vmin.f32 v5, v7  }
0xca: {  	v4 =	vnsel vm4, $0x0, v4  }
0xcb: {  	v47 =	vperm.xlane v4, v0;
	_ =	sdelay $0x1  }
0xcc: {  	v7 =	vsel vm0, $0x0, v47  }
0xcd: {  	(v2sf) =	vpush v6, $0xF;
	v48 =	vadd.f32 v4, v7;
	_ =	sdelay $0x1  }
0xce: {  	v7 =	vperm.xlane v48, v1;
	_ =	sdelay $0x1  }
0xcf: {  	v7 =	vsel vm1, $0x0, v7  }
0xd0: {  	v6 =	vadd.f32 v48, v7;
	_ =	sdelay $0x1  }
0xd1: {  	v7 =	vperm.xlane v6, v2;
	_ =	sdelay $0x1  }
0xd2: {  	v7 =	vsel vm2, $0x0, v7  }
0xd3: {  	v6 =	vadd.f32 v6, v7;
	_ =	sdelay $0x1  }
0xd4: {  	v7 =	vperm.xlane v6, v3;
	_ =	sdelay $0x1  }
0xd5: {  	v7 =	vsel vm3, $0x0, v7  }
0xd6: {  	s20 =	spop (v2sf);
	v6 =	vadd.f32 v6, v7  }
0xd7: {  	s10 =	ssub.f32 s10, s20  }
0xd8: {  	v49 =	vld [tilespmem:s8+$0x10];
	v4 =	vsub.f32 v6, v4  }
0xd9: {  	s10 =	smax.f32 s10, $0.0e+00  }
0xda: {  	v50 =	vmin.f32 v6, s10;
	v51 =	vmin.f32 v4, s10  }
0xdb: {  	v8 =	vsub.f32 v50, v51  }
0xdc: {  	v52 =	vmov s10  }
0xdd: {  	v7 =	vadd.f32 $-1.000000000e+00, v49;
	vm5 =	vgt.f32 v52, v4;
	v4 =	vmul.f32 v8, v49  }
0xde: {  	vm4 =	vmand vm4, vm5  }
0xdf: {  	v7 =	vnsel vm4, $0x0, v7;
	v4 =	vnsel vm4, $0x0, v4  }
0xe0: {  	v8 =	vnsel vm4, $0x0, v8;
	[tilespmem:$0x8350] =	vst v7;
	v4 =	vsub.f32 v5, v4  }
0xe1: {  	[tilespmem:$0x82D0] =	vst v8;
	v5 =	vld [tilespmem:$0x8060]  }
0xe2: {  	[tilespmem:$0x8050] =	vst v4;
	v4 =	vld [tilespmem:$0x81E0]  }
0xe3: {  	v7 =	vld [tilespmem:s9+$0x20];
	_ =	sdelay $0x3  }
0xe4: {  	vm4 =	vgt.f32 v5, $0.0e+00;
	vm5 =	vgt.f32 v4, $5.000000000e-01  }
0xe5: {  	vm4 =	vmand vm5, vm4;
	v4 =	vmin.f32 v5, v7  }
0xe6: {  	v4 =	vnsel vm4, $0x0, v4  }
0xe7: {  	v53 =	vperm.xlane v4, v0;
	_ =	sdelay $0x1  }
0xe8: {  	v7 =	vsel vm0, $0x0, v53  }
0xe9: {  	(v2sf) =	vpush v6, $0xF;
	v54 =	vadd.f32 v4, v7;
	_ =	sdelay $0x1  }
0xea: {  	v7 =	vperm.xlane v54, v1;
	_ =	sdelay $0x1  }
0xeb: {  	v7 =	vsel vm1, $0x0, v7  }
0xec: {  	v6 =	vadd.f32 v54, v7;
	_ =	sdelay $0x1  }
0xed: {  	v7 =	vperm.xlane v6, v2;
	_ =	sdelay $0x1  }
0xee: {  	v7 =	vsel vm2, $0x0, v7  }
0xef: {  	v6 =	vadd.f32 v6, v7;
	_ =	sdelay $0x1  }
0xf0: {  	v7 =	vperm.xlane v6, v3;
	_ =	sdelay $0x1  }
0xf1: {  	v7 =	vsel vm3, $0x0, v7  }
0xf2: {  	s21 =	spop (v2sf);
	v6 =	vadd.f32 v6, v7  }
0xf3: {  	s10 =	ssub.f32 s10, s21  }
0xf4: {  	v55 =	vld [tilespmem:s8+$0x20];
	v4 =	vsub.f32 v6, v4  }
0xf5: {  	s10 =	smax.f32 s10, $0.0e+00  }
0xf6: {  	v56 =	vmin.f32 v6, s10;
	v57 =	vmin.f32 v4, s10  }
0xf7: {  	v8 =	vsub.f32 v56, v57  }
0xf8: {  	v58 =	vmov s10  }
0xf9: {  	v7 =	vadd.f32 $-1.000000000e+00, v55;
	vm5 =	vgt.f32 v58, v4;
	v4 =	vmul.f32 v8, v55  }
0xfa: {  	vm4 =	vmand vm4, vm5  }
0xfb: {  	v7 =	vnsel vm4, $0x0, v7;
	v4 =	vnsel vm4, $0x0, v4  }
0xfc: {  	v8 =	vnsel vm4, $0x0, v8;
	[tilespmem:$0x8360] =	vst v7;
	v4 =	vsub.f32 v5, v4  }
0xfd: {  	[tilespmem:$0x82E0] =	vst v8;
	v5 =	vld [tilespmem:$0x8070]  }
0xfe: {  	[tilespmem:$0x8060] =	vst v4;
	v4 =	vld [tilespmem:$0x81F0]  }
0xff: {  	v7 =	vld [tilespmem:s9+$0x30];
	_ =	sdelay $0x3  }
0x100: {  	vm5 =	vgt.f32 v5, $0.0e+00;
	vm4 =	vgt.f32 v4, $5.000000000e-01  }
0x101: {  	vm4 =	vmand vm4, vm5;
	v4 =	vmin.f32 v5, v7  }
0x102: {  	v4 =	vnsel vm4, $0x0, v4  }
0x103: {  	v59 =	vperm.xlane v4, v0;
	_ =	sdelay $0x1  }
0x104: {  	v7 =	vsel vm0, $0x0, v59  }
0x105: {  	(v2sf) =	vpush v6, $0xF;
	v60 =	vadd.f32 v4, v7;
	_ =	sdelay $0x1  }
0x106: {  	v7 =	vperm.xlane v60, v1;
	_ =	sdelay $0x1  }
0x107: {  	v7 =	vsel vm1, $0x0, v7  }
0x108: {  	v6 =	vadd.f32 v60, v7;
	_ =	sdelay $0x1  }
0x109: {  	v7 =	vperm.xlane v6, v2;
	_ =	sdelay $0x1  }
0x10a: {  	v7 =	vsel vm2, $0x0, v7  }
0x10b: {  	v6 =	vadd.f32 v6, v7;
	_ =	sdelay $0x1  }
0x10c: {  	v7 =	vperm.xlane v6, v3;
	_ =	sdelay $0x1  }
0x10d: {  	v7 =	vsel vm3, $0x0, v7  }
0x10e: {  	s22 =	spop (v2sf);
	v6 =	vadd.f32 v6, v7  }
0x10f: {  	s10 =	ssub.f32 s10, s22  }
0x110: {  	v61 =	vld [tilespmem:s8+$0x30];
	v4 =	vsub.f32 v6, v4  }
0x111: {  	s10 =	smax.f32 s10, $0.0e+00  }
0x112: {  	v6 =	vmin.f32 v6, s10;
	v62 =	vmin.f32 v4, s10  }
0x113: {  	v6 =	vsub.f32 v6, v62  }
0x114: {  	s23 =	sadd.s32 $0x2400, s5;
	v63 =	vmov s10  }
0x115: {  	s24 =	simm.s32 $0x8280;
	[dreg:$0x6] =	wrdreg s23;
	v7 =	vadd.f32 $-1.000000000e+00, v61;
	vm5 =	vgt.f32 v63, v4;
	v4 =	vmul.f32 v6, v61  }
0x116: {  	s26 =	sadd.s32 $0x2C00, s5;
	[dreg:$0x7] =	wrdreg s24;
	vm4 =	vmand vm4, vm5  }
0x117: {  	s28 =	simm.s32 $0x8300;
	[dreg:$0x8] =	wrdreg s26;
	v7 =	vnsel vm4, $0x0, v7;
	v4 =	vnsel vm4, $0x0, v4  }
0x118: {  	[dreg:$0x9] =	wrdreg s28;
	s5 =	sshll.u32 s6, $0x7;
	v6 =	vnsel vm4, $0x0, v6;
	[tilespmem:$0x8370] =	vst v7;
	v4 =	vsub.f32 v5, v4  }
0x119: {  	s25 =	rddreg [dreg:$0x6];
	s29 =	sshrl.u32 s5, $0x3;
	[tilespmem:$0x82F0] =	vst v6  }
0x11a: {  	s12 =	rddreg [dreg:$0x7];
	s6 =	simm.s32 $0x0;
	s10 =	sadd.s32 s25, s29;
	[tilespmem:$0x8070] =	vst v4  }
0x11b: {  	[hbm4b:s10+s6] =	stream.linear.scatter [tilespmem:s12], [sflag:$0x1], $0x80, $0x38;
	[tilespmem:$0x8380] =	vst v63  }
0x11c: {  	p0 =	sne.s32 s7, $0x1;
	_ =	swait.ge [sflag:s2], $0x80  }
.Ltmp2:
0x11d: {  	s30 =	rddreg [dreg:$0x8];
	[sflag:s2] =	ssyncset.done $0x0;
	(pc) =	sbr.rel @!p0 .LBB2_4-.Ltmp2, $4  }
0x11e: {  	s31 =	rddreg [dreg:$0x9];
	[sflag:s2] =	ssyncadd.s32 $0xFFFFFF80;
	s10 =	sadd.s32 s30, s29  }
0x11f: {  	[hbm4b:s10+s6] =	stream.linear.scatter [tilespmem:s31], [sflag:$0x1], $0x80, $0x38;
	[tilespmem:$0x8380] =	vst v63  }
0x120: {  	s7 =	sadd.s32 $0xFFFFFFFF, s7;
	_ =	swait.ge [sflag:s2], $0x80  }
0x121: {  	s8 =	sadd.s32 $0x80, s8;
	s9 =	sadd.s32 $0x80, s9;
	[sflag:s2] =	ssyncset.done $0x0  }
.LBB2_3:
0x122: {  	[sflag:s2] =	ssyncadd.s32 $0xFFFFFF80  }
0x123: {  	v4 =	vld [tilespmem:$0x8000]  }
0x124: {  	v5 =	vld [tilespmem:$0x8180]  }
0x125: {  	v6 =	vld [tilespmem:s9+$0xFFFFFFC0];
	_ =	sdelay $0x3  }
0x126: {  	vm4 =	vgt.f32 v4, $0.0e+00;
	vm5 =	vgt.f32 v5, $5.000000000e-01  }
0x127: {  	v5 =	vmin.f32 v4, v6;
	vm4 =	vmand vm5, vm4  }
0x128: {  	v5 =	vnsel vm4, $0x0, v5  }
0x129: {  	v28 =	vperm.xlane v5, v0;
	_ =	sdelay $0x1  }
0x12a: {  	v6 =	vsel vm0, $0x0, v28  }
0x12b: {  	v6 =	vadd.f32 v5, v6;
	_ =	sdelay $0x1  }
0x12c: {  	v7 =	vperm.xlane v6, v1;
	_ =	sdelay $0x1  }
0x12d: {  	v7 =	vsel vm1, $0x0, v7  }
0x12e: {  	v6 =	vadd.f32 v6, v7;
	_ =	sdelay $0x1  }
0x12f: {  	v7 =	vperm.xlane v6, v2;
	_ =	sdelay $0x1  }
0x130: {  	v7 =	vsel vm2, $0x0, v7  }
0x131: {  	v6 =	vadd.f32 v6, v7  }
0x132: {  	s4 =	sadd.s32 $0x1, s4  }
0x133: {  	v29 =	vld [tilespmem:s4+$0x0];
	v8 =	vperm.xlane v6, v3;
	_ =	sdelay $0x1  }
0x134: {  	v8 =	vsel vm3, $0x0, v8  }
0x135: {  	v6 =	vadd.f32 v6, v8;
	_ =	sdelay $0x1  }
0x136: {  	v9 =	vld [tilespmem:s8+$0xFFFFFFC0];
	v30 =	vbroadcast v29, $0x0;
	v5 =	vsub.f32 v6, v5  }
0x137: {  	(v2sf) =	vpush v6, $0xF  }
0x138: {  	v6 =	vmin.f32 v30, v6;
	vm5 =	vgt.f32 v30, v5;
	v5 =	vmin.f32 v30, v5  }
0x139: {  	v5 =	vsub.f32 v6, v5  }
0x13a: {  	vm4 =	vmand vm4, vm5  }
0x13b: {  	v31 =	vadd.f32 $-1.000000000e+00, v9;
	v32 =	vnsel vm4, $0x0, v5;
	v5 =	vmul.f32 v5, v9;
	_ =	sdelay $0x1  }
0x13c: {  	v6 =	vnsel vm4, $0x0, v31;
	v5 =	vnsel vm4, $0x0, v5  }
0x13d: {  	[tilespmem:$0x8300] =	vst v6;
	v4 =	vsub.f32 v4, v5  }
0x13e: {  	[tilespmem:$0x8280] =	vst v32;
	v5 =	vld [tilespmem:$0x8010]  }
0x13f: {  	[tilespmem:$0x8000] =	vst v4;
	v4 =	vld [tilespmem:$0x8190]  }
0x140: {  	v6 =	vld [tilespmem:s9+$0xFFFFFFD0];
	_ =	sdelay $0x3  }
0x141: {  	vm5 =	vgt.f32 v5, $0.0e+00;
	vm4 =	vgt.f32 v4, $5.000000000e-01  }
0x142: {  	vm4 =	vmand vm4, vm5;
	v4 =	vmin.f32 v5, v6  }
0x143: {  	v4 =	vnsel vm4, $0x0, v4  }
0x144: {  	v33 =	vperm.xlane v4, v0;
	_ =	sdelay $0x1  }
0x145: {  	(v2sf) =	vpush v29, $0x0;
	v6 =	vsel vm0, $0x0, v33  }
0x146: {  	v6 =	vadd.f32 v4, v6;
	_ =	sdelay $0x1  }
0x147: {  	v34 =	vperm.xlane v6, v1;
	_ =	sdelay $0x1  }
0x148: {  	v7 =	vsel vm1, $0x0, v34  }
0x149: {  	v6 =	vadd.f32 v6, v7;
	_ =	sdelay $0x1  }
0x14a: {  	v7 =	vperm.xlane v6, v2;
	_ =	sdelay $0x1  }
0x14b: {  	v7 =	vsel vm2, $0x0, v7  }
0x14c: {  	v6 =	vadd.f32 v6, v7;
	_ =	sdelay $0x1  }
0x14d: {  	v7 =	vperm.xlane v6, v3  }
0x14e: {  	s10 =	spop (v2sf)  }
0x14f: {  	s11 =	spop (v2sf);
	v7 =	vsel vm3, $0x0, v7  }
0x150: {  	s10 =	ssub.f32 s11, s10;
	v6 =	vadd.f32 v6, v7;
	_ =	sdelay $0x1  }
0x151: {  	v35 =	vld [tilespmem:s8+$0xFFFFFFD0];
	s10 =	smax.f32 s10, $0.0e+00;
	v4 =	vsub.f32 v6, v4  }
0x152: {  	v36 =	vmov s10;
	(v2sf) =	vpush v6, $0xF  }
0x153: {  	v6 =	vmin.f32 v6, s10;
	vm5 =	vgt.f32 v36, v4;
	v4 =	vmin.f32 v4, s10  }
0x154: {  	v4 =	vsub.f32 v6, v4;
	_ =	sdelay $0x1  }
0x155: {  	v7 =	vadd.f32 $-1.000000000e+00, v35;
	v6 =	vmul.f32 v4, v35  }
0x156: {  	vm4 =	vmand vm4, vm5  }
0x157: {  	v7 =	vnsel vm4, $0x0, v7;
	v6 =	vnsel vm4, $0x0, v6  }
0x158: {  	v4 =	vnsel vm4, $0x0, v4;
	[tilespmem:$0x8310] =	vst v7;
	v5 =	vsub.f32 v5, v6  }
0x159: {  	[tilespmem:$0x8290] =	vst v4;
	v4 =	vld [tilespmem:$0x8020]  }
0x15a: {  	[tilespmem:$0x8010] =	vst v5;
	v5 =	vld [tilespmem:$0x81A0]  }
0x15b: {  	v37 =	vld [tilespmem:s9+$0xFFFFFFE0];
	_ =	sdelay $0x3  }
0x15c: {  	vm5 =	vgt.f32 v4, $0.0e+00;
	vm4 =	vgt.f32 v5, $5.000000000e-01  }
0x15d: {  	vm4 =	vmand vm4, vm5;
	v5 =	vmin.f32 v4, v37  }
0x15e: {  	v5 =	vnsel vm4, $0x0, v5  }
0x15f: {  	v38 =	vperm.xlane v5, v0;
	_ =	sdelay $0x1  }
0x160: {  	v6 =	vsel vm0, $0x0, v38  }
0x161: {  	v6 =	vadd.f32 v5, v6;
	_ =	sdelay $0x1  }
0x162: {  	v39 =	vperm.xlane v6, v1;
	_ =	sdelay $0x1  }
0x163: {  	v7 =	vsel vm1, $0x0, v39  }
0x164: {  	v6 =	vadd.f32 v6, v7;
	_ =	sdelay $0x1  }
0x165: {  	v7 =	vperm.xlane v6, v2;
	_ =	sdelay $0x1  }
0x166: {  	v7 =	vsel vm2, $0x0, v7  }
0x167: {  	v6 =	vadd.f32 v6, v7;
	_ =	sdelay $0x1  }
0x168: {  	v7 =	vperm.xlane v6, v3;
	_ =	sdelay $0x1  }
0x169: {  	s21 =	spop (v2sf);
	v7 =	vsel vm3, $0x0, v7  }
0x16a: {  	s10 =	ssub.f32 s10, s21;
	v6 =	vadd.f32 v6, v7;
	_ =	sdelay $0x1  }
0x16b: {  	v40 =	vld [tilespmem:s8+$0xFFFFFFE0];
	s10 =	smax.f32 s10, $0.0e+00;
	v5 =	vsub.f32 v6, v5  }
0x16c: {  	v41 =	vmov s10;
	(v2sf) =	vpush v6, $0xF  }
0x16d: {  	v6 =	vmin.f32 v6, s10;
	vm5 =	vgt.f32 v41, v5;
	v5 =	vmin.f32 v5, s10  }
0x16e: {  	v5 =	vsub.f32 v6, v5;
	_ =	sdelay $0x1  }
0x16f: {  	v7 =	vadd.f32 $-1.000000000e+00, v40;
	v6 =	vmul.f32 v5, v40  }
0x170: {  	vm4 =	vmand vm4, vm5  }
0x171: {  	v7 =	vnsel vm4, $0x0, v7;
	v6 =	vnsel vm4, $0x0, v6  }
0x172: {  	v5 =	vnsel vm4, $0x0, v5;
	[tilespmem:$0x8320] =	vst v7;
	v4 =	vsub.f32 v4, v6  }
0x173: {  	[tilespmem:$0x82A0] =	vst v5;
	v5 =	vld [tilespmem:$0x8030]  }
0x174: {  	[tilespmem:$0x8020] =	vst v4;
	v4 =	vld [tilespmem:$0x81B0]  }
0x175: {  	v42 =	vld [tilespmem:s9+$0xFFFFFFF0];
	_ =	sdelay $0x3  }
0x176: {  	vm5 =	vgt.f32 v5, $0.0e+00;
	vm4 =	vgt.f32 v4, $5.000000000e-01  }
0x177: {  	vm4 =	vmand vm4, vm5;
	v4 =	vmin.f32 v5, v42  }
0x178: {  	v4 =	vnsel vm4, $0x0, v4  }
0x179: {  	v43 =	vperm.xlane v4, v0;
	_ =	sdelay $0x1  }
0x17a: {  	v6 =	vsel vm0, $0x0, v43  }
0x17b: {  	v6 =	vadd.f32 v4, v6;
	_ =	sdelay $0x1  }
0x17c: {  	v44 =	vperm.xlane v6, v1;
	_ =	sdelay $0x1  }
0x17d: {  	v7 =	vsel vm1, $0x0, v44  }
0x17e: {  	v6 =	vadd.f32 v6, v7;
	_ =	sdelay $0x1  }
0x17f: {  	v7 =	vperm.xlane v6, v2;
	_ =	sdelay $0x1  }
0x180: {  	v7 =	vsel vm2, $0x0, v7  }
0x181: {  	v6 =	vadd.f32 v6, v7;
	_ =	sdelay $0x1  }
0x182: {  	v7 =	vperm.xlane v6, v3;
	_ =	sdelay $0x1  }
0x183: {  	s22 =	spop (v2sf);
	v7 =	vsel vm3, $0x0, v7  }
0x184: {  	s10 =	ssub.f32 s10, s22;
	v6 =	vadd.f32 v6, v7;
	_ =	sdelay $0x1  }
0x185: {  	v45 =	vld [tilespmem:s8+$0xFFFFFFF0];
	s10 =	smax.f32 s10, $0.0e+00;
	v4 =	vsub.f32 v6, v4  }
0x186: {  	v46 =	vmov s10;
	(v2sf) =	vpush v6, $0xF  }
0x187: {  	v6 =	vmin.f32 v6, s10;
	vm5 =	vgt.f32 v46, v4;
	v4 =	vmin.f32 v4, s10  }
0x188: {  	v4 =	vsub.f32 v6, v4;
	_ =	sdelay $0x1  }
0x189: {  	v7 =	vadd.f32 $-1.000000000e+00, v45;
	v6 =	vmul.f32 v4, v45  }
0x18a: {  	vm4 =	vmand vm4, vm5  }
0x18b: {  	v7 =	vnsel vm4, $0x0, v7;
	v6 =	vnsel vm4, $0x0, v6  }
0x18c: {  	v4 =	vnsel vm4, $0x0, v4;
	[tilespmem:$0x8330] =	vst v7;
	v5 =	vsub.f32 v5, v6  }
0x18d: {  	[tilespmem:$0x82B0] =	vst v4;
	v4 =	vld [tilespmem:$0x8040]  }
0x18e: {  	[tilespmem:$0x8030] =	vst v5;
	v5 =	vld [tilespmem:$0x81C0]  }
0x18f: {  	v47 =	vld [tilespmem:s9+$0x0];
	_ =	sdelay $0x3  }
0x190: {  	vm5 =	vgt.f32 v4, $0.0e+00;
	vm4 =	vgt.f32 v5, $5.000000000e-01  }
0x191: {  	vm4 =	vmand vm4, vm5;
	v5 =	vmin.f32 v4, v47  }
0x192: {  	v5 =	vnsel vm4, $0x0, v5  }
0x193: {  	v48 =	vperm.xlane v5, v0;
	_ =	sdelay $0x1  }
0x194: {  	v6 =	vsel vm0, $0x0, v48  }
0x195: {  	v6 =	vadd.f32 v5, v6;
	_ =	sdelay $0x1  }
0x196: {  	v49 =	vperm.xlane v6, v1;
	_ =	sdelay $0x1  }
0x197: {  	v7 =	vsel vm1, $0x0, v49  }
0x198: {  	v6 =	vadd.f32 v6, v7;
	_ =	sdelay $0x1  }
0x199: {  	v7 =	vperm.xlane v6, v2;
	_ =	sdelay $0x1  }
0x19a: {  	v7 =	vsel vm2, $0x0, v7  }
0x19b: {  	v6 =	vadd.f32 v6, v7;
	_ =	sdelay $0x1  }
0x19c: {  	v7 =	vperm.xlane v6, v3;
	_ =	sdelay $0x1  }
0x19d: {  	s23 =	spop (v2sf);
	v7 =	vsel vm3, $0x0, v7  }
0x19e: {  	s10 =	ssub.f32 s10, s23;
	v6 =	vadd.f32 v6, v7;
	_ =	sdelay $0x1  }
0x19f: {  	v50 =	vld [tilespmem:s8+$0x0];
	s10 =	smax.f32 s10, $0.0e+00;
	v5 =	vsub.f32 v6, v5  }
0x1a0: {  	v51 =	vmov s10;
	(v2sf) =	vpush v6, $0xF  }
0x1a1: {  	v6 =	vmin.f32 v6, s10;
	vm5 =	vgt.f32 v51, v5;
	v5 =	vmin.f32 v5, s10  }
0x1a2: {  	v5 =	vsub.f32 v6, v5;
	_ =	sdelay $0x1  }
0x1a3: {  	v7 =	vadd.f32 $-1.000000000e+00, v50;
	v6 =	vmul.f32 v5, v50  }
0x1a4: {  	vm4 =	vmand vm4, vm5  }
0x1a5: {  	v7 =	vnsel vm4, $0x0, v7;
	v6 =	vnsel vm4, $0x0, v6  }
0x1a6: {  	v5 =	vnsel vm4, $0x0, v5;
	[tilespmem:$0x8340] =	vst v7;
	v4 =	vsub.f32 v4, v6  }
0x1a7: {  	[tilespmem:$0x82C0] =	vst v5;
	v5 =	vld [tilespmem:$0x8050]  }
0x1a8: {  	[tilespmem:$0x8040] =	vst v4;
	v4 =	vld [tilespmem:$0x81D0]  }
0x1a9: {  	v52 =	vld [tilespmem:s9+$0x10];
	_ =	sdelay $0x3  }
0x1aa: {  	vm5 =	vgt.f32 v5, $0.0e+00;
	vm4 =	vgt.f32 v4, $5.000000000e-01  }
0x1ab: {  	vm4 =	vmand vm4, vm5;
	v4 =	vmin.f32 v5, v52  }
0x1ac: {  	v4 =	vnsel vm4, $0x0, v4  }
0x1ad: {  	v53 =	vperm.xlane v4, v0;
	_ =	sdelay $0x1  }
0x1ae: {  	v6 =	vsel vm0, $0x0, v53  }
0x1af: {  	v6 =	vadd.f32 v4, v6;
	_ =	sdelay $0x1  }
0x1b0: {  	v54 =	vperm.xlane v6, v1;
	_ =	sdelay $0x1  }
0x1b1: {  	v8 =	vsel vm1, $0x0, v54  }
0x1b2: {  	v6 =	vadd.f32 v6, v8;
	_ =	sdelay $0x1  }
0x1b3: {  	v8 =	vperm.xlane v6, v2;
	_ =	sdelay $0x1  }
0x1b4: {  	v8 =	vsel vm2, $0x0, v8  }
0x1b5: {  	v6 =	vadd.f32 v6, v8;
	_ =	sdelay $0x1  }
0x1b6: {  	v8 =	vperm.xlane v6, v3;
	_ =	sdelay $0x1  }
0x1b7: {  	s24 =	spop (v2sf);
	v8 =	vsel vm3, $0x0, v8  }
0x1b8: {  	s10 =	ssub.f32 s10, s24;
	v6 =	vadd.f32 v6, v8;
	_ =	sdelay $0x1  }
0x1b9: {  	v7 =	vld [tilespmem:s8+$0x10];
	s10 =	smax.f32 s10, $0.0e+00;
	v4 =	vsub.f32 v6, v4  }
0x1ba: {  	v55 =	vmov s10;
	(v2sf) =	vpush v6, $0xF  }
0x1bb: {  	v6 =	vmin.f32 v6, s10;
	vm5 =	vgt.f32 v55, v4;
	v4 =	vmin.f32 v4, s10  }
0x1bc: {  	v4 =	vsub.f32 v6, v4;
	_ =	sdelay $0x1  }
0x1bd: {  	v6 =	vmul.f32 v4, v7  }
0x1be: {  	vm4 =	vmand vm4, vm5;
	v7 =	vadd.f32 $-1.000000000e+00, v7  }
0x1bf: {  	v4 =	vnsel vm4, $0x0, v4;
	v6 =	vnsel vm4, $0x0, v6  }
0x1c0: {  	[tilespmem:$0x82D0] =	vst v4;
	v7 =	vnsel vm4, $0x0, v7;
	v5 =	vsub.f32 v5, v6  }
0x1c1: {  	v4 =	vld [tilespmem:$0x8060];
	[tilespmem:$0x8350] =	vst v7  }
0x1c2: {  	[tilespmem:$0x8050] =	vst v5;
	v5 =	vld [tilespmem:$0x81E0]  }
0x1c3: {  	v56 =	vld [tilespmem:s9+$0x20];
	_ =	sdelay $0x3  }
0x1c4: {  	vm4 =	vgt.f32 v4, $0.0e+00;
	vm5 =	vgt.f32 v5, $5.000000000e-01  }
0x1c5: {  	vm4 =	vmand vm5, vm4;
	v5 =	vmin.f32 v4, v56  }
0x1c6: {  	v5 =	vnsel vm4, $0x0, v5  }
0x1c7: {  	v57 =	vperm.xlane v5, v0;
	_ =	sdelay $0x1  }
0x1c8: {  	v6 =	vsel vm0, $0x0, v57  }
0x1c9: {  	v6 =	vadd.f32 v5, v6;
	_ =	sdelay $0x1  }
0x1ca: {  	v58 =	vperm.xlane v6, v1;
	_ =	sdelay $0x1  }
0x1cb: {  	v8 =	vsel vm1, $0x0, v58  }
0x1cc: {  	v6 =	vadd.f32 v6, v8;
	_ =	sdelay $0x1  }
0x1cd: {  	v8 =	vperm.xlane v6, v2;
	_ =	sdelay $0x1  }
0x1ce: {  	v8 =	vsel vm2, $0x0, v8  }
0x1cf: {  	v6 =	vadd.f32 v6, v8;
	_ =	sdelay $0x1  }
0x1d0: {  	v8 =	vperm.xlane v6, v3;
	_ =	sdelay $0x1  }
0x1d1: {  	s25 =	spop (v2sf);
	v8 =	vsel vm3, $0x0, v8  }
0x1d2: {  	s10 =	ssub.f32 s10, s25;
	v6 =	vadd.f32 v6, v8;
	_ =	sdelay $0x1  }
0x1d3: {  	v7 =	vld [tilespmem:s8+$0x20];
	s10 =	smax.f32 s10, $0.0e+00;
	v5 =	vsub.f32 v6, v5  }
0x1d4: {  	v59 =	vmov s10;
	(v2sf) =	vpush v6, $0xF  }
0x1d5: {  	v6 =	vmin.f32 v6, s10;
	vm5 =	vgt.f32 v59, v5;
	v5 =	vmin.f32 v5, s10  }
0x1d6: {  	v5 =	vsub.f32 v6, v5;
	_ =	sdelay $0x1  }
0x1d7: {  	v6 =	vmul.f32 v5, v7  }
0x1d8: {  	vm4 =	vmand vm4, vm5;
	v7 =	vadd.f32 $-1.000000000e+00, v7  }
0x1d9: {  	v5 =	vnsel vm4, $0x0, v5;
	v6 =	vnsel vm4, $0x0, v6  }
0x1da: {  	[tilespmem:$0x82E0] =	vst v5;
	v7 =	vnsel vm4, $0x0, v7;
	v4 =	vsub.f32 v4, v6  }
0x1db: {  	v5 =	vld [tilespmem:$0x8070];
	[tilespmem:$0x8360] =	vst v7  }
0x1dc: {  	[tilespmem:$0x8060] =	vst v4;
	v4 =	vld [tilespmem:$0x81F0]  }
0x1dd: {  	v60 =	vld [tilespmem:s9+$0x30];
	_ =	sdelay $0x3  }
0x1de: {  	vm5 =	vgt.f32 v5, $0.0e+00;
	vm4 =	vgt.f32 v4, $5.000000000e-01  }
0x1df: {  	vm4 =	vmand vm4, vm5;
	v4 =	vmin.f32 v5, v60  }
0x1e0: {  	v4 =	vnsel vm4, $0x0, v4  }
0x1e1: {  	v61 =	vperm.xlane v4, v0;
	_ =	sdelay $0x1  }
0x1e2: {  	v6 =	vsel vm0, $0x0, v61  }
0x1e3: {  	v6 =	vadd.f32 v4, v6;
	_ =	sdelay $0x1  }
0x1e4: {  	v62 =	vperm.xlane v6, v1;
	_ =	sdelay $0x1  }
0x1e5: {  	v8 =	vsel vm1, $0x0, v62  }
0x1e6: {  	v6 =	vadd.f32 v6, v8;
	_ =	sdelay $0x1  }
0x1e7: {  	v8 =	vperm.xlane v6, v2;
	_ =	sdelay $0x1  }
0x1e8: {  	v8 =	vsel vm2, $0x0, v8  }
0x1e9: {  	v6 =	vadd.f32 v6, v8;
	_ =	sdelay $0x1  }
0x1ea: {  	v8 =	vperm.xlane v6, v3;
	_ =	sdelay $0x1  }
0x1eb: {  	s26 =	spop (v2sf);
	v8 =	vsel vm3, $0x0, v8  }
0x1ec: {  	s10 =	ssub.f32 s10, s26;
	v6 =	vadd.f32 v6, v8;
	_ =	sdelay $0x1  }
0x1ed: {  	v7 =	vld [tilespmem:s8+$0x30];
	s10 =	smax.f32 s10, $0.0e+00;
	v4 =	vsub.f32 v6, v4  }
0x1ee: {  	v63 =	vmov s10  }
0x1ef: {  	v6 =	vmin.f32 v6, s10;
	vm5 =	vgt.f32 v63, v4;
	v4 =	vmin.f32 v4, s10  }
0x1f0: {  	v4 =	vsub.f32 v6, v4;
	_ =	sdelay $0x1  }
0x1f1: {  	v6 =	vmul.f32 v4, v7  }
0x1f2: {  	vm4 =	vmand vm4, vm5;
	v7 =	vadd.f32 $-1.000000000e+00, v7  }
0x1f3: {  	v4 =	vnsel vm4, $0x0, v4;
	v6 =	vnsel vm4, $0x0, v6  }
0x1f4: {  	s5 =	sadd.s32 $0x80, s5;
	[tilespmem:$0x82F0] =	vst v4;
	v7 =	vnsel vm4, $0x0, v7;
	v5 =	vsub.f32 v5, v6  }
0x1f5: {  	s28 =	rddreg [dreg:$0x6];
	s12 =	sshrl.u32 s5, $0x3;
	[tilespmem:$0x8370] =	vst v7  }
0x1f6: {  	s29 =	rddreg [dreg:$0x7];
	s10 =	sadd.s32 s28, s12;
	[tilespmem:$0x8070] =	vst v5  }
0x1f7: {  	[hbm4b:s10+s6] =	stream.linear.scatter [tilespmem:s29], [sflag:$0x1], $0x80, $0x38;
	[tilespmem:$0x8380] =	vst v63  }
0x1f8: {  	p0 =	sne.s32 s7, $0x1;
	_ =	swait.ge [sflag:s2], $0x80  }
.Ltmp3:
0x1f9: {  	s30 =	rddreg [dreg:$0x8];
	[sflag:s2] =	ssyncset.done $0x0;
	(pc) =	sbr.rel @p0 .LBB2_3-.Ltmp3, $4  }
0x1fa: {  	s31 =	rddreg [dreg:$0x9];
	[sflag:s2] =	ssyncadd.s32 $0xFFFFFF80;
	s10 =	sadd.s32 s30, s12  }
0x1fb: {  	[hbm4b:s10+s6] =	stream.linear.scatter [tilespmem:s31], [sflag:$0x1], $0x80, $0x38;
	[tilespmem:$0x8380] =	vst v63  }
0x1fc: {  	s7 =	sadd.s32 $0xFFFFFFFF, s7;
	_ =	swait.ge [sflag:s2], $0x80  }
0x1fd: {  	s8 =	sadd.s32 $0x80, s8;
	s9 =	sadd.s32 $0x80, s9;
	[sflag:s2] =	ssyncset.done $0x0  }
.LBB2_4:
0x1fe: {  	[sflag:s2] =	ssyncadd.s32 $0xFFFFFF80  }
.LBB2_5:
0x1ff: {  	v0 =	vld [tilespmem:$0x8000]  }
0x200: {  	v1 =	vld [tilespmem:$0x8180]  }
0x201: {  	v2 =	vld [tilespmem:$0x8010]  }
0x202: {  	v3 =	vld [tilespmem:$0x8190]  }
0x203: {  	v4 =	vld [tilespmem:$0x8020]  }
0x204: {  	v5 =	vld [tilespmem:$0x81A0]  }
0x205: {  	v6 =	vld [tilespmem:$0x8030]  }
0x206: {  	v7 =	vld [tilespmem:$0x81B0]  }
0x207: {  	v8 =	vld [tilespmem:$0x8040]  }
0x208: {  	v9 =	vld [tilespmem:$0x81C0]  }
0x209: {  	v10 =	vld [tilespmem:$0x8050]  }
0x20a: {  	v11 =	vld [tilespmem:$0x81D0]  }
0x20b: {  	v12 =	vld [tilespmem:$0x8060]  }
0x20c: {  	v55 =	vld [tilespmem:$0x81E0];
	v0 =	vmul.f32 v1, v0  }
0x20d: {  	v56 =	vld [tilespmem:$0x8070];
	v2 =	vmul.f32 v3, v2  }
0x20e: {  	v58 =	vld [tilespmem:$0x81F0];
	v57 =	vmul.f32 v5, v4;
	[tilespmem:$0x8280] =	vst v0  }
0x20f: {  	v59 =	vmul.f32 v7, v6;
	[tilespmem:$0x8290] =	vst v2  }
0x210: {  	v60 =	vmul.f32 v9, v8;
	[tilespmem:$0x82A0] =	vst v57  }
0x211: {  	v61 =	vmul.f32 v11, v10;
	[tilespmem:$0x82B0] =	vst v59  }
0x212: {  	v62 =	vmul.f32 v55, v12;
	[tilespmem:$0x82C0] =	vst v60  }
0x213: {  	v63 =	vmul.f32 v58, v56;
	[tilespmem:$0x82D0] =	vst v61  }
0x214: {  	[tilespmem:$0x82E0] =	vst v62  }
0x215: {  	s4 =	simm.s32 $0x0;
	s5 =	simm.s32 $0x8280;
	[tilespmem:$0x82F0] =	vst v63  }
0x216: {  	[hbm4b:s3+s4] =	stream.linear.scatter [tilespmem:s5], [sflag:$0x1], $0x80, $0x38;
	[tilespmem:$0x8380] =	vst v63  }
0x217: {  	_ =	swait.ge [sflag:s2], $0x80  }
0x218: {  	[sflag:s2] =	ssyncset.done $0x0  }
0x219: {  	[sflag:s2] =	ssyncadd.s32 $0xFFFFFF80  }
.LBB2_6:
0x21a: {  	_ =	sfence.sel $0x180000  }
0x21b: {  	[bflag:$0x0] =	sbarrier.arrive $0xFFFF  }
0x21c: {  	p0 =	sne.s32 s1, $0x0;
	_ =	strace $0x90000047  }
0x21d: {  	s0 =	sadd.s32 @!p0 $0x100000, s0;
	[bflag:$0x2] =	sbarrier.arrive $0xFFFF  }
0x21e: {  	[sflag:s0] =	ssyncadd.tile.s32 @!p0 $0x1;
	_ =	shalt  }
.Lfunc_end2:
_tile_overlayer_lowered:
.L_overlay_start_2:
0x21f: {  	(tag) =	ssettag $0x2  }
0x220: {  	s0 =	rddreg [dreg:$0x0];
	s2 =	stileid.u32  }
0x221: {  	s1 =	rddreg [dreg:$0x1];
	p0 =	sne.s32 s2, $0x0  }
0x222: {  	s3 =	rddreg [dreg:$0x2];
	[bflag:$0x3] =	sbarrier.arrive $0xFFFF;
	s2 =	simm.s32 @!p0 $0x1C01  }
0x223: {  	[timem:s3], [sflag:s2] =	dma.local @!p0 [hbm:s0], s1  }
0x224: {  	s0 =	simm.s32 @!p0 $0x1  }
0x225: {  	_ =	swait.ge @!p0 [sflag:s0], s1  }
0x226: {  	s1 =	ssub.s32 @!p0 $0x0, s1;
	[sflag:s0] =	ssyncset.done @!p0 $0x0  }
0x227: {  	[sflag:s0] =	ssyncadd.s32 @!p0 s1  }
0x228: {  	[bflag:$0x3] =	sbarrier.arrive $0xFFFF  }
0x229: {  	_ =	shalt  }

</sc_bundles>
